<compile_context>
chip_gen: v7x
topology: tpu7x:2x2x1
jax: 0.10.2.dev20260603
libtpu: 0.0.44.dev20260713+nightly
codegen_flags: <defaults>
</compile_context>

<pallas_src>
import jax
import jax.numpy as jnp
from jax import lax
from jax.experimental import pallas as pl
from jax.experimental.pallas import tpu as pltpu
from jax.experimental.pallas import tpu_sc as plsc

N = 10000
E = 320000
D = 128
H = 128
LP = 100000

NP_ = 10240
RB = 1024
NTILES = 32
CH = 128
NCH = 79
EPAD = NTILES * NCH * CH
NDEC = 6272
DPAD = NTILES * NDEC
ROWS_PER_SUB = NP_ // 16

_MESH = plsc.VectorSubcoreMesh(core_axis_name="c", subcore_axis_name="s")


def _wid():
    return lax.axis_index("s") * 2 + lax.axis_index("c")


def _deg_body(dst_hbm, degp_hbm, histv, idxv, slabv, acc8v, staging):
    c = lax.axis_index("c")
    s = lax.axis_index("s")
    w = _wid()
    z16 = jnp.zeros((16,), jnp.float32)

    @pl.loop(0, NP_ // 16)
    def _zero(i):
        histv[pl.ds(i * 16, 16)] = z16

    pltpu.sync_copy(dst_hbm.at[w], idxv)
    ones16 = jnp.ones((16,), jnp.float32)

    @pl.loop(0, NCH)
    def _chunk(it):
        for j in range(CH // 16):
            v = idxv[it, pl.ds(j * 16, 16)]
            plsc.addupdate_scatter(histv, [v], ones16)

    pltpu.sync_copy(histv, staging.at[s])
    plsc.subcore_barrier()
    nsl = NP_ // 16
    for t in range(16):
        pltpu.sync_copy(staging.at[t, pl.ds(s * nsl, nsl)], slabv.at[t])
    lanes = lax.iota(jnp.int32, 16)

    @pl.loop(0, nsl // 16)
    def _red(j):
        a = slabv[0, pl.ds(j * 16, 16)]
        for t in range(1, 16):
            a = a + slabv[t, pl.ds(j * 16, 16)]
        pos = (j * 16 + lanes) * 8
        for col in range(8):
            plsc.store_scatter(acc8v, [pos + col], a)

    pltpu.sync_copy(acc8v, degp_hbm.at[c, pl.ds(s * nsl * 8, nsl * 8)])


_deg_kernel = pl.kernel(
    _deg_body,
    out_type=jax.ShapeDtypeStruct((2, NP_ * 8), jnp.float32),
    mesh=_MESH,
    compiler_params=pltpu.CompilerParams(needs_layout_passes=False),
    scratch_types=[
        pltpu.VMEM((NP_,), jnp.float32),
        pltpu.VMEM((NCH, CH), jnp.int32),
        pltpu.VMEM((16, NP_ // 16), jnp.float32),
        pltpu.VMEM((NP_ // 2,), jnp.float32),
        pltpu.VMEM_SHARED((16, NP_), jnp.float32),
    ],
)


_NIS = 8
_NCH0 = 126
_NCH1 = 32
assert 16 * (_NCH0 + _NCH1) == NTILES * NCH


def _scatter_body(xs_hbm, edges_hbm, zeros_hbm, prep_hbm, accum, *sc):
    eidx = sc[:_NIS]
    rows = sc[_NIS:_NIS + 2]
    isem = sc[_NIS + 2:2 * _NIS + 2]
    gsem = sc[2 * _NIS + 2:2 * _NIS + 4]
    ssem = sc[2 * _NIS + 4:2 * _NIS + 6]
    c = lax.axis_index("c")
    s = lax.axis_index("s")
    r0 = s * ROWS_PER_SUB
    mych = jnp.where(c == 0, _NCH0, _NCH1)
    base = jnp.where(c == 0, s * _NCH0, 16 * _NCH0 + s * _NCH1)
    pltpu.sync_copy(zeros_hbm.at[pl.ds(r0, ROWS_PER_SUB)],
                    accum.at[pl.ds(r0, ROWS_PER_SUB)])
    plsc.subcore_barrier()

    def ip(ch, j):
        pltpu.async_copy(edges_hbm.at[base + ch], eidx[j], isem[j])

    def gf(ch, j, wait_s):
        k = j % 2
        pltpu.make_async_copy(edges_hbm.at[0], eidx[j], isem[j]).wait()
        if wait_s:
            jf = (j - 2) % _NIS
            pltpu.make_async_copy(rows[k], accum.at[eidx[jf].at[1]],
                                  ssem[k]).wait()

            @pl.when(ch + _NIS - 2 < mych)
            def _():
                ip(ch + _NIS - 2, jf)

        pltpu.async_copy(xs_hbm.at[eidx[j].at[0]], rows[k], gsem[k])

    def sd(j):
        k = j % 2
        pltpu.make_async_copy(xs_hbm.at[eidx[j].at[0]], rows[k],
                              gsem[k]).wait()
        pltpu.async_copy(rows[k], accum.at[eidx[j].at[1]], ssem[k], add=True)

    for j in range(_NIS):
        ip(j, j)
    gf(0, 0, False)
    gf(1, 1, False)

    @pl.loop(0, (max(_NCH0, _NCH1) + _NIS - 1) // _NIS)
    def _oct(i):
        for j in range(_NIS):
            ch = i * _NIS + j

            @pl.when(ch < mych)
            def _():
                sd(j)

            @pl.when(ch + 2 < mych)
            def _():
                gf(ch + 2, (j + 2) % _NIS, True)

    for k in range(2):
        pltpu.make_async_copy(rows[k], accum.at[eidx[k].at[1]],
                              ssem[k]).wait()
    plsc.subcore_barrier()
    pltpu.sync_copy(accum.at[pl.ds(r0, ROWS_PER_SUB)],
                    prep_hbm.at[c, pl.ds(r0, ROWS_PER_SUB)])


_scatter_kernel = pl.kernel(
    _scatter_body,
    out_type=jax.ShapeDtypeStruct((2, NP_, D), jnp.float32),
    mesh=_MESH,
    scratch_types=(
        [pltpu.VMEM_SHARED((NP_, D), jnp.float32)]
        + [pltpu.VMEM((2, CH), jnp.int32) for _ in range(_NIS)]
        + [pltpu.VMEM((CH, D), jnp.float32) for _ in range(2)]
        + [pltpu.SemaphoreType.DMA for _ in range(_NIS + 4)]
    ),
)


def _decode_body(e0_hbm, e1_hbm, tab_hbm, out_hbm, tabv, e0v, e1v, o0v, o1v):
    w = _wid()
    pltpu.sync_copy(tab_hbm, tabv)
    pltpu.sync_copy(e0_hbm.at[pl.ds(w * NDEC, NDEC)], e0v)
    pltpu.sync_copy(e1_hbm.at[pl.ds(w * NDEC, NDEC)], e1v)

    @pl.loop(0, NDEC // 16)
    def _step(i):
        e0 = e0v[pl.ds(i * 16, 16)] * 4
        e1 = e1v[pl.ds(i * 16, 16)] * 4
        a0 = plsc.load_gather(tabv, [e0])
        a1 = plsc.load_gather(tabv, [e0 + 1])
        b0 = plsc.load_gather(tabv, [e1 + 2])
        b1 = plsc.load_gather(tabv, [e1 + 3])
        o0v[pl.ds(i * 16, 16)] = a0 + b0
        o1v[pl.ds(i * 16, 16)] = a1 + b1

    pltpu.sync_copy(o0v, out_hbm.at[0, pl.ds(w * NDEC, NDEC)])
    pltpu.sync_copy(o1v, out_hbm.at[1, pl.ds(w * NDEC, NDEC)])


_decode_kernel = pl.kernel(
    _decode_body,
    out_type=jax.ShapeDtypeStruct((2, DPAD), jnp.float32),
    mesh=_MESH,
    compiler_params=pltpu.CompilerParams(needs_layout_passes=False),
    scratch_types=[
        pltpu.VMEM((NP_ * 4,), jnp.float32),
        pltpu.VMEM((NDEC,), jnp.int32),
        pltpu.VMEM((NDEC,), jnp.int32),
        pltpu.VMEM((NDEC,), jnp.float32),
        pltpu.VMEM((NDEC,), jnp.float32),
    ],
)


def _tc_a_body(x_ref, w1_ref, degp_ref, xw_ref, xs_ref, dinv_ref):
    deg = degp_ref[0] + degp_ref[1] + 1.0
    dinv = lax.rsqrt(deg)
    xw = jnp.dot(x_ref[...], w1_ref[...], preferred_element_type=jnp.float32)
    xw_ref[...] = xw
    xs_ref[...] = xw * dinv[:, 0:1]
    dinv_ref[...] = dinv


def _tc_b_body(prep_ref, xw_ref, dinv_ref, w2_ref, xw2_ref, xs2_ref):
    dinv = dinv_ref[:, 0:1]
    z1 = jnp.maximum(dinv * (prep_ref[0] + prep_ref[1])
                     + dinv * dinv * xw_ref[...], 0.0)
    xw2 = jnp.dot(z1, w2_ref[...], preferred_element_type=jnp.float32)
    xw2_ref[...] = xw2
    xs2_ref[...] = xw2 * dinv


def _tc_c_body(prep_ref, xw2_ref, dinv_ref, wcat_ref, zab_ref):
    dinv = dinv_ref[:, 0:1]
    z2 = dinv * (prep_ref[0] + prep_ref[1]) + dinv * dinv * xw2_ref[...]
    zab_ref[...] = jnp.dot(z2, wcat_ref[...],
                           preferred_element_type=jnp.float32)


_G = NP_ // RB

_tc_a = pl.pallas_call(
    _tc_a_body,
    grid=(_G,),
    in_specs=[
        pl.BlockSpec((RB, D), lambda i: (i, 0)),
        pl.BlockSpec((D, H), lambda i: (0, 0)),
        pl.BlockSpec((2, RB, 8), lambda i: (0, i, 0)),
    ],
    out_specs=[
        pl.BlockSpec((RB, H), lambda i: (i, 0)),
        pl.BlockSpec((RB, H), lambda i: (i, 0)),
        pl.BlockSpec((RB, 8), lambda i: (i, 0)),
    ],
    out_shape=[
        jax.ShapeDtypeStruct((NP_, H), jnp.float32),
        jax.ShapeDtypeStruct((NP_, H), jnp.float32),
        jax.ShapeDtypeStruct((NP_, 8), jnp.float32),
    ],
)

_tc_b = pl.pallas_call(
    _tc_b_body,
    grid=(_G,),
    in_specs=[
        pl.BlockSpec((2, RB, H), lambda i: (0, i, 0)),
        pl.BlockSpec((RB, H), lambda i: (i, 0)),
        pl.BlockSpec((RB, 8), lambda i: (i, 0)),
        pl.BlockSpec((H, H), lambda i: (0, 0)),
    ],
    out_specs=[
        pl.BlockSpec((RB, H), lambda i: (i, 0)),
        pl.BlockSpec((RB, H), lambda i: (i, 0)),
    ],
    out_shape=[
        jax.ShapeDtypeStruct((NP_, H), jnp.float32),
        jax.ShapeDtypeStruct((NP_, H), jnp.float32),
    ],
)

_tc_c = pl.pallas_call(
    _tc_c_body,
    grid=(_G,),
    in_specs=[
        pl.BlockSpec((2, RB, H), lambda i: (0, i, 0)),
        pl.BlockSpec((RB, H), lambda i: (i, 0)),
        pl.BlockSpec((RB, 8), lambda i: (i, 0)),
        pl.BlockSpec((H, 4), lambda i: (0, 0)),
    ],
    out_specs=pl.BlockSpec((RB, 4), lambda i: (i, 0)),
    out_shape=jax.ShapeDtypeStruct((NP_, 4), jnp.float32),
)


def kernel(x, edge_index, pos_edge_index, neg_edge_index, W1, W2, Wlin):
    x = x.astype(jnp.float32)
    xp = jnp.pad(x, ((0, NP_ - N), (0, 0)))
    src = jnp.pad(edge_index[0], (0, EPAD - E)).reshape(NTILES, NCH, 1, CH)
    dst = jnp.pad(edge_index[1], (0, EPAD - E),
                  constant_values=N).reshape(NTILES, NCH, 1, CH)
    edges = jnp.concatenate([src, dst], axis=2)
    zerosd = jnp.zeros((NP_, D), jnp.float32)

    degp = _deg_kernel(dst.reshape(NTILES, NCH, CH)).reshape(2, NP_, 8)
    xw, xs, dinv8 = _tc_a(xp, W1, degp)
    edgesf = edges.reshape(NTILES * NCH, 2, CH)
    prep1 = _scatter_kernel(xs, edgesf, zerosd)
    xw2, xs2 = _tc_b(prep1, xw, dinv8, W2)
    prep2 = _scatter_kernel(xs2, edgesf, zerosd)
    wcat = jnp.concatenate([Wlin[:H], Wlin[H:]], axis=1)
    zab = _tc_c(prep2, xw2, dinv8, wcat)

    ei0 = jnp.pad(jnp.concatenate([pos_edge_index[0], neg_edge_index[0]]),
                  (0, DPAD - 2 * LP))
    ei1 = jnp.pad(jnp.concatenate([pos_edge_index[1], neg_edge_index[1]]),
                  (0, DPAD - 2 * LP))
    lg = _decode_kernel(ei0, ei1, zab.reshape(-1))
    return jnp.swapaxes(lg, 0, 1)[: 2 * LP]

# --- scband reference (transcript-rebuilt; emitter-appended) ---
"""Pipeline reference for scband-net-link-train-41953240547886 (READ-ONLY COPY).

The authoritative reference and input builder live on the scoring server;
editing this copy changes nothing except your own understanding.
"""

import jax, jax.numpy as jnp
import numpy as np

N = 10000
E = 320000
D = 128
H = 128
LP = 100000


def setup_inputs(seed: int = 0) -> dict:
    key = jax.random.key(seed)
    ks = jax.random.split(key, 8)
    x = jax.random.normal(ks[0], (N, D), dtype=jnp.float32)
    edge_index = jax.random.randint(ks[1], (2, E), 0, N, dtype=jnp.int32)
    pos_edge_index = jax.random.randint(ks[2], (2, LP), 0, N, dtype=jnp.int32)
    neg_edge_index = jax.random.randint(ks[3], (2, LP), 0, N, dtype=jnp.int32)
    W1 = jax.random.normal(ks[4], (D, H), dtype=jnp.float32) * (1.0 / np.sqrt(D))
    W2 = jax.random.normal(ks[5], (H, H), dtype=jnp.float32) * (1.0 / np.sqrt(H))
    Wlin = jax.random.normal(ks[6], (2 * H, 2), dtype=jnp.float32) * (1.0 / np.sqrt(2 * H))
    return {"x": x, "edge_index": edge_index, "pos_edge_index": pos_edge_index,
            "neg_edge_index": neg_edge_index, "W1": W1, "W2": W2, "Wlin": Wlin}


def gcn_conv(x, W, edge_index, n_nodes):
    # x' = x @ W ; symmetric normalization with self loops (GCNConv, bias=False)
    xw = x @ W
    loop = jnp.arange(n_nodes, dtype=edge_index.dtype)
    src = jnp.concatenate([edge_index[0], loop])
    dst = jnp.concatenate([edge_index[1], loop])
    deg = jnp.zeros((n_nodes,), dtype=xw.dtype).at[dst].add(1.0)
    dinv = jnp.where(deg > 0, 1.0 / jnp.sqrt(deg), 0.0)
    norm = dinv[src] * dinv[dst]
    msg = xw[src] * norm[:, None]
    out = jnp.zeros_like(xw).at[dst].add(msg)
    return out


def reference(x, edge_index, pos_edge_index, neg_edge_index, W1, W2, Wlin):
    # encode
    z = gcn_conv(x.astype(jnp.float32), W1, edge_index, N)
    z = jax.nn.relu(z)
    z = gcn_conv(z, W2, edge_index, N)
    # decode
    ei = jnp.concatenate([pos_edge_index, neg_edge_index], axis=-1)
    h = jnp.concatenate([z[ei[0]], z[ei[1]]], axis=1)
    logits = h @ Wlin
    return logits

if __name__ == "__main__":
    import jax
    _d = setup_inputs()
    print(jax.jit(kernel)(*tuple(_d.values())))

</pallas_src>

<mosaic_0001>
#map = affine_map<(d0, d1) -> (0)>
#map1 = affine_map<(d0, d1) -> (0, 0)>
module attributes {stable_mosaic.version = 14 : i64} {
  func.func @_decode_body(%arg0: i32, %arg1: i32, %arg2: memref<200704xi32, #tpu.memory_space<hbm>>, %arg3: memref<200704xi32, #tpu.memory_space<hbm>>, %arg4: memref<40960xf32, #tpu.memory_space<hbm>>, %arg5: memref<2x200704xf32, #tpu.memory_space<hbm>>, %arg6: memref<40960xf32, #tpu.memory_space<vmem>>, %arg7: memref<6272xi32, #tpu.memory_space<vmem>>, %arg8: memref<6272xi32, #tpu.memory_space<vmem>>, %arg9: memref<6272xf32, #tpu.memory_space<vmem>>, %arg10: memref<6272xf32, #tpu.memory_space<vmem>>) attributes {dimension_semantics = [#tpu.dimension_semantics<core_parallel>, #tpu.dimension_semantics<subcore_parallel>], iteration_bounds = array<i64: 2, 16>, scalar_prefetch = 0 : i64, scratch_operands = 5 : i64, tpu.core_type = #tpu.core_type<sc_vector_subcore>, window_params = [{transform_indices = #map}, {transform_indices = #map}, {transform_indices = #map}, {transform_indices = #map1}]} {
    %mul3A = arith.constant 2 : i32
    %mul3A_0 = arith.muli %arg1, %mul3A : i32
    %add3A = arith.addi %mul3A_0, %arg0 : i32
    "tpu.region"() ({
      %run_scoped3A_14 = tpu.sem_alloc : memref<!tpu.dma_semaphore, #tpu.memory_space<semaphore_mem>>
      tpu.enqueue_dma source(%arg4 : memref<40960xf32, #tpu.memory_space<hbm>>) target(%arg6 : memref<40960xf32, #tpu.memory_space<vmem>>) target_semaphore(%run_scoped3A_14 : memref<!tpu.dma_semaphore, #tpu.memory_space<semaphore_mem>>)
      tpu.wait_dma2 semaphore(%run_scoped3A_14 : memref<!tpu.dma_semaphore, #tpu.memory_space<semaphore_mem>>) src(%arg4 : memref<40960xf32, #tpu.memory_space<hbm>>) dst(%arg6 : memref<40960xf32, #tpu.memory_space<vmem>>)
      tpu.yield
    }) : () -> ()
    %mul3A_1 = arith.constant 6272 : i32
    %mul3A_2 = arith.muli %add3A, %mul3A_1 : i32
    "tpu.region"() ({
      %run_scoped3A_14 = tpu.sem_alloc : memref<!tpu.dma_semaphore, #tpu.memory_space<semaphore_mem>>
      %dma_start3A = tpu.memref_slice %arg2[%mul3A_2] : memref<200704xi32, #tpu.memory_space<hbm>> -> memref<6272xi32, #tpu.memory_space<hbm>>
      %dma_start3A_15 = tpu.memref_slice %arg2[%mul3A_2] : memref<200704xi32, #tpu.memory_space<hbm>> -> memref<6272xi32, #tpu.memory_space<hbm>>
      tpu.enqueue_dma source(%dma_start3A_15 : memref<6272xi32, #tpu.memory_space<hbm>>) target(%arg7 : memref<6272xi32, #tpu.memory_space<vmem>>) target_semaphore(%run_scoped3A_14 : memref<!tpu.dma_semaphore, #tpu.memory_space<semaphore_mem>>)
      %dma_wait3A = tpu.memref_slice %arg2[%mul3A_2] : memref<200704xi32, #tpu.memory_space<hbm>> -> memref<6272xi32, #tpu.memory_space<hbm>>
      %dma_wait3A_16 = tpu.memref_slice %arg2[%mul3A_2] : memref<200704xi32, #tpu.memory_space<hbm>> -> memref<6272xi32, #tpu.memory_space<hbm>>
      tpu.wait_dma2 semaphore(%run_scoped3A_14 : memref<!tpu.dma_semaphore, #tpu.memory_space<semaphore_mem>>) src(%dma_wait3A_16 : memref<6272xi32, #tpu.memory_space<hbm>>) dst(%arg7 : memref<6272xi32, #tpu.memory_space<vmem>>)
      tpu.yield
    }) : () -> ()
    %mul3A_3 = arith.constant 6272 : i32
    %mul3A_4 = arith.muli %add3A, %mul3A_3 : i32
    "tpu.region"() ({
      %run_scoped3A_14 = tpu.sem_alloc : memref<!tpu.dma_semaphore, #tpu.memory_space<semaphore_mem>>
      %dma_start3A = tpu.memref_slice %arg3[%mul3A_4] : memref<200704xi32, #tpu.memory_space<hbm>> -> memref<6272xi32, #tpu.memory_space<hbm>>
      %dma_start3A_15 = tpu.memref_slice %arg3[%mul3A_4] : memref<200704xi32, #tpu.memory_space<hbm>> -> memref<6272xi32, #tpu.memory_space<hbm>>
      tpu.enqueue_dma source(%dma_start3A_15 : memref<6272xi32, #tpu.memory_space<hbm>>) target(%arg8 : memref<6272xi32, #tpu.memory_space<vmem>>) target_semaphore(%run_scoped3A_14 : memref<!tpu.dma_semaphore, #tpu.memory_space<semaphore_mem>>)
      %dma_wait3A = tpu.memref_slice %arg3[%mul3A_4] : memref<200704xi32, #tpu.memory_space<hbm>> -> memref<6272xi32, #tpu.memory_space<hbm>>
      %dma_wait3A_16 = tpu.memref_slice %arg3[%mul3A_4] : memref<200704xi32, #tpu.memory_space<hbm>> -> memref<6272xi32, #tpu.memory_space<hbm>>
      tpu.wait_dma2 semaphore(%run_scoped3A_14 : memref<!tpu.dma_semaphore, #tpu.memory_space<semaphore_mem>>) src(%dma_wait3A_16 : memref<6272xi32, #tpu.memory_space<hbm>>) dst(%arg8 : memref<6272xi32, #tpu.memory_space<vmem>>)
      tpu.yield
    }) : () -> ()
    %scan3A = arith.constant 0 : i32
    %scan3A_5 = arith.constant 392 : i32
    %scan3A_6 = arith.addi %scan3A, %scan3A_5 : i32
    %scan3A_7 = arith.constant 1 : i32
    scf.for %scan3A_14 = %scan3A to %scan3A_6 step %scan3A_7  : i32 {
      %mul3A_15 = arith.constant 1 : i32
      %mul3A_16 = arith.muli %scan3A_14, %mul3A_15 : i32
      %add3A_17 = arith.constant 0 : i32
      %add3A_18 = arith.addi %add3A_17, %mul3A_16 : i32
      %mul3A_19 = arith.constant 16 : i32
      %mul3A_20 = arith.muli %add3A_18, %mul3A_19 : i32
      %get3A = arith.index_cast %mul3A_20 : i32 to index
      %get3A_21 = tpu.vector_load %arg7[%get3A] {strides = array<i32>} : memref<6272xi32, #tpu.memory_space<vmem>>, vector<16xi32>,
      %mul3A_22 = arith.constant 4 : i32
      %mul3A_23 = vector.broadcast %mul3A_22 : i32 to vector<16xi32>
      %mul3A_24 = arith.muli %get3A_21, %mul3A_23 : vector<16xi32>
      %mul3A_25 = arith.constant 16 : i32
      %mul3A_26 = arith.muli %add3A_18, %mul3A_25 : i32
      %get3A_27 = arith.index_cast %mul3A_26 : i32 to index
      %get3A_28 = tpu.vector_load %arg8[%get3A_27] {strides = array<i32>} : memref<6272xi32, #tpu.memory_space<vmem>>, vector<16xi32>,
      %mul3A_29 = arith.constant 4 : i32
      %mul3A_30 = vector.broadcast %mul3A_29 : i32 to vector<16xi32>
      %mul3A_31 = arith.muli %get3A_28, %mul3A_30 : vector<16xi32>
      %gather3A = tpu.vector_load_idx %arg6[%mul3A_24] : memref<40960xf32, #tpu.memory_space<vmem>>[vector<16xi32>], vector<16xf32>,
      %add3A_32 = arith.constant 1 : i32
      %add3A_33 = vector.broadcast %add3A_32 : i32 to vector<16xi32>
      %add3A_34 = arith.addi %mul3A_24, %add3A_33 : vector<16xi32>
      %gather3A_35 = tpu.vector_load_idx %arg6[%add3A_34] : memref<40960xf32, #tpu.memory_space<vmem>>[vector<16xi32>], vector<16xf32>,
      %add3A_36 = arith.constant 2 : i32
      %add3A_37 = vector.broadcast %add3A_36 : i32 to vector<16xi32>
      %add3A_38 = arith.addi %mul3A_31, %add3A_37 : vector<16xi32>
      %gather3A_39 = tpu.vector_load_idx %arg6[%add3A_38] : memref<40960xf32, #tpu.memory_space<vmem>>[vector<16xi32>], vector<16xf32>,
      %add3A_40 = arith.constant 3 : i32
      %add3A_41 = vector.broadcast %add3A_40 : i32 to vector<16xi32>
      %add3A_42 = arith.addi %mul3A_31, %add3A_41 : vector<16xi32>
      %gather3A_43 = tpu.vector_load_idx %arg6[%add3A_42] : memref<40960xf32, #tpu.memory_space<vmem>>[vector<16xi32>], vector<16xf32>,
      %add3A_44 = arith.addf %gather3A, %gather3A_39 : vector<16xf32>
      %mul3A_45 = arith.constant 16 : i32
      %mul3A_46 = arith.muli %add3A_18, %mul3A_45 : i32
      %swap3A = arith.index_cast %mul3A_46 : i32 to index
      %swap3A_47 = tpu.vector_load %arg9[%swap3A] {strides = array<i32>} : memref<6272xf32, #tpu.memory_space<vmem>>, vector<16xf32>,
      tpu.vector_store %arg9[%swap3A], %add3A_44 {strides = array<i32>} : memref<6272xf32, #tpu.memory_space<vmem>>, vector<16xf32>,
      %add3A_48 = arith.addf %gather3A_35, %gather3A_43 : vector<16xf32>
      %mul3A_49 = arith.constant 16 : i32
      %mul3A_50 = arith.muli %add3A_18, %mul3A_49 : i32
      %swap3A_51 = arith.index_cast %mul3A_50 : i32 to index
      %swap3A_52 = tpu.vector_load %arg10[%swap3A_51] {strides = array<i32>} : memref<6272xf32, #tpu.memory_space<vmem>>, vector<16xf32>,
      tpu.vector_store %arg10[%swap3A_51], %add3A_48 {strides = array<i32>} : memref<6272xf32, #tpu.memory_space<vmem>>, vector<16xf32>,
    }
    %scan3A_8 = arith.constant 392 : i32
    %mul3A_9 = arith.constant 6272 : i32
    %mul3A_10 = arith.muli %add3A, %mul3A_9 : i32
    %run_scoped3A = arith.constant 0 : i32
    "tpu.region"() ({
      %run_scoped3A_14 = tpu.sem_alloc : memref<!tpu.dma_semaphore, #tpu.memory_space<semaphore_mem>>
      %dma_start3A = tpu.memref_slice %arg5[%run_scoped3A, %mul3A_10] : memref<2x200704xf32, #tpu.memory_space<hbm>> -> memref<1x6272xf32, #tpu.memory_space<hbm>>
      %dma_start3A_15 = tpu.memref_squeeze %dma_start3A : memref<1x6272xf32, #tpu.memory_space<hbm>> -> memref<6272xf32, #tpu.memory_space<hbm>>
      %dma_start3A_16 = tpu.memref_slice %arg5[%run_scoped3A, %mul3A_10] : memref<2x200704xf32, #tpu.memory_space<hbm>> -> memref<1x6272xf32, #tpu.memory_space<hbm>>
      %dma_start3A_17 = tpu.memref_squeeze %dma_start3A_16 : memref<1x6272xf32, #tpu.memory_space<hbm>> -> memref<6272xf32, #tpu.memory_space<hbm>>
      tpu.enqueue_dma source(%arg9 : memref<6272xf32, #tpu.memory_space<vmem>>) target(%dma_start3A_17 : memref<6272xf32, #tpu.memory_space<hbm>>) target_semaphore(%run_scoped3A_14 : memref<!tpu.dma_semaphore, #tpu.memory_space<semaphore_mem>>)
      %dma_wait3A = tpu.memref_slice %arg5[%run_scoped3A, %mul3A_10] : memref<2x200704xf32, #tpu.memory_space<hbm>> -> memref<1x6272xf32, #tpu.memory_space<hbm>>
      %dma_wait3A_18 = tpu.memref_squeeze %dma_wait3A : memref<1x6272xf32, #tpu.memory_space<hbm>> -> memref<6272xf32, #tpu.memory_space<hbm>>
      %dma_wait3A_19 = tpu.memref_slice %arg5[%run_scoped3A, %mul3A_10] : memref<2x200704xf32, #tpu.memory_space<hbm>> -> memref<1x6272xf32, #tpu.memory_space<hbm>>
      %dma_wait3A_20 = tpu.memref_squeeze %dma_wait3A_19 : memref<1x6272xf32, #tpu.memory_space<hbm>> -> memref<6272xf32, #tpu.memory_space<hbm>>
      tpu.wait_dma2 semaphore(%run_scoped3A_14 : memref<!tpu.dma_semaphore, #tpu.memory_space<semaphore_mem>>) src(%arg9 : memref<6272xf32, #tpu.memory_space<vmem>>) dst(%dma_wait3A_20 : memref<6272xf32, #tpu.memory_space<hbm>>)
      tpu.yield
    }) : () -> ()
    %mul3A_11 = arith.constant 6272 : i32
    %mul3A_12 = arith.muli %add3A, %mul3A_11 : i32
    %run_scoped3A_13 = arith.constant 1 : i32
    "tpu.region"() ({
      %run_scoped3A_14 = tpu.sem_alloc : memref<!tpu.dma_semaphore, #tpu.memory_space<semaphore_mem>>
      %dma_start3A = tpu.memref_slice %arg5[%run_scoped3A_13, %mul3A_12] : memref<2x200704xf32, #tpu.memory_space<hbm>> -> memref<1x6272xf32, #tpu.memory_space<hbm>>
      %dma_start3A_15 = tpu.memref_squeeze %dma_start3A : memref<1x6272xf32, #tpu.memory_space<hbm>> -> memref<6272xf32, #tpu.memory_space<hbm>>
      %dma_start3A_16 = tpu.memref_slice %arg5[%run_scoped3A_13, %mul3A_12] : memref<2x200704xf32, #tpu.memory_space<hbm>> -> memref<1x6272xf32, #tpu.memory_space<hbm>>
      %dma_start3A_17 = tpu.memref_squeeze %dma_start3A_16 : memref<1x6272xf32, #tpu.memory_space<hbm>> -> memref<6272xf32, #tpu.memory_space<hbm>>
      tpu.enqueue_dma source(%arg10 : memref<6272xf32, #tpu.memory_space<vmem>>) target(%dma_start3A_17 : memref<6272xf32, #tpu.memory_space<hbm>>) target_semaphore(%run_scoped3A_14 : memref<!tpu.dma_semaphore, #tpu.memory_space<semaphore_mem>>)
      %dma_wait3A = tpu.memref_slice %arg5[%run_scoped3A_13, %mul3A_12] : memref<2x200704xf32, #tpu.memory_space<hbm>> -> memref<1x6272xf32, #tpu.memory_space<hbm>>
      %dma_wait3A_18 = tpu.memref_squeeze %dma_wait3A : memref<1x6272xf32, #tpu.memory_space<hbm>> -> memref<6272xf32, #tpu.memory_space<hbm>>
      %dma_wait3A_19 = tpu.memref_slice %arg5[%run_scoped3A_13, %mul3A_12] : memref<2x200704xf32, #tpu.memory_space<hbm>> -> memref<1x6272xf32, #tpu.memory_space<hbm>>
      %dma_wait3A_20 = tpu.memref_squeeze %dma_wait3A_19 : memref<1x6272xf32, #tpu.memory_space<hbm>> -> memref<6272xf32, #tpu.memory_space<hbm>>
      tpu.wait_dma2 semaphore(%run_scoped3A_14 : memref<!tpu.dma_semaphore, #tpu.memory_space<semaphore_mem>>) src(%arg10 : memref<6272xf32, #tpu.memory_space<vmem>>) dst(%dma_wait3A_20 : memref<6272xf32, #tpu.memory_space<hbm>>)
      tpu.yield
    }) : () -> ()
    return
  }
}

#map = affine_map<(d0, d1) -> (0, 0, 0)>
#map1 = affine_map<(d0, d1) -> (0, 0)>
module attributes {stable_mosaic.version = 14 : i64} {
  func.func @_deg_body(%arg0: i32, %arg1: i32, %arg2: memref<32x79x128xi32, #tpu.memory_space<hbm>>, %arg3: memref<2x81920xf32, #tpu.memory_space<hbm>>, %arg4: memref<10240xf32, #tpu.memory_space<vmem>>, %arg5: memref<79x128xi32, #tpu.memory_space<vmem>>, %arg6: memref<16x640xf32, #tpu.memory_space<vmem>>, %arg7: memref<5120xf32, #tpu.memory_space<vmem>>, %arg8: memref<16x10240xf32, #tpu.memory_space<vmem_shared>>) attributes {dimension_semantics = [#tpu.dimension_semantics<core_parallel>, #tpu.dimension_semantics<subcore_parallel>], iteration_bounds = array<i64: 2, 16>, scalar_prefetch = 0 : i64, scratch_operands = 5 : i64, tpu.core_type = #tpu.core_type<sc_vector_subcore>, window_params = [{transform_indices = #map}, {transform_indices = #map1}]} {
    %mul3A = arith.constant 2 : i32
    %mul3A_0 = arith.muli %arg1, %mul3A : i32
    %add3A = arith.addi %mul3A_0, %arg0 : i32
    %broadcast_in_dim3A = arith.constant 0.000000e+00 : f32
    %broadcast_in_dim3A_1 = vector.broadcast %broadcast_in_dim3A : f32 to vector<16xf32>
    %scan3A = arith.constant 0 : i32
    %scan3A_2 = arith.constant 640 : i32
    %scan3A_3 = arith.addi %scan3A, %scan3A_2 : i32
    %scan3A_4 = arith.constant 1 : i32
    scf.for %scan3A_85 = %scan3A to %scan3A_3 step %scan3A_4  : i32 {
      %mul3A_86 = arith.constant 1 : i32
      %mul3A_87 = arith.muli %scan3A_85, %mul3A_86 : i32
      %add3A_88 = arith.constant 0 : i32
      %add3A_89 = arith.addi %add3A_88, %mul3A_87 : i32
      %mul3A_90 = arith.constant 16 : i32
      %mul3A_91 = arith.muli %add3A_89, %mul3A_90 : i32
      %swap3A = arith.index_cast %mul3A_91 : i32 to index
      %swap3A_92 = tpu.vector_load %arg4[%swap3A] {strides = array<i32>} : memref<10240xf32, #tpu.memory_space<vmem>>, vector<16xf32>,
      tpu.vector_store %arg4[%swap3A], %broadcast_in_dim3A_1 {strides = array<i32>} : memref<10240xf32, #tpu.memory_space<vmem>>, vector<16xf32>,
    }
    %scan3A_5 = arith.constant 640 : i32
    "tpu.region"() ({
      %run_scoped3A_85 = tpu.sem_alloc : memref<!tpu.dma_semaphore, #tpu.memory_space<semaphore_mem>>
      %dma_start3A = arith.constant 0 : i32
      %dma_start3A_86 = arith.constant 0 : i32
      %dma_start3A_87 = tpu.memref_slice %arg2[%add3A, %dma_start3A, %dma_start3A_86] : memref<32x79x128xi32, #tpu.memory_space<hbm>> -> memref<1x79x128xi32, #tpu.memory_space<hbm>>
      %dma_start3A_88 = tpu.memref_squeeze %dma_start3A_87 : memref<1x79x128xi32, #tpu.memory_space<hbm>> -> memref<79x128xi32, #tpu.memory_space<hbm>>
      %dma_start3A_89 = arith.constant 0 : i32
      %dma_start3A_90 = arith.constant 0 : i32
      %dma_start3A_91 = tpu.memref_slice %arg2[%add3A, %dma_start3A_89, %dma_start3A_90] : memref<32x79x128xi32, #tpu.memory_space<hbm>> -> memref<1x79x128xi32, #tpu.memory_space<hbm>>
      %dma_start3A_92 = tpu.memref_squeeze %dma_start3A_91 : memref<1x79x128xi32, #tpu.memory_space<hbm>> -> memref<79x128xi32, #tpu.memory_space<hbm>>
      tpu.enqueue_dma source(%dma_start3A_92 : memref<79x128xi32, #tpu.memory_space<hbm>>) target(%arg5 : memref<79x128xi32, #tpu.memory_space<vmem>>) target_semaphore(%run_scoped3A_85 : memref<!tpu.dma_semaphore, #tpu.memory_space<semaphore_mem>>)
      %dma_wait3A = arith.constant 0 : i32
      %dma_wait3A_93 = arith.constant 0 : i32
      %dma_wait3A_94 = tpu.memref_slice %arg2[%add3A, %dma_wait3A, %dma_wait3A_93] : memref<32x79x128xi32, #tpu.memory_space<hbm>> -> memref<1x79x128xi32, #tpu.memory_space<hbm>>
      %dma_wait3A_95 = tpu.memref_squeeze %dma_wait3A_94 : memref<1x79x128xi32, #tpu.memory_space<hbm>> -> memref<79x128xi32, #tpu.memory_space<hbm>>
      %dma_wait3A_96 = arith.constant 0 : i32
      %dma_wait3A_97 = arith.constant 0 : i32
      %dma_wait3A_98 = tpu.memref_slice %arg2[%add3A, %dma_wait3A_96, %dma_wait3A_97] : memref<32x79x128xi32, #tpu.memory_space<hbm>> -> memref<1x79x128xi32, #tpu.memory_space<hbm>>
      %dma_wait3A_99 = tpu.memref_squeeze %dma_wait3A_98 : memref<1x79x128xi32, #tpu.memory_space<hbm>> -> memref<79x128xi32, #tpu.memory_space<hbm>>
      tpu.wait_dma2 semaphore(%run_scoped3A_85 : memref<!tpu.dma_semaphore, #tpu.memory_space<semaphore_mem>>) src(%dma_wait3A_99 : memref<79x128xi32, #tpu.memory_space<hbm>>) dst(%arg5 : memref<79x128xi32, #tpu.memory_space<vmem>>)
      tpu.yield
    }) : () -> ()
    %broadcast_in_dim3A_6 = arith.constant 1.000000e+00 : f32
    %broadcast_in_dim3A_7 = vector.broadcast %broadcast_in_dim3A_6 : f32 to vector<16xf32>
    %scan3A_8 = arith.constant 0 : i32
    %scan3A_9 = arith.constant 79 : i32
    %scan3A_10 = arith.addi %scan3A_8, %scan3A_9 : i32
    %scan3A_11 = arith.constant 1 : i32
    scf.for %scan3A_85 = %scan3A_8 to %scan3A_10 step %scan3A_11  : i32 {
      %mul3A_86 = arith.constant 1 : i32
      %mul3A_87 = arith.muli %scan3A_85, %mul3A_86 : i32
      %add3A_88 = arith.constant 0 : i32
      %add3A_89 = arith.addi %add3A_88, %mul3A_87 : i32
      %get3A = arith.index_cast %add3A_89 : i32 to index
      %get3A_90 = arith.constant 0 : index
      %get3A_91 = tpu.vector_load %arg5[%get3A, %get3A_90] {strides = array<i32>} : memref<79x128xi32, #tpu.memory_space<vmem>>, vector<16xi32>,
      tpu.vector_store_idx %arg4[%get3A_91], %broadcast_in_dim3A_7 {add = true} : memref<10240xf32, #tpu.memory_space<vmem>>[vector<16xi32>], vector<16xf32>,
      %get3A_92 = arith.index_cast %add3A_89 : i32 to index
      %get3A_93 = arith.constant 16 : index
      %get3A_94 = tpu.vector_load %arg5[%get3A_92, %get3A_93] {strides = array<i32>} : memref<79x128xi32, #tpu.memory_space<vmem>>, vector<16xi32>,
      tpu.vector_store_idx %arg4[%get3A_94], %broadcast_in_dim3A_7 {add = true} : memref<10240xf32, #tpu.memory_space<vmem>>[vector<16xi32>], vector<16xf32>,
      %get3A_95 = arith.index_cast %add3A_89 : i32 to index
      %get3A_96 = arith.constant 32 : index
      %get3A_97 = tpu.vector_load %arg5[%get3A_95, %get3A_96] {strides = array<i32>} : memref<79x128xi32, #tpu.memory_space<vmem>>, vector<16xi32>,
      tpu.vector_store_idx %arg4[%get3A_97], %broadcast_in_dim3A_7 {add = true} : memref<10240xf32, #tpu.memory_space<vmem>>[vector<16xi32>], vector<16xf32>,
      %get3A_98 = arith.index_cast %add3A_89 : i32 to index
      %get3A_99 = arith.constant 48 : index
      %get3A_100 = tpu.vector_load %arg5[%get3A_98, %get3A_99] {strides = array<i32>} : memref<79x128xi32, #tpu.memory_space<vmem>>, vector<16xi32>,
      tpu.vector_store_idx %arg4[%get3A_100], %broadcast_in_dim3A_7 {add = true} : memref<10240xf32, #tpu.memory_space<vmem>>[vector<16xi32>], vector<16xf32>,
      %get3A_101 = arith.index_cast %add3A_89 : i32 to index
      %get3A_102 = arith.constant 64 : index
      %get3A_103 = tpu.vector_load %arg5[%get3A_101, %get3A_102] {strides = array<i32>} : memref<79x128xi32, #tpu.memory_space<vmem>>, vector<16xi32>,
      tpu.vector_store_idx %arg4[%get3A_103], %broadcast_in_dim3A_7 {add = true} : memref<10240xf32, #tpu.memory_space<vmem>>[vector<16xi32>], vector<16xf32>,
      %get3A_104 = arith.index_cast %add3A_89 : i32 to index
      %get3A_105 = arith.constant 80 : index
      %get3A_106 = tpu.vector_load %arg5[%get3A_104, %get3A_105] {strides = array<i32>} : memref<79x128xi32, #tpu.memory_space<vmem>>, vector<16xi32>,
      tpu.vector_store_idx %arg4[%get3A_106], %broadcast_in_dim3A_7 {add = true} : memref<10240xf32, #tpu.memory_space<vmem>>[vector<16xi32>], vector<16xf32>,
      %get3A_107 = arith.index_cast %add3A_89 : i32 to index
      %get3A_108 = arith.constant 96 : index
      %get3A_109 = tpu.vector_load %arg5[%get3A_107, %get3A_108] {strides = array<i32>} : memref<79x128xi32, #tpu.memory_space<vmem>>, vector<16xi32>,
      tpu.vector_store_idx %arg4[%get3A_109], %broadcast_in_dim3A_7 {add = true} : memref<10240xf32, #tpu.memory_space<vmem>>[vector<16xi32>], vector<16xf32>,
      %get3A_110 = arith.index_cast %add3A_89 : i32 to index
      %get3A_111 = arith.constant 112 : index
      %get3A_112 = tpu.vector_load %arg5[%get3A_110, %get3A_111] {strides = array<i32>} : memref<79x128xi32, #tpu.memory_space<vmem>>, vector<16xi32>,
      tpu.vector_store_idx %arg4[%get3A_112], %broadcast_in_dim3A_7 {add = true} : memref<10240xf32, #tpu.memory_space<vmem>>[vector<16xi32>], vector<16xf32>,
    }
    %scan3A_12 = arith.constant 79 : i32
    "tpu.region"() ({
      %run_scoped3A_85 = tpu.sem_alloc : memref<!tpu.dma_semaphore, #tpu.memory_space<semaphore_mem>>
      %dma_start3A = arith.constant 0 : i32
      %dma_start3A_86 = tpu.memref_slice %arg8[%arg1, %dma_start3A] : memref<16x10240xf32, #tpu.memory_space<vmem_shared>> -> memref<1x10240xf32, #tpu.memory_space<vmem_shared>>
      %dma_start3A_87 = tpu.memref_squeeze %dma_start3A_86 : memref<1x10240xf32, #tpu.memory_space<vmem_shared>> -> memref<10240xf32, #tpu.memory_space<vmem_shared>>
      %dma_start3A_88 = arith.constant 0 : i32
      %dma_start3A_89 = tpu.memref_slice %arg8[%arg1, %dma_start3A_88] : memref<16x10240xf32, #tpu.memory_space<vmem_shared>> -> memref<1x10240xf32, #tpu.memory_space<vmem_shared>>
      %dma_start3A_90 = tpu.memref_squeeze %dma_start3A_89 : memref<1x10240xf32, #tpu.memory_space<vmem_shared>> -> memref<10240xf32, #tpu.memory_space<vmem_shared>>
      tpu.enqueue_dma source(%arg4 : memref<10240xf32, #tpu.memory_space<vmem>>) target(%dma_start3A_90 : memref<10240xf32, #tpu.memory_space<vmem_shared>>) target_semaphore(%run_scoped3A_85 : memref<!tpu.dma_semaphore, #tpu.memory_space<semaphore_mem>>)
      %dma_wait3A = arith.constant 0 : i32
      %dma_wait3A_91 = tpu.memref_slice %arg8[%arg1, %dma_wait3A] : memref<16x10240xf32, #tpu.memory_space<vmem_shared>> -> memref<1x10240xf32, #tpu.memory_space<vmem_shared>>
      %dma_wait3A_92 = tpu.memref_squeeze %dma_wait3A_91 : memref<1x10240xf32, #tpu.memory_space<vmem_shared>> -> memref<10240xf32, #tpu.memory_space<vmem_shared>>
      %dma_wait3A_93 = arith.constant 0 : i32
      %dma_wait3A_94 = tpu.memref_slice %arg8[%arg1, %dma_wait3A_93] : memref<16x10240xf32, #tpu.memory_space<vmem_shared>> -> memref<1x10240xf32, #tpu.memory_space<vmem_shared>>
      %dma_wait3A_95 = tpu.memref_squeeze %dma_wait3A_94 : memref<1x10240xf32, #tpu.memory_space<vmem_shared>> -> memref<10240xf32, #tpu.memory_space<vmem_shared>>
      tpu.wait_dma2 semaphore(%run_scoped3A_85 : memref<!tpu.dma_semaphore, #tpu.memory_space<semaphore_mem>>) src(%arg4 : memref<10240xf32, #tpu.memory_space<vmem>>) dst(%dma_wait3A_95 : memref<10240xf32, #tpu.memory_space<vmem_shared>>)
      tpu.yield
    }) : () -> ()
    %barrier3A = arith.constant 0 : index
    tpu.barrier barrier_id(%barrier3A)
    %mul3A_13 = arith.constant 640 : i32
    %mul3A_14 = arith.muli %arg1, %mul3A_13 : i32
    %run_scoped3A = arith.constant 0 : i32
    %run_scoped3A_15 = arith.constant 0 : i32
    "tpu.region"() ({
      %run_scoped3A_85 = tpu.sem_alloc : memref<!tpu.dma_semaphore, #tpu.memory_space<semaphore_mem>>
      %dma_start3A = arith.constant 0 : i32
      %dma_start3A_86 = tpu.memref_slice %arg6[%run_scoped3A_15, %dma_start3A] : memref<16x640xf32, #tpu.memory_space<vmem>> -> memref<1x640xf32, #tpu.memory_space<vmem>>
      %dma_start3A_87 = tpu.memref_squeeze %dma_start3A_86 : memref<1x640xf32, #tpu.memory_space<vmem>> -> memref<640xf32, #tpu.memory_space<vmem>>
      %dma_start3A_88 = tpu.memref_slice %arg8[%run_scoped3A, %mul3A_14] : memref<16x10240xf32, #tpu.memory_space<vmem_shared>> -> memref<1x640xf32, #tpu.memory_space<vmem_shared>>
      %dma_start3A_89 = tpu.memref_squeeze %dma_start3A_88 : memref<1x640xf32, #tpu.memory_space<vmem_shared>> -> memref<640xf32, #tpu.memory_space<vmem_shared>>
      %dma_start3A_90 = arith.constant 0 : i32
      %dma_start3A_91 = tpu.memref_slice %arg6[%run_scoped3A_15, %dma_start3A_90] : memref<16x640xf32, #tpu.memory_space<vmem>> -> memref<1x640xf32, #tpu.memory_space<vmem>>
      %dma_start3A_92 = tpu.memref_squeeze %dma_start3A_91 : memref<1x640xf32, #tpu.memory_space<vmem>> -> memref<640xf32, #tpu.memory_space<vmem>>
      %dma_start3A_93 = tpu.memref_slice %arg8[%run_scoped3A, %mul3A_14] : memref<16x10240xf32, #tpu.memory_space<vmem_shared>> -> memref<1x640xf32, #tpu.memory_space<vmem_shared>>
      %dma_start3A_94 = tpu.memref_squeeze %dma_start3A_93 : memref<1x640xf32, #tpu.memory_space<vmem_shared>> -> memref<640xf32, #tpu.memory_space<vmem_shared>>
      tpu.enqueue_dma source(%dma_start3A_94 : memref<640xf32, #tpu.memory_space<vmem_shared>>) target(%dma_start3A_92 : memref<640xf32, #tpu.memory_space<vmem>>) target_semaphore(%run_scoped3A_85 : memref<!tpu.dma_semaphore, #tpu.memory_space<semaphore_mem>>)
      %dma_wait3A = arith.constant 0 : i32
      %dma_wait3A_95 = tpu.memref_slice %arg6[%run_scoped3A_15, %dma_wait3A] : memref<16x640xf32, #tpu.memory_space<vmem>> -> memref<1x640xf32, #tpu.memory_space<vmem>>
      %dma_wait3A_96 = tpu.memref_squeeze %dma_wait3A_95 : memref<1x640xf32, #tpu.memory_space<vmem>> -> memref<640xf32, #tpu.memory_space<vmem>>
      %dma_wait3A_97 = tpu.memref_slice %arg8[%run_scoped3A, %mul3A_14] : memref<16x10240xf32, #tpu.memory_space<vmem_shared>> -> memref<1x640xf32, #tpu.memory_space<vmem_shared>>
      %dma_wait3A_98 = tpu.memref_squeeze %dma_wait3A_97 : memref<1x640xf32, #tpu.memory_space<vmem_shared>> -> memref<640xf32, #tpu.memory_space<vmem_shared>>
      %dma_wait3A_99 = arith.constant 0 : i32
      %dma_wait3A_100 = tpu.memref_slice %arg6[%run_scoped3A_15, %dma_wait3A_99] : memref<16x640xf32, #tpu.memory_space<vmem>> -> memref<1x640xf32, #tpu.memory_space<vmem>>
      %dma_wait3A_101 = tpu.memref_squeeze %dma_wait3A_100 : memref<1x640xf32, #tpu.memory_space<vmem>> -> memref<640xf32, #tpu.memory_space<vmem>>
      %dma_wait3A_102 = tpu.memref_slice %arg8[%run_scoped3A, %mul3A_14] : memref<16x10240xf32, #tpu.memory_space<vmem_shared>> -> memref<1x640xf32, #tpu.memory_space<vmem_shared>>
      %dma_wait3A_103 = tpu.memref_squeeze %dma_wait3A_102 : memref<1x640xf32, #tpu.memory_space<vmem_shared>> -> memref<640xf32, #tpu.memory_space<vmem_shared>>
      tpu.wait_dma2 semaphore(%run_scoped3A_85 : memref<!tpu.dma_semaphore, #tpu.memory_space<semaphore_mem>>) src(%dma_wait3A_103 : memref<640xf32, #tpu.memory_space<vmem_shared>>) dst(%dma_wait3A_101 : memref<640xf32, #tpu.memory_space<vmem>>)
      tpu.yield
    }) : () -> ()
    %mul3A_16 = arith.constant 640 : i32
    %mul3A_17 = arith.muli %arg1, %mul3A_16 : i32
    %run_scoped3A_18 = arith.constant 1 : i32
    %run_scoped3A_19 = arith.constant 1 : i32
    "tpu.region"() ({
      %run_scoped3A_85 = tpu.sem_alloc : memref<!tpu.dma_semaphore, #tpu.memory_space<semaphore_mem>>
      %dma_start3A = arith.constant 0 : i32
      %dma_start3A_86 = tpu.memref_slice %arg6[%run_scoped3A_19, %dma_start3A] : memref<16x640xf32, #tpu.memory_space<vmem>> -> memref<1x640xf32, #tpu.memory_space<vmem>>
      %dma_start3A_87 = tpu.memref_squeeze %dma_start3A_86 : memref<1x640xf32, #tpu.memory_space<vmem>> -> memref<640xf32, #tpu.memory_space<vmem>>
      %dma_start3A_88 = tpu.memref_slice %arg8[%run_scoped3A_18, %mul3A_17] : memref<16x10240xf32, #tpu.memory_space<vmem_shared>> -> memref<1x640xf32, #tpu.memory_space<vmem_shared>>
      %dma_start3A_89 = tpu.memref_squeeze %dma_start3A_88 : memref<1x640xf32, #tpu.memory_space<vmem_shared>> -> memref<640xf32, #tpu.memory_space<vmem_shared>>
      %dma_start3A_90 = arith.constant 0 : i32
      %dma_start3A_91 = tpu.memref_slice %arg6[%run_scoped3A_19, %dma_start3A_90] : memref<16x640xf32, #tpu.memory_space<vmem>> -> memref<1x640xf32, #tpu.memory_space<vmem>>
      %dma_start3A_92 = tpu.memref_squeeze %dma_start3A_91 : memref<1x640xf32, #tpu.memory_space<vmem>> -> memref<640xf32, #tpu.memory_space<vmem>>
      %dma_start3A_93 = tpu.memref_slice %arg8[%run_scoped3A_18, %mul3A_17] : memref<16x10240xf32, #tpu.memory_space<vmem_shared>> -> memref<1x640xf32, #tpu.memory_space<vmem_shared>>
      %dma_start3A_94 = tpu.memref_squeeze %dma_start3A_93 : memref<1x640xf32, #tpu.memory_space<vmem_shared>> -> memref<640xf32, #tpu.memory_space<vmem_shared>>
      tpu.enqueue_dma source(%dma_start3A_94 : memref<640xf32, #tpu.memory_space<vmem_shared>>) target(%dma_start3A_92 : memref<640xf32, #tpu.memory_space<vmem>>) target_semaphore(%run_scoped3A_85 : memref<!tpu.dma_semaphore, #tpu.memory_space<semaphore_mem>>)
      %dma_wait3A = arith.constant 0 : i32
      %dma_wait3A_95 = tpu.memref_slice %arg6[%run_scoped3A_19, %dma_wait3A] : memref<16x640xf32, #tpu.memory_space<vmem>> -> memref<1x640xf32, #tpu.memory_space<vmem>>
      %dma_wait3A_96 = tpu.memref_squeeze %dma_wait3A_95 : memref<1x640xf32, #tpu.memory_space<vmem>> -> memref<640xf32, #tpu.memory_space<vmem>>
      %dma_wait3A_97 = tpu.memref_slice %arg8[%run_scoped3A_18, %mul3A_17] : memref<16x10240xf32, #tpu.memory_space<vmem_shared>> -> memref<1x640xf32, #tpu.memory_space<vmem_shared>>
      %dma_wait3A_98 = tpu.memref_squeeze %dma_wait3A_97 : memref<1x640xf32, #tpu.memory_space<vmem_shared>> -> memref<640xf32, #tpu.memory_space<vmem_shared>>
      %dma_wait3A_99 = arith.constant 0 : i32
      %dma_wait3A_100 = tpu.memref_slice %arg6[%run_scoped3A_19, %dma_wait3A_99] : memref<16x640xf32, #tpu.memory_space<vmem>> -> memref<1x640xf32, #tpu.memory_space<vmem>>
      %dma_wait3A_101 = tpu.memref_squeeze %dma_wait3A_100 : memref<1x640xf32, #tpu.memory_space<vmem>> -> memref<640xf32, #tpu.memory_space<vmem>>
      %dma_wait3A_102 = tpu.memref_slice %arg8[%run_scoped3A_18, %mul3A_17] : memref<16x10240xf32, #tpu.memory_space<vmem_shared>> -> memref<1x640xf32, #tpu.memory_space<vmem_shared>>
      %dma_wait3A_103 = tpu.memref_squeeze %dma_wait3A_102 : memref<1x640xf32, #tpu.memory_space<vmem_shared>> -> memref<640xf32, #tpu.memory_space<vmem_shared>>
      tpu.wait_dma2 semaphore(%run_scoped3A_85 : memref<!tpu.dma_semaphore, #tpu.memory_space<semaphore_mem>>) src(%dma_wait3A_103 : memref<640xf32, #tpu.memory_space<vmem_shared>>) dst(%dma_wait3A_101 : memref<640xf32, #tpu.memory_space<vmem>>)
      tpu.yield
    }) : () -> ()
    %mul3A_20 = arith.constant 640 : i32
    %mul3A_21 = arith.muli %arg1, %mul3A_20 : i32
    %run_scoped3A_22 = arith.constant 2 : i32
    %run_scoped3A_23 = arith.constant 2 : i32
    "tpu.region"() ({
      %run_scoped3A_85 = tpu.sem_alloc : memref<!tpu.dma_semaphore, #tpu.memory_space<semaphore_mem>>
      %dma_start3A = arith.constant 0 : i32
      %dma_start3A_86 = tpu.memref_slice %arg6[%run_scoped3A_23, %dma_start3A] : memref<16x640xf32, #tpu.memory_space<vmem>> -> memref<1x640xf32, #tpu.memory_space<vmem>>
      %dma_start3A_87 = tpu.memref_squeeze %dma_start3A_86 : memref<1x640xf32, #tpu.memory_space<vmem>> -> memref<640xf32, #tpu.memory_space<vmem>>
      %dma_start3A_88 = tpu.memref_slice %arg8[%run_scoped3A_22, %mul3A_21] : memref<16x10240xf32, #tpu.memory_space<vmem_shared>> -> memref<1x640xf32, #tpu.memory_space<vmem_shared>>
      %dma_start3A_89 = tpu.memref_squeeze %dma_start3A_88 : memref<1x640xf32, #tpu.memory_space<vmem_shared>> -> memref<640xf32, #tpu.memory_space<vmem_shared>>
      %dma_start3A_90 = arith.constant 0 : i32
      %dma_start3A_91 = tpu.memref_slice %arg6[%run_scoped3A_23, %dma_start3A_90] : memref<16x640xf32, #tpu.memory_space<vmem>> -> memref<1x640xf32, #tpu.memory_space<vmem>>
      %dma_start3A_92 = tpu.memref_squeeze %dma_start3A_91 : memref<1x640xf32, #tpu.memory_space<vmem>> -> memref<640xf32, #tpu.memory_space<vmem>>
      %dma_start3A_93 = tpu.memref_slice %arg8[%run_scoped3A_22, %mul3A_21] : memref<16x10240xf32, #tpu.memory_space<vmem_shared>> -> memref<1x640xf32, #tpu.memory_space<vmem_shared>>
      %dma_start3A_94 = tpu.memref_squeeze %dma_start3A_93 : memref<1x640xf32, #tpu.memory_space<vmem_shared>> -> memref<640xf32, #tpu.memory_space<vmem_shared>>
      tpu.enqueue_dma source(%dma_start3A_94 : memref<640xf32, #tpu.memory_space<vmem_shared>>) target(%dma_start3A_92 : memref<640xf32, #tpu.memory_space<vmem>>) target_semaphore(%run_scoped3A_85 : memref<!tpu.dma_semaphore, #tpu.memory_space<semaphore_mem>>)
      %dma_wait3A = arith.constant 0 : i32
      %dma_wait3A_95 = tpu.memref_slice %arg6[%run_scoped3A_23, %dma_wait3A] : memref<16x640xf32, #tpu.memory_space<vmem>> -> memref<1x640xf32, #tpu.memory_space<vmem>>
      %dma_wait3A_96 = tpu.memref_squeeze %dma_wait3A_95 : memref<1x640xf32, #tpu.memory_space<vmem>> -> memref<640xf32, #tpu.memory_space<vmem>>
      %dma_wait3A_97 = tpu.memref_slice %arg8[%run_scoped3A_22, %mul3A_21] : memref<16x10240xf32, #tpu.memory_space<vmem_shared>> -> memref<1x640xf32, #tpu.memory_space<vmem_shared>>
      %dma_wait3A_98 = tpu.memref_squeeze %dma_wait3A_97 : memref<1x640xf32, #tpu.memory_space<vmem_shared>> -> memref<640xf32, #tpu.memory_space<vmem_shared>>
      %dma_wait3A_99 = arith.constant 0 : i32
      %dma_wait3A_100 = tpu.memref_slice %arg6[%run_scoped3A_23, %dma_wait3A_99] : memref<16x640xf32, #tpu.memory_space<vmem>> -> memref<1x640xf32, #tpu.memory_space<vmem>>
      %dma_wait3A_101 = tpu.memref_squeeze %dma_wait3A_100 : memref<1x640xf32, #tpu.memory_space<vmem>> -> memref<640xf32, #tpu.memory_space<vmem>>
      %dma_wait3A_102 = tpu.memref_slice %arg8[%run_scoped3A_22, %mul3A_21] : memref<16x10240xf32, #tpu.memory_space<vmem_shared>> -> memref<1x640xf32, #tpu.memory_space<vmem_shared>>
      %dma_wait3A_103 = tpu.memref_squeeze %dma_wait3A_102 : memref<1x640xf32, #tpu.memory_space<vmem_shared>> -> memref<640xf32, #tpu.memory_space<vmem_shared>>
      tpu.wait_dma2 semaphore(%run_scoped3A_85 : memref<!tpu.dma_semaphore, #tpu.memory_space<semaphore_mem>>) src(%dma_wait3A_103 : memref<640xf32, #tpu.memory_space<vmem_shared>>) dst(%dma_wait3A_101 : memref<640xf32, #tpu.memory_space<vmem>>)
      tpu.yield
    }) : () -> ()
    %mul3A_24 = arith.constant 640 : i32
    %mul3A_25 = arith.muli %arg1, %mul3A_24 : i32
    %run_scoped3A_26 = arith.constant 3 : i32
    %run_scoped3A_27 = arith.constant 3 : i32
    "tpu.region"() ({
      %run_scoped3A_85 = tpu.sem_alloc : memref<!tpu.dma_semaphore, #tpu.memory_space<semaphore_mem>>
      %dma_start3A = arith.constant 0 : i32
      %dma_start3A_86 = tpu.memref_slice %arg6[%run_scoped3A_27, %dma_start3A] : memref<16x640xf32, #tpu.memory_space<vmem>> -> memref<1x640xf32, #tpu.memory_space<vmem>>
      %dma_start3A_87 = tpu.memref_squeeze %dma_start3A_86 : memref<1x640xf32, #tpu.memory_space<vmem>> -> memref<640xf32, #tpu.memory_space<vmem>>
      %dma_start3A_88 = tpu.memref_slice %arg8[%run_scoped3A_26, %mul3A_25] : memref<16x10240xf32, #tpu.memory_space<vmem_shared>> -> memref<1x640xf32, #tpu.memory_space<vmem_shared>>
      %dma_start3A_89 = tpu.memref_squeeze %dma_start3A_88 : memref<1x640xf32, #tpu.memory_space<vmem_shared>> -> memref<640xf32, #tpu.memory_space<vmem_shared>>
      %dma_start3A_90 = arith.constant 0 : i32
      %dma_start3A_91 = tpu.memref_slice %arg6[%run_scoped3A_27, %dma_start3A_90] : memref<16x640xf32, #tpu.memory_space<vmem>> -> memref<1x640xf32, #tpu.memory_space<vmem>>
      %dma_start3A_92 = tpu.memref_squeeze %dma_start3A_91 : memref<1x640xf32, #tpu.memory_space<vmem>> -> memref<640xf32, #tpu.memory_space<vmem>>
      %dma_start3A_93 = tpu.memref_slice %arg8[%run_scoped3A_26, %mul3A_25] : memref<16x10240xf32, #tpu.memory_space<vmem_shared>> -> memref<1x640xf32, #tpu.memory_space<vmem_shared>>
      %dma_start3A_94 = tpu.memref_squeeze %dma_start3A_93 : memref<1x640xf32, #tpu.memory_space<vmem_shared>> -> memref<640xf32, #tpu.memory_space<vmem_shared>>
      tpu.enqueue_dma source(%dma_start3A_94 : memref<640xf32, #tpu.memory_space<vmem_shared>>) target(%dma_start3A_92 : memref<640xf32, #tpu.memory_space<vmem>>) target_semaphore(%run_scoped3A_85 : memref<!tpu.dma_semaphore, #tpu.memory_space<semaphore_mem>>)
      %dma_wait3A = arith.constant 0 : i32
      %dma_wait3A_95 = tpu.memref_slice %arg6[%run_scoped3A_27, %dma_wait3A] : memref<16x640xf32, #tpu.memory_space<vmem>> -> memref<1x640xf32, #tpu.memory_space<vmem>>
      %dma_wait3A_96 = tpu.memref_squeeze %dma_wait3A_95 : memref<1x640xf32, #tpu.memory_space<vmem>> -> memref<640xf32, #tpu.memory_space<vmem>>
      %dma_wait3A_97 = tpu.memref_slice %arg8[%run_scoped3A_26, %mul3A_25] : memref<16x10240xf32, #tpu.memory_space<vmem_shared>> -> memref<1x640xf32, #tpu.memory_space<vmem_shared>>
      %dma_wait3A_98 = tpu.memref_squeeze %dma_wait3A_97 : memref<1x640xf32, #tpu.memory_space<vmem_shared>> -> memref<640xf32, #tpu.memory_space<vmem_shared>>
      %dma_wait3A_99 = arith.constant 0 : i32
      %dma_wait3A_100 = tpu.memref_slice %arg6[%run_scoped3A_27, %dma_wait3A_99] : memref<16x640xf32, #tpu.memory_space<vmem>> -> memref<1x640xf32, #tpu.memory_space<vmem>>
      %dma_wait3A_101 = tpu.memref_squeeze %dma_wait3A_100 : memref<1x640xf32, #tpu.memory_space<vmem>> -> memref<640xf32, #tpu.memory_space<vmem>>
      %dma_wait3A_102 = tpu.memref_slice %arg8[%run_scoped3A_26, %mul3A_25] : memref<16x10240xf32, #tpu.memory_space<vmem_shared>> -> memref<1x640xf32, #tpu.memory_space<vmem_shared>>
      %dma_wait3A_103 = tpu.memref_squeeze %dma_wait3A_102 : memref<1x640xf32, #tpu.memory_space<vmem_shared>> -> memref<640xf32, #tpu.memory_space<vmem_shared>>
      tpu.wait_dma2 semaphore(%run_scoped3A_85 : memref<!tpu.dma_semaphore, #tpu.memory_space<semaphore_mem>>) src(%dma_wait3A_103 : memref<640xf32, #tpu.memory_space<vmem_shared>>) dst(%dma_wait3A_101 : memref<640xf32, #tpu.memory_space<vmem>>)
      tpu.yield
    }) : () -> ()
    %mul3A_28 = arith.constant 640 : i32
    %mul3A_29 = arith.muli %arg1, %mul3A_28 : i32
    %run_scoped3A_30 = arith.constant 4 : i32
    %run_scoped3A_31 = arith.constant 4 : i32
    "tpu.region"() ({
      %run_scoped3A_85 = tpu.sem_alloc : memref<!tpu.dma_semaphore, #tpu.memory_space<semaphore_mem>>
      %dma_start3A = arith.constant 0 : i32
      %dma_start3A_86 = tpu.memref_slice %arg6[%run_scoped3A_31, %dma_start3A] : memref<16x640xf32, #tpu.memory_space<vmem>> -> memref<1x640xf32, #tpu.memory_space<vmem>>
      %dma_start3A_87 = tpu.memref_squeeze %dma_start3A_86 : memref<1x640xf32, #tpu.memory_space<vmem>> -> memref<640xf32, #tpu.memory_space<vmem>>
      %dma_start3A_88 = tpu.memref_slice %arg8[%run_scoped3A_30, %mul3A_29] : memref<16x10240xf32, #tpu.memory_space<vmem_shared>> -> memref<1x640xf32, #tpu.memory_space<vmem_shared>>
      %dma_start3A_89 = tpu.memref_squeeze %dma_start3A_88 : memref<1x640xf32, #tpu.memory_space<vmem_shared>> -> memref<640xf32, #tpu.memory_space<vmem_shared>>
      %dma_start3A_90 = arith.constant 0 : i32
      %dma_start3A_91 = tpu.memref_slice %arg6[%run_scoped3A_31, %dma_start3A_90] : memref<16x640xf32, #tpu.memory_space<vmem>> -> memref<1x640xf32, #tpu.memory_space<vmem>>
      %dma_start3A_92 = tpu.memref_squeeze %dma_start3A_91 : memref<1x640xf32, #tpu.memory_space<vmem>> -> memref<640xf32, #tpu.memory_space<vmem>>
      %dma_start3A_93 = tpu.memref_slice %arg8[%run_scoped3A_30, %mul3A_29] : memref<16x10240xf32, #tpu.memory_space<vmem_shared>> -> memref<1x640xf32, #tpu.memory_space<vmem_shared>>
      %dma_start3A_94 = tpu.memref_squeeze %dma_start3A_93 : memref<1x640xf32, #tpu.memory_space<vmem_shared>> -> memref<640xf32, #tpu.memory_space<vmem_shared>>
      tpu.enqueue_dma source(%dma_start3A_94 : memref<640xf32, #tpu.memory_space<vmem_shared>>) target(%dma_start3A_92 : memref<640xf32, #tpu.memory_space<vmem>>) target_semaphore(%run_scoped3A_85 : memref<!tpu.dma_semaphore, #tpu.memory_space<semaphore_mem>>)
      %dma_wait3A = arith.constant 0 : i32
      %dma_wait3A_95 = tpu.memref_slice %arg6[%run_scoped3A_31, %dma_wait3A] : memref<16x640xf32, #tpu.memory_space<vmem>> -> memref<1x640xf32, #tpu.memory_space<vmem>>
      %dma_wait3A_96 = tpu.memref_squeeze %dma_wait3A_95 : memref<1x640xf32, #tpu.memory_space<vmem>> -> memref<640xf32, #tpu.memory_space<vmem>>
      %dma_wait3A_97 = tpu.memref_slice %arg8[%run_scoped3A_30, %mul3A_29] : memref<16x10240xf32, #tpu.memory_space<vmem_shared>> -> memref<1x640xf32, #tpu.memory_space<vmem_shared>>
      %dma_wait3A_98 = tpu.memref_squeeze %dma_wait3A_97 : memref<1x640xf32, #tpu.memory_space<vmem_shared>> -> memref<640xf32, #tpu.memory_space<vmem_shared>>
      %dma_wait3A_99 = arith.constant 0 : i32
      %dma_wait3A_100 = tpu.memref_slice %arg6[%run_scoped3A_31, %dma_wait3A_99] : memref<16x640xf32, #tpu.memory_space<vmem>> -> memref<1x640xf32, #tpu.memory_space<vmem>>
      %dma_wait3A_101 = tpu.memref_squeeze %dma_wait3A_100 : memref<1x640xf32, #tpu.memory_space<vmem>> -> memref<640xf32, #tpu.memory_space<vmem>>
      %dma_wait3A_102 = tpu.memref_slice %arg8[%run_scoped3A_30, %mul3A_29] : memref<16x10240xf32, #tpu.memory_space<vmem_shared>> -> memref<1x640xf32, #tpu.memory_space<vmem_shared>>
      %dma_wait3A_103 = tpu.memref_squeeze %dma_wait3A_102 : memref<1x640xf32, #tpu.memory_space<vmem_shared>> -> memref<640xf32, #tpu.memory_space<vmem_shared>>
      tpu.wait_dma2 semaphore(%run_scoped3A_85 : memref<!tpu.dma_semaphore, #tpu.memory_space<semaphore_mem>>) src(%dma_wait3A_103 : memref<640xf32, #tpu.memory_space<vmem_shared>>) dst(%dma_wait3A_101 : memref<640xf32, #tpu.memory_space<vmem>>)
      tpu.yield
    }) : () -> ()
    %mul3A_32 = arith.constant 640 : i32
    %mul3A_33 = arith.muli %arg1, %mul3A_32 : i32
    %run_scoped3A_34 = arith.constant 5 : i32
    %run_scoped3A_35 = arith.constant 5 : i32
    "tpu.region"() ({
      %run_scoped3A_85 = tpu.sem_alloc : memref<!tpu.dma_semaphore, #tpu.memory_space<semaphore_mem>>
      %dma_start3A = arith.constant 0 : i32
      %dma_start3A_86 = tpu.memref_slice %arg6[%run_scoped3A_35, %dma_start3A] : memref<16x640xf32, #tpu.memory_space<vmem>> -> memref<1x640xf32, #tpu.memory_space<vmem>>
      %dma_start3A_87 = tpu.memref_squeeze %dma_start3A_86 : memref<1x640xf32, #tpu.memory_space<vmem>> -> memref<640xf32, #tpu.memory_space<vmem>>
      %dma_start3A_88 = tpu.memref_slice %arg8[%run_scoped3A_34, %mul3A_33] : memref<16x10240xf32, #tpu.memory_space<vmem_shared>> -> memref<1x640xf32, #tpu.memory_space<vmem_shared>>
      %dma_start3A_89 = tpu.memref_squeeze %dma_start3A_88 : memref<1x640xf32, #tpu.memory_space<vmem_shared>> -> memref<640xf32, #tpu.memory_space<vmem_shared>>
      %dma_start3A_90 = arith.constant 0 : i32
      %dma_start3A_91 = tpu.memref_slice %arg6[%run_scoped3A_35, %dma_start3A_90] : memref<16x640xf32, #tpu.memory_space<vmem>> -> memref<1x640xf32, #tpu.memory_space<vmem>>
      %dma_start3A_92 = tpu.memref_squeeze %dma_start3A_91 : memref<1x640xf32, #tpu.memory_space<vmem>> -> memref<640xf32, #tpu.memory_space<vmem>>
      %dma_start3A_93 = tpu.memref_slice %arg8[%run_scoped3A_34, %mul3A_33] : memref<16x10240xf32, #tpu.memory_space<vmem_shared>> -> memref<1x640xf32, #tpu.memory_space<vmem_shared>>
      %dma_start3A_94 = tpu.memref_squeeze %dma_start3A_93 : memref<1x640xf32, #tpu.memory_space<vmem_shared>> -> memref<640xf32, #tpu.memory_space<vmem_shared>>
      tpu.enqueue_dma source(%dma_start3A_94 : memref<640xf32, #tpu.memory_space<vmem_shared>>) target(%dma_start3A_92 : memref<640xf32, #tpu.memory_space<vmem>>) target_semaphore(%run_scoped3A_85 : memref<!tpu.dma_semaphore, #tpu.memory_space<semaphore_mem>>)
      %dma_wait3A = arith.constant 0 : i32
      %dma_wait3A_95 = tpu.memref_slice %arg6[%run_scoped3A_35, %dma_wait3A] : memref<16x640xf32, #tpu.memory_space<vmem>> -> memref<1x640xf32, #tpu.memory_space<vmem>>
      %dma_wait3A_96 = tpu.memref_squeeze %dma_wait3A_95 : memref<1x640xf32, #tpu.memory_space<vmem>> -> memref<640xf32, #tpu.memory_space<vmem>>
      %dma_wait3A_97 = tpu.memref_slice %arg8[%run_scoped3A_34, %mul3A_33] : memref<16x10240xf32, #tpu.memory_space<vmem_shared>> -> memref<1x640xf32, #tpu.memory_space<vmem_shared>>
      %dma_wait3A_98 = tpu.memref_squeeze %dma_wait3A_97 : memref<1x640xf32, #tpu.memory_space<vmem_shared>> -> memref<640xf32, #tpu.memory_space<vmem_shared>>
      %dma_wait3A_99 = arith.constant 0 : i32
      %dma_wait3A_100 = tpu.memref_slice %arg6[%run_scoped3A_35, %dma_wait3A_99] : memref<16x640xf32, #tpu.memory_space<vmem>> -> memref<1x640xf32, #tpu.memory_space<vmem>>
      %dma_wait3A_101 = tpu.memref_squeeze %dma_wait3A_100 : memref<1x640xf32, #tpu.memory_space<vmem>> -> memref<640xf32, #tpu.memory_space<vmem>>
      %dma_wait3A_102 = tpu.memref_slice %arg8[%run_scoped3A_34, %mul3A_33] : memref<16x10240xf32, #tpu.memory_space<vmem_shared>> -> memref<1x640xf32, #tpu.memory_space<vmem_shared>>
      %dma_wait3A_103 = tpu.memref_squeeze %dma_wait3A_102 : memref<1x640xf32, #tpu.memory_space<vmem_shared>> -> memref<640xf32, #tpu.memory_space<vmem_shared>>
      tpu.wait_dma2 semaphore(%run_scoped3A_85 : memref<!tpu.dma_semaphore, #tpu.memory_space<semaphore_mem>>) src(%dma_wait3A_103 : memref<640xf32, #tpu.memory_space<vmem_shared>>) dst(%dma_wait3A_101 : memref<640xf32, #tpu.memory_space<vmem>>)
      tpu.yield
    }) : () -> ()
    %mul3A_36 = arith.constant 640 : i32
    %mul3A_37 = arith.muli %arg1, %mul3A_36 : i32
    %run_scoped3A_38 = arith.constant 6 : i32
    %run_scoped3A_39 = arith.constant 6 : i32
    "tpu.region"() ({
      %run_scoped3A_85 = tpu.sem_alloc : memref<!tpu.dma_semaphore, #tpu.memory_space<semaphore_mem>>
      %dma_start3A = arith.constant 0 : i32
      %dma_start3A_86 = tpu.memref_slice %arg6[%run_scoped3A_39, %dma_start3A] : memref<16x640xf32, #tpu.memory_space<vmem>> -> memref<1x640xf32, #tpu.memory_space<vmem>>
      %dma_start3A_87 = tpu.memref_squeeze %dma_start3A_86 : memref<1x640xf32, #tpu.memory_space<vmem>> -> memref<640xf32, #tpu.memory_space<vmem>>
      %dma_start3A_88 = tpu.memref_slice %arg8[%run_scoped3A_38, %mul3A_37] : memref<16x10240xf32, #tpu.memory_space<vmem_shared>> -> memref<1x640xf32, #tpu.memory_space<vmem_shared>>
      %dma_start3A_89 = tpu.memref_squeeze %dma_start3A_88 : memref<1x640xf32, #tpu.memory_space<vmem_shared>> -> memref<640xf32, #tpu.memory_space<vmem_shared>>
      %dma_start3A_90 = arith.constant 0 : i32
      %dma_start3A_91 = tpu.memref_slice %arg6[%run_scoped3A_39, %dma_start3A_90] : memref<16x640xf32, #tpu.memory_space<vmem>> -> memref<1x640xf32, #tpu.memory_space<vmem>>
      %dma_start3A_92 = tpu.memref_squeeze %dma_start3A_91 : memref<1x640xf32, #tpu.memory_space<vmem>> -> memref<640xf32, #tpu.memory_space<vmem>>
      %dma_start3A_93 = tpu.memref_slice %arg8[%run_scoped3A_38, %mul3A_37] : memref<16x10240xf32, #tpu.memory_space<vmem_shared>> -> memref<1x640xf32, #tpu.memory_space<vmem_shared>>
      %dma_start3A_94 = tpu.memref_squeeze %dma_start3A_93 : memref<1x640xf32, #tpu.memory_space<vmem_shared>> -> memref<640xf32, #tpu.memory_space<vmem_shared>>
      tpu.enqueue_dma source(%dma_start3A_94 : memref<640xf32, #tpu.memory_space<vmem_shared>>) target(%dma_start3A_92 : memref<640xf32, #tpu.memory_space<vmem>>) target_semaphore(%run_scoped3A_85 : memref<!tpu.dma_semaphore, #tpu.memory_space<semaphore_mem>>)
      %dma_wait3A = arith.constant 0 : i32
      %dma_wait3A_95 = tpu.memref_slice %arg6[%run_scoped3A_39, %dma_wait3A] : memref<16x640xf32, #tpu.memory_space<vmem>> -> memref<1x640xf32, #tpu.memory_space<vmem>>
      %dma_wait3A_96 = tpu.memref_squeeze %dma_wait3A_95 : memref<1x640xf32, #tpu.memory_space<vmem>> -> memref<640xf32, #tpu.memory_space<vmem>>
      %dma_wait3A_97 = tpu.memref_slice %arg8[%run_scoped3A_38, %mul3A_37] : memref<16x10240xf32, #tpu.memory_space<vmem_shared>> -> memref<1x640xf32, #tpu.memory_space<vmem_shared>>
      %dma_wait3A_98 = tpu.memref_squeeze %dma_wait3A_97 : memref<1x640xf32, #tpu.memory_space<vmem_shared>> -> memref<640xf32, #tpu.memory_space<vmem_shared>>
      %dma_wait3A_99 = arith.constant 0 : i32
      %dma_wait3A_100 = tpu.memref_slice %arg6[%run_scoped3A_39, %dma_wait3A_99] : memref<16x640xf32, #tpu.memory_space<vmem>> -> memref<1x640xf32, #tpu.memory_space<vmem>>
      %dma_wait3A_101 = tpu.memref_squeeze %dma_wait3A_100 : memref<1x640xf32, #tpu.memory_space<vmem>> -> memref<640xf32, #tpu.memory_space<vmem>>
      %dma_wait3A_102 = tpu.memref_slice %arg8[%run_scoped3A_38, %mul3A_37] : memref<16x10240xf32, #tpu.memory_space<vmem_shared>> -> memref<1x640xf32, #tpu.memory_space<vmem_shared>>
      %dma_wait3A_103 = tpu.memref_squeeze %dma_wait3A_102 : memref<1x640xf32, #tpu.memory_space<vmem_shared>> -> memref<640xf32, #tpu.memory_space<vmem_shared>>
      tpu.wait_dma2 semaphore(%run_scoped3A_85 : memref<!tpu.dma_semaphore, #tpu.memory_space<semaphore_mem>>) src(%dma_wait3A_103 : memref<640xf32, #tpu.memory_space<vmem_shared>>) dst(%dma_wait3A_101 : memref<640xf32, #tpu.memory_space<vmem>>)
      tpu.yield
    }) : () -> ()
    %mul3A_40 = arith.constant 640 : i32
    %mul3A_41 = arith.muli %arg1, %mul3A_40 : i32
    %run_scoped3A_42 = arith.constant 7 : i32
    %run_scoped3A_43 = arith.constant 7 : i32
    "tpu.region"() ({
      %run_scoped3A_85 = tpu.sem_alloc : memref<!tpu.dma_semaphore, #tpu.memory_space<semaphore_mem>>
      %dma_start3A = arith.constant 0 : i32
      %dma_start3A_86 = tpu.memref_slice %arg6[%run_scoped3A_43, %dma_start3A] : memref<16x640xf32, #tpu.memory_space<vmem>> -> memref<1x640xf32, #tpu.memory_space<vmem>>
      %dma_start3A_87 = tpu.memref_squeeze %dma_start3A_86 : memref<1x640xf32, #tpu.memory_space<vmem>> -> memref<640xf32, #tpu.memory_space<vmem>>
      %dma_start3A_88 = tpu.memref_slice %arg8[%run_scoped3A_42, %mul3A_41] : memref<16x10240xf32, #tpu.memory_space<vmem_shared>> -> memref<1x640xf32, #tpu.memory_space<vmem_shared>>
      %dma_start3A_89 = tpu.memref_squeeze %dma_start3A_88 : memref<1x640xf32, #tpu.memory_space<vmem_shared>> -> memref<640xf32, #tpu.memory_space<vmem_shared>>
      %dma_start3A_90 = arith.constant 0 : i32
      %dma_start3A_91 = tpu.memref_slice %arg6[%run_scoped3A_43, %dma_start3A_90] : memref<16x640xf32, #tpu.memory_space<vmem>> -> memref<1x640xf32, #tpu.memory_space<vmem>>
      %dma_start3A_92 = tpu.memref_squeeze %dma_start3A_91 : memref<1x640xf32, #tpu.memory_space<vmem>> -> memref<640xf32, #tpu.memory_space<vmem>>
      %dma_start3A_93 = tpu.memref_slice %arg8[%run_scoped3A_42, %mul3A_41] : memref<16x10240xf32, #tpu.memory_space<vmem_shared>> -> memref<1x640xf32, #tpu.memory_space<vmem_shared>>
      %dma_start3A_94 = tpu.memref_squeeze %dma_start3A_93 : memref<1x640xf32, #tpu.memory_space<vmem_shared>> -> memref<640xf32, #tpu.memory_space<vmem_shared>>
      tpu.enqueue_dma source(%dma_start3A_94 : memref<640xf32, #tpu.memory_space<vmem_shared>>) target(%dma_start3A_92 : memref<640xf32, #tpu.memory_space<vmem>>) target_semaphore(%run_scoped3A_85 : memref<!tpu.dma_semaphore, #tpu.memory_space<semaphore_mem>>)
      %dma_wait3A = arith.constant 0 : i32
      %dma_wait3A_95 = tpu.memref_slice %arg6[%run_scoped3A_43, %dma_wait3A] : memref<16x640xf32, #tpu.memory_space<vmem>> -> memref<1x640xf32, #tpu.memory_space<vmem>>
      %dma_wait3A_96 = tpu.memref_squeeze %dma_wait3A_95 : memref<1x640xf32, #tpu.memory_space<vmem>> -> memref<640xf32, #tpu.memory_space<vmem>>
      %dma_wait3A_97 = tpu.memref_slice %arg8[%run_scoped3A_42, %mul3A_41] : memref<16x10240xf32, #tpu.memory_space<vmem_shared>> -> memref<1x640xf32, #tpu.memory_space<vmem_shared>>
      %dma_wait3A_98 = tpu.memref_squeeze %dma_wait3A_97 : memref<1x640xf32, #tpu.memory_space<vmem_shared>> -> memref<640xf32, #tpu.memory_space<vmem_shared>>
      %dma_wait3A_99 = arith.constant 0 : i32
      %dma_wait3A_100 = tpu.memref_slice %arg6[%run_scoped3A_43, %dma_wait3A_99] : memref<16x640xf32, #tpu.memory_space<vmem>> -> memref<1x640xf32, #tpu.memory_space<vmem>>
      %dma_wait3A_101 = tpu.memref_squeeze %dma_wait3A_100 : memref<1x640xf32, #tpu.memory_space<vmem>> -> memref<640xf32, #tpu.memory_space<vmem>>
      %dma_wait3A_102 = tpu.memref_slice %arg8[%run_scoped3A_42, %mul3A_41] : memref<16x10240xf32, #tpu.memory_space<vmem_shared>> -> memref<1x640xf32, #tpu.memory_space<vmem_shared>>
      %dma_wait3A_103 = tpu.memref_squeeze %dma_wait3A_102 : memref<1x640xf32, #tpu.memory_space<vmem_shared>> -> memref<640xf32, #tpu.memory_space<vmem_shared>>
      tpu.wait_dma2 semaphore(%run_scoped3A_85 : memref<!tpu.dma_semaphore, #tpu.memory_space<semaphore_mem>>) src(%dma_wait3A_103 : memref<640xf32, #tpu.memory_space<vmem_shared>>) dst(%dma_wait3A_101 : memref<640xf32, #tpu.memory_space<vmem>>)
      tpu.yield
    }) : () -> ()
    %mul3A_44 = arith.constant 640 : i32
    %mul3A_45 = arith.muli %arg1, %mul3A_44 : i32
    %run_scoped3A_46 = arith.constant 8 : i32
    %run_scoped3A_47 = arith.constant 8 : i32
    "tpu.region"() ({
      %run_scoped3A_85 = tpu.sem_alloc : memref<!tpu.dma_semaphore, #tpu.memory_space<semaphore_mem>>
      %dma_start3A = arith.constant 0 : i32
      %dma_start3A_86 = tpu.memref_slice %arg6[%run_scoped3A_47, %dma_start3A] : memref<16x640xf32, #tpu.memory_space<vmem>> -> memref<1x640xf32, #tpu.memory_space<vmem>>
      %dma_start3A_87 = tpu.memref_squeeze %dma_start3A_86 : memref<1x640xf32, #tpu.memory_space<vmem>> -> memref<640xf32, #tpu.memory_space<vmem>>
      %dma_start3A_88 = tpu.memref_slice %arg8[%run_scoped3A_46, %mul3A_45] : memref<16x10240xf32, #tpu.memory_space<vmem_shared>> -> memref<1x640xf32, #tpu.memory_space<vmem_shared>>
      %dma_start3A_89 = tpu.memref_squeeze %dma_start3A_88 : memref<1x640xf32, #tpu.memory_space<vmem_shared>> -> memref<640xf32, #tpu.memory_space<vmem_shared>>
      %dma_start3A_90 = arith.constant 0 : i32
      %dma_start3A_91 = tpu.memref_slice %arg6[%run_scoped3A_47, %dma_start3A_90] : memref<16x640xf32, #tpu.memory_space<vmem>> -> memref<1x640xf32, #tpu.memory_space<vmem>>
      %dma_start3A_92 = tpu.memref_squeeze %dma_start3A_91 : memref<1x640xf32, #tpu.memory_space<vmem>> -> memref<640xf32, #tpu.memory_space<vmem>>
      %dma_start3A_93 = tpu.memref_slice %arg8[%run_scoped3A_46, %mul3A_45] : memref<16x10240xf32, #tpu.memory_space<vmem_shared>> -> memref<1x640xf32, #tpu.memory_space<vmem_shared>>
      %dma_start3A_94 = tpu.memref_squeeze %dma_start3A_93 : memref<1x640xf32, #tpu.memory_space<vmem_shared>> -> memref<640xf32, #tpu.memory_space<vmem_shared>>
      tpu.enqueue_dma source(%dma_start3A_94 : memref<640xf32, #tpu.memory_space<vmem_shared>>) target(%dma_start3A_92 : memref<640xf32, #tpu.memory_space<vmem>>) target_semaphore(%run_scoped3A_85 : memref<!tpu.dma_semaphore, #tpu.memory_space<semaphore_mem>>)
      %dma_wait3A = arith.constant 0 : i32
      %dma_wait3A_95 = tpu.memref_slice %arg6[%run_scoped3A_47, %dma_wait3A] : memref<16x640xf32, #tpu.memory_space<vmem>> -> memref<1x640xf32, #tpu.memory_space<vmem>>
      %dma_wait3A_96 = tpu.memref_squeeze %dma_wait3A_95 : memref<1x640xf32, #tpu.memory_space<vmem>> -> memref<640xf32, #tpu.memory_space<vmem>>
      %dma_wait3A_97 = tpu.memref_slice %arg8[%run_scoped3A_46, %mul3A_45] : memref<16x10240xf32, #tpu.memory_space<vmem_shared>> -> memref<1x640xf32, #tpu.memory_space<vmem_shared>>
      %dma_wait3A_98 = tpu.memref_squeeze %dma_wait3A_97 : memref<1x640xf32, #tpu.memory_space<vmem_shared>> -> memref<640xf32, #tpu.memory_space<vmem_shared>>
      %dma_wait3A_99 = arith.constant 0 : i32
      %dma_wait3A_100 = tpu.memref_slice %arg6[%run_scoped3A_47, %dma_wait3A_99] : memref<16x640xf32, #tpu.memory_space<vmem>> -> memref<1x640xf32, #tpu.memory_space<vmem>>
      %dma_wait3A_101 = tpu.memref_squeeze %dma_wait3A_100 : memref<1x640xf32, #tpu.memory_space<vmem>> -> memref<640xf32, #tpu.memory_space<vmem>>
      %dma_wait3A_102 = tpu.memref_slice %arg8[%run_scoped3A_46, %mul3A_45] : memref<16x10240xf32, #tpu.memory_space<vmem_shared>> -> memref<1x640xf32, #tpu.memory_space<vmem_shared>>
      %dma_wait3A_103 = tpu.memref_squeeze %dma_wait3A_102 : memref<1x640xf32, #tpu.memory_space<vmem_shared>> -> memref<640xf32, #tpu.memory_space<vmem_shared>>
      tpu.wait_dma2 semaphore(%run_scoped3A_85 : memref<!tpu.dma_semaphore, #tpu.memory_space<semaphore_mem>>) src(%dma_wait3A_103 : memref<640xf32, #tpu.memory_space<vmem_shared>>) dst(%dma_wait3A_101 : memref<640xf32, #tpu.memory_space<vmem>>)
      tpu.yield
    }) : () -> ()
    %mul3A_48 = arith.constant 640 : i32
    %mul3A_49 = arith.muli %arg1, %mul3A_48 : i32
    %run_scoped3A_50 = arith.constant 9 : i32
    %run_scoped3A_51 = arith.constant 9 : i32
    "tpu.region"() ({
      %run_scoped3A_85 = tpu.sem_alloc : memref<!tpu.dma_semaphore, #tpu.memory_space<semaphore_mem>>
      %dma_start3A = arith.constant 0 : i32
      %dma_start3A_86 = tpu.memref_slice %arg6[%run_scoped3A_51, %dma_start3A] : memref<16x640xf32, #tpu.memory_space<vmem>> -> memref<1x640xf32, #tpu.memory_space<vmem>>
      %dma_start3A_87 = tpu.memref_squeeze %dma_start3A_86 : memref<1x640xf32, #tpu.memory_space<vmem>> -> memref<640xf32, #tpu.memory_space<vmem>>
      %dma_start3A_88 = tpu.memref_slice %arg8[%run_scoped3A_50, %mul3A_49] : memref<16x10240xf32, #tpu.memory_space<vmem_shared>> -> memref<1x640xf32, #tpu.memory_space<vmem_shared>>
      %dma_start3A_89 = tpu.memref_squeeze %dma_start3A_88 : memref<1x640xf32, #tpu.memory_space<vmem_shared>> -> memref<640xf32, #tpu.memory_space<vmem_shared>>
      %dma_start3A_90 = arith.constant 0 : i32
      %dma_start3A_91 = tpu.memref_slice %arg6[%run_scoped3A_51, %dma_start3A_90] : memref<16x640xf32, #tpu.memory_space<vmem>> -> memref<1x640xf32, #tpu.memory_space<vmem>>
      %dma_start3A_92 = tpu.memref_squeeze %dma_start3A_91 : memref<1x640xf32, #tpu.memory_space<vmem>> -> memref<640xf32, #tpu.memory_space<vmem>>
      %dma_start3A_93 = tpu.memref_slice %arg8[%run_scoped3A_50, %mul3A_49] : memref<16x10240xf32, #tpu.memory_space<vmem_shared>> -> memref<1x640xf32, #tpu.memory_space<vmem_shared>>
      %dma_start3A_94 = tpu.memref_squeeze %dma_start3A_93 : memref<1x640xf32, #tpu.memory_space<vmem_shared>> -> memref<640xf32, #tpu.memory_space<vmem_shared>>
      tpu.enqueue_dma source(%dma_start3A_94 : memref<640xf32, #tpu.memory_space<vmem_shared>>) target(%dma_start3A_92 : memref<640xf32, #tpu.memory_space<vmem>>) target_semaphore(%run_scoped3A_85 : memref<!tpu.dma_semaphore, #tpu.memory_space<semaphore_mem>>)
      %dma_wait3A = arith.constant 0 : i32
      %dma_wait3A_95 = tpu.memref_slice %arg6[%run_scoped3A_51, %dma_wait3A] : memref<16x640xf32, #tpu.memory_space<vmem>> -> memref<1x640xf32, #tpu.memory_space<vmem>>
      %dma_wait3A_96 = tpu.memref_squeeze %dma_wait3A_95 : memref<1x640xf32, #tpu.memory_space<vmem>> -> memref<640xf32, #tpu.memory_space<vmem>>
      %dma_wait3A_97 = tpu.memref_slice %arg8[%run_scoped3A_50, %mul3A_49] : memref<16x10240xf32, #tpu.memory_space<vmem_shared>> -> memref<1x640xf32, #tpu.memory_space<vmem_shared>>
      %dma_wait3A_98 = tpu.memref_squeeze %dma_wait3A_97 : memref<1x640xf32, #tpu.memory_space<vmem_shared>> -> memref<640xf32, #tpu.memory_space<vmem_shared>>
      %dma_wait3A_99 = arith.constant 0 : i32
      %dma_wait3A_100 = tpu.memref_slice %arg6[%run_scoped3A_51, %dma_wait3A_99] : memref<16x640xf32, #tpu.memory_space<vmem>> -> memref<1x640xf32, #tpu.memory_space<vmem>>
      %dma_wait3A_101 = tpu.memref_squeeze %dma_wait3A_100 : memref<1x640xf32, #tpu.memory_space<vmem>> -> memref<640xf32, #tpu.memory_space<vmem>>
      %dma_wait3A_102 = tpu.memref_slice %arg8[%run_scoped3A_50, %mul3A_49] : memref<16x10240xf32, #tpu.memory_space<vmem_shared>> -> memref<1x640xf32, #tpu.memory_space<vmem_shared>>
      %dma_wait3A_103 = tpu.memref_squeeze %dma_wait3A_102 : memref<1x640xf32, #tpu.memory_space<vmem_shared>> -> memref<640xf32, #tpu.memory_space<vmem_shared>>
      tpu.wait_dma2 semaphore(%run_scoped3A_85 : memref<!tpu.dma_semaphore, #tpu.memory_space<semaphore_mem>>) src(%dma_wait3A_103 : memref<640xf32, #tpu.memory_space<vmem_shared>>) dst(%dma_wait3A_101 : memref<640xf32, #tpu.memory_space<vmem>>)
      tpu.yield
    }) : () -> ()
    %mul3A_52 = arith.constant 640 : i32
    %mul3A_53 = arith.muli %arg1, %mul3A_52 : i32
    %run_scoped3A_54 = arith.constant 10 : i32
    %run_scoped3A_55 = arith.constant 10 : i32
    "tpu.region"() ({
      %run_scoped3A_85 = tpu.sem_alloc : memref<!tpu.dma_semaphore, #tpu.memory_space<semaphore_mem>>
      %dma_start3A = arith.constant 0 : i32
      %dma_start3A_86 = tpu.memref_slice %arg6[%run_scoped3A_55, %dma_start3A] : memref<16x640xf32, #tpu.memory_space<vmem>> -> memref<1x640xf32, #tpu.memory_space<vmem>>
      %dma_start3A_87 = tpu.memref_squeeze %dma_start3A_86 : memref<1x640xf32, #tpu.memory_space<vmem>> -> memref<640xf32, #tpu.memory_space<vmem>>
      %dma_start3A_88 = tpu.memref_slice %arg8[%run_scoped3A_54, %mul3A_53] : memref<16x10240xf32, #tpu.memory_space<vmem_shared>> -> memref<1x640xf32, #tpu.memory_space<vmem_shared>>
      %dma_start3A_89 = tpu.memref_squeeze %dma_start3A_88 : memref<1x640xf32, #tpu.memory_space<vmem_shared>> -> memref<640xf32, #tpu.memory_space<vmem_shared>>
      %dma_start3A_90 = arith.constant 0 : i32
      %dma_start3A_91 = tpu.memref_slice %arg6[%run_scoped3A_55, %dma_start3A_90] : memref<16x640xf32, #tpu.memory_space<vmem>> -> memref<1x640xf32, #tpu.memory_space<vmem>>
      %dma_start3A_92 = tpu.memref_squeeze %dma_start3A_91 : memref<1x640xf32, #tpu.memory_space<vmem>> -> memref<640xf32, #tpu.memory_space<vmem>>
      %dma_start3A_93 = tpu.memref_slice %arg8[%run_scoped3A_54, %mul3A_53] : memref<16x10240xf32, #tpu.memory_space<vmem_shared>> -> memref<1x640xf32, #tpu.memory_space<vmem_shared>>
      %dma_start3A_94 = tpu.memref_squeeze %dma_start3A_93 : memref<1x640xf32, #tpu.memory_space<vmem_shared>> -> memref<640xf32, #tpu.memory_space<vmem_shared>>
      tpu.enqueue_dma source(%dma_start3A_94 : memref<640xf32, #tpu.memory_space<vmem_shared>>) target(%dma_start3A_92 : memref<640xf32, #tpu.memory_space<vmem>>) target_semaphore(%run_scoped3A_85 : memref<!tpu.dma_semaphore, #tpu.memory_space<semaphore_mem>>)
      %dma_wait3A = arith.constant 0 : i32
      %dma_wait3A_95 = tpu.memref_slice %arg6[%run_scoped3A_55, %dma_wait3A] : memref<16x640xf32, #tpu.memory_space<vmem>> -> memref<1x640xf32, #tpu.memory_space<vmem>>
      %dma_wait3A_96 = tpu.memref_squeeze %dma_wait3A_95 : memref<1x640xf32, #tpu.memory_space<vmem>> -> memref<640xf32, #tpu.memory_space<vmem>>
      %dma_wait3A_97 = tpu.memref_slice %arg8[%run_scoped3A_54, %mul3A_53] : memref<16x10240xf32, #tpu.memory_space<vmem_shared>> -> memref<1x640xf32, #tpu.memory_space<vmem_shared>>
      %dma_wait3A_98 = tpu.memref_squeeze %dma_wait3A_97 : memref<1x640xf32, #tpu.memory_space<vmem_shared>> -> memref<640xf32, #tpu.memory_space<vmem_shared>>
      %dma_wait3A_99 = arith.constant 0 : i32
      %dma_wait3A_100 = tpu.memref_slice %arg6[%run_scoped3A_55, %dma_wait3A_99] : memref<16x640xf32, #tpu.memory_space<vmem>> -> memref<1x640xf32, #tpu.memory_space<vmem>>
      %dma_wait3A_101 = tpu.memref_squeeze %dma_wait3A_100 : memref<1x640xf32, #tpu.memory_space<vmem>> -> memref<640xf32, #tpu.memory_space<vmem>>
      %dma_wait3A_102 = tpu.memref_slice %arg8[%run_scoped3A_54, %mul3A_53] : memref<16x10240xf32, #tpu.memory_space<vmem_shared>> -> memref<1x640xf32, #tpu.memory_space<vmem_shared>>
      %dma_wait3A_103 = tpu.memref_squeeze %dma_wait3A_102 : memref<1x640xf32, #tpu.memory_space<vmem_shared>> -> memref<640xf32, #tpu.memory_space<vmem_shared>>
      tpu.wait_dma2 semaphore(%run_scoped3A_85 : memref<!tpu.dma_semaphore, #tpu.memory_space<semaphore_mem>>) src(%dma_wait3A_103 : memref<640xf32, #tpu.memory_space<vmem_shared>>) dst(%dma_wait3A_101 : memref<640xf32, #tpu.memory_space<vmem>>)
      tpu.yield
    }) : () -> ()
    %mul3A_56 = arith.constant 640 : i32
    %mul3A_57 = arith.muli %arg1, %mul3A_56 : i32
    %run_scoped3A_58 = arith.constant 11 : i32
    %run_scoped3A_59 = arith.constant 11 : i32
    "tpu.region"() ({
      %run_scoped3A_85 = tpu.sem_alloc : memref<!tpu.dma_semaphore, #tpu.memory_space<semaphore_mem>>
      %dma_start3A = arith.constant 0 : i32
      %dma_start3A_86 = tpu.memref_slice %arg6[%run_scoped3A_59, %dma_start3A] : memref<16x640xf32, #tpu.memory_space<vmem>> -> memref<1x640xf32, #tpu.memory_space<vmem>>
      %dma_start3A_87 = tpu.memref_squeeze %dma_start3A_86 : memref<1x640xf32, #tpu.memory_space<vmem>> -> memref<640xf32, #tpu.memory_space<vmem>>
      %dma_start3A_88 = tpu.memref_slice %arg8[%run_scoped3A_58, %mul3A_57] : memref<16x10240xf32, #tpu.memory_space<vmem_shared>> -> memref<1x640xf32, #tpu.memory_space<vmem_shared>>
      %dma_start3A_89 = tpu.memref_squeeze %dma_start3A_88 : memref<1x640xf32, #tpu.memory_space<vmem_shared>> -> memref<640xf32, #tpu.memory_space<vmem_shared>>
      %dma_start3A_90 = arith.constant 0 : i32
      %dma_start3A_91 = tpu.memref_slice %arg6[%run_scoped3A_59, %dma_start3A_90] : memref<16x640xf32, #tpu.memory_space<vmem>> -> memref<1x640xf32, #tpu.memory_space<vmem>>
      %dma_start3A_92 = tpu.memref_squeeze %dma_start3A_91 : memref<1x640xf32, #tpu.memory_space<vmem>> -> memref<640xf32, #tpu.memory_space<vmem>>
      %dma_start3A_93 = tpu.memref_slice %arg8[%run_scoped3A_58, %mul3A_57] : memref<16x10240xf32, #tpu.memory_space<vmem_shared>> -> memref<1x640xf32, #tpu.memory_space<vmem_shared>>
      %dma_start3A_94 = tpu.memref_squeeze %dma_start3A_93 : memref<1x640xf32, #tpu.memory_space<vmem_shared>> -> memref<640xf32, #tpu.memory_space<vmem_shared>>
      tpu.enqueue_dma source(%dma_start3A_94 : memref<640xf32, #tpu.memory_space<vmem_shared>>) target(%dma_start3A_92 : memref<640xf32, #tpu.memory_space<vmem>>) target_semaphore(%run_scoped3A_85 : memref<!tpu.dma_semaphore, #tpu.memory_space<semaphore_mem>>)
      %dma_wait3A = arith.constant 0 : i32
      %dma_wait3A_95 = tpu.memref_slice %arg6[%run_scoped3A_59, %dma_wait3A] : memref<16x640xf32, #tpu.memory_space<vmem>> -> memref<1x640xf32, #tpu.memory_space<vmem>>
      %dma_wait3A_96 = tpu.memref_squeeze %dma_wait3A_95 : memref<1x640xf32, #tpu.memory_space<vmem>> -> memref<640xf32, #tpu.memory_space<vmem>>
      %dma_wait3A_97 = tpu.memref_slice %arg8[%run_scoped3A_58, %mul3A_57] : memref<16x10240xf32, #tpu.memory_space<vmem_shared>> -> memref<1x640xf32, #tpu.memory_space<vmem_shared>>
      %dma_wait3A_98 = tpu.memref_squeeze %dma_wait3A_97 : memref<1x640xf32, #tpu.memory_space<vmem_shared>> -> memref<640xf32, #tpu.memory_space<vmem_shared>>
      %dma_wait3A_99 = arith.constant 0 : i32
      %dma_wait3A_100 = tpu.memref_slice %arg6[%run_scoped3A_59, %dma_wait3A_99] : memref<16x640xf32, #tpu.memory_space<vmem>> -> memref<1x640xf32, #tpu.memory_space<vmem>>
      %dma_wait3A_101 = tpu.memref_squeeze %dma_wait3A_100 : memref<1x640xf32, #tpu.memory_space<vmem>> -> memref<640xf32, #tpu.memory_space<vmem>>
      %dma_wait3A_102 = tpu.memref_slice %arg8[%run_scoped3A_58, %mul3A_57] : memref<16x10240xf32, #tpu.memory_space<vmem_shared>> -> memref<1x640xf32, #tpu.memory_space<vmem_shared>>
      %dma_wait3A_103 = tpu.memref_squeeze %dma_wait3A_102 : memref<1x640xf32, #tpu.memory_space<vmem_shared>> -> memref<640xf32, #tpu.memory_space<vmem_shared>>
      tpu.wait_dma2 semaphore(%run_scoped3A_85 : memref<!tpu.dma_semaphore, #tpu.memory_space<semaphore_mem>>) src(%dma_wait3A_103 : memref<640xf32, #tpu.memory_space<vmem_shared>>) dst(%dma_wait3A_101 : memref<640xf32, #tpu.memory_space<vmem>>)
      tpu.yield
    }) : () -> ()
    %mul3A_60 = arith.constant 640 : i32
    %mul3A_61 = arith.muli %arg1, %mul3A_60 : i32
    %run_scoped3A_62 = arith.constant 12 : i32
    %run_scoped3A_63 = arith.constant 12 : i32
    "tpu.region"() ({
      %run_scoped3A_85 = tpu.sem_alloc : memref<!tpu.dma_semaphore, #tpu.memory_space<semaphore_mem>>
      %dma_start3A = arith.constant 0 : i32
      %dma_start3A_86 = tpu.memref_slice %arg6[%run_scoped3A_63, %dma_start3A] : memref<16x640xf32, #tpu.memory_space<vmem>> -> memref<1x640xf32, #tpu.memory_space<vmem>>
      %dma_start3A_87 = tpu.memref_squeeze %dma_start3A_86 : memref<1x640xf32, #tpu.memory_space<vmem>> -> memref<640xf32, #tpu.memory_space<vmem>>
      %dma_start3A_88 = tpu.memref_slice %arg8[%run_scoped3A_62, %mul3A_61] : memref<16x10240xf32, #tpu.memory_space<vmem_shared>> -> memref<1x640xf32, #tpu.memory_space<vmem_shared>>
      %dma_start3A_89 = tpu.memref_squeeze %dma_start3A_88 : memref<1x640xf32, #tpu.memory_space<vmem_shared>> -> memref<640xf32, #tpu.memory_space<vmem_shared>>
      %dma_start3A_90 = arith.constant 0 : i32
      %dma_start3A_91 = tpu.memref_slice %arg6[%run_scoped3A_63, %dma_start3A_90] : memref<16x640xf32, #tpu.memory_space<vmem>> -> memref<1x640xf32, #tpu.memory_space<vmem>>
      %dma_start3A_92 = tpu.memref_squeeze %dma_start3A_91 : memref<1x640xf32, #tpu.memory_space<vmem>> -> memref<640xf32, #tpu.memory_space<vmem>>
      %dma_start3A_93 = tpu.memref_slice %arg8[%run_scoped3A_62, %mul3A_61] : memref<16x10240xf32, #tpu.memory_space<vmem_shared>> -> memref<1x640xf32, #tpu.memory_space<vmem_shared>>
      %dma_start3A_94 = tpu.memref_squeeze %dma_start3A_93 : memref<1x640xf32, #tpu.memory_space<vmem_shared>> -> memref<640xf32, #tpu.memory_space<vmem_shared>>
      tpu.enqueue_dma source(%dma_start3A_94 : memref<640xf32, #tpu.memory_space<vmem_shared>>) target(%dma_start3A_92 : memref<640xf32, #tpu.memory_space<vmem>>) target_semaphore(%run_scoped3A_85 : memref<!tpu.dma_semaphore, #tpu.memory_space<semaphore_mem>>)
      %dma_wait3A = arith.constant 0 : i32
      %dma_wait3A_95 = tpu.memref_slice %arg6[%run_scoped3A_63, %dma_wait3A] : memref<16x640xf32, #tpu.memory_space<vmem>> -> memref<1x640xf32, #tpu.memory_space<vmem>>
      %dma_wait3A_96 = tpu.memref_squeeze %dma_wait3A_95 : memref<1x640xf32, #tpu.memory_space<vmem>> -> memref<640xf32, #tpu.memory_space<vmem>>
      %dma_wait3A_97 = tpu.memref_slice %arg8[%run_scoped3A_62, %mul3A_61] : memref<16x10240xf32, #tpu.memory_space<vmem_shared>> -> memref<1x640xf32, #tpu.memory_space<vmem_shared>>
      %dma_wait3A_98 = tpu.memref_squeeze %dma_wait3A_97 : memref<1x640xf32, #tpu.memory_space<vmem_shared>> -> memref<640xf32, #tpu.memory_space<vmem_shared>>
      %dma_wait3A_99 = arith.constant 0 : i32
      %dma_wait3A_100 = tpu.memref_slice %arg6[%run_scoped3A_63, %dma_wait3A_99] : memref<16x640xf32, #tpu.memory_space<vmem>> -> memref<1x640xf32, #tpu.memory_space<vmem>>
      %dma_wait3A_101 = tpu.memref_squeeze %dma_wait3A_100 : memref<1x640xf32, #tpu.memory_space<vmem>> -> memref<640xf32, #tpu.memory_space<vmem>>
      %dma_wait3A_102 = tpu.memref_slice %arg8[%run_scoped3A_62, %mul3A_61] : memref<16x10240xf32, #tpu.memory_space<vmem_shared>> -> memref<1x640xf32, #tpu.memory_space<vmem_shared>>
      %dma_wait3A_103 = tpu.memref_squeeze %dma_wait3A_102 : memref<1x640xf32, #tpu.memory_space<vmem_shared>> -> memref<640xf32, #tpu.memory_space<vmem_shared>>
      tpu.wait_dma2 semaphore(%run_scoped3A_85 : memref<!tpu.dma_semaphore, #tpu.memory_space<semaphore_mem>>) src(%dma_wait3A_103 : memref<640xf32, #tpu.memory_space<vmem_shared>>) dst(%dma_wait3A_101 : memref<640xf32, #tpu.memory_space<vmem>>)
      tpu.yield
    }) : () -> ()
    %mul3A_64 = arith.constant 640 : i32
    %mul3A_65 = arith.muli %arg1, %mul3A_64 : i32
    %run_scoped3A_66 = arith.constant 13 : i32
    %run_scoped3A_67 = arith.constant 13 : i32
    "tpu.region"() ({
      %run_scoped3A_85 = tpu.sem_alloc : memref<!tpu.dma_semaphore, #tpu.memory_space<semaphore_mem>>
      %dma_start3A = arith.constant 0 : i32
      %dma_start3A_86 = tpu.memref_slice %arg6[%run_scoped3A_67, %dma_start3A] : memref<16x640xf32, #tpu.memory_space<vmem>> -> memref<1x640xf32, #tpu.memory_space<vmem>>
      %dma_start3A_87 = tpu.memref_squeeze %dma_start3A_86 : memref<1x640xf32, #tpu.memory_space<vmem>> -> memref<640xf32, #tpu.memory_space<vmem>>
      %dma_start3A_88 = tpu.memref_slice %arg8[%run_scoped3A_66, %mul3A_65] : memref<16x10240xf32, #tpu.memory_space<vmem_shared>> -> memref<1x640xf32, #tpu.memory_space<vmem_shared>>
      %dma_start3A_89 = tpu.memref_squeeze %dma_start3A_88 : memref<1x640xf32, #tpu.memory_space<vmem_shared>> -> memref<640xf32, #tpu.memory_space<vmem_shared>>
      %dma_start3A_90 = arith.constant 0 : i32
      %dma_start3A_91 = tpu.memref_slice %arg6[%run_scoped3A_67, %dma_start3A_90] : memref<16x640xf32, #tpu.memory_space<vmem>> -> memref<1x640xf32, #tpu.memory_space<vmem>>
      %dma_start3A_92 = tpu.memref_squeeze %dma_start3A_91 : memref<1x640xf32, #tpu.memory_space<vmem>> -> memref<640xf32, #tpu.memory_space<vmem>>
      %dma_start3A_93 = tpu.memref_slice %arg8[%run_scoped3A_66, %mul3A_65] : memref<16x10240xf32, #tpu.memory_space<vmem_shared>> -> memref<1x640xf32, #tpu.memory_space<vmem_shared>>
      %dma_start3A_94 = tpu.memref_squeeze %dma_start3A_93 : memref<1x640xf32, #tpu.memory_space<vmem_shared>> -> memref<640xf32, #tpu.memory_space<vmem_shared>>
      tpu.enqueue_dma source(%dma_start3A_94 : memref<640xf32, #tpu.memory_space<vmem_shared>>) target(%dma_start3A_92 : memref<640xf32, #tpu.memory_space<vmem>>) target_semaphore(%run_scoped3A_85 : memref<!tpu.dma_semaphore, #tpu.memory_space<semaphore_mem>>)
      %dma_wait3A = arith.constant 0 : i32
      %dma_wait3A_95 = tpu.memref_slice %arg6[%run_scoped3A_67, %dma_wait3A] : memref<16x640xf32, #tpu.memory_space<vmem>> -> memref<1x640xf32, #tpu.memory_space<vmem>>
      %dma_wait3A_96 = tpu.memref_squeeze %dma_wait3A_95 : memref<1x640xf32, #tpu.memory_space<vmem>> -> memref<640xf32, #tpu.memory_space<vmem>>
      %dma_wait3A_97 = tpu.memref_slice %arg8[%run_scoped3A_66, %mul3A_65] : memref<16x10240xf32, #tpu.memory_space<vmem_shared>> -> memref<1x640xf32, #tpu.memory_space<vmem_shared>>
      %dma_wait3A_98 = tpu.memref_squeeze %dma_wait3A_97 : memref<1x640xf32, #tpu.memory_space<vmem_shared>> -> memref<640xf32, #tpu.memory_space<vmem_shared>>
      %dma_wait3A_99 = arith.constant 0 : i32
      %dma_wait3A_100 = tpu.memref_slice %arg6[%run_scoped3A_67, %dma_wait3A_99] : memref<16x640xf32, #tpu.memory_space<vmem>> -> memref<1x640xf32, #tpu.memory_space<vmem>>
      %dma_wait3A_101 = tpu.memref_squeeze %dma_wait3A_100 : memref<1x640xf32, #tpu.memory_space<vmem>> -> memref<640xf32, #tpu.memory_space<vmem>>
      %dma_wait3A_102 = tpu.memref_slice %arg8[%run_scoped3A_66, %mul3A_65] : memref<16x10240xf32, #tpu.memory_space<vmem_shared>> -> memref<1x640xf32, #tpu.memory_space<vmem_shared>>
      %dma_wait3A_103 = tpu.memref_squeeze %dma_wait3A_102 : memref<1x640xf32, #tpu.memory_space<vmem_shared>> -> memref<640xf32, #tpu.memory_space<vmem_shared>>
      tpu.wait_dma2 semaphore(%run_scoped3A_85 : memref<!tpu.dma_semaphore, #tpu.memory_space<semaphore_mem>>) src(%dma_wait3A_103 : memref<640xf32, #tpu.memory_space<vmem_shared>>) dst(%dma_wait3A_101 : memref<640xf32, #tpu.memory_space<vmem>>)
      tpu.yield
    }) : () -> ()
    %mul3A_68 = arith.constant 640 : i32
    %mul3A_69 = arith.muli %arg1, %mul3A_68 : i32
    %run_scoped3A_70 = arith.constant 14 : i32
    %run_scoped3A_71 = arith.constant 14 : i32
    "tpu.region"() ({
      %run_scoped3A_85 = tpu.sem_alloc : memref<!tpu.dma_semaphore, #tpu.memory_space<semaphore_mem>>
      %dma_start3A = arith.constant 0 : i32
      %dma_start3A_86 = tpu.memref_slice %arg6[%run_scoped3A_71, %dma_start3A] : memref<16x640xf32, #tpu.memory_space<vmem>> -> memref<1x640xf32, #tpu.memory_space<vmem>>
      %dma_start3A_87 = tpu.memref_squeeze %dma_start3A_86 : memref<1x640xf32, #tpu.memory_space<vmem>> -> memref<640xf32, #tpu.memory_space<vmem>>
      %dma_start3A_88 = tpu.memref_slice %arg8[%run_scoped3A_70, %mul3A_69] : memref<16x10240xf32, #tpu.memory_space<vmem_shared>> -> memref<1x640xf32, #tpu.memory_space<vmem_shared>>
      %dma_start3A_89 = tpu.memref_squeeze %dma_start3A_88 : memref<1x640xf32, #tpu.memory_space<vmem_shared>> -> memref<640xf32, #tpu.memory_space<vmem_shared>>
      %dma_start3A_90 = arith.constant 0 : i32
      %dma_start3A_91 = tpu.memref_slice %arg6[%run_scoped3A_71, %dma_start3A_90] : memref<16x640xf32, #tpu.memory_space<vmem>> -> memref<1x640xf32, #tpu.memory_space<vmem>>
      %dma_start3A_92 = tpu.memref_squeeze %dma_start3A_91 : memref<1x640xf32, #tpu.memory_space<vmem>> -> memref<640xf32, #tpu.memory_space<vmem>>
      %dma_start3A_93 = tpu.memref_slice %arg8[%run_scoped3A_70, %mul3A_69] : memref<16x10240xf32, #tpu.memory_space<vmem_shared>> -> memref<1x640xf32, #tpu.memory_space<vmem_shared>>
      %dma_start3A_94 = tpu.memref_squeeze %dma_start3A_93 : memref<1x640xf32, #tpu.memory_space<vmem_shared>> -> memref<640xf32, #tpu.memory_space<vmem_shared>>
      tpu.enqueue_dma source(%dma_start3A_94 : memref<640xf32, #tpu.memory_space<vmem_shared>>) target(%dma_start3A_92 : memref<640xf32, #tpu.memory_space<vmem>>) target_semaphore(%run_scoped3A_85 : memref<!tpu.dma_semaphore, #tpu.memory_space<semaphore_mem>>)
      %dma_wait3A = arith.constant 0 : i32
      %dma_wait3A_95 = tpu.memref_slice %arg6[%run_scoped3A_71, %dma_wait3A] : memref<16x640xf32, #tpu.memory_space<vmem>> -> memref<1x640xf32, #tpu.memory_space<vmem>>
      %dma_wait3A_96 = tpu.memref_squeeze %dma_wait3A_95 : memref<1x640xf32, #tpu.memory_space<vmem>> -> memref<640xf32, #tpu.memory_space<vmem>>
      %dma_wait3A_97 = tpu.memref_slice %arg8[%run_scoped3A_70, %mul3A_69] : memref<16x10240xf32, #tpu.memory_space<vmem_shared>> -> memref<1x640xf32, #tpu.memory_space<vmem_shared>>
      %dma_wait3A_98 = tpu.memref_squeeze %dma_wait3A_97 : memref<1x640xf32, #tpu.memory_space<vmem_shared>> -> memref<640xf32, #tpu.memory_space<vmem_shared>>
      %dma_wait3A_99 = arith.constant 0 : i32
      %dma_wait3A_100 = tpu.memref_slice %arg6[%run_scoped3A_71, %dma_wait3A_99] : memref<16x640xf32, #tpu.memory_space<vmem>> -> memref<1x640xf32, #tpu.memory_space<vmem>>
      %dma_wait3A_101 = tpu.memref_squeeze %dma_wait3A_100 : memref<1x640xf32, #tpu.memory_space<vmem>> -> memref<640xf32, #tpu.memory_space<vmem>>
      %dma_wait3A_102 = tpu.memref_slice %arg8[%run_scoped3A_70, %mul3A_69] : memref<16x10240xf32, #tpu.memory_space<vmem_shared>> -> memref<1x640xf32, #tpu.memory_space<vmem_shared>>
      %dma_wait3A_103 = tpu.memref_squeeze %dma_wait3A_102 : memref<1x640xf32, #tpu.memory_space<vmem_shared>> -> memref<640xf32, #tpu.memory_space<vmem_shared>>
      tpu.wait_dma2 semaphore(%run_scoped3A_85 : memref<!tpu.dma_semaphore, #tpu.memory_space<semaphore_mem>>) src(%dma_wait3A_103 : memref<640xf32, #tpu.memory_space<vmem_shared>>) dst(%dma_wait3A_101 : memref<640xf32, #tpu.memory_space<vmem>>)
      tpu.yield
    }) : () -> ()
    %mul3A_72 = arith.constant 640 : i32
    %mul3A_73 = arith.muli %arg1, %mul3A_72 : i32
    %run_scoped3A_74 = arith.constant 15 : i32
    %run_scoped3A_75 = arith.constant 15 : i32
    "tpu.region"() ({
      %run_scoped3A_85 = tpu.sem_alloc : memref<!tpu.dma_semaphore, #tpu.memory_space<semaphore_mem>>
      %dma_start3A = arith.constant 0 : i32
      %dma_start3A_86 = tpu.memref_slice %arg6[%run_scoped3A_75, %dma_start3A] : memref<16x640xf32, #tpu.memory_space<vmem>> -> memref<1x640xf32, #tpu.memory_space<vmem>>
      %dma_start3A_87 = tpu.memref_squeeze %dma_start3A_86 : memref<1x640xf32, #tpu.memory_space<vmem>> -> memref<640xf32, #tpu.memory_space<vmem>>
      %dma_start3A_88 = tpu.memref_slice %arg8[%run_scoped3A_74, %mul3A_73] : memref<16x10240xf32, #tpu.memory_space<vmem_shared>> -> memref<1x640xf32, #tpu.memory_space<vmem_shared>>
      %dma_start3A_89 = tpu.memref_squeeze %dma_start3A_88 : memref<1x640xf32, #tpu.memory_space<vmem_shared>> -> memref<640xf32, #tpu.memory_space<vmem_shared>>
      %dma_start3A_90 = arith.constant 0 : i32
      %dma_start3A_91 = tpu.memref_slice %arg6[%run_scoped3A_75, %dma_start3A_90] : memref<16x640xf32, #tpu.memory_space<vmem>> -> memref<1x640xf32, #tpu.memory_space<vmem>>
      %dma_start3A_92 = tpu.memref_squeeze %dma_start3A_91 : memref<1x640xf32, #tpu.memory_space<vmem>> -> memref<640xf32, #tpu.memory_space<vmem>>
      %dma_start3A_93 = tpu.memref_slice %arg8[%run_scoped3A_74, %mul3A_73] : memref<16x10240xf32, #tpu.memory_space<vmem_shared>> -> memref<1x640xf32, #tpu.memory_space<vmem_shared>>
      %dma_start3A_94 = tpu.memref_squeeze %dma_start3A_93 : memref<1x640xf32, #tpu.memory_space<vmem_shared>> -> memref<640xf32, #tpu.memory_space<vmem_shared>>
      tpu.enqueue_dma source(%dma_start3A_94 : memref<640xf32, #tpu.memory_space<vmem_shared>>) target(%dma_start3A_92 : memref<640xf32, #tpu.memory_space<vmem>>) target_semaphore(%run_scoped3A_85 : memref<!tpu.dma_semaphore, #tpu.memory_space<semaphore_mem>>)
      %dma_wait3A = arith.constant 0 : i32
      %dma_wait3A_95 = tpu.memref_slice %arg6[%run_scoped3A_75, %dma_wait3A] : memref<16x640xf32, #tpu.memory_space<vmem>> -> memref<1x640xf32, #tpu.memory_space<vmem>>
      %dma_wait3A_96 = tpu.memref_squeeze %dma_wait3A_95 : memref<1x640xf32, #tpu.memory_space<vmem>> -> memref<640xf32, #tpu.memory_space<vmem>>
      %dma_wait3A_97 = tpu.memref_slice %arg8[%run_scoped3A_74, %mul3A_73] : memref<16x10240xf32, #tpu.memory_space<vmem_shared>> -> memref<1x640xf32, #tpu.memory_space<vmem_shared>>
      %dma_wait3A_98 = tpu.memref_squeeze %dma_wait3A_97 : memref<1x640xf32, #tpu.memory_space<vmem_shared>> -> memref<640xf32, #tpu.memory_space<vmem_shared>>
      %dma_wait3A_99 = arith.constant 0 : i32
      %dma_wait3A_100 = tpu.memref_slice %arg6[%run_scoped3A_75, %dma_wait3A_99] : memref<16x640xf32, #tpu.memory_space<vmem>> -> memref<1x640xf32, #tpu.memory_space<vmem>>
      %dma_wait3A_101 = tpu.memref_squeeze %dma_wait3A_100 : memref<1x640xf32, #tpu.memory_space<vmem>> -> memref<640xf32, #tpu.memory_space<vmem>>
      %dma_wait3A_102 = tpu.memref_slice %arg8[%run_scoped3A_74, %mul3A_73] : memref<16x10240xf32, #tpu.memory_space<vmem_shared>> -> memref<1x640xf32, #tpu.memory_space<vmem_shared>>
      %dma_wait3A_103 = tpu.memref_squeeze %dma_wait3A_102 : memref<1x640xf32, #tpu.memory_space<vmem_shared>> -> memref<640xf32, #tpu.memory_space<vmem_shared>>
      tpu.wait_dma2 semaphore(%run_scoped3A_85 : memref<!tpu.dma_semaphore, #tpu.memory_space<semaphore_mem>>) src(%dma_wait3A_103 : memref<640xf32, #tpu.memory_space<vmem_shared>>) dst(%dma_wait3A_101 : memref<640xf32, #tpu.memory_space<vmem>>)
      tpu.yield
    }) : () -> ()
    %iota3A = tpu.iota {dimensions = array<i32: 0>} : vector<16xi32>
    %scan3A_76 = arith.constant 0 : i32
    %scan3A_77 = arith.constant 40 : i32
    %scan3A_78 = arith.addi %scan3A_76, %scan3A_77 : i32
    %scan3A_79 = arith.constant 1 : i32
    scf.for %scan3A_85 = %scan3A_76 to %scan3A_78 step %scan3A_79  : i32 {
      %mul3A_86 = arith.constant 1 : i32
      %mul3A_87 = arith.muli %scan3A_85, %mul3A_86 : i32
      %add3A_88 = arith.constant 0 : i32
      %add3A_89 = arith.addi %add3A_88, %mul3A_87 : i32
      %mul3A_90 = arith.constant 16 : i32
      %mul3A_91 = arith.muli %add3A_89, %mul3A_90 : i32
      %get3A = arith.constant 0 : i32
      %get3A_92 = arith.index_cast %get3A : i32 to index
      %get3A_93 = arith.index_cast %mul3A_91 : i32 to index
      %get3A_94 = tpu.vector_load %arg6[%get3A_92, %get3A_93] {strides = array<i32>} : memref<16x640xf32, #tpu.memory_space<vmem>>, vector<16xf32>,
      %mul3A_95 = arith.constant 16 : i32
      %mul3A_96 = arith.muli %add3A_89, %mul3A_95 : i32
      %get3A_97 = arith.constant 1 : i32
      %get3A_98 = arith.index_cast %get3A_97 : i32 to index
      %get3A_99 = arith.index_cast %mul3A_96 : i32 to index
      %get3A_100 = tpu.vector_load %arg6[%get3A_98, %get3A_99] {strides = array<i32>} : memref<16x640xf32, #tpu.memory_space<vmem>>, vector<16xf32>,
      %add3A_101 = arith.addf %get3A_94, %get3A_100 : vector<16xf32>
      %mul3A_102 = arith.constant 16 : i32
      %mul3A_103 = arith.muli %add3A_89, %mul3A_102 : i32
      %get3A_104 = arith.constant 2 : i32
      %get3A_105 = arith.index_cast %get3A_104 : i32 to index
      %get3A_106 = arith.index_cast %mul3A_103 : i32 to index
      %get3A_107 = tpu.vector_load %arg6[%get3A_105, %get3A_106] {strides = array<i32>} : memref<16x640xf32, #tpu.memory_space<vmem>>, vector<16xf32>,
      %add3A_108 = arith.addf %add3A_101, %get3A_107 : vector<16xf32>
      %mul3A_109 = arith.constant 16 : i32
      %mul3A_110 = arith.muli %add3A_89, %mul3A_109 : i32
      %get3A_111 = arith.constant 3 : i32
      %get3A_112 = arith.index_cast %get3A_111 : i32 to index
      %get3A_113 = arith.index_cast %mul3A_110 : i32 to index
      %get3A_114 = tpu.vector_load %arg6[%get3A_112, %get3A_113] {strides = array<i32>} : memref<16x640xf32, #tpu.memory_space<vmem>>, vector<16xf32>,
      %add3A_115 = arith.addf %add3A_108, %get3A_114 : vector<16xf32>
      %mul3A_116 = arith.constant 16 : i32
      %mul3A_117 = arith.muli %add3A_89, %mul3A_116 : i32
      %get3A_118 = arith.constant 4 : i32
      %get3A_119 = arith.index_cast %get3A_118 : i32 to index
      %get3A_120 = arith.index_cast %mul3A_117 : i32 to index
      %get3A_121 = tpu.vector_load %arg6[%get3A_119, %get3A_120] {strides = array<i32>} : memref<16x640xf32, #tpu.memory_space<vmem>>, vector<16xf32>,
      %add3A_122 = arith.addf %add3A_115, %get3A_121 : vector<16xf32>
      %mul3A_123 = arith.constant 16 : i32
      %mul3A_124 = arith.muli %add3A_89, %mul3A_123 : i32
      %get3A_125 = arith.constant 5 : i32
      %get3A_126 = arith.index_cast %get3A_125 : i32 to index
      %get3A_127 = arith.index_cast %mul3A_124 : i32 to index
      %get3A_128 = tpu.vector_load %arg6[%get3A_126, %get3A_127] {strides = array<i32>} : memref<16x640xf32, #tpu.memory_space<vmem>>, vector<16xf32>,
      %add3A_129 = arith.addf %add3A_122, %get3A_128 : vector<16xf32>
      %mul3A_130 = arith.constant 16 : i32
      %mul3A_131 = arith.muli %add3A_89, %mul3A_130 : i32
      %get3A_132 = arith.constant 6 : i32
      %get3A_133 = arith.index_cast %get3A_132 : i32 to index
      %get3A_134 = arith.index_cast %mul3A_131 : i32 to index
      %get3A_135 = tpu.vector_load %arg6[%get3A_133, %get3A_134] {strides = array<i32>} : memref<16x640xf32, #tpu.memory_space<vmem>>, vector<16xf32>,
      %add3A_136 = arith.addf %add3A_129, %get3A_135 : vector<16xf32>
      %mul3A_137 = arith.constant 16 : i32
      %mul3A_138 = arith.muli %add3A_89, %mul3A_137 : i32
      %get3A_139 = arith.constant 7 : i32
      %get3A_140 = arith.index_cast %get3A_139 : i32 to index
      %get3A_141 = arith.index_cast %mul3A_138 : i32 to index
      %get3A_142 = tpu.vector_load %arg6[%get3A_140, %get3A_141] {strides = array<i32>} : memref<16x640xf32, #tpu.memory_space<vmem>>, vector<16xf32>,
      %add3A_143 = arith.addf %add3A_136, %get3A_142 : vector<16xf32>
      %mul3A_144 = arith.constant 16 : i32
      %mul3A_145 = arith.muli %add3A_89, %mul3A_144 : i32
      %get3A_146 = arith.constant 8 : i32
      %get3A_147 = arith.index_cast %get3A_146 : i32 to index
      %get3A_148 = arith.index_cast %mul3A_145 : i32 to index
      %get3A_149 = tpu.vector_load %arg6[%get3A_147, %get3A_148] {strides = array<i32>} : memref<16x640xf32, #tpu.memory_space<vmem>>, vector<16xf32>,
      %add3A_150 = arith.addf %add3A_143, %get3A_149 : vector<16xf32>
      %mul3A_151 = arith.constant 16 : i32
      %mul3A_152 = arith.muli %add3A_89, %mul3A_151 : i32
      %get3A_153 = arith.constant 9 : i32
      %get3A_154 = arith.index_cast %get3A_153 : i32 to index
      %get3A_155 = arith.index_cast %mul3A_152 : i32 to index
      %get3A_156 = tpu.vector_load %arg6[%get3A_154, %get3A_155] {strides = array<i32>} : memref<16x640xf32, #tpu.memory_space<vmem>>, vector<16xf32>,
      %add3A_157 = arith.addf %add3A_150, %get3A_156 : vector<16xf32>
      %mul3A_158 = arith.constant 16 : i32
      %mul3A_159 = arith.muli %add3A_89, %mul3A_158 : i32
      %get3A_160 = arith.constant 10 : i32
      %get3A_161 = arith.index_cast %get3A_160 : i32 to index
      %get3A_162 = arith.index_cast %mul3A_159 : i32 to index
      %get3A_163 = tpu.vector_load %arg6[%get3A_161, %get3A_162] {strides = array<i32>} : memref<16x640xf32, #tpu.memory_space<vmem>>, vector<16xf32>,
      %add3A_164 = arith.addf %add3A_157, %get3A_163 : vector<16xf32>
      %mul3A_165 = arith.constant 16 : i32
      %mul3A_166 = arith.muli %add3A_89, %mul3A_165 : i32
      %get3A_167 = arith.constant 11 : i32
      %get3A_168 = arith.index_cast %get3A_167 : i32 to index
      %get3A_169 = arith.index_cast %mul3A_166 : i32 to index
      %get3A_170 = tpu.vector_load %arg6[%get3A_168, %get3A_169] {strides = array<i32>} : memref<16x640xf32, #tpu.memory_space<vmem>>, vector<16xf32>,
      %add3A_171 = arith.addf %add3A_164, %get3A_170 : vector<16xf32>
      %mul3A_172 = arith.constant 16 : i32
      %mul3A_173 = arith.muli %add3A_89, %mul3A_172 : i32
      %get3A_174 = arith.constant 12 : i32
      %get3A_175 = arith.index_cast %get3A_174 : i32 to index
      %get3A_176 = arith.index_cast %mul3A_173 : i32 to index
      %get3A_177 = tpu.vector_load %arg6[%get3A_175, %get3A_176] {strides = array<i32>} : memref<16x640xf32, #tpu.memory_space<vmem>>, vector<16xf32>,
      %add3A_178 = arith.addf %add3A_171, %get3A_177 : vector<16xf32>
      %mul3A_179 = arith.constant 16 : i32
      %mul3A_180 = arith.muli %add3A_89, %mul3A_179 : i32
      %get3A_181 = arith.constant 13 : i32
      %get3A_182 = arith.index_cast %get3A_181 : i32 to index
      %get3A_183 = arith.index_cast %mul3A_180 : i32 to index
      %get3A_184 = tpu.vector_load %arg6[%get3A_182, %get3A_183] {strides = array<i32>} : memref<16x640xf32, #tpu.memory_space<vmem>>, vector<16xf32>,
      %add3A_185 = arith.addf %add3A_178, %get3A_184 : vector<16xf32>
      %mul3A_186 = arith.constant 16 : i32
      %mul3A_187 = arith.muli %add3A_89, %mul3A_186 : i32
      %get3A_188 = arith.constant 14 : i32
      %get3A_189 = arith.index_cast %get3A_188 : i32 to index
      %get3A_190 = arith.index_cast %mul3A_187 : i32 to index
      %get3A_191 = tpu.vector_load %arg6[%get3A_189, %get3A_190] {strides = array<i32>} : memref<16x640xf32, #tpu.memory_space<vmem>>, vector<16xf32>,
      %add3A_192 = arith.addf %add3A_185, %get3A_191 : vector<16xf32>
      %mul3A_193 = arith.constant 16 : i32
      %mul3A_194 = arith.muli %add3A_89, %mul3A_193 : i32
      %get3A_195 = arith.constant 15 : i32
      %get3A_196 = arith.index_cast %get3A_195 : i32 to index
      %get3A_197 = arith.index_cast %mul3A_194 : i32 to index
      %get3A_198 = tpu.vector_load %arg6[%get3A_196, %get3A_197] {strides = array<i32>} : memref<16x640xf32, #tpu.memory_space<vmem>>, vector<16xf32>,
      %add3A_199 = arith.addf %add3A_192, %get3A_198 : vector<16xf32>
      %mul3A_200 = arith.constant 16 : i32
      %mul3A_201 = arith.muli %add3A_89, %mul3A_200 : i32
      %add3A_202 = vector.broadcast %mul3A_201 : i32 to vector<16xi32>
      %add3A_203 = arith.addi %add3A_202, %iota3A : vector<16xi32>
      %mul3A_204 = arith.constant 8 : i32
      %mul3A_205 = vector.broadcast %mul3A_204 : i32 to vector<16xi32>
      %mul3A_206 = arith.muli %add3A_203, %mul3A_205 : vector<16xi32>
      %add3A_207 = arith.constant 0 : i32
      %add3A_208 = vector.broadcast %add3A_207 : i32 to vector<16xi32>
      %add3A_209 = arith.addi %mul3A_206, %add3A_208 : vector<16xi32>
      tpu.vector_store_idx %arg7[%add3A_209], %add3A_199 : memref<5120xf32, #tpu.memory_space<vmem>>[vector<16xi32>], vector<16xf32>,
      %add3A_210 = arith.constant 1 : i32
      %add3A_211 = vector.broadcast %add3A_210 : i32 to vector<16xi32>
      %add3A_212 = arith.addi %mul3A_206, %add3A_211 : vector<16xi32>
      tpu.vector_store_idx %arg7[%add3A_212], %add3A_199 : memref<5120xf32, #tpu.memory_space<vmem>>[vector<16xi32>], vector<16xf32>,
      %add3A_213 = arith.constant 2 : i32
      %add3A_214 = vector.broadcast %add3A_213 : i32 to vector<16xi32>
      %add3A_215 = arith.addi %mul3A_206, %add3A_214 : vector<16xi32>
      tpu.vector_store_idx %arg7[%add3A_215], %add3A_199 : memref<5120xf32, #tpu.memory_space<vmem>>[vector<16xi32>], vector<16xf32>,
      %add3A_216 = arith.constant 3 : i32
      %add3A_217 = vector.broadcast %add3A_216 : i32 to vector<16xi32>
      %add3A_218 = arith.addi %mul3A_206, %add3A_217 : vector<16xi32>
      tpu.vector_store_idx %arg7[%add3A_218], %add3A_199 : memref<5120xf32, #tpu.memory_space<vmem>>[vector<16xi32>], vector<16xf32>,
      %add3A_219 = arith.constant 4 : i32
      %add3A_220 = vector.broadcast %add3A_219 : i32 to vector<16xi32>
      %add3A_221 = arith.addi %mul3A_206, %add3A_220 : vector<16xi32>
      tpu.vector_store_idx %arg7[%add3A_221], %add3A_199 : memref<5120xf32, #tpu.memory_space<vmem>>[vector<16xi32>], vector<16xf32>,
      %add3A_222 = arith.constant 5 : i32
      %add3A_223 = vector.broadcast %add3A_222 : i32 to vector<16xi32>
      %add3A_224 = arith.addi %mul3A_206, %add3A_223 : vector<16xi32>
      tpu.vector_store_idx %arg7[%add3A_224], %add3A_199 : memref<5120xf32, #tpu.memory_space<vmem>>[vector<16xi32>], vector<16xf32>,
      %add3A_225 = arith.constant 6 : i32
      %add3A_226 = vector.broadcast %add3A_225 : i32 to vector<16xi32>
      %add3A_227 = arith.addi %mul3A_206, %add3A_226 : vector<16xi32>
      tpu.vector_store_idx %arg7[%add3A_227], %add3A_199 : memref<5120xf32, #tpu.memory_space<vmem>>[vector<16xi32>], vector<16xf32>,
      %add3A_228 = arith.constant 7 : i32
      %add3A_229 = vector.broadcast %add3A_228 : i32 to vector<16xi32>
      %add3A_230 = arith.addi %mul3A_206, %add3A_229 : vector<16xi32>
      tpu.vector_store_idx %arg7[%add3A_230], %add3A_199 : memref<5120xf32, #tpu.memory_space<vmem>>[vector<16xi32>], vector<16xf32>,
    }
    %scan3A_80 = arith.constant 40 : i32
    %mul3A_81 = arith.constant 640 : i32
    %mul3A_82 = arith.muli %arg1, %mul3A_81 : i32
    %mul3A_83 = arith.constant 8 : i32
    %mul3A_84 = arith.muli %mul3A_82, %mul3A_83 : i32
    "tpu.region"() ({
      %run_scoped3A_85 = tpu.sem_alloc : memref<!tpu.dma_semaphore, #tpu.memory_space<semaphore_mem>>
      %dma_start3A = tpu.memref_slice %arg3[%arg0, %mul3A_84] : memref<2x81920xf32, #tpu.memory_space<hbm>> -> memref<1x5120xf32, #tpu.memory_space<hbm>>
      %dma_start3A_86 = tpu.memref_squeeze %dma_start3A : memref<1x5120xf32, #tpu.memory_space<hbm>> -> memref<5120xf32, #tpu.memory_space<hbm>>
      %dma_start3A_87 = tpu.memref_slice %arg3[%arg0, %mul3A_84] : memref<2x81920xf32, #tpu.memory_space<hbm>> -> memref<1x5120xf32, #tpu.memory_space<hbm>>
      %dma_start3A_88 = tpu.memref_squeeze %dma_start3A_87 : memref<1x5120xf32, #tpu.memory_space<hbm>> -> memref<5120xf32, #tpu.memory_space<hbm>>
      tpu.enqueue_dma source(%arg7 : memref<5120xf32, #tpu.memory_space<vmem>>) target(%dma_start3A_88 : memref<5120xf32, #tpu.memory_space<hbm>>) target_semaphore(%run_scoped3A_85 : memref<!tpu.dma_semaphore, #tpu.memory_space<semaphore_mem>>)
      %dma_wait3A = tpu.memref_slice %arg3[%arg0, %mul3A_84] : memref<2x81920xf32, #tpu.memory_space<hbm>> -> memref<1x5120xf32, #tpu.memory_space<hbm>>
      %dma_wait3A_89 = tpu.memref_squeeze %dma_wait3A : memref<1x5120xf32, #tpu.memory_space<hbm>> -> memref<5120xf32, #tpu.memory_space<hbm>>
      %dma_wait3A_90 = tpu.memref_slice %arg3[%arg0, %mul3A_84] : memref<2x81920xf32, #tpu.memory_space<hbm>> -> memref<1x5120xf32, #tpu.memory_space<hbm>>
      %dma_wait3A_91 = tpu.memref_squeeze %dma_wait3A_90 : memref<1x5120xf32, #tpu.memory_space<hbm>> -> memref<5120xf32, #tpu.memory_space<hbm>>
      tpu.wait_dma2 semaphore(%run_scoped3A_85 : memref<!tpu.dma_semaphore, #tpu.memory_space<semaphore_mem>>) src(%arg7 : memref<5120xf32, #tpu.memory_space<vmem>>) dst(%dma_wait3A_91 : memref<5120xf32, #tpu.memory_space<hbm>>)
      tpu.yield
    }) : () -> ()
    return
  }
}

#map = affine_map<(d0, d1) -> (0, 0)>
#map1 = affine_map<(d0, d1) -> (0, 0, 0)>
module attributes {stable_mosaic.version = 14 : i64} {
  func.func @_scatter_body(%arg0: i32, %arg1: i32, %arg2: memref<10240x128xf32, #tpu.memory_space<hbm>>, %arg3: memref<2528x2x128xi32, #tpu.memory_space<hbm>>, %arg4: memref<10240x128xf32, #tpu.memory_space<hbm>>, %arg5: memref<2x10240x128xf32, #tpu.memory_space<hbm>>, %arg6: memref<10240x128xf32, #tpu.memory_space<vmem_shared>>, %arg7: memref<2x128xi32, #tpu.memory_space<vmem>>, %arg8: memref<2x128xi32, #tpu.memory_space<vmem>>, %arg9: memref<2x128xi32, #tpu.memory_space<vmem>>, %arg10: memref<2x128xi32, #tpu.memory_space<vmem>>, %arg11: memref<2x128xi32, #tpu.memory_space<vmem>>, %arg12: memref<2x128xi32, #tpu.memory_space<vmem>>, %arg13: memref<2x128xi32, #tpu.memory_space<vmem>>, %arg14: memref<2x128xi32, #tpu.memory_space<vmem>>, %arg15: memref<128x128xf32, #tpu.memory_space<vmem>>, %arg16: memref<128x128xf32, #tpu.memory_space<vmem>>, %arg17: memref<!tpu.dma_semaphore, #tpu.memory_space<semaphore_mem>>, %arg18: memref<!tpu.dma_semaphore, #tpu.memory_space<semaphore_mem>>, %arg19: memref<!tpu.dma_semaphore, #tpu.memory_space<semaphore_mem>>, %arg20: memref<!tpu.dma_semaphore, #tpu.memory_space<semaphore_mem>>, %arg21: memref<!tpu.dma_semaphore, #tpu.memory_space<semaphore_mem>>, %arg22: memref<!tpu.dma_semaphore, #tpu.memory_space<semaphore_mem>>, %arg23: memref<!tpu.dma_semaphore, #tpu.memory_space<semaphore_mem>>, %arg24: memref<!tpu.dma_semaphore, #tpu.memory_space<semaphore_mem>>, %arg25: memref<!tpu.dma_semaphore, #tpu.memory_space<semaphore_mem>>, %arg26: memref<!tpu.dma_semaphore, #tpu.memory_space<semaphore_mem>>, %arg27: memref<!tpu.dma_semaphore, #tpu.memory_space<semaphore_mem>>, %arg28: memref<!tpu.dma_semaphore, #tpu.memory_space<semaphore_mem>>) attributes {dimension_semantics = [#tpu.dimension_semantics<core_parallel>, #tpu.dimension_semantics<subcore_parallel>], iteration_bounds = array<i64: 2, 16>, scalar_prefetch = 0 : i64, scratch_operands = 23 : i64, tpu.core_type = #tpu.core_type<sc_vector_subcore>, window_params = [{transform_indices = #map}, {transform_indices = #map1}, {transform_indices = #map}, {transform_indices = #map1}]} {
    %mul3A = arith.constant 640 : i32
    %mul3A_0 = arith.muli %arg1, %mul3A : i32
    %eq3A = arith.constant 0 : i32
    %eq3A_1 = arith.cmpi eq, %arg0, %eq3A : i32
    %jit3A = arith.constant 126 : i32
    %jit3A_2 = arith.constant 32 : i32
    %select_n3A = arith.select %eq3A_1, %jit3A, %jit3A_2 : i32
    %eq3A_3 = arith.constant 0 : i32
    %eq3A_4 = arith.cmpi eq, %arg0, %eq3A_3 : i32
    %mul3A_5 = arith.constant 126 : i32
    %mul3A_6 = arith.muli %arg1, %mul3A_5 : i32
    %mul3A_7 = arith.constant 32 : i32
    %mul3A_8 = arith.muli %arg1, %mul3A_7 : i32
    %add3A = arith.constant 2016 : i32
    %add3A_9 = arith.addi %add3A, %mul3A_8 : i32
    %select_n3A_10 = arith.select %eq3A_4, %mul3A_6, %add3A_9 : i32
    "tpu.region"() ({
      %run_scoped3A = tpu.sem_alloc : memref<!tpu.dma_semaphore, #tpu.memory_space<semaphore_mem>>
      %dma_start3A_140 = arith.constant 0 : i32
      %dma_start3A_141 = tpu.memref_slice %arg6[%mul3A_0, %dma_start3A_140] : memref<10240x128xf32, #tpu.memory_space<vmem_shared>> -> memref<640x128xf32, #tpu.memory_space<vmem_shared>>
      %dma_start3A_142 = arith.constant 0 : i32
      %dma_start3A_143 = tpu.memref_slice %arg4[%mul3A_0, %dma_start3A_142] : memref<10240x128xf32, #tpu.memory_space<hbm>> -> memref<640x128xf32, #tpu.memory_space<hbm>>
      tpu.enqueue_dma source(%dma_start3A_143 : memref<640x128xf32, #tpu.memory_space<hbm>>) target(%dma_start3A_141 : memref<640x128xf32, #tpu.memory_space<vmem_shared>>) target_semaphore(%run_scoped3A : memref<!tpu.dma_semaphore, #tpu.memory_space<semaphore_mem>>)
      %dma_wait3A_144 = arith.constant 0 : i32
      %dma_wait3A_145 = tpu.memref_slice %arg6[%mul3A_0, %dma_wait3A_144] : memref<10240x128xf32, #tpu.memory_space<vmem_shared>> -> memref<640x128xf32, #tpu.memory_space<vmem_shared>>
      %dma_wait3A_146 = arith.constant 0 : i32
      %dma_wait3A_147 = tpu.memref_slice %arg4[%mul3A_0, %dma_wait3A_146] : memref<10240x128xf32, #tpu.memory_space<hbm>> -> memref<640x128xf32, #tpu.memory_space<hbm>>
      tpu.wait_dma2 semaphore(%run_scoped3A : memref<!tpu.dma_semaphore, #tpu.memory_space<semaphore_mem>>) src(%dma_wait3A_147 : memref<640x128xf32, #tpu.memory_space<hbm>>) dst(%dma_wait3A_145 : memref<640x128xf32, #tpu.memory_space<vmem_shared>>)
      tpu.yield
    }) : () -> ()
    %barrier3A = arith.constant 0 : index
    tpu.barrier barrier_id(%barrier3A)
    %add3A_11 = arith.constant 0 : i32
    %add3A_12 = arith.addi %select_n3A_10, %add3A_11 : i32
    %dma_start3A = arith.constant 0 : i32
    %dma_start3A_13 = arith.constant 0 : i32
    %dma_start3A_14 = tpu.memref_slice %arg3[%add3A_12, %dma_start3A, %dma_start3A_13] : memref<2528x2x128xi32, #tpu.memory_space<hbm>> -> memref<1x2x128xi32, #tpu.memory_space<hbm>>
    %dma_start3A_15 = tpu.memref_squeeze %dma_start3A_14 : memref<1x2x128xi32, #tpu.memory_space<hbm>> -> memref<2x128xi32, #tpu.memory_space<hbm>>
    %dma_start3A_16 = arith.constant 0 : i32
    %dma_start3A_17 = arith.constant 0 : i32
    %dma_start3A_18 = tpu.memref_slice %arg3[%add3A_12, %dma_start3A_16, %dma_start3A_17] : memref<2528x2x128xi32, #tpu.memory_space<hbm>> -> memref<1x2x128xi32, #tpu.memory_space<hbm>>
    %dma_start3A_19 = tpu.memref_squeeze %dma_start3A_18 : memref<1x2x128xi32, #tpu.memory_space<hbm>> -> memref<2x128xi32, #tpu.memory_space<hbm>>
    tpu.enqueue_dma source(%dma_start3A_19 : memref<2x128xi32, #tpu.memory_space<hbm>>) target(%arg7 : memref<2x128xi32, #tpu.memory_space<vmem>>) target_semaphore(%arg17 : memref<!tpu.dma_semaphore, #tpu.memory_space<semaphore_mem>>)
    %add3A_20 = arith.constant 1 : i32
    %add3A_21 = arith.addi %select_n3A_10, %add3A_20 : i32
    %dma_start3A_22 = arith.constant 0 : i32
    %dma_start3A_23 = arith.constant 0 : i32
    %dma_start3A_24 = tpu.memref_slice %arg3[%add3A_21, %dma_start3A_22, %dma_start3A_23] : memref<2528x2x128xi32, #tpu.memory_space<hbm>> -> memref<1x2x128xi32, #tpu.memory_space<hbm>>
    %dma_start3A_25 = tpu.memref_squeeze %dma_start3A_24 : memref<1x2x128xi32, #tpu.memory_space<hbm>> -> memref<2x128xi32, #tpu.memory_space<hbm>>
    %dma_start3A_26 = arith.constant 0 : i32
    %dma_start3A_27 = arith.constant 0 : i32
    %dma_start3A_28 = tpu.memref_slice %arg3[%add3A_21, %dma_start3A_26, %dma_start3A_27] : memref<2528x2x128xi32, #tpu.memory_space<hbm>> -> memref<1x2x128xi32, #tpu.memory_space<hbm>>
    %dma_start3A_29 = tpu.memref_squeeze %dma_start3A_28 : memref<1x2x128xi32, #tpu.memory_space<hbm>> -> memref<2x128xi32, #tpu.memory_space<hbm>>
    tpu.enqueue_dma source(%dma_start3A_29 : memref<2x128xi32, #tpu.memory_space<hbm>>) target(%arg8 : memref<2x128xi32, #tpu.memory_space<vmem>>) target_semaphore(%arg18 : memref<!tpu.dma_semaphore, #tpu.memory_space<semaphore_mem>>)
    %add3A_30 = arith.constant 2 : i32
    %add3A_31 = arith.addi %select_n3A_10, %add3A_30 : i32
    %dma_start3A_32 = arith.constant 0 : i32
    %dma_start3A_33 = arith.constant 0 : i32
    %dma_start3A_34 = tpu.memref_slice %arg3[%add3A_31, %dma_start3A_32, %dma_start3A_33] : memref<2528x2x128xi32, #tpu.memory_space<hbm>> -> memref<1x2x128xi32, #tpu.memory_space<hbm>>
    %dma_start3A_35 = tpu.memref_squeeze %dma_start3A_34 : memref<1x2x128xi32, #tpu.memory_space<hbm>> -> memref<2x128xi32, #tpu.memory_space<hbm>>
    %dma_start3A_36 = arith.constant 0 : i32
    %dma_start3A_37 = arith.constant 0 : i32
    %dma_start3A_38 = tpu.memref_slice %arg3[%add3A_31, %dma_start3A_36, %dma_start3A_37] : memref<2528x2x128xi32, #tpu.memory_space<hbm>> -> memref<1x2x128xi32, #tpu.memory_space<hbm>>
    %dma_start3A_39 = tpu.memref_squeeze %dma_start3A_38 : memref<1x2x128xi32, #tpu.memory_space<hbm>> -> memref<2x128xi32, #tpu.memory_space<hbm>>
    tpu.enqueue_dma source(%dma_start3A_39 : memref<2x128xi32, #tpu.memory_space<hbm>>) target(%arg9 : memref<2x128xi32, #tpu.memory_space<vmem>>) target_semaphore(%arg19 : memref<!tpu.dma_semaphore, #tpu.memory_space<semaphore_mem>>)
    %add3A_40 = arith.constant 3 : i32
    %add3A_41 = arith.addi %select_n3A_10, %add3A_40 : i32
    %dma_start3A_42 = arith.constant 0 : i32
    %dma_start3A_43 = arith.constant 0 : i32
    %dma_start3A_44 = tpu.memref_slice %arg3[%add3A_41, %dma_start3A_42, %dma_start3A_43] : memref<2528x2x128xi32, #tpu.memory_space<hbm>> -> memref<1x2x128xi32, #tpu.memory_space<hbm>>
    %dma_start3A_45 = tpu.memref_squeeze %dma_start3A_44 : memref<1x2x128xi32, #tpu.memory_space<hbm>> -> memref<2x128xi32, #tpu.memory_space<hbm>>
    %dma_start3A_46 = arith.constant 0 : i32
    %dma_start3A_47 = arith.constant 0 : i32
    %dma_start3A_48 = tpu.memref_slice %arg3[%add3A_41, %dma_start3A_46, %dma_start3A_47] : memref<2528x2x128xi32, #tpu.memory_space<hbm>> -> memref<1x2x128xi32, #tpu.memory_space<hbm>>
    %dma_start3A_49 = tpu.memref_squeeze %dma_start3A_48 : memref<1x2x128xi32, #tpu.memory_space<hbm>> -> memref<2x128xi32, #tpu.memory_space<hbm>>
    tpu.enqueue_dma source(%dma_start3A_49 : memref<2x128xi32, #tpu.memory_space<hbm>>) target(%arg10 : memref<2x128xi32, #tpu.memory_space<vmem>>) target_semaphore(%arg20 : memref<!tpu.dma_semaphore, #tpu.memory_space<semaphore_mem>>)
    %add3A_50 = arith.constant 4 : i32
    %add3A_51 = arith.addi %select_n3A_10, %add3A_50 : i32
    %dma_start3A_52 = arith.constant 0 : i32
    %dma_start3A_53 = arith.constant 0 : i32
    %dma_start3A_54 = tpu.memref_slice %arg3[%add3A_51, %dma_start3A_52, %dma_start3A_53] : memref<2528x2x128xi32, #tpu.memory_space<hbm>> -> memref<1x2x128xi32, #tpu.memory_space<hbm>>
    %dma_start3A_55 = tpu.memref_squeeze %dma_start3A_54 : memref<1x2x128xi32, #tpu.memory_space<hbm>> -> memref<2x128xi32, #tpu.memory_space<hbm>>
    %dma_start3A_56 = arith.constant 0 : i32
    %dma_start3A_57 = arith.constant 0 : i32
    %dma_start3A_58 = tpu.memref_slice %arg3[%add3A_51, %dma_start3A_56, %dma_start3A_57] : memref<2528x2x128xi32, #tpu.memory_space<hbm>> -> memref<1x2x128xi32, #tpu.memory_space<hbm>>
    %dma_start3A_59 = tpu.memref_squeeze %dma_start3A_58 : memref<1x2x128xi32, #tpu.memory_space<hbm>> -> memref<2x128xi32, #tpu.memory_space<hbm>>
    tpu.enqueue_dma source(%dma_start3A_59 : memref<2x128xi32, #tpu.memory_space<hbm>>) target(%arg11 : memref<2x128xi32, #tpu.memory_space<vmem>>) target_semaphore(%arg21 : memref<!tpu.dma_semaphore, #tpu.memory_space<semaphore_mem>>)
    %add3A_60 = arith.constant 5 : i32
    %add3A_61 = arith.addi %select_n3A_10, %add3A_60 : i32
    %dma_start3A_62 = arith.constant 0 : i32
    %dma_start3A_63 = arith.constant 0 : i32
    %dma_start3A_64 = tpu.memref_slice %arg3[%add3A_61, %dma_start3A_62, %dma_start3A_63] : memref<2528x2x128xi32, #tpu.memory_space<hbm>> -> memref<1x2x128xi32, #tpu.memory_space<hbm>>
    %dma_start3A_65 = tpu.memref_squeeze %dma_start3A_64 : memref<1x2x128xi32, #tpu.memory_space<hbm>> -> memref<2x128xi32, #tpu.memory_space<hbm>>
    %dma_start3A_66 = arith.constant 0 : i32
    %dma_start3A_67 = arith.constant 0 : i32
    %dma_start3A_68 = tpu.memref_slice %arg3[%add3A_61, %dma_start3A_66, %dma_start3A_67] : memref<2528x2x128xi32, #tpu.memory_space<hbm>> -> memref<1x2x128xi32, #tpu.memory_space<hbm>>
    %dma_start3A_69 = tpu.memref_squeeze %dma_start3A_68 : memref<1x2x128xi32, #tpu.memory_space<hbm>> -> memref<2x128xi32, #tpu.memory_space<hbm>>
    tpu.enqueue_dma source(%dma_start3A_69 : memref<2x128xi32, #tpu.memory_space<hbm>>) target(%arg12 : memref<2x128xi32, #tpu.memory_space<vmem>>) target_semaphore(%arg22 : memref<!tpu.dma_semaphore, #tpu.memory_space<semaphore_mem>>)
    %add3A_70 = arith.constant 6 : i32
    %add3A_71 = arith.addi %select_n3A_10, %add3A_70 : i32
    %dma_start3A_72 = arith.constant 0 : i32
    %dma_start3A_73 = arith.constant 0 : i32
    %dma_start3A_74 = tpu.memref_slice %arg3[%add3A_71, %dma_start3A_72, %dma_start3A_73] : memref<2528x2x128xi32, #tpu.memory_space<hbm>> -> memref<1x2x128xi32, #tpu.memory_space<hbm>>
    %dma_start3A_75 = tpu.memref_squeeze %dma_start3A_74 : memref<1x2x128xi32, #tpu.memory_space<hbm>> -> memref<2x128xi32, #tpu.memory_space<hbm>>
    %dma_start3A_76 = arith.constant 0 : i32
    %dma_start3A_77 = arith.constant 0 : i32
    %dma_start3A_78 = tpu.memref_slice %arg3[%add3A_71, %dma_start3A_76, %dma_start3A_77] : memref<2528x2x128xi32, #tpu.memory_space<hbm>> -> memref<1x2x128xi32, #tpu.memory_space<hbm>>
    %dma_start3A_79 = tpu.memref_squeeze %dma_start3A_78 : memref<1x2x128xi32, #tpu.memory_space<hbm>> -> memref<2x128xi32, #tpu.memory_space<hbm>>
    tpu.enqueue_dma source(%dma_start3A_79 : memref<2x128xi32, #tpu.memory_space<hbm>>) target(%arg13 : memref<2x128xi32, #tpu.memory_space<vmem>>) target_semaphore(%arg23 : memref<!tpu.dma_semaphore, #tpu.memory_space<semaphore_mem>>)
    %add3A_80 = arith.constant 7 : i32
    %add3A_81 = arith.addi %select_n3A_10, %add3A_80 : i32
    %dma_start3A_82 = arith.constant 0 : i32
    %dma_start3A_83 = arith.constant 0 : i32
    %dma_start3A_84 = tpu.memref_slice %arg3[%add3A_81, %dma_start3A_82, %dma_start3A_83] : memref<2528x2x128xi32, #tpu.memory_space<hbm>> -> memref<1x2x128xi32, #tpu.memory_space<hbm>>
    %dma_start3A_85 = tpu.memref_squeeze %dma_start3A_84 : memref<1x2x128xi32, #tpu.memory_space<hbm>> -> memref<2x128xi32, #tpu.memory_space<hbm>>
    %dma_start3A_86 = arith.constant 0 : i32
    %dma_start3A_87 = arith.constant 0 : i32
    %dma_start3A_88 = tpu.memref_slice %arg3[%add3A_81, %dma_start3A_86, %dma_start3A_87] : memref<2528x2x128xi32, #tpu.memory_space<hbm>> -> memref<1x2x128xi32, #tpu.memory_space<hbm>>
    %dma_start3A_89 = tpu.memref_squeeze %dma_start3A_88 : memref<1x2x128xi32, #tpu.memory_space<hbm>> -> memref<2x128xi32, #tpu.memory_space<hbm>>
    tpu.enqueue_dma source(%dma_start3A_89 : memref<2x128xi32, #tpu.memory_space<hbm>>) target(%arg14 : memref<2x128xi32, #tpu.memory_space<vmem>>) target_semaphore(%arg24 : memref<!tpu.dma_semaphore, #tpu.memory_space<semaphore_mem>>)
    %dma_wait3A = arith.constant 0 : i32
    %dma_wait3A_90 = arith.constant 0 : i32
    %dma_wait3A_91 = arith.constant 0 : i32
    %dma_wait3A_92 = tpu.memref_slice %arg3[%dma_wait3A, %dma_wait3A_90, %dma_wait3A_91] : memref<2528x2x128xi32, #tpu.memory_space<hbm>> -> memref<1x2x128xi32, #tpu.memory_space<hbm>>
    %dma_wait3A_93 = tpu.memref_squeeze %dma_wait3A_92 : memref<1x2x128xi32, #tpu.memory_space<hbm>> -> memref<2x128xi32, #tpu.memory_space<hbm>>
    %dma_wait3A_94 = arith.constant 0 : i32
    %dma_wait3A_95 = arith.constant 0 : i32
    %dma_wait3A_96 = tpu.memref_slice %arg3[%dma_wait3A, %dma_wait3A_94, %dma_wait3A_95] : memref<2528x2x128xi32, #tpu.memory_space<hbm>> -> memref<1x2x128xi32, #tpu.memory_space<hbm>>
    %dma_wait3A_97 = tpu.memref_squeeze %dma_wait3A_96 : memref<1x2x128xi32, #tpu.memory_space<hbm>> -> memref<2x128xi32, #tpu.memory_space<hbm>>
    tpu.wait_dma2 semaphore(%arg17 : memref<!tpu.dma_semaphore, #tpu.memory_space<semaphore_mem>>) src(%dma_wait3A_97 : memref<2x128xi32, #tpu.memory_space<hbm>>) dst(%arg7 : memref<2x128xi32, #tpu.memory_space<vmem>>)
    %dma_start3A_98 = arith.constant 0 : i32
    %dma_start3A_99 = arith.constant 0 : i32
    %dma_start3A_100 = tpu.memref_slice %arg7[%dma_start3A_98, %dma_start3A_99] : memref<2x128xi32, #tpu.memory_space<vmem>> -> memref<1x128xi32, #tpu.memory_space<vmem>>
    %dma_start3A_101 = tpu.memref_squeeze %dma_start3A_100 : memref<1x128xi32, #tpu.memory_space<vmem>> -> memref<128xi32, #tpu.memory_space<vmem>>
    %dma_start3A_102 = arith.constant 0 : i32
    %dma_start3A_103 = arith.constant 0 : i32
    %dma_start3A_104 = tpu.memref_slice %arg2[%dma_start3A_102, %dma_start3A_103] : memref<10240x128xf32, #tpu.memory_space<hbm>> -> memref<10240x128xf32, #tpu.memory_space<hbm>>
    tpu.enqueue_indirect_dma source(%dma_start3A_104 : memref<10240x128xf32, #tpu.memory_space<hbm>>) target(%arg15 : memref<128x128xf32, #tpu.memory_space<vmem>>) offsets(%dma_start3A_101 : memref<128xi32, #tpu.memory_space<vmem>>) semaphore(%arg25 : memref<!tpu.dma_semaphore, #tpu.memory_space<semaphore_mem>>)
    %dma_wait3A_105 = arith.constant 0 : i32
    %dma_wait3A_106 = arith.constant 0 : i32
    %dma_wait3A_107 = arith.constant 0 : i32
    %dma_wait3A_108 = tpu.memref_slice %arg3[%dma_wait3A_105, %dma_wait3A_106, %dma_wait3A_107] : memref<2528x2x128xi32, #tpu.memory_space<hbm>> -> memref<1x2x128xi32, #tpu.memory_space<hbm>>
    %dma_wait3A_109 = tpu.memref_squeeze %dma_wait3A_108 : memref<1x2x128xi32, #tpu.memory_space<hbm>> -> memref<2x128xi32, #tpu.memory_space<hbm>>
    %dma_wait3A_110 = arith.constant 0 : i32
    %dma_wait3A_111 = arith.constant 0 : i32
    %dma_wait3A_112 = tpu.memref_slice %arg3[%dma_wait3A_105, %dma_wait3A_110, %dma_wait3A_111] : memref<2528x2x128xi32, #tpu.memory_space<hbm>> -> memref<1x2x128xi32, #tpu.memory_space<hbm>>
    %dma_wait3A_113 = tpu.memref_squeeze %dma_wait3A_112 : memref<1x2x128xi32, #tpu.memory_space<hbm>> -> memref<2x128xi32, #tpu.memory_space<hbm>>
    tpu.wait_dma2 semaphore(%arg18 : memref<!tpu.dma_semaphore, #tpu.memory_space<semaphore_mem>>) src(%dma_wait3A_113 : memref<2x128xi32, #tpu.memory_space<hbm>>) dst(%arg8 : memref<2x128xi32, #tpu.memory_space<vmem>>)
    %dma_start3A_114 = arith.constant 0 : i32
    %dma_start3A_115 = arith.constant 0 : i32
    %dma_start3A_116 = tpu.memref_slice %arg8[%dma_start3A_114, %dma_start3A_115] : memref<2x128xi32, #tpu.memory_space<vmem>> -> memref<1x128xi32, #tpu.memory_space<vmem>>
    %dma_start3A_117 = tpu.memref_squeeze %dma_start3A_116 : memref<1x128xi32, #tpu.memory_space<vmem>> -> memref<128xi32, #tpu.memory_space<vmem>>
    %dma_start3A_118 = arith.constant 0 : i32
    %dma_start3A_119 = arith.constant 0 : i32
    %dma_start3A_120 = tpu.memref_slice %arg2[%dma_start3A_118, %dma_start3A_119] : memref<10240x128xf32, #tpu.memory_space<hbm>> -> memref<10240x128xf32, #tpu.memory_space<hbm>>
    tpu.enqueue_indirect_dma source(%dma_start3A_120 : memref<10240x128xf32, #tpu.memory_space<hbm>>) target(%arg16 : memref<128x128xf32, #tpu.memory_space<vmem>>) offsets(%dma_start3A_117 : memref<128xi32, #tpu.memory_space<vmem>>) semaphore(%arg26 : memref<!tpu.dma_semaphore, #tpu.memory_space<semaphore_mem>>)
    %scan3A = arith.constant 0 : i32
    %scan3A_121 = arith.constant 16 : i32
    %scan3A_122 = arith.addi %scan3A, %scan3A_121 : i32
    %scan3A_123 = arith.constant 1 : i32
    scf.for %scan3A_140 = %scan3A to %scan3A_122 step %scan3A_123  : i32 {
      %mul3A_141 = arith.constant 1 : i32
      %mul3A_142 = arith.muli %scan3A_140, %mul3A_141 : i32
      %add3A_143 = arith.constant 0 : i32
      %add3A_144 = arith.addi %add3A_143, %mul3A_142 : i32
      %mul3A_145 = arith.constant 8 : i32
      %mul3A_146 = arith.muli %add3A_144, %mul3A_145 : i32
      %add3A_147 = arith.constant 0 : i32
      %add3A_148 = arith.addi %mul3A_146, %add3A_147 : i32
      %lt3A = arith.cmpi slt, %add3A_148, %select_n3A : i32
      %convert_element_type3A = arith.extui %lt3A : i1 to i32
      %cond3A = arith.constant 0 : i32
      %cond3A_149 = arith.cmpi ne, %convert_element_type3A, %cond3A : i32
      scf.if %cond3A_149 {
        %dma_wait3A_254 = arith.constant 0 : i32
        %dma_wait3A_255 = arith.constant 0 : i32
        %dma_wait3A_256 = tpu.memref_slice %arg7[%dma_wait3A_254, %dma_wait3A_255] : memref<2x128xi32, #tpu.memory_space<vmem>> -> memref<1x128xi32, #tpu.memory_space<vmem>>
        %dma_wait3A_257 = tpu.memref_squeeze %dma_wait3A_256 : memref<1x128xi32, #tpu.memory_space<vmem>> -> memref<128xi32, #tpu.memory_space<vmem>>
        %dma_wait3A_258 = arith.constant 0 : i32
        %dma_wait3A_259 = arith.constant 0 : i32
        %dma_wait3A_260 = tpu.memref_slice %arg2[%dma_wait3A_258, %dma_wait3A_259] : memref<10240x128xf32, #tpu.memory_space<hbm>> -> memref<10240x128xf32, #tpu.memory_space<hbm>>
        tpu.wait_indirect_dma semaphore(%arg25 : memref<!tpu.dma_semaphore, #tpu.memory_space<semaphore_mem>>) src(%dma_wait3A_260 : memref<10240x128xf32, #tpu.memory_space<hbm>>) dst(%arg15 : memref<128x128xf32, #tpu.memory_space<vmem>>)
        %dma_start3A_261 = arith.constant 1 : i32
        %dma_start3A_262 = arith.constant 0 : i32
        %dma_start3A_263 = tpu.memref_slice %arg7[%dma_start3A_261, %dma_start3A_262] : memref<2x128xi32, #tpu.memory_space<vmem>> -> memref<1x128xi32, #tpu.memory_space<vmem>>
        %dma_start3A_264 = tpu.memref_squeeze %dma_start3A_263 : memref<1x128xi32, #tpu.memory_space<vmem>> -> memref<128xi32, #tpu.memory_space<vmem>>
        %dma_start3A_265 = arith.constant 0 : i32
        %dma_start3A_266 = arith.constant 0 : i32
        %dma_start3A_267 = tpu.memref_slice %arg6[%dma_start3A_265, %dma_start3A_266] : memref<10240x128xf32, #tpu.memory_space<vmem_shared>> -> memref<10240x128xf32, #tpu.memory_space<vmem_shared>>
        tpu.enqueue_indirect_dma source(%arg15 : memref<128x128xf32, #tpu.memory_space<vmem>>) target(%dma_start3A_267 : memref<10240x128xf32, #tpu.memory_space<vmem_shared>>) offsets(%dma_start3A_264 : memref<128xi32, #tpu.memory_space<vmem>>) semaphore(%arg27 : memref<!tpu.dma_semaphore, #tpu.memory_space<semaphore_mem>>) {add = true}
      } else {
      }
      %add3A_150 = arith.constant 2 : i32
      %add3A_151 = arith.addi %add3A_148, %add3A_150 : i32
      %lt3A_152 = arith.cmpi slt, %add3A_151, %select_n3A : i32
      %convert_element_type3A_153 = arith.extui %lt3A_152 : i1 to i32
      %cond3A_154 = arith.constant 0 : i32
      %cond3A_155 = arith.cmpi ne, %convert_element_type3A_153, %cond3A_154 : i32
      scf.if %cond3A_155 {
        %add3A_254 = arith.constant 2 : i32
        %add3A_255 = arith.addi %add3A_148, %add3A_254 : i32
        %dma_wait3A_256 = arith.constant 0 : i32
        %dma_wait3A_257 = arith.constant 0 : i32
        %dma_wait3A_258 = arith.constant 0 : i32
        %dma_wait3A_259 = tpu.memref_slice %arg3[%dma_wait3A_256, %dma_wait3A_257, %dma_wait3A_258] : memref<2528x2x128xi32, #tpu.memory_space<hbm>> -> memref<1x2x128xi32, #tpu.memory_space<hbm>>
        %dma_wait3A_260 = tpu.memref_squeeze %dma_wait3A_259 : memref<1x2x128xi32, #tpu.memory_space<hbm>> -> memref<2x128xi32, #tpu.memory_space<hbm>>
        %dma_wait3A_261 = arith.constant 0 : i32
        %dma_wait3A_262 = arith.constant 0 : i32
        %dma_wait3A_263 = tpu.memref_slice %arg3[%dma_wait3A_256, %dma_wait3A_261, %dma_wait3A_262] : memref<2528x2x128xi32, #tpu.memory_space<hbm>> -> memref<1x2x128xi32, #tpu.memory_space<hbm>>
        %dma_wait3A_264 = tpu.memref_squeeze %dma_wait3A_263 : memref<1x2x128xi32, #tpu.memory_space<hbm>> -> memref<2x128xi32, #tpu.memory_space<hbm>>
        tpu.wait_dma2 semaphore(%arg19 : memref<!tpu.dma_semaphore, #tpu.memory_space<semaphore_mem>>) src(%dma_wait3A_264 : memref<2x128xi32, #tpu.memory_space<hbm>>) dst(%arg9 : memref<2x128xi32, #tpu.memory_space<vmem>>)
        %dma_wait3A_265 = arith.constant 1 : i32
        %dma_wait3A_266 = arith.constant 0 : i32
        %dma_wait3A_267 = tpu.memref_slice %arg7[%dma_wait3A_265, %dma_wait3A_266] : memref<2x128xi32, #tpu.memory_space<vmem>> -> memref<1x128xi32, #tpu.memory_space<vmem>>
        %dma_wait3A_268 = tpu.memref_squeeze %dma_wait3A_267 : memref<1x128xi32, #tpu.memory_space<vmem>> -> memref<128xi32, #tpu.memory_space<vmem>>
        %dma_wait3A_269 = arith.constant 0 : i32
        %dma_wait3A_270 = arith.constant 0 : i32
        %dma_wait3A_271 = tpu.memref_slice %arg6[%dma_wait3A_269, %dma_wait3A_270] : memref<10240x128xf32, #tpu.memory_space<vmem_shared>> -> memref<10240x128xf32, #tpu.memory_space<vmem_shared>>
        tpu.wait_indirect_dma semaphore(%arg27 : memref<!tpu.dma_semaphore, #tpu.memory_space<semaphore_mem>>) src(%arg15 : memref<128x128xf32, #tpu.memory_space<vmem>>) dst(%dma_wait3A_271 : memref<10240x128xf32, #tpu.memory_space<vmem_shared>>)
        %add3A_272 = arith.constant 8 : i32
        %add3A_273 = arith.addi %add3A_255, %add3A_272 : i32
        %sub3A = arith.constant 2 : i32
        %sub3A_274 = arith.subi %add3A_273, %sub3A : i32
        %lt3A_275 = arith.cmpi slt, %sub3A_274, %select_n3A : i32
        %convert_element_type3A_276 = arith.extui %lt3A_275 : i1 to i32
        %cond3A_277 = arith.constant 0 : i32
        %cond3A_278 = arith.cmpi ne, %convert_element_type3A_276, %cond3A_277 : i32
        scf.if %cond3A_278 {
          %add3A_286 = arith.constant 8 : i32
          %add3A_287 = arith.addi %add3A_255, %add3A_286 : i32
          %sub3A_288 = arith.constant 2 : i32
          %sub3A_289 = arith.subi %add3A_287, %sub3A_288 : i32
          %add3A_290 = arith.addi %select_n3A_10, %sub3A_289 : i32
          %dma_start3A_291 = arith.constant 0 : i32
          %dma_start3A_292 = arith.constant 0 : i32
          %dma_start3A_293 = tpu.memref_slice %arg3[%add3A_290, %dma_start3A_291, %dma_start3A_292] : memref<2528x2x128xi32, #tpu.memory_space<hbm>> -> memref<1x2x128xi32, #tpu.memory_space<hbm>>
          %dma_start3A_294 = tpu.memref_squeeze %dma_start3A_293 : memref<1x2x128xi32, #tpu.memory_space<hbm>> -> memref<2x128xi32, #tpu.memory_space<hbm>>
          %dma_start3A_295 = arith.constant 0 : i32
          %dma_start3A_296 = arith.constant 0 : i32
          %dma_start3A_297 = tpu.memref_slice %arg3[%add3A_290, %dma_start3A_295, %dma_start3A_296] : memref<2528x2x128xi32, #tpu.memory_space<hbm>> -> memref<1x2x128xi32, #tpu.memory_space<hbm>>
          %dma_start3A_298 = tpu.memref_squeeze %dma_start3A_297 : memref<1x2x128xi32, #tpu.memory_space<hbm>> -> memref<2x128xi32, #tpu.memory_space<hbm>>
          tpu.enqueue_dma source(%dma_start3A_298 : memref<2x128xi32, #tpu.memory_space<hbm>>) target(%arg7 : memref<2x128xi32, #tpu.memory_space<vmem>>) target_semaphore(%arg17 : memref<!tpu.dma_semaphore, #tpu.memory_space<semaphore_mem>>)
        } else {
        }
        %dma_start3A_279 = arith.constant 0 : i32
        %dma_start3A_280 = arith.constant 0 : i32
        %dma_start3A_281 = tpu.memref_slice %arg9[%dma_start3A_279, %dma_start3A_280] : memref<2x128xi32, #tpu.memory_space<vmem>> -> memref<1x128xi32, #tpu.memory_space<vmem>>
        %dma_start3A_282 = tpu.memref_squeeze %dma_start3A_281 : memref<1x128xi32, #tpu.memory_space<vmem>> -> memref<128xi32, #tpu.memory_space<vmem>>
        %dma_start3A_283 = arith.constant 0 : i32
        %dma_start3A_284 = arith.constant 0 : i32
        %dma_start3A_285 = tpu.memref_slice %arg2[%dma_start3A_283, %dma_start3A_284] : memref<10240x128xf32, #tpu.memory_space<hbm>> -> memref<10240x128xf32, #tpu.memory_space<hbm>>
        tpu.enqueue_indirect_dma source(%dma_start3A_285 : memref<10240x128xf32, #tpu.memory_space<hbm>>) target(%arg15 : memref<128x128xf32, #tpu.memory_space<vmem>>) offsets(%dma_start3A_282 : memref<128xi32, #tpu.memory_space<vmem>>) semaphore(%arg25 : memref<!tpu.dma_semaphore, #tpu.memory_space<semaphore_mem>>)
      } else {
      }
      %mul3A_156 = arith.constant 8 : i32
      %mul3A_157 = arith.muli %add3A_144, %mul3A_156 : i32
      %add3A_158 = arith.constant 1 : i32
      %add3A_159 = arith.addi %mul3A_157, %add3A_158 : i32
      %lt3A_160 = arith.cmpi slt, %add3A_159, %select_n3A : i32
      %convert_element_type3A_161 = arith.extui %lt3A_160 : i1 to i32
      %cond3A_162 = arith.constant 0 : i32
      %cond3A_163 = arith.cmpi ne, %convert_element_type3A_161, %cond3A_162 : i32
      scf.if %cond3A_163 {
        %dma_wait3A_254 = arith.constant 0 : i32
        %dma_wait3A_255 = arith.constant 0 : i32
        %dma_wait3A_256 = tpu.memref_slice %arg8[%dma_wait3A_254, %dma_wait3A_255] : memref<2x128xi32, #tpu.memory_space<vmem>> -> memref<1x128xi32, #tpu.memory_space<vmem>>
        %dma_wait3A_257 = tpu.memref_squeeze %dma_wait3A_256 : memref<1x128xi32, #tpu.memory_space<vmem>> -> memref<128xi32, #tpu.memory_space<vmem>>
        %dma_wait3A_258 = arith.constant 0 : i32
        %dma_wait3A_259 = arith.constant 0 : i32
        %dma_wait3A_260 = tpu.memref_slice %arg2[%dma_wait3A_258, %dma_wait3A_259] : memref<10240x128xf32, #tpu.memory_space<hbm>> -> memref<10240x128xf32, #tpu.memory_space<hbm>>
        tpu.wait_indirect_dma semaphore(%arg26 : memref<!tpu.dma_semaphore, #tpu.memory_space<semaphore_mem>>) src(%dma_wait3A_260 : memref<10240x128xf32, #tpu.memory_space<hbm>>) dst(%arg16 : memref<128x128xf32, #tpu.memory_space<vmem>>)
        %dma_start3A_261 = arith.constant 1 : i32
        %dma_start3A_262 = arith.constant 0 : i32
        %dma_start3A_263 = tpu.memref_slice %arg8[%dma_start3A_261, %dma_start3A_262] : memref<2x128xi32, #tpu.memory_space<vmem>> -> memref<1x128xi32, #tpu.memory_space<vmem>>
        %dma_start3A_264 = tpu.memref_squeeze %dma_start3A_263 : memref<1x128xi32, #tpu.memory_space<vmem>> -> memref<128xi32, #tpu.memory_space<vmem>>
        %dma_start3A_265 = arith.constant 0 : i32
        %dma_start3A_266 = arith.constant 0 : i32
        %dma_start3A_267 = tpu.memref_slice %arg6[%dma_start3A_265, %dma_start3A_266] : memref<10240x128xf32, #tpu.memory_space<vmem_shared>> -> memref<10240x128xf32, #tpu.memory_space<vmem_shared>>
        tpu.enqueue_indirect_dma source(%arg16 : memref<128x128xf32, #tpu.memory_space<vmem>>) target(%dma_start3A_267 : memref<10240x128xf32, #tpu.memory_space<vmem_shared>>) offsets(%dma_start3A_264 : memref<128xi32, #tpu.memory_space<vmem>>) semaphore(%arg28 : memref<!tpu.dma_semaphore, #tpu.memory_space<semaphore_mem>>) {add = true}
      } else {
      }
      %add3A_164 = arith.constant 2 : i32
      %add3A_165 = arith.addi %add3A_159, %add3A_164 : i32
      %lt3A_166 = arith.cmpi slt, %add3A_165, %select_n3A : i32
      %convert_element_type3A_167 = arith.extui %lt3A_166 : i1 to i32
      %cond3A_168 = arith.constant 0 : i32
      %cond3A_169 = arith.cmpi ne, %convert_element_type3A_167, %cond3A_168 : i32
      scf.if %cond3A_169 {
        %add3A_254 = arith.constant 2 : i32
        %add3A_255 = arith.addi %add3A_159, %add3A_254 : i32
        %dma_wait3A_256 = arith.constant 0 : i32
        %dma_wait3A_257 = arith.constant 0 : i32
        %dma_wait3A_258 = arith.constant 0 : i32
        %dma_wait3A_259 = tpu.memref_slice %arg3[%dma_wait3A_256, %dma_wait3A_257, %dma_wait3A_258] : memref<2528x2x128xi32, #tpu.memory_space<hbm>> -> memref<1x2x128xi32, #tpu.memory_space<hbm>>
        %dma_wait3A_260 = tpu.memref_squeeze %dma_wait3A_259 : memref<1x2x128xi32, #tpu.memory_space<hbm>> -> memref<2x128xi32, #tpu.memory_space<hbm>>
        %dma_wait3A_261 = arith.constant 0 : i32
        %dma_wait3A_262 = arith.constant 0 : i32
        %dma_wait3A_263 = tpu.memref_slice %arg3[%dma_wait3A_256, %dma_wait3A_261, %dma_wait3A_262] : memref<2528x2x128xi32, #tpu.memory_space<hbm>> -> memref<1x2x128xi32, #tpu.memory_space<hbm>>
        %dma_wait3A_264 = tpu.memref_squeeze %dma_wait3A_263 : memref<1x2x128xi32, #tpu.memory_space<hbm>> -> memref<2x128xi32, #tpu.memory_space<hbm>>
        tpu.wait_dma2 semaphore(%arg20 : memref<!tpu.dma_semaphore, #tpu.memory_space<semaphore_mem>>) src(%dma_wait3A_264 : memref<2x128xi32, #tpu.memory_space<hbm>>) dst(%arg10 : memref<2x128xi32, #tpu.memory_space<vmem>>)
        %dma_wait3A_265 = arith.constant 1 : i32
        %dma_wait3A_266 = arith.constant 0 : i32
        %dma_wait3A_267 = tpu.memref_slice %arg8[%dma_wait3A_265, %dma_wait3A_266] : memref<2x128xi32, #tpu.memory_space<vmem>> -> memref<1x128xi32, #tpu.memory_space<vmem>>
        %dma_wait3A_268 = tpu.memref_squeeze %dma_wait3A_267 : memref<1x128xi32, #tpu.memory_space<vmem>> -> memref<128xi32, #tpu.memory_space<vmem>>
        %dma_wait3A_269 = arith.constant 0 : i32
        %dma_wait3A_270 = arith.constant 0 : i32
        %dma_wait3A_271 = tpu.memref_slice %arg6[%dma_wait3A_269, %dma_wait3A_270] : memref<10240x128xf32, #tpu.memory_space<vmem_shared>> -> memref<10240x128xf32, #tpu.memory_space<vmem_shared>>
        tpu.wait_indirect_dma semaphore(%arg28 : memref<!tpu.dma_semaphore, #tpu.memory_space<semaphore_mem>>) src(%arg16 : memref<128x128xf32, #tpu.memory_space<vmem>>) dst(%dma_wait3A_271 : memref<10240x128xf32, #tpu.memory_space<vmem_shared>>)
        %add3A_272 = arith.constant 8 : i32
        %add3A_273 = arith.addi %add3A_255, %add3A_272 : i32
        %sub3A = arith.constant 2 : i32
        %sub3A_274 = arith.subi %add3A_273, %sub3A : i32
        %lt3A_275 = arith.cmpi slt, %sub3A_274, %select_n3A : i32
        %convert_element_type3A_276 = arith.extui %lt3A_275 : i1 to i32
        %cond3A_277 = arith.constant 0 : i32
        %cond3A_278 = arith.cmpi ne, %convert_element_type3A_276, %cond3A_277 : i32
        scf.if %cond3A_278 {
          %add3A_286 = arith.constant 8 : i32
          %add3A_287 = arith.addi %add3A_255, %add3A_286 : i32
          %sub3A_288 = arith.constant 2 : i32
          %sub3A_289 = arith.subi %add3A_287, %sub3A_288 : i32
          %add3A_290 = arith.addi %select_n3A_10, %sub3A_289 : i32
          %dma_start3A_291 = arith.constant 0 : i32
          %dma_start3A_292 = arith.constant 0 : i32
          %dma_start3A_293 = tpu.memref_slice %arg3[%add3A_290, %dma_start3A_291, %dma_start3A_292] : memref<2528x2x128xi32, #tpu.memory_space<hbm>> -> memref<1x2x128xi32, #tpu.memory_space<hbm>>
          %dma_start3A_294 = tpu.memref_squeeze %dma_start3A_293 : memref<1x2x128xi32, #tpu.memory_space<hbm>> -> memref<2x128xi32, #tpu.memory_space<hbm>>
          %dma_start3A_295 = arith.constant 0 : i32
          %dma_start3A_296 = arith.constant 0 : i32
          %dma_start3A_297 = tpu.memref_slice %arg3[%add3A_290, %dma_start3A_295, %dma_start3A_296] : memref<2528x2x128xi32, #tpu.memory_space<hbm>> -> memref<1x2x128xi32, #tpu.memory_space<hbm>>
          %dma_start3A_298 = tpu.memref_squeeze %dma_start3A_297 : memref<1x2x128xi32, #tpu.memory_space<hbm>> -> memref<2x128xi32, #tpu.memory_space<hbm>>
          tpu.enqueue_dma source(%dma_start3A_298 : memref<2x128xi32, #tpu.memory_space<hbm>>) target(%arg8 : memref<2x128xi32, #tpu.memory_space<vmem>>) target_semaphore(%arg18 : memref<!tpu.dma_semaphore, #tpu.memory_space<semaphore_mem>>)
        } else {
        }
        %dma_start3A_279 = arith.constant 0 : i32
        %dma_start3A_280 = arith.constant 0 : i32
        %dma_start3A_281 = tpu.memref_slice %arg10[%dma_start3A_279, %dma_start3A_280] : memref<2x128xi32, #tpu.memory_space<vmem>> -> memref<1x128xi32, #tpu.memory_space<vmem>>
        %dma_start3A_282 = tpu.memref_squeeze %dma_start3A_281 : memref<1x128xi32, #tpu.memory_space<vmem>> -> memref<128xi32, #tpu.memory_space<vmem>>
        %dma_start3A_283 = arith.constant 0 : i32
        %dma_start3A_284 = arith.constant 0 : i32
        %dma_start3A_285 = tpu.memref_slice %arg2[%dma_start3A_283, %dma_start3A_284] : memref<10240x128xf32, #tpu.memory_space<hbm>> -> memref<10240x128xf32, #tpu.memory_space<hbm>>
        tpu.enqueue_indirect_dma source(%dma_start3A_285 : memref<10240x128xf32, #tpu.memory_space<hbm>>) target(%arg16 : memref<128x128xf32, #tpu.memory_space<vmem>>) offsets(%dma_start3A_282 : memref<128xi32, #tpu.memory_space<vmem>>) semaphore(%arg26 : memref<!tpu.dma_semaphore, #tpu.memory_space<semaphore_mem>>)
      } else {
      }
      %mul3A_170 = arith.constant 8 : i32
      %mul3A_171 = arith.muli %add3A_144, %mul3A_170 : i32
      %add3A_172 = arith.constant 2 : i32
      %add3A_173 = arith.addi %mul3A_171, %add3A_172 : i32
      %lt3A_174 = arith.cmpi slt, %add3A_173, %select_n3A : i32
      %convert_element_type3A_175 = arith.extui %lt3A_174 : i1 to i32
      %cond3A_176 = arith.constant 0 : i32
      %cond3A_177 = arith.cmpi ne, %convert_element_type3A_175, %cond3A_176 : i32
      scf.if %cond3A_177 {
        %dma_wait3A_254 = arith.constant 0 : i32
        %dma_wait3A_255 = arith.constant 0 : i32
        %dma_wait3A_256 = tpu.memref_slice %arg9[%dma_wait3A_254, %dma_wait3A_255] : memref<2x128xi32, #tpu.memory_space<vmem>> -> memref<1x128xi32, #tpu.memory_space<vmem>>
        %dma_wait3A_257 = tpu.memref_squeeze %dma_wait3A_256 : memref<1x128xi32, #tpu.memory_space<vmem>> -> memref<128xi32, #tpu.memory_space<vmem>>
        %dma_wait3A_258 = arith.constant 0 : i32
        %dma_wait3A_259 = arith.constant 0 : i32
        %dma_wait3A_260 = tpu.memref_slice %arg2[%dma_wait3A_258, %dma_wait3A_259] : memref<10240x128xf32, #tpu.memory_space<hbm>> -> memref<10240x128xf32, #tpu.memory_space<hbm>>
        tpu.wait_indirect_dma semaphore(%arg25 : memref<!tpu.dma_semaphore, #tpu.memory_space<semaphore_mem>>) src(%dma_wait3A_260 : memref<10240x128xf32, #tpu.memory_space<hbm>>) dst(%arg15 : memref<128x128xf32, #tpu.memory_space<vmem>>)
        %dma_start3A_261 = arith.constant 1 : i32
        %dma_start3A_262 = arith.constant 0 : i32
        %dma_start3A_263 = tpu.memref_slice %arg9[%dma_start3A_261, %dma_start3A_262] : memref<2x128xi32, #tpu.memory_space<vmem>> -> memref<1x128xi32, #tpu.memory_space<vmem>>
        %dma_start3A_264 = tpu.memref_squeeze %dma_start3A_263 : memref<1x128xi32, #tpu.memory_space<vmem>> -> memref<128xi32, #tpu.memory_space<vmem>>
        %dma_start3A_265 = arith.constant 0 : i32
        %dma_start3A_266 = arith.constant 0 : i32
        %dma_start3A_267 = tpu.memref_slice %arg6[%dma_start3A_265, %dma_start3A_266] : memref<10240x128xf32, #tpu.memory_space<vmem_shared>> -> memref<10240x128xf32, #tpu.memory_space<vmem_shared>>
        tpu.enqueue_indirect_dma source(%arg15 : memref<128x128xf32, #tpu.memory_space<vmem>>) target(%dma_start3A_267 : memref<10240x128xf32, #tpu.memory_space<vmem_shared>>) offsets(%dma_start3A_264 : memref<128xi32, #tpu.memory_space<vmem>>) semaphore(%arg27 : memref<!tpu.dma_semaphore, #tpu.memory_space<semaphore_mem>>) {add = true}
      } else {
      }
      %add3A_178 = arith.constant 2 : i32
      %add3A_179 = arith.addi %add3A_173, %add3A_178 : i32
      %lt3A_180 = arith.cmpi slt, %add3A_179, %select_n3A : i32
      %convert_element_type3A_181 = arith.extui %lt3A_180 : i1 to i32
      %cond3A_182 = arith.constant 0 : i32
      %cond3A_183 = arith.cmpi ne, %convert_element_type3A_181, %cond3A_182 : i32
      scf.if %cond3A_183 {
        %add3A_254 = arith.constant 2 : i32
        %add3A_255 = arith.addi %add3A_173, %add3A_254 : i32
        %dma_wait3A_256 = arith.constant 0 : i32
        %dma_wait3A_257 = arith.constant 0 : i32
        %dma_wait3A_258 = arith.constant 0 : i32
        %dma_wait3A_259 = tpu.memref_slice %arg3[%dma_wait3A_256, %dma_wait3A_257, %dma_wait3A_258] : memref<2528x2x128xi32, #tpu.memory_space<hbm>> -> memref<1x2x128xi32, #tpu.memory_space<hbm>>
        %dma_wait3A_260 = tpu.memref_squeeze %dma_wait3A_259 : memref<1x2x128xi32, #tpu.memory_space<hbm>> -> memref<2x128xi32, #tpu.memory_space<hbm>>
        %dma_wait3A_261 = arith.constant 0 : i32
        %dma_wait3A_262 = arith.constant 0 : i32
        %dma_wait3A_263 = tpu.memref_slice %arg3[%dma_wait3A_256, %dma_wait3A_261, %dma_wait3A_262] : memref<2528x2x128xi32, #tpu.memory_space<hbm>> -> memref<1x2x128xi32, #tpu.memory_space<hbm>>
        %dma_wait3A_264 = tpu.memref_squeeze %dma_wait3A_263 : memref<1x2x128xi32, #tpu.memory_space<hbm>> -> memref<2x128xi32, #tpu.memory_space<hbm>>
        tpu.wait_dma2 semaphore(%arg21 : memref<!tpu.dma_semaphore, #tpu.memory_space<semaphore_mem>>) src(%dma_wait3A_264 : memref<2x128xi32, #tpu.memory_space<hbm>>) dst(%arg11 : memref<2x128xi32, #tpu.memory_space<vmem>>)
        %dma_wait3A_265 = arith.constant 1 : i32
        %dma_wait3A_266 = arith.constant 0 : i32
        %dma_wait3A_267 = tpu.memref_slice %arg9[%dma_wait3A_265, %dma_wait3A_266] : memref<2x128xi32, #tpu.memory_space<vmem>> -> memref<1x128xi32, #tpu.memory_space<vmem>>
        %dma_wait3A_268 = tpu.memref_squeeze %dma_wait3A_267 : memref<1x128xi32, #tpu.memory_space<vmem>> -> memref<128xi32, #tpu.memory_space<vmem>>
        %dma_wait3A_269 = arith.constant 0 : i32
        %dma_wait3A_270 = arith.constant 0 : i32
        %dma_wait3A_271 = tpu.memref_slice %arg6[%dma_wait3A_269, %dma_wait3A_270] : memref<10240x128xf32, #tpu.memory_space<vmem_shared>> -> memref<10240x128xf32, #tpu.memory_space<vmem_shared>>
        tpu.wait_indirect_dma semaphore(%arg27 : memref<!tpu.dma_semaphore, #tpu.memory_space<semaphore_mem>>) src(%arg15 : memref<128x128xf32, #tpu.memory_space<vmem>>) dst(%dma_wait3A_271 : memref<10240x128xf32, #tpu.memory_space<vmem_shared>>)
        %add3A_272 = arith.constant 8 : i32
        %add3A_273 = arith.addi %add3A_255, %add3A_272 : i32
        %sub3A = arith.constant 2 : i32
        %sub3A_274 = arith.subi %add3A_273, %sub3A : i32
        %lt3A_275 = arith.cmpi slt, %sub3A_274, %select_n3A : i32
        %convert_element_type3A_276 = arith.extui %lt3A_275 : i1 to i32
        %cond3A_277 = arith.constant 0 : i32
        %cond3A_278 = arith.cmpi ne, %convert_element_type3A_276, %cond3A_277 : i32
        scf.if %cond3A_278 {
          %add3A_286 = arith.constant 8 : i32
          %add3A_287 = arith.addi %add3A_255, %add3A_286 : i32
          %sub3A_288 = arith.constant 2 : i32
          %sub3A_289 = arith.subi %add3A_287, %sub3A_288 : i32
          %add3A_290 = arith.addi %select_n3A_10, %sub3A_289 : i32
          %dma_start3A_291 = arith.constant 0 : i32
          %dma_start3A_292 = arith.constant 0 : i32
          %dma_start3A_293 = tpu.memref_slice %arg3[%add3A_290, %dma_start3A_291, %dma_start3A_292] : memref<2528x2x128xi32, #tpu.memory_space<hbm>> -> memref<1x2x128xi32, #tpu.memory_space<hbm>>
          %dma_start3A_294 = tpu.memref_squeeze %dma_start3A_293 : memref<1x2x128xi32, #tpu.memory_space<hbm>> -> memref<2x128xi32, #tpu.memory_space<hbm>>
          %dma_start3A_295 = arith.constant 0 : i32
          %dma_start3A_296 = arith.constant 0 : i32
          %dma_start3A_297 = tpu.memref_slice %arg3[%add3A_290, %dma_start3A_295, %dma_start3A_296] : memref<2528x2x128xi32, #tpu.memory_space<hbm>> -> memref<1x2x128xi32, #tpu.memory_space<hbm>>
          %dma_start3A_298 = tpu.memref_squeeze %dma_start3A_297 : memref<1x2x128xi32, #tpu.memory_space<hbm>> -> memref<2x128xi32, #tpu.memory_space<hbm>>
          tpu.enqueue_dma source(%dma_start3A_298 : memref<2x128xi32, #tpu.memory_space<hbm>>) target(%arg9 : memref<2x128xi32, #tpu.memory_space<vmem>>) target_semaphore(%arg19 : memref<!tpu.dma_semaphore, #tpu.memory_space<semaphore_mem>>)
        } else {
        }
        %dma_start3A_279 = arith.constant 0 : i32
        %dma_start3A_280 = arith.constant 0 : i32
        %dma_start3A_281 = tpu.memref_slice %arg11[%dma_start3A_279, %dma_start3A_280] : memref<2x128xi32, #tpu.memory_space<vmem>> -> memref<1x128xi32, #tpu.memory_space<vmem>>
        %dma_start3A_282 = tpu.memref_squeeze %dma_start3A_281 : memref<1x128xi32, #tpu.memory_space<vmem>> -> memref<128xi32, #tpu.memory_space<vmem>>
        %dma_start3A_283 = arith.constant 0 : i32
        %dma_start3A_284 = arith.constant 0 : i32
        %dma_start3A_285 = tpu.memref_slice %arg2[%dma_start3A_283, %dma_start3A_284] : memref<10240x128xf32, #tpu.memory_space<hbm>> -> memref<10240x128xf32, #tpu.memory_space<hbm>>
        tpu.enqueue_indirect_dma source(%dma_start3A_285 : memref<10240x128xf32, #tpu.memory_space<hbm>>) target(%arg15 : memref<128x128xf32, #tpu.memory_space<vmem>>) offsets(%dma_start3A_282 : memref<128xi32, #tpu.memory_space<vmem>>) semaphore(%arg25 : memref<!tpu.dma_semaphore, #tpu.memory_space<semaphore_mem>>)
      } else {
      }
      %mul3A_184 = arith.constant 8 : i32
      %mul3A_185 = arith.muli %add3A_144, %mul3A_184 : i32
      %add3A_186 = arith.constant 3 : i32
      %add3A_187 = arith.addi %mul3A_185, %add3A_186 : i32
      %lt3A_188 = arith.cmpi slt, %add3A_187, %select_n3A : i32
      %convert_element_type3A_189 = arith.extui %lt3A_188 : i1 to i32
      %cond3A_190 = arith.constant 0 : i32
      %cond3A_191 = arith.cmpi ne, %convert_element_type3A_189, %cond3A_190 : i32
      scf.if %cond3A_191 {
        %dma_wait3A_254 = arith.constant 0 : i32
        %dma_wait3A_255 = arith.constant 0 : i32
        %dma_wait3A_256 = tpu.memref_slice %arg10[%dma_wait3A_254, %dma_wait3A_255] : memref<2x128xi32, #tpu.memory_space<vmem>> -> memref<1x128xi32, #tpu.memory_space<vmem>>
        %dma_wait3A_257 = tpu.memref_squeeze %dma_wait3A_256 : memref<1x128xi32, #tpu.memory_space<vmem>> -> memref<128xi32, #tpu.memory_space<vmem>>
        %dma_wait3A_258 = arith.constant 0 : i32
        %dma_wait3A_259 = arith.constant 0 : i32
        %dma_wait3A_260 = tpu.memref_slice %arg2[%dma_wait3A_258, %dma_wait3A_259] : memref<10240x128xf32, #tpu.memory_space<hbm>> -> memref<10240x128xf32, #tpu.memory_space<hbm>>
        tpu.wait_indirect_dma semaphore(%arg26 : memref<!tpu.dma_semaphore, #tpu.memory_space<semaphore_mem>>) src(%dma_wait3A_260 : memref<10240x128xf32, #tpu.memory_space<hbm>>) dst(%arg16 : memref<128x128xf32, #tpu.memory_space<vmem>>)
        %dma_start3A_261 = arith.constant 1 : i32
        %dma_start3A_262 = arith.constant 0 : i32
        %dma_start3A_263 = tpu.memref_slice %arg10[%dma_start3A_261, %dma_start3A_262] : memref<2x128xi32, #tpu.memory_space<vmem>> -> memref<1x128xi32, #tpu.memory_space<vmem>>
        %dma_start3A_264 = tpu.memref_squeeze %dma_start3A_263 : memref<1x128xi32, #tpu.memory_space<vmem>> -> memref<128xi32, #tpu.memory_space<vmem>>
        %dma_start3A_265 = arith.constant 0 : i32
        %dma_start3A_266 = arith.constant 0 : i32
        %dma_start3A_267 = tpu.memref_slice %arg6[%dma_start3A_265, %dma_start3A_266] : memref<10240x128xf32, #tpu.memory_space<vmem_shared>> -> memref<10240x128xf32, #tpu.memory_space<vmem_shared>>
        tpu.enqueue_indirect_dma source(%arg16 : memref<128x128xf32, #tpu.memory_space<vmem>>) target(%dma_start3A_267 : memref<10240x128xf32, #tpu.memory_space<vmem_shared>>) offsets(%dma_start3A_264 : memref<128xi32, #tpu.memory_space<vmem>>) semaphore(%arg28 : memref<!tpu.dma_semaphore, #tpu.memory_space<semaphore_mem>>) {add = true}
      } else {
      }
      %add3A_192 = arith.constant 2 : i32
      %add3A_193 = arith.addi %add3A_187, %add3A_192 : i32
      %lt3A_194 = arith.cmpi slt, %add3A_193, %select_n3A : i32
      %convert_element_type3A_195 = arith.extui %lt3A_194 : i1 to i32
      %cond3A_196 = arith.constant 0 : i32
      %cond3A_197 = arith.cmpi ne, %convert_element_type3A_195, %cond3A_196 : i32
      scf.if %cond3A_197 {
        %add3A_254 = arith.constant 2 : i32
        %add3A_255 = arith.addi %add3A_187, %add3A_254 : i32
        %dma_wait3A_256 = arith.constant 0 : i32
        %dma_wait3A_257 = arith.constant 0 : i32
        %dma_wait3A_258 = arith.constant 0 : i32
        %dma_wait3A_259 = tpu.memref_slice %arg3[%dma_wait3A_256, %dma_wait3A_257, %dma_wait3A_258] : memref<2528x2x128xi32, #tpu.memory_space<hbm>> -> memref<1x2x128xi32, #tpu.memory_space<hbm>>
        %dma_wait3A_260 = tpu.memref_squeeze %dma_wait3A_259 : memref<1x2x128xi32, #tpu.memory_space<hbm>> -> memref<2x128xi32, #tpu.memory_space<hbm>>
        %dma_wait3A_261 = arith.constant 0 : i32
        %dma_wait3A_262 = arith.constant 0 : i32
        %dma_wait3A_263 = tpu.memref_slice %arg3[%dma_wait3A_256, %dma_wait3A_261, %dma_wait3A_262] : memref<2528x2x128xi32, #tpu.memory_space<hbm>> -> memref<1x2x128xi32, #tpu.memory_space<hbm>>
        %dma_wait3A_264 = tpu.memref_squeeze %dma_wait3A_263 : memref<1x2x128xi32, #tpu.memory_space<hbm>> -> memref<2x128xi32, #tpu.memory_space<hbm>>
        tpu.wait_dma2 semaphore(%arg22 : memref<!tpu.dma_semaphore, #tpu.memory_space<semaphore_mem>>) src(%dma_wait3A_264 : memref<2x128xi32, #tpu.memory_space<hbm>>) dst(%arg12 : memref<2x128xi32, #tpu.memory_space<vmem>>)
        %dma_wait3A_265 = arith.constant 1 : i32
        %dma_wait3A_266 = arith.constant 0 : i32
        %dma_wait3A_267 = tpu.memref_slice %arg10[%dma_wait3A_265, %dma_wait3A_266] : memref<2x128xi32, #tpu.memory_space<vmem>> -> memref<1x128xi32, #tpu.memory_space<vmem>>
        %dma_wait3A_268 = tpu.memref_squeeze %dma_wait3A_267 : memref<1x128xi32, #tpu.memory_space<vmem>> -> memref<128xi32, #tpu.memory_space<vmem>>
        %dma_wait3A_269 = arith.constant 0 : i32
        %dma_wait3A_270 = arith.constant 0 : i32
        %dma_wait3A_271 = tpu.memref_slice %arg6[%dma_wait3A_269, %dma_wait3A_270] : memref<10240x128xf32, #tpu.memory_space<vmem_shared>> -> memref<10240x128xf32, #tpu.memory_space<vmem_shared>>
        tpu.wait_indirect_dma semaphore(%arg28 : memref<!tpu.dma_semaphore, #tpu.memory_space<semaphore_mem>>) src(%arg16 : memref<128x128xf32, #tpu.memory_space<vmem>>) dst(%dma_wait3A_271 : memref<10240x128xf32, #tpu.memory_space<vmem_shared>>)
        %add3A_272 = arith.constant 8 : i32
        %add3A_273 = arith.addi %add3A_255, %add3A_272 : i32
        %sub3A = arith.constant 2 : i32
        %sub3A_274 = arith.subi %add3A_273, %sub3A : i32
        %lt3A_275 = arith.cmpi slt, %sub3A_274, %select_n3A : i32
        %convert_element_type3A_276 = arith.extui %lt3A_275 : i1 to i32
        %cond3A_277 = arith.constant 0 : i32
        %cond3A_278 = arith.cmpi ne, %convert_element_type3A_276, %cond3A_277 : i32
        scf.if %cond3A_278 {
          %add3A_286 = arith.constant 8 : i32
          %add3A_287 = arith.addi %add3A_255, %add3A_286 : i32
          %sub3A_288 = arith.constant 2 : i32
          %sub3A_289 = arith.subi %add3A_287, %sub3A_288 : i32
          %add3A_290 = arith.addi %select_n3A_10, %sub3A_289 : i32
          %dma_start3A_291 = arith.constant 0 : i32
          %dma_start3A_292 = arith.constant 0 : i32
          %dma_start3A_293 = tpu.memref_slice %arg3[%add3A_290, %dma_start3A_291, %dma_start3A_292] : memref<2528x2x128xi32, #tpu.memory_space<hbm>> -> memref<1x2x128xi32, #tpu.memory_space<hbm>>
          %dma_start3A_294 = tpu.memref_squeeze %dma_start3A_293 : memref<1x2x128xi32, #tpu.memory_space<hbm>> -> memref<2x128xi32, #tpu.memory_space<hbm>>
          %dma_start3A_295 = arith.constant 0 : i32
          %dma_start3A_296 = arith.constant 0 : i32
          %dma_start3A_297 = tpu.memref_slice %arg3[%add3A_290, %dma_start3A_295, %dma_start3A_296] : memref<2528x2x128xi32, #tpu.memory_space<hbm>> -> memref<1x2x128xi32, #tpu.memory_space<hbm>>
          %dma_start3A_298 = tpu.memref_squeeze %dma_start3A_297 : memref<1x2x128xi32, #tpu.memory_space<hbm>> -> memref<2x128xi32, #tpu.memory_space<hbm>>
          tpu.enqueue_dma source(%dma_start3A_298 : memref<2x128xi32, #tpu.memory_space<hbm>>) target(%arg10 : memref<2x128xi32, #tpu.memory_space<vmem>>) target_semaphore(%arg20 : memref<!tpu.dma_semaphore, #tpu.memory_space<semaphore_mem>>)
        } else {
        }
        %dma_start3A_279 = arith.constant 0 : i32
        %dma_start3A_280 = arith.constant 0 : i32
        %dma_start3A_281 = tpu.memref_slice %arg12[%dma_start3A_279, %dma_start3A_280] : memref<2x128xi32, #tpu.memory_space<vmem>> -> memref<1x128xi32, #tpu.memory_space<vmem>>
        %dma_start3A_282 = tpu.memref_squeeze %dma_start3A_281 : memref<1x128xi32, #tpu.memory_space<vmem>> -> memref<128xi32, #tpu.memory_space<vmem>>
        %dma_start3A_283 = arith.constant 0 : i32
        %dma_start3A_284 = arith.constant 0 : i32
        %dma_start3A_285 = tpu.memref_slice %arg2[%dma_start3A_283, %dma_start3A_284] : memref<10240x128xf32, #tpu.memory_space<hbm>> -> memref<10240x128xf32, #tpu.memory_space<hbm>>
        tpu.enqueue_indirect_dma source(%dma_start3A_285 : memref<10240x128xf32, #tpu.memory_space<hbm>>) target(%arg16 : memref<128x128xf32, #tpu.memory_space<vmem>>) offsets(%dma_start3A_282 : memref<128xi32, #tpu.memory_space<vmem>>) semaphore(%arg26 : memref<!tpu.dma_semaphore, #tpu.memory_space<semaphore_mem>>)
      } else {
      }
      %mul3A_198 = arith.constant 8 : i32
      %mul3A_199 = arith.muli %add3A_144, %mul3A_198 : i32
      %add3A_200 = arith.constant 4 : i32
      %add3A_201 = arith.addi %mul3A_199, %add3A_200 : i32
      %lt3A_202 = arith.cmpi slt, %add3A_201, %select_n3A : i32
      %convert_element_type3A_203 = arith.extui %lt3A_202 : i1 to i32
      %cond3A_204 = arith.constant 0 : i32
      %cond3A_205 = arith.cmpi ne, %convert_element_type3A_203, %cond3A_204 : i32
      scf.if %cond3A_205 {
        %dma_wait3A_254 = arith.constant 0 : i32
        %dma_wait3A_255 = arith.constant 0 : i32
        %dma_wait3A_256 = tpu.memref_slice %arg11[%dma_wait3A_254, %dma_wait3A_255] : memref<2x128xi32, #tpu.memory_space<vmem>> -> memref<1x128xi32, #tpu.memory_space<vmem>>
        %dma_wait3A_257 = tpu.memref_squeeze %dma_wait3A_256 : memref<1x128xi32, #tpu.memory_space<vmem>> -> memref<128xi32, #tpu.memory_space<vmem>>
        %dma_wait3A_258 = arith.constant 0 : i32
        %dma_wait3A_259 = arith.constant 0 : i32
        %dma_wait3A_260 = tpu.memref_slice %arg2[%dma_wait3A_258, %dma_wait3A_259] : memref<10240x128xf32, #tpu.memory_space<hbm>> -> memref<10240x128xf32, #tpu.memory_space<hbm>>
        tpu.wait_indirect_dma semaphore(%arg25 : memref<!tpu.dma_semaphore, #tpu.memory_space<semaphore_mem>>) src(%dma_wait3A_260 : memref<10240x128xf32, #tpu.memory_space<hbm>>) dst(%arg15 : memref<128x128xf32, #tpu.memory_space<vmem>>)
        %dma_start3A_261 = arith.constant 1 : i32
        %dma_start3A_262 = arith.constant 0 : i32
        %dma_start3A_263 = tpu.memref_slice %arg11[%dma_start3A_261, %dma_start3A_262] : memref<2x128xi32, #tpu.memory_space<vmem>> -> memref<1x128xi32, #tpu.memory_space<vmem>>
        %dma_start3A_264 = tpu.memref_squeeze %dma_start3A_263 : memref<1x128xi32, #tpu.memory_space<vmem>> -> memref<128xi32, #tpu.memory_space<vmem>>
        %dma_start3A_265 = arith.constant 0 : i32
        %dma_start3A_266 = arith.constant 0 : i32
        %dma_start3A_267 = tpu.memref_slice %arg6[%dma_start3A_265, %dma_start3A_266] : memref<10240x128xf32, #tpu.memory_space<vmem_shared>> -> memref<10240x128xf32, #tpu.memory_space<vmem_shared>>
        tpu.enqueue_indirect_dma source(%arg15 : memref<128x128xf32, #tpu.memory_space<vmem>>) target(%dma_start3A_267 : memref<10240x128xf32, #tpu.memory_space<vmem_shared>>) offsets(%dma_start3A_264 : memref<128xi32, #tpu.memory_space<vmem>>) semaphore(%arg27 : memref<!tpu.dma_semaphore, #tpu.memory_space<semaphore_mem>>) {add = true}
      } else {
      }
      %add3A_206 = arith.constant 2 : i32
      %add3A_207 = arith.addi %add3A_201, %add3A_206 : i32
      %lt3A_208 = arith.cmpi slt, %add3A_207, %select_n3A : i32
      %convert_element_type3A_209 = arith.extui %lt3A_208 : i1 to i32
      %cond3A_210 = arith.constant 0 : i32
      %cond3A_211 = arith.cmpi ne, %convert_element_type3A_209, %cond3A_210 : i32
      scf.if %cond3A_211 {
        %add3A_254 = arith.constant 2 : i32
        %add3A_255 = arith.addi %add3A_201, %add3A_254 : i32
        %dma_wait3A_256 = arith.constant 0 : i32
        %dma_wait3A_257 = arith.constant 0 : i32
        %dma_wait3A_258 = arith.constant 0 : i32
        %dma_wait3A_259 = tpu.memref_slice %arg3[%dma_wait3A_256, %dma_wait3A_257, %dma_wait3A_258] : memref<2528x2x128xi32, #tpu.memory_space<hbm>> -> memref<1x2x128xi32, #tpu.memory_space<hbm>>
        %dma_wait3A_260 = tpu.memref_squeeze %dma_wait3A_259 : memref<1x2x128xi32, #tpu.memory_space<hbm>> -> memref<2x128xi32, #tpu.memory_space<hbm>>
        %dma_wait3A_261 = arith.constant 0 : i32
        %dma_wait3A_262 = arith.constant 0 : i32
        %dma_wait3A_263 = tpu.memref_slice %arg3[%dma_wait3A_256, %dma_wait3A_261, %dma_wait3A_262] : memref<2528x2x128xi32, #tpu.memory_space<hbm>> -> memref<1x2x128xi32, #tpu.memory_space<hbm>>
        %dma_wait3A_264 = tpu.memref_squeeze %dma_wait3A_263 : memref<1x2x128xi32, #tpu.memory_space<hbm>> -> memref<2x128xi32, #tpu.memory_space<hbm>>
        tpu.wait_dma2 semaphore(%arg23 : memref<!tpu.dma_semaphore, #tpu.memory_space<semaphore_mem>>) src(%dma_wait3A_264 : memref<2x128xi32, #tpu.memory_space<hbm>>) dst(%arg13 : memref<2x128xi32, #tpu.memory_space<vmem>>)
        %dma_wait3A_265 = arith.constant 1 : i32
        %dma_wait3A_266 = arith.constant 0 : i32
        %dma_wait3A_267 = tpu.memref_slice %arg11[%dma_wait3A_265, %dma_wait3A_266] : memref<2x128xi32, #tpu.memory_space<vmem>> -> memref<1x128xi32, #tpu.memory_space<vmem>>
        %dma_wait3A_268 = tpu.memref_squeeze %dma_wait3A_267 : memref<1x128xi32, #tpu.memory_space<vmem>> -> memref<128xi32, #tpu.memory_space<vmem>>
        %dma_wait3A_269 = arith.constant 0 : i32
        %dma_wait3A_270 = arith.constant 0 : i32
        %dma_wait3A_271 = tpu.memref_slice %arg6[%dma_wait3A_269, %dma_wait3A_270] : memref<10240x128xf32, #tpu.memory_space<vmem_shared>> -> memref<10240x128xf32, #tpu.memory_space<vmem_shared>>
        tpu.wait_indirect_dma semaphore(%arg27 : memref<!tpu.dma_semaphore, #tpu.memory_space<semaphore_mem>>) src(%arg15 : memref<128x128xf32, #tpu.memory_space<vmem>>) dst(%dma_wait3A_271 : memref<10240x128xf32, #tpu.memory_space<vmem_shared>>)
        %add3A_272 = arith.constant 8 : i32
        %add3A_273 = arith.addi %add3A_255, %add3A_272 : i32
        %sub3A = arith.constant 2 : i32
        %sub3A_274 = arith.subi %add3A_273, %sub3A : i32
        %lt3A_275 = arith.cmpi slt, %sub3A_274, %select_n3A : i32
        %convert_element_type3A_276 = arith.extui %lt3A_275 : i1 to i32
        %cond3A_277 = arith.constant 0 : i32
        %cond3A_278 = arith.cmpi ne, %convert_element_type3A_276, %cond3A_277 : i32
        scf.if %cond3A_278 {
          %add3A_286 = arith.constant 8 : i32
          %add3A_287 = arith.addi %add3A_255, %add3A_286 : i32
          %sub3A_288 = arith.constant 2 : i32
          %sub3A_289 = arith.subi %add3A_287, %sub3A_288 : i32
          %add3A_290 = arith.addi %select_n3A_10, %sub3A_289 : i32
          %dma_start3A_291 = arith.constant 0 : i32
          %dma_start3A_292 = arith.constant 0 : i32
          %dma_start3A_293 = tpu.memref_slice %arg3[%add3A_290, %dma_start3A_291, %dma_start3A_292] : memref<2528x2x128xi32, #tpu.memory_space<hbm>> -> memref<1x2x128xi32, #tpu.memory_space<hbm>>
          %dma_start3A_294 = tpu.memref_squeeze %dma_start3A_293 : memref<1x2x128xi32, #tpu.memory_space<hbm>> -> memref<2x128xi32, #tpu.memory_space<hbm>>
          %dma_start3A_295 = arith.constant 0 : i32
          %dma_start3A_296 = arith.constant 0 : i32
          %dma_start3A_297 = tpu.memref_slice %arg3[%add3A_290, %dma_start3A_295, %dma_start3A_296] : memref<2528x2x128xi32, #tpu.memory_space<hbm>> -> memref<1x2x128xi32, #tpu.memory_space<hbm>>
          %dma_start3A_298 = tpu.memref_squeeze %dma_start3A_297 : memref<1x2x128xi32, #tpu.memory_space<hbm>> -> memref<2x128xi32, #tpu.memory_space<hbm>>
          tpu.enqueue_dma source(%dma_start3A_298 : memref<2x128xi32, #tpu.memory_space<hbm>>) target(%arg11 : memref<2x128xi32, #tpu.memory_space<vmem>>) target_semaphore(%arg21 : memref<!tpu.dma_semaphore, #tpu.memory_space<semaphore_mem>>)
        } else {
        }
        %dma_start3A_279 = arith.constant 0 : i32
        %dma_start3A_280 = arith.constant 0 : i32
        %dma_start3A_281 = tpu.memref_slice %arg13[%dma_start3A_279, %dma_start3A_280] : memref<2x128xi32, #tpu.memory_space<vmem>> -> memref<1x128xi32, #tpu.memory_space<vmem>>
        %dma_start3A_282 = tpu.memref_squeeze %dma_start3A_281 : memref<1x128xi32, #tpu.memory_space<vmem>> -> memref<128xi32, #tpu.memory_space<vmem>>
        %dma_start3A_283 = arith.constant 0 : i32
        %dma_start3A_284 = arith.constant 0 : i32
        %dma_start3A_285 = tpu.memref_slice %arg2[%dma_start3A_283, %dma_start3A_284] : memref<10240x128xf32, #tpu.memory_space<hbm>> -> memref<10240x128xf32, #tpu.memory_space<hbm>>
        tpu.enqueue_indirect_dma source(%dma_start3A_285 : memref<10240x128xf32, #tpu.memory_space<hbm>>) target(%arg15 : memref<128x128xf32, #tpu.memory_space<vmem>>) offsets(%dma_start3A_282 : memref<128xi32, #tpu.memory_space<vmem>>) semaphore(%arg25 : memref<!tpu.dma_semaphore, #tpu.memory_space<semaphore_mem>>)
      } else {
      }
      %mul3A_212 = arith.constant 8 : i32
      %mul3A_213 = arith.muli %add3A_144, %mul3A_212 : i32
      %add3A_214 = arith.constant 5 : i32
      %add3A_215 = arith.addi %mul3A_213, %add3A_214 : i32
      %lt3A_216 = arith.cmpi slt, %add3A_215, %select_n3A : i32
      %convert_element_type3A_217 = arith.extui %lt3A_216 : i1 to i32
      %cond3A_218 = arith.constant 0 : i32
      %cond3A_219 = arith.cmpi ne, %convert_element_type3A_217, %cond3A_218 : i32
      scf.if %cond3A_219 {
        %dma_wait3A_254 = arith.constant 0 : i32
        %dma_wait3A_255 = arith.constant 0 : i32
        %dma_wait3A_256 = tpu.memref_slice %arg12[%dma_wait3A_254, %dma_wait3A_255] : memref<2x128xi32, #tpu.memory_space<vmem>> -> memref<1x128xi32, #tpu.memory_space<vmem>>
        %dma_wait3A_257 = tpu.memref_squeeze %dma_wait3A_256 : memref<1x128xi32, #tpu.memory_space<vmem>> -> memref<128xi32, #tpu.memory_space<vmem>>
        %dma_wait3A_258 = arith.constant 0 : i32
        %dma_wait3A_259 = arith.constant 0 : i32
        %dma_wait3A_260 = tpu.memref_slice %arg2[%dma_wait3A_258, %dma_wait3A_259] : memref<10240x128xf32, #tpu.memory_space<hbm>> -> memref<10240x128xf32, #tpu.memory_space<hbm>>
        tpu.wait_indirect_dma semaphore(%arg26 : memref<!tpu.dma_semaphore, #tpu.memory_space<semaphore_mem>>) src(%dma_wait3A_260 : memref<10240x128xf32, #tpu.memory_space<hbm>>) dst(%arg16 : memref<128x128xf32, #tpu.memory_space<vmem>>)
        %dma_start3A_261 = arith.constant 1 : i32
        %dma_start3A_262 = arith.constant 0 : i32
        %dma_start3A_263 = tpu.memref_slice %arg12[%dma_start3A_261, %dma_start3A_262] : memref<2x128xi32, #tpu.memory_space<vmem>> -> memref<1x128xi32, #tpu.memory_space<vmem>>
        %dma_start3A_264 = tpu.memref_squeeze %dma_start3A_263 : memref<1x128xi32, #tpu.memory_space<vmem>> -> memref<128xi32, #tpu.memory_space<vmem>>
        %dma_start3A_265 = arith.constant 0 : i32
        %dma_start3A_266 = arith.constant 0 : i32
        %dma_start3A_267 = tpu.memref_slice %arg6[%dma_start3A_265, %dma_start3A_266] : memref<10240x128xf32, #tpu.memory_space<vmem_shared>> -> memref<10240x128xf32, #tpu.memory_space<vmem_shared>>
        tpu.enqueue_indirect_dma source(%arg16 : memref<128x128xf32, #tpu.memory_space<vmem>>) target(%dma_start3A_267 : memref<10240x128xf32, #tpu.memory_space<vmem_shared>>) offsets(%dma_start3A_264 : memref<128xi32, #tpu.memory_space<vmem>>) semaphore(%arg28 : memref<!tpu.dma_semaphore, #tpu.memory_space<semaphore_mem>>) {add = true}
      } else {
      }
      %add3A_220 = arith.constant 2 : i32
      %add3A_221 = arith.addi %add3A_215, %add3A_220 : i32
      %lt3A_222 = arith.cmpi slt, %add3A_221, %select_n3A : i32
      %convert_element_type3A_223 = arith.extui %lt3A_222 : i1 to i32
      %cond3A_224 = arith.constant 0 : i32
      %cond3A_225 = arith.cmpi ne, %convert_element_type3A_223, %cond3A_224 : i32
      scf.if %cond3A_225 {
        %add3A_254 = arith.constant 2 : i32
        %add3A_255 = arith.addi %add3A_215, %add3A_254 : i32
        %dma_wait3A_256 = arith.constant 0 : i32
        %dma_wait3A_257 = arith.constant 0 : i32
        %dma_wait3A_258 = arith.constant 0 : i32
        %dma_wait3A_259 = tpu.memref_slice %arg3[%dma_wait3A_256, %dma_wait3A_257, %dma_wait3A_258] : memref<2528x2x128xi32, #tpu.memory_space<hbm>> -> memref<1x2x128xi32, #tpu.memory_space<hbm>>
        %dma_wait3A_260 = tpu.memref_squeeze %dma_wait3A_259 : memref<1x2x128xi32, #tpu.memory_space<hbm>> -> memref<2x128xi32, #tpu.memory_space<hbm>>
        %dma_wait3A_261 = arith.constant 0 : i32
        %dma_wait3A_262 = arith.constant 0 : i32
        %dma_wait3A_263 = tpu.memref_slice %arg3[%dma_wait3A_256, %dma_wait3A_261, %dma_wait3A_262] : memref<2528x2x128xi32, #tpu.memory_space<hbm>> -> memref<1x2x128xi32, #tpu.memory_space<hbm>>
        %dma_wait3A_264 = tpu.memref_squeeze %dma_wait3A_263 : memref<1x2x128xi32, #tpu.memory_space<hbm>> -> memref<2x128xi32, #tpu.memory_space<hbm>>
        tpu.wait_dma2 semaphore(%arg24 : memref<!tpu.dma_semaphore, #tpu.memory_space<semaphore_mem>>) src(%dma_wait3A_264 : memref<2x128xi32, #tpu.memory_space<hbm>>) dst(%arg14 : memref<2x128xi32, #tpu.memory_space<vmem>>)
        %dma_wait3A_265 = arith.constant 1 : i32
        %dma_wait3A_266 = arith.constant 0 : i32
        %dma_wait3A_267 = tpu.memref_slice %arg12[%dma_wait3A_265, %dma_wait3A_266] : memref<2x128xi32, #tpu.memory_space<vmem>> -> memref<1x128xi32, #tpu.memory_space<vmem>>
        %dma_wait3A_268 = tpu.memref_squeeze %dma_wait3A_267 : memref<1x128xi32, #tpu.memory_space<vmem>> -> memref<128xi32, #tpu.memory_space<vmem>>
        %dma_wait3A_269 = arith.constant 0 : i32
        %dma_wait3A_270 = arith.constant 0 : i32
        %dma_wait3A_271 = tpu.memref_slice %arg6[%dma_wait3A_269, %dma_wait3A_270] : memref<10240x128xf32, #tpu.memory_space<vmem_shared>> -> memref<10240x128xf32, #tpu.memory_space<vmem_shared>>
        tpu.wait_indirect_dma semaphore(%arg28 : memref<!tpu.dma_semaphore, #tpu.memory_space<semaphore_mem>>) src(%arg16 : memref<128x128xf32, #tpu.memory_space<vmem>>) dst(%dma_wait3A_271 : memref<10240x128xf32, #tpu.memory_space<vmem_shared>>)
        %add3A_272 = arith.constant 8 : i32
        %add3A_273 = arith.addi %add3A_255, %add3A_272 : i32
        %sub3A = arith.constant 2 : i32
        %sub3A_274 = arith.subi %add3A_273, %sub3A : i32
        %lt3A_275 = arith.cmpi slt, %sub3A_274, %select_n3A : i32
        %convert_element_type3A_276 = arith.extui %lt3A_275 : i1 to i32
        %cond3A_277 = arith.constant 0 : i32
        %cond3A_278 = arith.cmpi ne, %convert_element_type3A_276, %cond3A_277 : i32
        scf.if %cond3A_278 {
          %add3A_286 = arith.constant 8 : i32
          %add3A_287 = arith.addi %add3A_255, %add3A_286 : i32
          %sub3A_288 = arith.constant 2 : i32
          %sub3A_289 = arith.subi %add3A_287, %sub3A_288 : i32
          %add3A_290 = arith.addi %select_n3A_10, %sub3A_289 : i32
          %dma_start3A_291 = arith.constant 0 : i32
          %dma_start3A_292 = arith.constant 0 : i32
          %dma_start3A_293 = tpu.memref_slice %arg3[%add3A_290, %dma_start3A_291, %dma_start3A_292] : memref<2528x2x128xi32, #tpu.memory_space<hbm>> -> memref<1x2x128xi32, #tpu.memory_space<hbm>>
          %dma_start3A_294 = tpu.memref_squeeze %dma_start3A_293 : memref<1x2x128xi32, #tpu.memory_space<hbm>> -> memref<2x128xi32, #tpu.memory_space<hbm>>
          %dma_start3A_295 = arith.constant 0 : i32
          %dma_start3A_296 = arith.constant 0 : i32
          %dma_start3A_297 = tpu.memref_slice %arg3[%add3A_290, %dma_start3A_295, %dma_start3A_296] : memref<2528x2x128xi32, #tpu.memory_space<hbm>> -> memref<1x2x128xi32, #tpu.memory_space<hbm>>
          %dma_start3A_298 = tpu.memref_squeeze %dma_start3A_297 : memref<1x2x128xi32, #tpu.memory_space<hbm>> -> memref<2x128xi32, #tpu.memory_space<hbm>>
          tpu.enqueue_dma source(%dma_start3A_298 : memref<2x128xi32, #tpu.memory_space<hbm>>) target(%arg12 : memref<2x128xi32, #tpu.memory_space<vmem>>) target_semaphore(%arg22 : memref<!tpu.dma_semaphore, #tpu.memory_space<semaphore_mem>>)
        } else {
        }
        %dma_start3A_279 = arith.constant 0 : i32
        %dma_start3A_280 = arith.constant 0 : i32
        %dma_start3A_281 = tpu.memref_slice %arg14[%dma_start3A_279, %dma_start3A_280] : memref<2x128xi32, #tpu.memory_space<vmem>> -> memref<1x128xi32, #tpu.memory_space<vmem>>
        %dma_start3A_282 = tpu.memref_squeeze %dma_start3A_281 : memref<1x128xi32, #tpu.memory_space<vmem>> -> memref<128xi32, #tpu.memory_space<vmem>>
        %dma_start3A_283 = arith.constant 0 : i32
        %dma_start3A_284 = arith.constant 0 : i32
        %dma_start3A_285 = tpu.memref_slice %arg2[%dma_start3A_283, %dma_start3A_284] : memref<10240x128xf32, #tpu.memory_space<hbm>> -> memref<10240x128xf32, #tpu.memory_space<hbm>>
        tpu.enqueue_indirect_dma source(%dma_start3A_285 : memref<10240x128xf32, #tpu.memory_space<hbm>>) target(%arg16 : memref<128x128xf32, #tpu.memory_space<vmem>>) offsets(%dma_start3A_282 : memref<128xi32, #tpu.memory_space<vmem>>) semaphore(%arg26 : memref<!tpu.dma_semaphore, #tpu.memory_space<semaphore_mem>>)
      } else {
      }
      %mul3A_226 = arith.constant 8 : i32
      %mul3A_227 = arith.muli %add3A_144, %mul3A_226 : i32
      %add3A_228 = arith.constant 6 : i32
      %add3A_229 = arith.addi %mul3A_227, %add3A_228 : i32
      %lt3A_230 = arith.cmpi slt, %add3A_229, %select_n3A : i32
      %convert_element_type3A_231 = arith.extui %lt3A_230 : i1 to i32
      %cond3A_232 = arith.constant 0 : i32
      %cond3A_233 = arith.cmpi ne, %convert_element_type3A_231, %cond3A_232 : i32
      scf.if %cond3A_233 {
        %dma_wait3A_254 = arith.constant 0 : i32
        %dma_wait3A_255 = arith.constant 0 : i32
        %dma_wait3A_256 = tpu.memref_slice %arg13[%dma_wait3A_254, %dma_wait3A_255] : memref<2x128xi32, #tpu.memory_space<vmem>> -> memref<1x128xi32, #tpu.memory_space<vmem>>
        %dma_wait3A_257 = tpu.memref_squeeze %dma_wait3A_256 : memref<1x128xi32, #tpu.memory_space<vmem>> -> memref<128xi32, #tpu.memory_space<vmem>>
        %dma_wait3A_258 = arith.constant 0 : i32
        %dma_wait3A_259 = arith.constant 0 : i32
        %dma_wait3A_260 = tpu.memref_slice %arg2[%dma_wait3A_258, %dma_wait3A_259] : memref<10240x128xf32, #tpu.memory_space<hbm>> -> memref<10240x128xf32, #tpu.memory_space<hbm>>
        tpu.wait_indirect_dma semaphore(%arg25 : memref<!tpu.dma_semaphore, #tpu.memory_space<semaphore_mem>>) src(%dma_wait3A_260 : memref<10240x128xf32, #tpu.memory_space<hbm>>) dst(%arg15 : memref<128x128xf32, #tpu.memory_space<vmem>>)
        %dma_start3A_261 = arith.constant 1 : i32
        %dma_start3A_262 = arith.constant 0 : i32
        %dma_start3A_263 = tpu.memref_slice %arg13[%dma_start3A_261, %dma_start3A_262] : memref<2x128xi32, #tpu.memory_space<vmem>> -> memref<1x128xi32, #tpu.memory_space<vmem>>
        %dma_start3A_264 = tpu.memref_squeeze %dma_start3A_263 : memref<1x128xi32, #tpu.memory_space<vmem>> -> memref<128xi32, #tpu.memory_space<vmem>>
        %dma_start3A_265 = arith.constant 0 : i32
        %dma_start3A_266 = arith.constant 0 : i32
        %dma_start3A_267 = tpu.memref_slice %arg6[%dma_start3A_265, %dma_start3A_266] : memref<10240x128xf32, #tpu.memory_space<vmem_shared>> -> memref<10240x128xf32, #tpu.memory_space<vmem_shared>>
        tpu.enqueue_indirect_dma source(%arg15 : memref<128x128xf32, #tpu.memory_space<vmem>>) target(%dma_start3A_267 : memref<10240x128xf32, #tpu.memory_space<vmem_shared>>) offsets(%dma_start3A_264 : memref<128xi32, #tpu.memory_space<vmem>>) semaphore(%arg27 : memref<!tpu.dma_semaphore, #tpu.memory_space<semaphore_mem>>) {add = true}
      } else {
      }
      %add3A_234 = arith.constant 2 : i32
      %add3A_235 = arith.addi %add3A_229, %add3A_234 : i32
      %lt3A_236 = arith.cmpi slt, %add3A_235, %select_n3A : i32
      %convert_element_type3A_237 = arith.extui %lt3A_236 : i1 to i32
      %cond3A_238 = arith.constant 0 : i32
      %cond3A_239 = arith.cmpi ne, %convert_element_type3A_237, %cond3A_238 : i32
      scf.if %cond3A_239 {
        %add3A_254 = arith.constant 2 : i32
        %add3A_255 = arith.addi %add3A_229, %add3A_254 : i32
        %dma_wait3A_256 = arith.constant 0 : i32
        %dma_wait3A_257 = arith.constant 0 : i32
        %dma_wait3A_258 = arith.constant 0 : i32
        %dma_wait3A_259 = tpu.memref_slice %arg3[%dma_wait3A_256, %dma_wait3A_257, %dma_wait3A_258] : memref<2528x2x128xi32, #tpu.memory_space<hbm>> -> memref<1x2x128xi32, #tpu.memory_space<hbm>>
        %dma_wait3A_260 = tpu.memref_squeeze %dma_wait3A_259 : memref<1x2x128xi32, #tpu.memory_space<hbm>> -> memref<2x128xi32, #tpu.memory_space<hbm>>
        %dma_wait3A_261 = arith.constant 0 : i32
        %dma_wait3A_262 = arith.constant 0 : i32
        %dma_wait3A_263 = tpu.memref_slice %arg3[%dma_wait3A_256, %dma_wait3A_261, %dma_wait3A_262] : memref<2528x2x128xi32, #tpu.memory_space<hbm>> -> memref<1x2x128xi32, #tpu.memory_space<hbm>>
        %dma_wait3A_264 = tpu.memref_squeeze %dma_wait3A_263 : memref<1x2x128xi32, #tpu.memory_space<hbm>> -> memref<2x128xi32, #tpu.memory_space<hbm>>
        tpu.wait_dma2 semaphore(%arg17 : memref<!tpu.dma_semaphore, #tpu.memory_space<semaphore_mem>>) src(%dma_wait3A_264 : memref<2x128xi32, #tpu.memory_space<hbm>>) dst(%arg7 : memref<2x128xi32, #tpu.memory_space<vmem>>)
        %dma_wait3A_265 = arith.constant 1 : i32
        %dma_wait3A_266 = arith.constant 0 : i32
        %dma_wait3A_267 = tpu.memref_slice %arg13[%dma_wait3A_265, %dma_wait3A_266] : memref<2x128xi32, #tpu.memory_space<vmem>> -> memref<1x128xi32, #tpu.memory_space<vmem>>
        %dma_wait3A_268 = tpu.memref_squeeze %dma_wait3A_267 : memref<1x128xi32, #tpu.memory_space<vmem>> -> memref<128xi32, #tpu.memory_space<vmem>>
        %dma_wait3A_269 = arith.constant 0 : i32
        %dma_wait3A_270 = arith.constant 0 : i32
        %dma_wait3A_271 = tpu.memref_slice %arg6[%dma_wait3A_269, %dma_wait3A_270] : memref<10240x128xf32, #tpu.memory_space<vmem_shared>> -> memref<10240x128xf32, #tpu.memory_space<vmem_shared>>
        tpu.wait_indirect_dma semaphore(%arg27 : memref<!tpu.dma_semaphore, #tpu.memory_space<semaphore_mem>>) src(%arg15 : memref<128x128xf32, #tpu.memory_space<vmem>>) dst(%dma_wait3A_271 : memref<10240x128xf32, #tpu.memory_space<vmem_shared>>)
        %add3A_272 = arith.constant 8 : i32
        %add3A_273 = arith.addi %add3A_255, %add3A_272 : i32
        %sub3A = arith.constant 2 : i32
        %sub3A_274 = arith.subi %add3A_273, %sub3A : i32
        %lt3A_275 = arith.cmpi slt, %sub3A_274, %select_n3A : i32
        %convert_element_type3A_276 = arith.extui %lt3A_275 : i1 to i32
        %cond3A_277 = arith.constant 0 : i32
        %cond3A_278 = arith.cmpi ne, %convert_element_type3A_276, %cond3A_277 : i32
        scf.if %cond3A_278 {
          %add3A_286 = arith.constant 8 : i32
          %add3A_287 = arith.addi %add3A_255, %add3A_286 : i32
          %sub3A_288 = arith.constant 2 : i32
          %sub3A_289 = arith.subi %add3A_287, %sub3A_288 : i32
          %add3A_290 = arith.addi %select_n3A_10, %sub3A_289 : i32
          %dma_start3A_291 = arith.constant 0 : i32
          %dma_start3A_292 = arith.constant 0 : i32
          %dma_start3A_293 = tpu.memref_slice %arg3[%add3A_290, %dma_start3A_291, %dma_start3A_292] : memref<2528x2x128xi32, #tpu.memory_space<hbm>> -> memref<1x2x128xi32, #tpu.memory_space<hbm>>
          %dma_start3A_294 = tpu.memref_squeeze %dma_start3A_293 : memref<1x2x128xi32, #tpu.memory_space<hbm>> -> memref<2x128xi32, #tpu.memory_space<hbm>>
          %dma_start3A_295 = arith.constant 0 : i32
          %dma_start3A_296 = arith.constant 0 : i32
          %dma_start3A_297 = tpu.memref_slice %arg3[%add3A_290, %dma_start3A_295, %dma_start3A_296] : memref<2528x2x128xi32, #tpu.memory_space<hbm>> -> memref<1x2x128xi32, #tpu.memory_space<hbm>>
          %dma_start3A_298 = tpu.memref_squeeze %dma_start3A_297 : memref<1x2x128xi32, #tpu.memory_space<hbm>> -> memref<2x128xi32, #tpu.memory_space<hbm>>
          tpu.enqueue_dma source(%dma_start3A_298 : memref<2x128xi32, #tpu.memory_space<hbm>>) target(%arg13 : memref<2x128xi32, #tpu.memory_space<vmem>>) target_semaphore(%arg23 : memref<!tpu.dma_semaphore, #tpu.memory_space<semaphore_mem>>)
        } else {
        }
        %dma_start3A_279 = arith.constant 0 : i32
        %dma_start3A_280 = arith.constant 0 : i32
        %dma_start3A_281 = tpu.memref_slice %arg7[%dma_start3A_279, %dma_start3A_280] : memref<2x128xi32, #tpu.memory_space<vmem>> -> memref<1x128xi32, #tpu.memory_space<vmem>>
        %dma_start3A_282 = tpu.memref_squeeze %dma_start3A_281 : memref<1x128xi32, #tpu.memory_space<vmem>> -> memref<128xi32, #tpu.memory_space<vmem>>
        %dma_start3A_283 = arith.constant 0 : i32
        %dma_start3A_284 = arith.constant 0 : i32
        %dma_start3A_285 = tpu.memref_slice %arg2[%dma_start3A_283, %dma_start3A_284] : memref<10240x128xf32, #tpu.memory_space<hbm>> -> memref<10240x128xf32, #tpu.memory_space<hbm>>
        tpu.enqueue_indirect_dma source(%dma_start3A_285 : memref<10240x128xf32, #tpu.memory_space<hbm>>) target(%arg15 : memref<128x128xf32, #tpu.memory_space<vmem>>) offsets(%dma_start3A_282 : memref<128xi32, #tpu.memory_space<vmem>>) semaphore(%arg25 : memref<!tpu.dma_semaphore, #tpu.memory_space<semaphore_mem>>)
      } else {
      }
      %mul3A_240 = arith.constant 8 : i32
      %mul3A_241 = arith.muli %add3A_144, %mul3A_240 : i32
      %add3A_242 = arith.constant 7 : i32
      %add3A_243 = arith.addi %mul3A_241, %add3A_242 : i32
      %lt3A_244 = arith.cmpi slt, %add3A_243, %select_n3A : i32
      %convert_element_type3A_245 = arith.extui %lt3A_244 : i1 to i32
      %cond3A_246 = arith.constant 0 : i32
      %cond3A_247 = arith.cmpi ne, %convert_element_type3A_245, %cond3A_246 : i32
      scf.if %cond3A_247 {
        %dma_wait3A_254 = arith.constant 0 : i32
        %dma_wait3A_255 = arith.constant 0 : i32
        %dma_wait3A_256 = tpu.memref_slice %arg14[%dma_wait3A_254, %dma_wait3A_255] : memref<2x128xi32, #tpu.memory_space<vmem>> -> memref<1x128xi32, #tpu.memory_space<vmem>>
        %dma_wait3A_257 = tpu.memref_squeeze %dma_wait3A_256 : memref<1x128xi32, #tpu.memory_space<vmem>> -> memref<128xi32, #tpu.memory_space<vmem>>
        %dma_wait3A_258 = arith.constant 0 : i32
        %dma_wait3A_259 = arith.constant 0 : i32
        %dma_wait3A_260 = tpu.memref_slice %arg2[%dma_wait3A_258, %dma_wait3A_259] : memref<10240x128xf32, #tpu.memory_space<hbm>> -> memref<10240x128xf32, #tpu.memory_space<hbm>>
        tpu.wait_indirect_dma semaphore(%arg26 : memref<!tpu.dma_semaphore, #tpu.memory_space<semaphore_mem>>) src(%dma_wait3A_260 : memref<10240x128xf32, #tpu.memory_space<hbm>>) dst(%arg16 : memref<128x128xf32, #tpu.memory_space<vmem>>)
        %dma_start3A_261 = arith.constant 1 : i32
        %dma_start3A_262 = arith.constant 0 : i32
        %dma_start3A_263 = tpu.memref_slice %arg14[%dma_start3A_261, %dma_start3A_262] : memref<2x128xi32, #tpu.memory_space<vmem>> -> memref<1x128xi32, #tpu.memory_space<vmem>>
        %dma_start3A_264 = tpu.memref_squeeze %dma_start3A_263 : memref<1x128xi32, #tpu.memory_space<vmem>> -> memref<128xi32, #tpu.memory_space<vmem>>
        %dma_start3A_265 = arith.constant 0 : i32
        %dma_start3A_266 = arith.constant 0 : i32
        %dma_start3A_267 = tpu.memref_slice %arg6[%dma_start3A_265, %dma_start3A_266] : memref<10240x128xf32, #tpu.memory_space<vmem_shared>> -> memref<10240x128xf32, #tpu.memory_space<vmem_shared>>
        tpu.enqueue_indirect_dma source(%arg16 : memref<128x128xf32, #tpu.memory_space<vmem>>) target(%dma_start3A_267 : memref<10240x128xf32, #tpu.memory_space<vmem_shared>>) offsets(%dma_start3A_264 : memref<128xi32, #tpu.memory_space<vmem>>) semaphore(%arg28 : memref<!tpu.dma_semaphore, #tpu.memory_space<semaphore_mem>>) {add = true}
      } else {
      }
      %add3A_248 = arith.constant 2 : i32
      %add3A_249 = arith.addi %add3A_243, %add3A_248 : i32
      %lt3A_250 = arith.cmpi slt, %add3A_249, %select_n3A : i32
      %convert_element_type3A_251 = arith.extui %lt3A_250 : i1 to i32
      %cond3A_252 = arith.constant 0 : i32
      %cond3A_253 = arith.cmpi ne, %convert_element_type3A_251, %cond3A_252 : i32
      scf.if %cond3A_253 {
        %add3A_254 = arith.constant 2 : i32
        %add3A_255 = arith.addi %add3A_243, %add3A_254 : i32
        %dma_wait3A_256 = arith.constant 0 : i32
        %dma_wait3A_257 = arith.constant 0 : i32
        %dma_wait3A_258 = arith.constant 0 : i32
        %dma_wait3A_259 = tpu.memref_slice %arg3[%dma_wait3A_256, %dma_wait3A_257, %dma_wait3A_258] : memref<2528x2x128xi32, #tpu.memory_space<hbm>> -> memref<1x2x128xi32, #tpu.memory_space<hbm>>
        %dma_wait3A_260 = tpu.memref_squeeze %dma_wait3A_259 : memref<1x2x128xi32, #tpu.memory_space<hbm>> -> memref<2x128xi32, #tpu.memory_space<hbm>>
        %dma_wait3A_261 = arith.constant 0 : i32
        %dma_wait3A_262 = arith.constant 0 : i32
        %dma_wait3A_263 = tpu.memref_slice %arg3[%dma_wait3A_256, %dma_wait3A_261, %dma_wait3A_262] : memref<2528x2x128xi32, #tpu.memory_space<hbm>> -> memref<1x2x128xi32, #tpu.memory_space<hbm>>
        %dma_wait3A_264 = tpu.memref_squeeze %dma_wait3A_263 : memref<1x2x128xi32, #tpu.memory_space<hbm>> -> memref<2x128xi32, #tpu.memory_space<hbm>>
        tpu.wait_dma2 semaphore(%arg18 : memref<!tpu.dma_semaphore, #tpu.memory_space<semaphore_mem>>) src(%dma_wait3A_264 : memref<2x128xi32, #tpu.memory_space<hbm>>) dst(%arg8 : memref<2x128xi32, #tpu.memory_space<vmem>>)
        %dma_wait3A_265 = arith.constant 1 : i32
        %dma_wait3A_266 = arith.constant 0 : i32
        %dma_wait3A_267 = tpu.memref_slice %arg14[%dma_wait3A_265, %dma_wait3A_266] : memref<2x128xi32, #tpu.memory_space<vmem>> -> memref<1x128xi32, #tpu.memory_space<vmem>>
        %dma_wait3A_268 = tpu.memref_squeeze %dma_wait3A_267 : memref<1x128xi32, #tpu.memory_space<vmem>> -> memref<128xi32, #tpu.memory_space<vmem>>
        %dma_wait3A_269 = arith.constant 0 : i32
        %dma_wait3A_270 = arith.constant 0 : i32
        %dma_wait3A_271 = tpu.memref_slice %arg6[%dma_wait3A_269, %dma_wait3A_270] : memref<10240x128xf32, #tpu.memory_space<vmem_shared>> -> memref<10240x128xf32, #tpu.memory_space<vmem_shared>>
        tpu.wait_indirect_dma semaphore(%arg28 : memref<!tpu.dma_semaphore, #tpu.memory_space<semaphore_mem>>) src(%arg16 : memref<128x128xf32, #tpu.memory_space<vmem>>) dst(%dma_wait3A_271 : memref<10240x128xf32, #tpu.memory_space<vmem_shared>>)
        %add3A_272 = arith.constant 8 : i32
        %add3A_273 = arith.addi %add3A_255, %add3A_272 : i32
        %sub3A = arith.constant 2 : i32
        %sub3A_274 = arith.subi %add3A_273, %sub3A : i32
        %lt3A_275 = arith.cmpi slt, %sub3A_274, %select_n3A : i32
        %convert_element_type3A_276 = arith.extui %lt3A_275 : i1 to i32
        %cond3A_277 = arith.constant 0 : i32
        %cond3A_278 = arith.cmpi ne, %convert_element_type3A_276, %cond3A_277 : i32
        scf.if %cond3A_278 {
          %add3A_286 = arith.constant 8 : i32
          %add3A_287 = arith.addi %add3A_255, %add3A_286 : i32
          %sub3A_288 = arith.constant 2 : i32
          %sub3A_289 = arith.subi %add3A_287, %sub3A_288 : i32
          %add3A_290 = arith.addi %select_n3A_10, %sub3A_289 : i32
          %dma_start3A_291 = arith.constant 0 : i32
          %dma_start3A_292 = arith.constant 0 : i32
          %dma_start3A_293 = tpu.memref_slice %arg3[%add3A_290, %dma_start3A_291, %dma_start3A_292] : memref<2528x2x128xi32, #tpu.memory_space<hbm>> -> memref<1x2x128xi32, #tpu.memory_space<hbm>>
          %dma_start3A_294 = tpu.memref_squeeze %dma_start3A_293 : memref<1x2x128xi32, #tpu.memory_space<hbm>> -> memref<2x128xi32, #tpu.memory_space<hbm>>
          %dma_start3A_295 = arith.constant 0 : i32
          %dma_start3A_296 = arith.constant 0 : i32
          %dma_start3A_297 = tpu.memref_slice %arg3[%add3A_290, %dma_start3A_295, %dma_start3A_296] : memref<2528x2x128xi32, #tpu.memory_space<hbm>> -> memref<1x2x128xi32, #tpu.memory_space<hbm>>
          %dma_start3A_298 = tpu.memref_squeeze %dma_start3A_297 : memref<1x2x128xi32, #tpu.memory_space<hbm>> -> memref<2x128xi32, #tpu.memory_space<hbm>>
          tpu.enqueue_dma source(%dma_start3A_298 : memref<2x128xi32, #tpu.memory_space<hbm>>) target(%arg14 : memref<2x128xi32, #tpu.memory_space<vmem>>) target_semaphore(%arg24 : memref<!tpu.dma_semaphore, #tpu.memory_space<semaphore_mem>>)
        } else {
        }
        %dma_start3A_279 = arith.constant 0 : i32
        %dma_start3A_280 = arith.constant 0 : i32
        %dma_start3A_281 = tpu.memref_slice %arg8[%dma_start3A_279, %dma_start3A_280] : memref<2x128xi32, #tpu.memory_space<vmem>> -> memref<1x128xi32, #tpu.memory_space<vmem>>
        %dma_start3A_282 = tpu.memref_squeeze %dma_start3A_281 : memref<1x128xi32, #tpu.memory_space<vmem>> -> memref<128xi32, #tpu.memory_space<vmem>>
        %dma_start3A_283 = arith.constant 0 : i32
        %dma_start3A_284 = arith.constant 0 : i32
        %dma_start3A_285 = tpu.memref_slice %arg2[%dma_start3A_283, %dma_start3A_284] : memref<10240x128xf32, #tpu.memory_space<hbm>> -> memref<10240x128xf32, #tpu.memory_space<hbm>>
        tpu.enqueue_indirect_dma source(%dma_start3A_285 : memref<10240x128xf32, #tpu.memory_space<hbm>>) target(%arg16 : memref<128x128xf32, #tpu.memory_space<vmem>>) offsets(%dma_start3A_282 : memref<128xi32, #tpu.memory_space<vmem>>) semaphore(%arg26 : memref<!tpu.dma_semaphore, #tpu.memory_space<semaphore_mem>>)
      } else {
      }
    }
    %scan3A_124 = arith.constant 16 : i32
    %dma_wait3A_125 = arith.constant 1 : i32
    %dma_wait3A_126 = arith.constant 0 : i32
    %dma_wait3A_127 = tpu.memref_slice %arg7[%dma_wait3A_125, %dma_wait3A_126] : memref<2x128xi32, #tpu.memory_space<vmem>> -> memref<1x128xi32, #tpu.memory_space<vmem>>
    %dma_wait3A_128 = tpu.memref_squeeze %dma_wait3A_127 : memref<1x128xi32, #tpu.memory_space<vmem>> -> memref<128xi32, #tpu.memory_space<vmem>>
    %dma_wait3A_129 = arith.constant 0 : i32
    %dma_wait3A_130 = arith.constant 0 : i32
    %dma_wait3A_131 = tpu.memref_slice %arg6[%dma_wait3A_129, %dma_wait3A_130] : memref<10240x128xf32, #tpu.memory_space<vmem_shared>> -> memref<10240x128xf32, #tpu.memory_space<vmem_shared>>
    tpu.wait_indirect_dma semaphore(%arg27 : memref<!tpu.dma_semaphore, #tpu.memory_space<semaphore_mem>>) src(%arg15 : memref<128x128xf32, #tpu.memory_space<vmem>>) dst(%dma_wait3A_131 : memref<10240x128xf32, #tpu.memory_space<vmem_shared>>)
    %dma_wait3A_132 = arith.constant 1 : i32
    %dma_wait3A_133 = arith.constant 0 : i32
    %dma_wait3A_134 = tpu.memref_slice %arg8[%dma_wait3A_132, %dma_wait3A_133] : memref<2x128xi32, #tpu.memory_space<vmem>> -> memref<1x128xi32, #tpu.memory_space<vmem>>
    %dma_wait3A_135 = tpu.memref_squeeze %dma_wait3A_134 : memref<1x128xi32, #tpu.memory_space<vmem>> -> memref<128xi32, #tpu.memory_space<vmem>>
    %dma_wait3A_136 = arith.constant 0 : i32
    %dma_wait3A_137 = arith.constant 0 : i32
    %dma_wait3A_138 = tpu.memref_slice %arg6[%dma_wait3A_136, %dma_wait3A_137] : memref<10240x128xf32, #tpu.memory_space<vmem_shared>> -> memref<10240x128xf32, #tpu.memory_space<vmem_shared>>
    tpu.wait_indirect_dma semaphore(%arg28 : memref<!tpu.dma_semaphore, #tpu.memory_space<semaphore_mem>>) src(%arg16 : memref<128x128xf32, #tpu.memory_space<vmem>>) dst(%dma_wait3A_138 : memref<10240x128xf32, #tpu.memory_space<vmem_shared>>)
    %barrier3A_139 = arith.constant 0 : index
    tpu.barrier barrier_id(%barrier3A_139)
    "tpu.region"() ({
      %run_scoped3A = tpu.sem_alloc : memref<!tpu.dma_semaphore, #tpu.memory_space<semaphore_mem>>
      %dma_start3A_140 = arith.constant 0 : i32
      %dma_start3A_141 = tpu.memref_slice %arg5[%arg0, %mul3A_0, %dma_start3A_140] : memref<2x10240x128xf32, #tpu.memory_space<hbm>> -> memref<1x640x128xf32, #tpu.memory_space<hbm>>
      %dma_start3A_142 = tpu.memref_squeeze %dma_start3A_141 : memref<1x640x128xf32, #tpu.memory_space<hbm>> -> memref<640x128xf32, #tpu.memory_space<hbm>>
      %dma_start3A_143 = arith.constant 0 : i32
      %dma_start3A_144 = tpu.memref_slice %arg6[%mul3A_0, %dma_start3A_143] : memref<10240x128xf32, #tpu.memory_space<vmem_shared>> -> memref<640x128xf32, #tpu.memory_space<vmem_shared>>
      tpu.enqueue_dma source(%dma_start3A_144 : memref<640x128xf32, #tpu.memory_space<vmem_shared>>) target(%dma_start3A_142 : memref<640x128xf32, #tpu.memory_space<hbm>>) target_semaphore(%run_scoped3A : memref<!tpu.dma_semaphore, #tpu.memory_space<semaphore_mem>>)
      %dma_wait3A_145 = arith.constant 0 : i32
      %dma_wait3A_146 = tpu.memref_slice %arg5[%arg0, %mul3A_0, %dma_wait3A_145] : memref<2x10240x128xf32, #tpu.memory_space<hbm>> -> memref<1x640x128xf32, #tpu.memory_space<hbm>>
      %dma_wait3A_147 = tpu.memref_squeeze %dma_wait3A_146 : memref<1x640x128xf32, #tpu.memory_space<hbm>> -> memref<640x128xf32, #tpu.memory_space<hbm>>
      %dma_wait3A_148 = arith.constant 0 : i32
      %dma_wait3A_149 = tpu.memref_slice %arg6[%mul3A_0, %dma_wait3A_148] : memref<10240x128xf32, #tpu.memory_space<vmem_shared>> -> memref<640x128xf32, #tpu.memory_space<vmem_shared>>
      tpu.wait_dma2 semaphore(%run_scoped3A : memref<!tpu.dma_semaphore, #tpu.memory_space<semaphore_mem>>) src(%dma_wait3A_149 : memref<640x128xf32, #tpu.memory_space<vmem_shared>>) dst(%dma_wait3A_147 : memref<640x128xf32, #tpu.memory_space<hbm>>)
      tpu.yield
    }) : () -> ()
    return
  }
}

#map = affine_map<(d0, d1) -> (0, 0)>
#map1 = affine_map<(d0, d1) -> (0, 0, 0)>
module attributes {stable_mosaic.version = 14 : i64} {
  func.func @_scatter_body(%arg0: i32, %arg1: i32, %arg2: memref<10240x128xf32, #tpu.memory_space<hbm>>, %arg3: memref<2528x2x128xi32, #tpu.memory_space<hbm>>, %arg4: memref<10240x128xf32, #tpu.memory_space<hbm>>, %arg5: memref<2x10240x128xf32, #tpu.memory_space<hbm>>, %arg6: memref<10240x128xf32, #tpu.memory_space<vmem_shared>>, %arg7: memref<2x128xi32, #tpu.memory_space<vmem>>, %arg8: memref<2x128xi32, #tpu.memory_space<vmem>>, %arg9: memref<2x128xi32, #tpu.memory_space<vmem>>, %arg10: memref<2x128xi32, #tpu.memory_space<vmem>>, %arg11: memref<2x128xi32, #tpu.memory_space<vmem>>, %arg12: memref<2x128xi32, #tpu.memory_space<vmem>>, %arg13: memref<2x128xi32, #tpu.memory_space<vmem>>, %arg14: memref<2x128xi32, #tpu.memory_space<vmem>>, %arg15: memref<128x128xf32, #tpu.memory_space<vmem>>, %arg16: memref<128x128xf32, #tpu.memory_space<vmem>>, %arg17: memref<!tpu.dma_semaphore, #tpu.memory_space<semaphore_mem>>, %arg18: memref<!tpu.dma_semaphore, #tpu.memory_space<semaphore_mem>>, %arg19: memref<!tpu.dma_semaphore, #tpu.memory_space<semaphore_mem>>, %arg20: memref<!tpu.dma_semaphore, #tpu.memory_space<semaphore_mem>>, %arg21: memref<!tpu.dma_semaphore, #tpu.memory_space<semaphore_mem>>, %arg22: memref<!tpu.dma_semaphore, #tpu.memory_space<semaphore_mem>>, %arg23: memref<!tpu.dma_semaphore, #tpu.memory_space<semaphore_mem>>, %arg24: memref<!tpu.dma_semaphore, #tpu.memory_space<semaphore_mem>>, %arg25: memref<!tpu.dma_semaphore, #tpu.memory_space<semaphore_mem>>, %arg26: memref<!tpu.dma_semaphore, #tpu.memory_space<semaphore_mem>>, %arg27: memref<!tpu.dma_semaphore, #tpu.memory_space<semaphore_mem>>, %arg28: memref<!tpu.dma_semaphore, #tpu.memory_space<semaphore_mem>>) attributes {dimension_semantics = [#tpu.dimension_semantics<core_parallel>, #tpu.dimension_semantics<subcore_parallel>], iteration_bounds = array<i64: 2, 16>, scalar_prefetch = 0 : i64, scratch_operands = 23 : i64, tpu.core_type = #tpu.core_type<sc_vector_subcore>, window_params = [{transform_indices = #map}, {transform_indices = #map1}, {transform_indices = #map}, {transform_indices = #map1}]} {
    %mul3A = arith.constant 640 : i32
    %mul3A_0 = arith.muli %arg1, %mul3A : i32
    %eq3A = arith.constant 0 : i32
    %eq3A_1 = arith.cmpi eq, %arg0, %eq3A : i32
    %jit3A = arith.constant 126 : i32
    %jit3A_2 = arith.constant 32 : i32
    %select_n3A = arith.select %eq3A_1, %jit3A, %jit3A_2 : i32
    %eq3A_3 = arith.constant 0 : i32
    %eq3A_4 = arith.cmpi eq, %arg0, %eq3A_3 : i32
    %mul3A_5 = arith.constant 126 : i32
    %mul3A_6 = arith.muli %arg1, %mul3A_5 : i32
    %mul3A_7 = arith.constant 32 : i32
    %mul3A_8 = arith.muli %arg1, %mul3A_7 : i32
    %add3A = arith.constant 2016 : i32
    %add3A_9 = arith.addi %add3A, %mul3A_8 : i32
    %select_n3A_10 = arith.select %eq3A_4, %mul3A_6, %add3A_9 : i32
    "tpu.region"() ({
      %run_scoped3A = tpu.sem_alloc : memref<!tpu.dma_semaphore, #tpu.memory_space<semaphore_mem>>
      %dma_start3A_140 = arith.constant 0 : i32
      %dma_start3A_141 = tpu.memref_slice %arg6[%mul3A_0, %dma_start3A_140] : memref<10240x128xf32, #tpu.memory_space<vmem_shared>> -> memref<640x128xf32, #tpu.memory_space<vmem_shared>>
      %dma_start3A_142 = arith.constant 0 : i32
      %dma_start3A_143 = tpu.memref_slice %arg4[%mul3A_0, %dma_start3A_142] : memref<10240x128xf32, #tpu.memory_space<hbm>> -> memref<640x128xf32, #tpu.memory_space<hbm>>
      tpu.enqueue_dma source(%dma_start3A_143 : memref<640x128xf32, #tpu.memory_space<hbm>>) target(%dma_start3A_141 : memref<640x128xf32, #tpu.memory_space<vmem_shared>>) target_semaphore(%run_scoped3A : memref<!tpu.dma_semaphore, #tpu.memory_space<semaphore_mem>>)
      %dma_wait3A_144 = arith.constant 0 : i32
      %dma_wait3A_145 = tpu.memref_slice %arg6[%mul3A_0, %dma_wait3A_144] : memref<10240x128xf32, #tpu.memory_space<vmem_shared>> -> memref<640x128xf32, #tpu.memory_space<vmem_shared>>
      %dma_wait3A_146 = arith.constant 0 : i32
      %dma_wait3A_147 = tpu.memref_slice %arg4[%mul3A_0, %dma_wait3A_146] : memref<10240x128xf32, #tpu.memory_space<hbm>> -> memref<640x128xf32, #tpu.memory_space<hbm>>
      tpu.wait_dma2 semaphore(%run_scoped3A : memref<!tpu.dma_semaphore, #tpu.memory_space<semaphore_mem>>) src(%dma_wait3A_147 : memref<640x128xf32, #tpu.memory_space<hbm>>) dst(%dma_wait3A_145 : memref<640x128xf32, #tpu.memory_space<vmem_shared>>)
      tpu.yield
    }) : () -> ()
    %barrier3A = arith.constant 0 : index
    tpu.barrier barrier_id(%barrier3A)
    %add3A_11 = arith.constant 0 : i32
    %add3A_12 = arith.addi %select_n3A_10, %add3A_11 : i32
    %dma_start3A = arith.constant 0 : i32
    %dma_start3A_13 = arith.constant 0 : i32
    %dma_start3A_14 = tpu.memref_slice %arg3[%add3A_12, %dma_start3A, %dma_start3A_13] : memref<2528x2x128xi32, #tpu.memory_space<hbm>> -> memref<1x2x128xi32, #tpu.memory_space<hbm>>
    %dma_start3A_15 = tpu.memref_squeeze %dma_start3A_14 : memref<1x2x128xi32, #tpu.memory_space<hbm>> -> memref<2x128xi32, #tpu.memory_space<hbm>>
    %dma_start3A_16 = arith.constant 0 : i32
    %dma_start3A_17 = arith.constant 0 : i32
    %dma_start3A_18 = tpu.memref_slice %arg3[%add3A_12, %dma_start3A_16, %dma_start3A_17] : memref<2528x2x128xi32, #tpu.memory_space<hbm>> -> memref<1x2x128xi32, #tpu.memory_space<hbm>>
    %dma_start3A_19 = tpu.memref_squeeze %dma_start3A_18 : memref<1x2x128xi32, #tpu.memory_space<hbm>> -> memref<2x128xi32, #tpu.memory_space<hbm>>
    tpu.enqueue_dma source(%dma_start3A_19 : memref<2x128xi32, #tpu.memory_space<hbm>>) target(%arg7 : memref<2x128xi32, #tpu.memory_space<vmem>>) target_semaphore(%arg17 : memref<!tpu.dma_semaphore, #tpu.memory_space<semaphore_mem>>)
    %add3A_20 = arith.constant 1 : i32
    %add3A_21 = arith.addi %select_n3A_10, %add3A_20 : i32
    %dma_start3A_22 = arith.constant 0 : i32
    %dma_start3A_23 = arith.constant 0 : i32
    %dma_start3A_24 = tpu.memref_slice %arg3[%add3A_21, %dma_start3A_22, %dma_start3A_23] : memref<2528x2x128xi32, #tpu.memory_space<hbm>> -> memref<1x2x128xi32, #tpu.memory_space<hbm>>
    %dma_start3A_25 = tpu.memref_squeeze %dma_start3A_24 : memref<1x2x128xi32, #tpu.memory_space<hbm>> -> memref<2x128xi32, #tpu.memory_space<hbm>>
    %dma_start3A_26 = arith.constant 0 : i32
    %dma_start3A_27 = arith.constant 0 : i32
    %dma_start3A_28 = tpu.memref_slice %arg3[%add3A_21, %dma_start3A_26, %dma_start3A_27] : memref<2528x2x128xi32, #tpu.memory_space<hbm>> -> memref<1x2x128xi32, #tpu.memory_space<hbm>>
    %dma_start3A_29 = tpu.memref_squeeze %dma_start3A_28 : memref<1x2x128xi32, #tpu.memory_space<hbm>> -> memref<2x128xi32, #tpu.memory_space<hbm>>
    tpu.enqueue_dma source(%dma_start3A_29 : memref<2x128xi32, #tpu.memory_space<hbm>>) target(%arg8 : memref<2x128xi32, #tpu.memory_space<vmem>>) target_semaphore(%arg18 : memref<!tpu.dma_semaphore, #tpu.memory_space<semaphore_mem>>)
    %add3A_30 = arith.constant 2 : i32
    %add3A_31 = arith.addi %select_n3A_10, %add3A_30 : i32
    %dma_start3A_32 = arith.constant 0 : i32
    %dma_start3A_33 = arith.constant 0 : i32
    %dma_start3A_34 = tpu.memref_slice %arg3[%add3A_31, %dma_start3A_32, %dma_start3A_33] : memref<2528x2x128xi32, #tpu.memory_space<hbm>> -> memref<1x2x128xi32, #tpu.memory_space<hbm>>
    %dma_start3A_35 = tpu.memref_squeeze %dma_start3A_34 : memref<1x2x128xi32, #tpu.memory_space<hbm>> -> memref<2x128xi32, #tpu.memory_space<hbm>>
    %dma_start3A_36 = arith.constant 0 : i32
    %dma_start3A_37 = arith.constant 0 : i32
    %dma_start3A_38 = tpu.memref_slice %arg3[%add3A_31, %dma_start3A_36, %dma_start3A_37] : memref<2528x2x128xi32, #tpu.memory_space<hbm>> -> memref<1x2x128xi32, #tpu.memory_space<hbm>>
    %dma_start3A_39 = tpu.memref_squeeze %dma_start3A_38 : memref<1x2x128xi32, #tpu.memory_space<hbm>> -> memref<2x128xi32, #tpu.memory_space<hbm>>
    tpu.enqueue_dma source(%dma_start3A_39 : memref<2x128xi32, #tpu.memory_space<hbm>>) target(%arg9 : memref<2x128xi32, #tpu.memory_space<vmem>>) target_semaphore(%arg19 : memref<!tpu.dma_semaphore, #tpu.memory_space<semaphore_mem>>)
    %add3A_40 = arith.constant 3 : i32
    %add3A_41 = arith.addi %select_n3A_10, %add3A_40 : i32
    %dma_start3A_42 = arith.constant 0 : i32
    %dma_start3A_43 = arith.constant 0 : i32
    %dma_start3A_44 = tpu.memref_slice %arg3[%add3A_41, %dma_start3A_42, %dma_start3A_43] : memref<2528x2x128xi32, #tpu.memory_space<hbm>> -> memref<1x2x128xi32, #tpu.memory_space<hbm>>
    %dma_start3A_45 = tpu.memref_squeeze %dma_start3A_44 : memref<1x2x128xi32, #tpu.memory_space<hbm>> -> memref<2x128xi32, #tpu.memory_space<hbm>>
    %dma_start3A_46 = arith.constant 0 : i32
    %dma_start3A_47 = arith.constant 0 : i32
    %dma_start3A_48 = tpu.memref_slice %arg3[%add3A_41, %dma_start3A_46, %dma_start3A_47] : memref<2528x2x128xi32, #tpu.memory_space<hbm>> -> memref<1x2x128xi32, #tpu.memory_space<hbm>>
    %dma_start3A_49 = tpu.memref_squeeze %dma_start3A_48 : memref<1x2x128xi32, #tpu.memory_space<hbm>> -> memref<2x128xi32, #tpu.memory_space<hbm>>
    tpu.enqueue_dma source(%dma_start3A_49 : memref<2x128xi32, #tpu.memory_space<hbm>>) target(%arg10 : memref<2x128xi32, #tpu.memory_space<vmem>>) target_semaphore(%arg20 : memref<!tpu.dma_semaphore, #tpu.memory_space<semaphore_mem>>)
    %add3A_50 = arith.constant 4 : i32
    %add3A_51 = arith.addi %select_n3A_10, %add3A_50 : i32
    %dma_start3A_52 = arith.constant 0 : i32
    %dma_start3A_53 = arith.constant 0 : i32
    %dma_start3A_54 = tpu.memref_slice %arg3[%add3A_51, %dma_start3A_52, %dma_start3A_53] : memref<2528x2x128xi32, #tpu.memory_space<hbm>> -> memref<1x2x128xi32, #tpu.memory_space<hbm>>
    %dma_start3A_55 = tpu.memref_squeeze %dma_start3A_54 : memref<1x2x128xi32, #tpu.memory_space<hbm>> -> memref<2x128xi32, #tpu.memory_space<hbm>>
    %dma_start3A_56 = arith.constant 0 : i32
    %dma_start3A_57 = arith.constant 0 : i32
    %dma_start3A_58 = tpu.memref_slice %arg3[%add3A_51, %dma_start3A_56, %dma_start3A_57] : memref<2528x2x128xi32, #tpu.memory_space<hbm>> -> memref<1x2x128xi32, #tpu.memory_space<hbm>>
    %dma_start3A_59 = tpu.memref_squeeze %dma_start3A_58 : memref<1x2x128xi32, #tpu.memory_space<hbm>> -> memref<2x128xi32, #tpu.memory_space<hbm>>
    tpu.enqueue_dma source(%dma_start3A_59 : memref<2x128xi32, #tpu.memory_space<hbm>>) target(%arg11 : memref<2x128xi32, #tpu.memory_space<vmem>>) target_semaphore(%arg21 : memref<!tpu.dma_semaphore, #tpu.memory_space<semaphore_mem>>)
    %add3A_60 = arith.constant 5 : i32
    %add3A_61 = arith.addi %select_n3A_10, %add3A_60 : i32
    %dma_start3A_62 = arith.constant 0 : i32
    %dma_start3A_63 = arith.constant 0 : i32
    %dma_start3A_64 = tpu.memref_slice %arg3[%add3A_61, %dma_start3A_62, %dma_start3A_63] : memref<2528x2x128xi32, #tpu.memory_space<hbm>> -> memref<1x2x128xi32, #tpu.memory_space<hbm>>
    %dma_start3A_65 = tpu.memref_squeeze %dma_start3A_64 : memref<1x2x128xi32, #tpu.memory_space<hbm>> -> memref<2x128xi32, #tpu.memory_space<hbm>>
    %dma_start3A_66 = arith.constant 0 : i32
    %dma_start3A_67 = arith.constant 0 : i32
    %dma_start3A_68 = tpu.memref_slice %arg3[%add3A_61, %dma_start3A_66, %dma_start3A_67] : memref<2528x2x128xi32, #tpu.memory_space<hbm>> -> memref<1x2x128xi32, #tpu.memory_space<hbm>>
    %dma_start3A_69 = tpu.memref_squeeze %dma_start3A_68 : memref<1x2x128xi32, #tpu.memory_space<hbm>> -> memref<2x128xi32, #tpu.memory_space<hbm>>
    tpu.enqueue_dma source(%dma_start3A_69 : memref<2x128xi32, #tpu.memory_space<hbm>>) target(%arg12 : memref<2x128xi32, #tpu.memory_space<vmem>>) target_semaphore(%arg22 : memref<!tpu.dma_semaphore, #tpu.memory_space<semaphore_mem>>)
    %add3A_70 = arith.constant 6 : i32
    %add3A_71 = arith.addi %select_n3A_10, %add3A_70 : i32
    %dma_start3A_72 = arith.constant 0 : i32
    %dma_start3A_73 = arith.constant 0 : i32
    %dma_start3A_74 = tpu.memref_slice %arg3[%add3A_71, %dma_start3A_72, %dma_start3A_73] : memref<2528x2x128xi32, #tpu.memory_space<hbm>> -> memref<1x2x128xi32, #tpu.memory_space<hbm>>
    %dma_start3A_75 = tpu.memref_squeeze %dma_start3A_74 : memref<1x2x128xi32, #tpu.memory_space<hbm>> -> memref<2x128xi32, #tpu.memory_space<hbm>>
    %dma_start3A_76 = arith.constant 0 : i32
    %dma_start3A_77 = arith.constant 0 : i32
    %dma_start3A_78 = tpu.memref_slice %arg3[%add3A_71, %dma_start3A_76, %dma_start3A_77] : memref<2528x2x128xi32, #tpu.memory_space<hbm>> -> memref<1x2x128xi32, #tpu.memory_space<hbm>>
    %dma_start3A_79 = tpu.memref_squeeze %dma_start3A_78 : memref<1x2x128xi32, #tpu.memory_space<hbm>> -> memref<2x128xi32, #tpu.memory_space<hbm>>
    tpu.enqueue_dma source(%dma_start3A_79 : memref<2x128xi32, #tpu.memory_space<hbm>>) target(%arg13 : memref<2x128xi32, #tpu.memory_space<vmem>>) target_semaphore(%arg23 : memref<!tpu.dma_semaphore, #tpu.memory_space<semaphore_mem>>)
    %add3A_80 = arith.constant 7 : i32
    %add3A_81 = arith.addi %select_n3A_10, %add3A_80 : i32
    %dma_start3A_82 = arith.constant 0 : i32
    %dma_start3A_83 = arith.constant 0 : i32
    %dma_start3A_84 = tpu.memref_slice %arg3[%add3A_81, %dma_start3A_82, %dma_start3A_83] : memref<2528x2x128xi32, #tpu.memory_space<hbm>> -> memref<1x2x128xi32, #tpu.memory_space<hbm>>
    %dma_start3A_85 = tpu.memref_squeeze %dma_start3A_84 : memref<1x2x128xi32, #tpu.memory_space<hbm>> -> memref<2x128xi32, #tpu.memory_space<hbm>>
    %dma_start3A_86 = arith.constant 0 : i32
    %dma_start3A_87 = arith.constant 0 : i32
    %dma_start3A_88 = tpu.memref_slice %arg3[%add3A_81, %dma_start3A_86, %dma_start3A_87] : memref<2528x2x128xi32, #tpu.memory_space<hbm>> -> memref<1x2x128xi32, #tpu.memory_space<hbm>>
    %dma_start3A_89 = tpu.memref_squeeze %dma_start3A_88 : memref<1x2x128xi32, #tpu.memory_space<hbm>> -> memref<2x128xi32, #tpu.memory_space<hbm>>
    tpu.enqueue_dma source(%dma_start3A_89 : memref<2x128xi32, #tpu.memory_space<hbm>>) target(%arg14 : memref<2x128xi32, #tpu.memory_space<vmem>>) target_semaphore(%arg24 : memref<!tpu.dma_semaphore, #tpu.memory_space<semaphore_mem>>)
    %dma_wait3A = arith.constant 0 : i32
    %dma_wait3A_90 = arith.constant 0 : i32
    %dma_wait3A_91 = arith.constant 0 : i32
    %dma_wait3A_92 = tpu.memref_slice %arg3[%dma_wait3A, %dma_wait3A_90, %dma_wait3A_91] : memref<2528x2x128xi32, #tpu.memory_space<hbm>> -> memref<1x2x128xi32, #tpu.memory_space<hbm>>
    %dma_wait3A_93 = tpu.memref_squeeze %dma_wait3A_92 : memref<1x2x128xi32, #tpu.memory_space<hbm>> -> memref<2x128xi32, #tpu.memory_space<hbm>>
    %dma_wait3A_94 = arith.constant 0 : i32
    %dma_wait3A_95 = arith.constant 0 : i32
    %dma_wait3A_96 = tpu.memref_slice %arg3[%dma_wait3A, %dma_wait3A_94, %dma_wait3A_95] : memref<2528x2x128xi32, #tpu.memory_space<hbm>> -> memref<1x2x128xi32, #tpu.memory_space<hbm>>
    %dma_wait3A_97 = tpu.memref_squeeze %dma_wait3A_96 : memref<1x2x128xi32, #tpu.memory_space<hbm>> -> memref<2x128xi32, #tpu.memory_space<hbm>>
    tpu.wait_dma2 semaphore(%arg17 : memref<!tpu.dma_semaphore, #tpu.memory_space<semaphore_mem>>) src(%dma_wait3A_97 : memref<2x128xi32, #tpu.memory_space<hbm>>) dst(%arg7 : memref<2x128xi32, #tpu.memory_space<vmem>>)
    %dma_start3A_98 = arith.constant 0 : i32
    %dma_start3A_99 = arith.constant 0 : i32
    %dma_start3A_100 = tpu.memref_slice %arg7[%dma_start3A_98, %dma_start3A_99] : memref<2x128xi32, #tpu.memory_space<vmem>> -> memref<1x128xi32, #tpu.memory_space<vmem>>
    %dma_start3A_101 = tpu.memref_squeeze %dma_start3A_100 : memref<1x128xi32, #tpu.memory_space<vmem>> -> memref<128xi32, #tpu.memory_space<vmem>>
    %dma_start3A_102 = arith.constant 0 : i32
    %dma_start3A_103 = arith.constant 0 : i32
    %dma_start3A_104 = tpu.memref_slice %arg2[%dma_start3A_102, %dma_start3A_103] : memref<10240x128xf32, #tpu.memory_space<hbm>> -> memref<10240x128xf32, #tpu.memory_space<hbm>>
    tpu.enqueue_indirect_dma source(%dma_start3A_104 : memref<10240x128xf32, #tpu.memory_space<hbm>>) target(%arg15 : memref<128x128xf32, #tpu.memory_space<vmem>>) offsets(%dma_start3A_101 : memref<128xi32, #tpu.memory_space<vmem>>) semaphore(%arg25 : memref<!tpu.dma_semaphore, #tpu.memory_space<semaphore_mem>>)
    %dma_wait3A_105 = arith.constant 0 : i32
    %dma_wait3A_106 = arith.constant 0 : i32
    %dma_wait3A_107 = arith.constant 0 : i32
    %dma_wait3A_108 = tpu.memref_slice %arg3[%dma_wait3A_105, %dma_wait3A_106, %dma_wait3A_107] : memref<2528x2x128xi32, #tpu.memory_space<hbm>> -> memref<1x2x128xi32, #tpu.memory_space<hbm>>
    %dma_wait3A_109 = tpu.memref_squeeze %dma_wait3A_108 : memref<1x2x128xi32, #tpu.memory_space<hbm>> -> memref<2x128xi32, #tpu.memory_space<hbm>>
    %dma_wait3A_110 = arith.constant 0 : i32
    %dma_wait3A_111 = arith.constant 0 : i32
    %dma_wait3A_112 = tpu.memref_slice %arg3[%dma_wait3A_105, %dma_wait3A_110, %dma_wait3A_111] : memref<2528x2x128xi32, #tpu.memory_space<hbm>> -> memref<1x2x128xi32, #tpu.memory_space<hbm>>
    %dma_wait3A_113 = tpu.memref_squeeze %dma_wait3A_112 : memref<1x2x128xi32, #tpu.memory_space<hbm>> -> memref<2x128xi32, #tpu.memory_space<hbm>>
    tpu.wait_dma2 semaphore(%arg18 : memref<!tpu.dma_semaphore, #tpu.memory_space<semaphore_mem>>) src(%dma_wait3A_113 : memref<2x128xi32, #tpu.memory_space<hbm>>) dst(%arg8 : memref<2x128xi32, #tpu.memory_space<vmem>>)
    %dma_start3A_114 = arith.constant 0 : i32
    %dma_start3A_115 = arith.constant 0 : i32
    %dma_start3A_116 = tpu.memref_slice %arg8[%dma_start3A_114, %dma_start3A_115] : memref<2x128xi32, #tpu.memory_space<vmem>> -> memref<1x128xi32, #tpu.memory_space<vmem>>
    %dma_start3A_117 = tpu.memref_squeeze %dma_start3A_116 : memref<1x128xi32, #tpu.memory_space<vmem>> -> memref<128xi32, #tpu.memory_space<vmem>>
    %dma_start3A_118 = arith.constant 0 : i32
    %dma_start3A_119 = arith.constant 0 : i32
    %dma_start3A_120 = tpu.memref_slice %arg2[%dma_start3A_118, %dma_start3A_119] : memref<10240x128xf32, #tpu.memory_space<hbm>> -> memref<10240x128xf32, #tpu.memory_space<hbm>>
    tpu.enqueue_indirect_dma source(%dma_start3A_120 : memref<10240x128xf32, #tpu.memory_space<hbm>>) target(%arg16 : memref<128x128xf32, #tpu.memory_space<vmem>>) offsets(%dma_start3A_117 : memref<128xi32, #tpu.memory_space<vmem>>) semaphore(%arg26 : memref<!tpu.dma_semaphore, #tpu.memory_space<semaphore_mem>>)
    %scan3A = arith.constant 0 : i32
    %scan3A_121 = arith.constant 16 : i32
    %scan3A_122 = arith.addi %scan3A, %scan3A_121 : i32
    %scan3A_123 = arith.constant 1 : i32
    scf.for %scan3A_140 = %scan3A to %scan3A_122 step %scan3A_123  : i32 {
      %mul3A_141 = arith.constant 1 : i32
      %mul3A_142 = arith.muli %scan3A_140, %mul3A_141 : i32
      %add3A_143 = arith.constant 0 : i32
      %add3A_144 = arith.addi %add3A_143, %mul3A_142 : i32
      %mul3A_145 = arith.constant 8 : i32
      %mul3A_146 = arith.muli %add3A_144, %mul3A_145 : i32
      %add3A_147 = arith.constant 0 : i32
      %add3A_148 = arith.addi %mul3A_146, %add3A_147 : i32
      %lt3A = arith.cmpi slt, %add3A_148, %select_n3A : i32
      %convert_element_type3A = arith.extui %lt3A : i1 to i32
      %cond3A = arith.constant 0 : i32
      %cond3A_149 = arith.cmpi ne, %convert_element_type3A, %cond3A : i32
      scf.if %cond3A_149 {
        %dma_wait3A_254 = arith.constant 0 : i32
        %dma_wait3A_255 = arith.constant 0 : i32
        %dma_wait3A_256 = tpu.memref_slice %arg7[%dma_wait3A_254, %dma_wait3A_255] : memref<2x128xi32, #tpu.memory_space<vmem>> -> memref<1x128xi32, #tpu.memory_space<vmem>>
        %dma_wait3A_257 = tpu.memref_squeeze %dma_wait3A_256 : memref<1x128xi32, #tpu.memory_space<vmem>> -> memref<128xi32, #tpu.memory_space<vmem>>
        %dma_wait3A_258 = arith.constant 0 : i32
        %dma_wait3A_259 = arith.constant 0 : i32
        %dma_wait3A_260 = tpu.memref_slice %arg2[%dma_wait3A_258, %dma_wait3A_259] : memref<10240x128xf32, #tpu.memory_space<hbm>> -> memref<10240x128xf32, #tpu.memory_space<hbm>>
        tpu.wait_indirect_dma semaphore(%arg25 : memref<!tpu.dma_semaphore, #tpu.memory_space<semaphore_mem>>) src(%dma_wait3A_260 : memref<10240x128xf32, #tpu.memory_space<hbm>>) dst(%arg15 : memref<128x128xf32, #tpu.memory_space<vmem>>)
        %dma_start3A_261 = arith.constant 1 : i32
        %dma_start3A_262 = arith.constant 0 : i32
        %dma_start3A_263 = tpu.memref_slice %arg7[%dma_start3A_261, %dma_start3A_262] : memref<2x128xi32, #tpu.memory_space<vmem>> -> memref<1x128xi32, #tpu.memory_space<vmem>>
        %dma_start3A_264 = tpu.memref_squeeze %dma_start3A_263 : memref<1x128xi32, #tpu.memory_space<vmem>> -> memref<128xi32, #tpu.memory_space<vmem>>
        %dma_start3A_265 = arith.constant 0 : i32
        %dma_start3A_266 = arith.constant 0 : i32
        %dma_start3A_267 = tpu.memref_slice %arg6[%dma_start3A_265, %dma_start3A_266] : memref<10240x128xf32, #tpu.memory_space<vmem_shared>> -> memref<10240x128xf32, #tpu.memory_space<vmem_shared>>
        tpu.enqueue_indirect_dma source(%arg15 : memref<128x128xf32, #tpu.memory_space<vmem>>) target(%dma_start3A_267 : memref<10240x128xf32, #tpu.memory_space<vmem_shared>>) offsets(%dma_start3A_264 : memref<128xi32, #tpu.memory_space<vmem>>) semaphore(%arg27 : memref<!tpu.dma_semaphore, #tpu.memory_space<semaphore_mem>>) {add = true}
      } else {
      }
      %add3A_150 = arith.constant 2 : i32
      %add3A_151 = arith.addi %add3A_148, %add3A_150 : i32
      %lt3A_152 = arith.cmpi slt, %add3A_151, %select_n3A : i32
      %convert_element_type3A_153 = arith.extui %lt3A_152 : i1 to i32
      %cond3A_154 = arith.constant 0 : i32
      %cond3A_155 = arith.cmpi ne, %convert_element_type3A_153, %cond3A_154 : i32
      scf.if %cond3A_155 {
        %add3A_254 = arith.constant 2 : i32
        %add3A_255 = arith.addi %add3A_148, %add3A_254 : i32
        %dma_wait3A_256 = arith.constant 0 : i32
        %dma_wait3A_257 = arith.constant 0 : i32
        %dma_wait3A_258 = arith.constant 0 : i32
        %dma_wait3A_259 = tpu.memref_slice %arg3[%dma_wait3A_256, %dma_wait3A_257, %dma_wait3A_258] : memref<2528x2x128xi32, #tpu.memory_space<hbm>> -> memref<1x2x128xi32, #tpu.memory_space<hbm>>
        %dma_wait3A_260 = tpu.memref_squeeze %dma_wait3A_259 : memref<1x2x128xi32, #tpu.memory_space<hbm>> -> memref<2x128xi32, #tpu.memory_space<hbm>>
        %dma_wait3A_261 = arith.constant 0 : i32
        %dma_wait3A_262 = arith.constant 0 : i32
        %dma_wait3A_263 = tpu.memref_slice %arg3[%dma_wait3A_256, %dma_wait3A_261, %dma_wait3A_262] : memref<2528x2x128xi32, #tpu.memory_space<hbm>> -> memref<1x2x128xi32, #tpu.memory_space<hbm>>
        %dma_wait3A_264 = tpu.memref_squeeze %dma_wait3A_263 : memref<1x2x128xi32, #tpu.memory_space<hbm>> -> memref<2x128xi32, #tpu.memory_space<hbm>>
        tpu.wait_dma2 semaphore(%arg19 : memref<!tpu.dma_semaphore, #tpu.memory_space<semaphore_mem>>) src(%dma_wait3A_264 : memref<2x128xi32, #tpu.memory_space<hbm>>) dst(%arg9 : memref<2x128xi32, #tpu.memory_space<vmem>>)
        %dma_wait3A_265 = arith.constant 1 : i32
        %dma_wait3A_266 = arith.constant 0 : i32
        %dma_wait3A_267 = tpu.memref_slice %arg7[%dma_wait3A_265, %dma_wait3A_266] : memref<2x128xi32, #tpu.memory_space<vmem>> -> memref<1x128xi32, #tpu.memory_space<vmem>>
        %dma_wait3A_268 = tpu.memref_squeeze %dma_wait3A_267 : memref<1x128xi32, #tpu.memory_space<vmem>> -> memref<128xi32, #tpu.memory_space<vmem>>
        %dma_wait3A_269 = arith.constant 0 : i32
        %dma_wait3A_270 = arith.constant 0 : i32
        %dma_wait3A_271 = tpu.memref_slice %arg6[%dma_wait3A_269, %dma_wait3A_270] : memref<10240x128xf32, #tpu.memory_space<vmem_shared>> -> memref<10240x128xf32, #tpu.memory_space<vmem_shared>>
        tpu.wait_indirect_dma semaphore(%arg27 : memref<!tpu.dma_semaphore, #tpu.memory_space<semaphore_mem>>) src(%arg15 : memref<128x128xf32, #tpu.memory_space<vmem>>) dst(%dma_wait3A_271 : memref<10240x128xf32, #tpu.memory_space<vmem_shared>>)
        %add3A_272 = arith.constant 8 : i32
        %add3A_273 = arith.addi %add3A_255, %add3A_272 : i32
        %sub3A = arith.constant 2 : i32
        %sub3A_274 = arith.subi %add3A_273, %sub3A : i32
        %lt3A_275 = arith.cmpi slt, %sub3A_274, %select_n3A : i32
        %convert_element_type3A_276 = arith.extui %lt3A_275 : i1 to i32
        %cond3A_277 = arith.constant 0 : i32
        %cond3A_278 = arith.cmpi ne, %convert_element_type3A_276, %cond3A_277 : i32
        scf.if %cond3A_278 {
          %add3A_286 = arith.constant 8 : i32
          %add3A_287 = arith.addi %add3A_255, %add3A_286 : i32
          %sub3A_288 = arith.constant 2 : i32
          %sub3A_289 = arith.subi %add3A_287, %sub3A_288 : i32
          %add3A_290 = arith.addi %select_n3A_10, %sub3A_289 : i32
          %dma_start3A_291 = arith.constant 0 : i32
          %dma_start3A_292 = arith.constant 0 : i32
          %dma_start3A_293 = tpu.memref_slice %arg3[%add3A_290, %dma_start3A_291, %dma_start3A_292] : memref<2528x2x128xi32, #tpu.memory_space<hbm>> -> memref<1x2x128xi32, #tpu.memory_space<hbm>>
          %dma_start3A_294 = tpu.memref_squeeze %dma_start3A_293 : memref<1x2x128xi32, #tpu.memory_space<hbm>> -> memref<2x128xi32, #tpu.memory_space<hbm>>
          %dma_start3A_295 = arith.constant 0 : i32
          %dma_start3A_296 = arith.constant 0 : i32
          %dma_start3A_297 = tpu.memref_slice %arg3[%add3A_290, %dma_start3A_295, %dma_start3A_296] : memref<2528x2x128xi32, #tpu.memory_space<hbm>> -> memref<1x2x128xi32, #tpu.memory_space<hbm>>
          %dma_start3A_298 = tpu.memref_squeeze %dma_start3A_297 : memref<1x2x128xi32, #tpu.memory_space<hbm>> -> memref<2x128xi32, #tpu.memory_space<hbm>>
          tpu.enqueue_dma source(%dma_start3A_298 : memref<2x128xi32, #tpu.memory_space<hbm>>) target(%arg7 : memref<2x128xi32, #tpu.memory_space<vmem>>) target_semaphore(%arg17 : memref<!tpu.dma_semaphore, #tpu.memory_space<semaphore_mem>>)
        } else {
        }
        %dma_start3A_279 = arith.constant 0 : i32
        %dma_start3A_280 = arith.constant 0 : i32
        %dma_start3A_281 = tpu.memref_slice %arg9[%dma_start3A_279, %dma_start3A_280] : memref<2x128xi32, #tpu.memory_space<vmem>> -> memref<1x128xi32, #tpu.memory_space<vmem>>
        %dma_start3A_282 = tpu.memref_squeeze %dma_start3A_281 : memref<1x128xi32, #tpu.memory_space<vmem>> -> memref<128xi32, #tpu.memory_space<vmem>>
        %dma_start3A_283 = arith.constant 0 : i32
        %dma_start3A_284 = arith.constant 0 : i32
        %dma_start3A_285 = tpu.memref_slice %arg2[%dma_start3A_283, %dma_start3A_284] : memref<10240x128xf32, #tpu.memory_space<hbm>> -> memref<10240x128xf32, #tpu.memory_space<hbm>>
        tpu.enqueue_indirect_dma source(%dma_start3A_285 : memref<10240x128xf32, #tpu.memory_space<hbm>>) target(%arg15 : memref<128x128xf32, #tpu.memory_space<vmem>>) offsets(%dma_start3A_282 : memref<128xi32, #tpu.memory_space<vmem>>) semaphore(%arg25 : memref<!tpu.dma_semaphore, #tpu.memory_space<semaphore_mem>>)
      } else {
      }
      %mul3A_156 = arith.constant 8 : i32
      %mul3A_157 = arith.muli %add3A_144, %mul3A_156 : i32
      %add3A_158 = arith.constant 1 : i32
      %add3A_159 = arith.addi %mul3A_157, %add3A_158 : i32
      %lt3A_160 = arith.cmpi slt, %add3A_159, %select_n3A : i32
      %convert_element_type3A_161 = arith.extui %lt3A_160 : i1 to i32
      %cond3A_162 = arith.constant 0 : i32
      %cond3A_163 = arith.cmpi ne, %convert_element_type3A_161, %cond3A_162 : i32
      scf.if %cond3A_163 {
        %dma_wait3A_254 = arith.constant 0 : i32
        %dma_wait3A_255 = arith.constant 0 : i32
        %dma_wait3A_256 = tpu.memref_slice %arg8[%dma_wait3A_254, %dma_wait3A_255] : memref<2x128xi32, #tpu.memory_space<vmem>> -> memref<1x128xi32, #tpu.memory_space<vmem>>
        %dma_wait3A_257 = tpu.memref_squeeze %dma_wait3A_256 : memref<1x128xi32, #tpu.memory_space<vmem>> -> memref<128xi32, #tpu.memory_space<vmem>>
        %dma_wait3A_258 = arith.constant 0 : i32
        %dma_wait3A_259 = arith.constant 0 : i32
        %dma_wait3A_260 = tpu.memref_slice %arg2[%dma_wait3A_258, %dma_wait3A_259] : memref<10240x128xf32, #tpu.memory_space<hbm>> -> memref<10240x128xf32, #tpu.memory_space<hbm>>
        tpu.wait_indirect_dma semaphore(%arg26 : memref<!tpu.dma_semaphore, #tpu.memory_space<semaphore_mem>>) src(%dma_wait3A_260 : memref<10240x128xf32, #tpu.memory_space<hbm>>) dst(%arg16 : memref<128x128xf32, #tpu.memory_space<vmem>>)
        %dma_start3A_261 = arith.constant 1 : i32
        %dma_start3A_262 = arith.constant 0 : i32
        %dma_start3A_263 = tpu.memref_slice %arg8[%dma_start3A_261, %dma_start3A_262] : memref<2x128xi32, #tpu.memory_space<vmem>> -> memref<1x128xi32, #tpu.memory_space<vmem>>
        %dma_start3A_264 = tpu.memref_squeeze %dma_start3A_263 : memref<1x128xi32, #tpu.memory_space<vmem>> -> memref<128xi32, #tpu.memory_space<vmem>>
        %dma_start3A_265 = arith.constant 0 : i32
        %dma_start3A_266 = arith.constant 0 : i32
        %dma_start3A_267 = tpu.memref_slice %arg6[%dma_start3A_265, %dma_start3A_266] : memref<10240x128xf32, #tpu.memory_space<vmem_shared>> -> memref<10240x128xf32, #tpu.memory_space<vmem_shared>>
        tpu.enqueue_indirect_dma source(%arg16 : memref<128x128xf32, #tpu.memory_space<vmem>>) target(%dma_start3A_267 : memref<10240x128xf32, #tpu.memory_space<vmem_shared>>) offsets(%dma_start3A_264 : memref<128xi32, #tpu.memory_space<vmem>>) semaphore(%arg28 : memref<!tpu.dma_semaphore, #tpu.memory_space<semaphore_mem>>) {add = true}
      } else {
      }
      %add3A_164 = arith.constant 2 : i32
      %add3A_165 = arith.addi %add3A_159, %add3A_164 : i32
      %lt3A_166 = arith.cmpi slt, %add3A_165, %select_n3A : i32
      %convert_element_type3A_167 = arith.extui %lt3A_166 : i1 to i32
      %cond3A_168 = arith.constant 0 : i32
      %cond3A_169 = arith.cmpi ne, %convert_element_type3A_167, %cond3A_168 : i32
      scf.if %cond3A_169 {
        %add3A_254 = arith.constant 2 : i32
        %add3A_255 = arith.addi %add3A_159, %add3A_254 : i32
        %dma_wait3A_256 = arith.constant 0 : i32
        %dma_wait3A_257 = arith.constant 0 : i32
        %dma_wait3A_258 = arith.constant 0 : i32
        %dma_wait3A_259 = tpu.memref_slice %arg3[%dma_wait3A_256, %dma_wait3A_257, %dma_wait3A_258] : memref<2528x2x128xi32, #tpu.memory_space<hbm>> -> memref<1x2x128xi32, #tpu.memory_space<hbm>>
        %dma_wait3A_260 = tpu.memref_squeeze %dma_wait3A_259 : memref<1x2x128xi32, #tpu.memory_space<hbm>> -> memref<2x128xi32, #tpu.memory_space<hbm>>
        %dma_wait3A_261 = arith.constant 0 : i32
        %dma_wait3A_262 = arith.constant 0 : i32
        %dma_wait3A_263 = tpu.memref_slice %arg3[%dma_wait3A_256, %dma_wait3A_261, %dma_wait3A_262] : memref<2528x2x128xi32, #tpu.memory_space<hbm>> -> memref<1x2x128xi32, #tpu.memory_space<hbm>>
        %dma_wait3A_264 = tpu.memref_squeeze %dma_wait3A_263 : memref<1x2x128xi32, #tpu.memory_space<hbm>> -> memref<2x128xi32, #tpu.memory_space<hbm>>
        tpu.wait_dma2 semaphore(%arg20 : memref<!tpu.dma_semaphore, #tpu.memory_space<semaphore_mem>>) src(%dma_wait3A_264 : memref<2x128xi32, #tpu.memory_space<hbm>>) dst(%arg10 : memref<2x128xi32, #tpu.memory_space<vmem>>)
        %dma_wait3A_265 = arith.constant 1 : i32
        %dma_wait3A_266 = arith.constant 0 : i32
        %dma_wait3A_267 = tpu.memref_slice %arg8[%dma_wait3A_265, %dma_wait3A_266] : memref<2x128xi32, #tpu.memory_space<vmem>> -> memref<1x128xi32, #tpu.memory_space<vmem>>
        %dma_wait3A_268 = tpu.memref_squeeze %dma_wait3A_267 : memref<1x128xi32, #tpu.memory_space<vmem>> -> memref<128xi32, #tpu.memory_space<vmem>>
        %dma_wait3A_269 = arith.constant 0 : i32
        %dma_wait3A_270 = arith.constant 0 : i32
        %dma_wait3A_271 = tpu.memref_slice %arg6[%dma_wait3A_269, %dma_wait3A_270] : memref<10240x128xf32, #tpu.memory_space<vmem_shared>> -> memref<10240x128xf32, #tpu.memory_space<vmem_shared>>
        tpu.wait_indirect_dma semaphore(%arg28 : memref<!tpu.dma_semaphore, #tpu.memory_space<semaphore_mem>>) src(%arg16 : memref<128x128xf32, #tpu.memory_space<vmem>>) dst(%dma_wait3A_271 : memref<10240x128xf32, #tpu.memory_space<vmem_shared>>)
        %add3A_272 = arith.constant 8 : i32
        %add3A_273 = arith.addi %add3A_255, %add3A_272 : i32
        %sub3A = arith.constant 2 : i32
        %sub3A_274 = arith.subi %add3A_273, %sub3A : i32
        %lt3A_275 = arith.cmpi slt, %sub3A_274, %select_n3A : i32
        %convert_element_type3A_276 = arith.extui %lt3A_275 : i1 to i32
        %cond3A_277 = arith.constant 0 : i32
        %cond3A_278 = arith.cmpi ne, %convert_element_type3A_276, %cond3A_277 : i32
        scf.if %cond3A_278 {
          %add3A_286 = arith.constant 8 : i32
          %add3A_287 = arith.addi %add3A_255, %add3A_286 : i32
          %sub3A_288 = arith.constant 2 : i32
          %sub3A_289 = arith.subi %add3A_287, %sub3A_288 : i32
          %add3A_290 = arith.addi %select_n3A_10, %sub3A_289 : i32
          %dma_start3A_291 = arith.constant 0 : i32
          %dma_start3A_292 = arith.constant 0 : i32
          %dma_start3A_293 = tpu.memref_slice %arg3[%add3A_290, %dma_start3A_291, %dma_start3A_292] : memref<2528x2x128xi32, #tpu.memory_space<hbm>> -> memref<1x2x128xi32, #tpu.memory_space<hbm>>
          %dma_start3A_294 = tpu.memref_squeeze %dma_start3A_293 : memref<1x2x128xi32, #tpu.memory_space<hbm>> -> memref<2x128xi32, #tpu.memory_space<hbm>>
          %dma_start3A_295 = arith.constant 0 : i32
          %dma_start3A_296 = arith.constant 0 : i32
          %dma_start3A_297 = tpu.memref_slice %arg3[%add3A_290, %dma_start3A_295, %dma_start3A_296] : memref<2528x2x128xi32, #tpu.memory_space<hbm>> -> memref<1x2x128xi32, #tpu.memory_space<hbm>>
          %dma_start3A_298 = tpu.memref_squeeze %dma_start3A_297 : memref<1x2x128xi32, #tpu.memory_space<hbm>> -> memref<2x128xi32, #tpu.memory_space<hbm>>
          tpu.enqueue_dma source(%dma_start3A_298 : memref<2x128xi32, #tpu.memory_space<hbm>>) target(%arg8 : memref<2x128xi32, #tpu.memory_space<vmem>>) target_semaphore(%arg18 : memref<!tpu.dma_semaphore, #tpu.memory_space<semaphore_mem>>)
        } else {
        }
        %dma_start3A_279 = arith.constant 0 : i32
        %dma_start3A_280 = arith.constant 0 : i32
        %dma_start3A_281 = tpu.memref_slice %arg10[%dma_start3A_279, %dma_start3A_280] : memref<2x128xi32, #tpu.memory_space<vmem>> -> memref<1x128xi32, #tpu.memory_space<vmem>>
        %dma_start3A_282 = tpu.memref_squeeze %dma_start3A_281 : memref<1x128xi32, #tpu.memory_space<vmem>> -> memref<128xi32, #tpu.memory_space<vmem>>
        %dma_start3A_283 = arith.constant 0 : i32
        %dma_start3A_284 = arith.constant 0 : i32
        %dma_start3A_285 = tpu.memref_slice %arg2[%dma_start3A_283, %dma_start3A_284] : memref<10240x128xf32, #tpu.memory_space<hbm>> -> memref<10240x128xf32, #tpu.memory_space<hbm>>
        tpu.enqueue_indirect_dma source(%dma_start3A_285 : memref<10240x128xf32, #tpu.memory_space<hbm>>) target(%arg16 : memref<128x128xf32, #tpu.memory_space<vmem>>) offsets(%dma_start3A_282 : memref<128xi32, #tpu.memory_space<vmem>>) semaphore(%arg26 : memref<!tpu.dma_semaphore, #tpu.memory_space<semaphore_mem>>)
      } else {
      }
      %mul3A_170 = arith.constant 8 : i32
      %mul3A_171 = arith.muli %add3A_144, %mul3A_170 : i32
      %add3A_172 = arith.constant 2 : i32
      %add3A_173 = arith.addi %mul3A_171, %add3A_172 : i32
      %lt3A_174 = arith.cmpi slt, %add3A_173, %select_n3A : i32
      %convert_element_type3A_175 = arith.extui %lt3A_174 : i1 to i32
      %cond3A_176 = arith.constant 0 : i32
      %cond3A_177 = arith.cmpi ne, %convert_element_type3A_175, %cond3A_176 : i32
      scf.if %cond3A_177 {
        %dma_wait3A_254 = arith.constant 0 : i32
        %dma_wait3A_255 = arith.constant 0 : i32
        %dma_wait3A_256 = tpu.memref_slice %arg9[%dma_wait3A_254, %dma_wait3A_255] : memref<2x128xi32, #tpu.memory_space<vmem>> -> memref<1x128xi32, #tpu.memory_space<vmem>>
        %dma_wait3A_257 = tpu.memref_squeeze %dma_wait3A_256 : memref<1x128xi32, #tpu.memory_space<vmem>> -> memref<128xi32, #tpu.memory_space<vmem>>
        %dma_wait3A_258 = arith.constant 0 : i32
        %dma_wait3A_259 = arith.constant 0 : i32
        %dma_wait3A_260 = tpu.memref_slice %arg2[%dma_wait3A_258, %dma_wait3A_259] : memref<10240x128xf32, #tpu.memory_space<hbm>> -> memref<10240x128xf32, #tpu.memory_space<hbm>>
        tpu.wait_indirect_dma semaphore(%arg25 : memref<!tpu.dma_semaphore, #tpu.memory_space<semaphore_mem>>) src(%dma_wait3A_260 : memref<10240x128xf32, #tpu.memory_space<hbm>>) dst(%arg15 : memref<128x128xf32, #tpu.memory_space<vmem>>)
        %dma_start3A_261 = arith.constant 1 : i32
        %dma_start3A_262 = arith.constant 0 : i32
        %dma_start3A_263 = tpu.memref_slice %arg9[%dma_start3A_261, %dma_start3A_262] : memref<2x128xi32, #tpu.memory_space<vmem>> -> memref<1x128xi32, #tpu.memory_space<vmem>>
        %dma_start3A_264 = tpu.memref_squeeze %dma_start3A_263 : memref<1x128xi32, #tpu.memory_space<vmem>> -> memref<128xi32, #tpu.memory_space<vmem>>
        %dma_start3A_265 = arith.constant 0 : i32
        %dma_start3A_266 = arith.constant 0 : i32
        %dma_start3A_267 = tpu.memref_slice %arg6[%dma_start3A_265, %dma_start3A_266] : memref<10240x128xf32, #tpu.memory_space<vmem_shared>> -> memref<10240x128xf32, #tpu.memory_space<vmem_shared>>
        tpu.enqueue_indirect_dma source(%arg15 : memref<128x128xf32, #tpu.memory_space<vmem>>) target(%dma_start3A_267 : memref<10240x128xf32, #tpu.memory_space<vmem_shared>>) offsets(%dma_start3A_264 : memref<128xi32, #tpu.memory_space<vmem>>) semaphore(%arg27 : memref<!tpu.dma_semaphore, #tpu.memory_space<semaphore_mem>>) {add = true}
      } else {
      }
      %add3A_178 = arith.constant 2 : i32
      %add3A_179 = arith.addi %add3A_173, %add3A_178 : i32
      %lt3A_180 = arith.cmpi slt, %add3A_179, %select_n3A : i32
      %convert_element_type3A_181 = arith.extui %lt3A_180 : i1 to i32
      %cond3A_182 = arith.constant 0 : i32
      %cond3A_183 = arith.cmpi ne, %convert_element_type3A_181, %cond3A_182 : i32
      scf.if %cond3A_183 {
        %add3A_254 = arith.constant 2 : i32
        %add3A_255 = arith.addi %add3A_173, %add3A_254 : i32
        %dma_wait3A_256 = arith.constant 0 : i32
        %dma_wait3A_257 = arith.constant 0 : i32
        %dma_wait3A_258 = arith.constant 0 : i32
        %dma_wait3A_259 = tpu.memref_slice %arg3[%dma_wait3A_256, %dma_wait3A_257, %dma_wait3A_258] : memref<2528x2x128xi32, #tpu.memory_space<hbm>> -> memref<1x2x128xi32, #tpu.memory_space<hbm>>
        %dma_wait3A_260 = tpu.memref_squeeze %dma_wait3A_259 : memref<1x2x128xi32, #tpu.memory_space<hbm>> -> memref<2x128xi32, #tpu.memory_space<hbm>>
        %dma_wait3A_261 = arith.constant 0 : i32
        %dma_wait3A_262 = arith.constant 0 : i32
        %dma_wait3A_263 = tpu.memref_slice %arg3[%dma_wait3A_256, %dma_wait3A_261, %dma_wait3A_262] : memref<2528x2x128xi32, #tpu.memory_space<hbm>> -> memref<1x2x128xi32, #tpu.memory_space<hbm>>
        %dma_wait3A_264 = tpu.memref_squeeze %dma_wait3A_263 : memref<1x2x128xi32, #tpu.memory_space<hbm>> -> memref<2x128xi32, #tpu.memory_space<hbm>>
        tpu.wait_dma2 semaphore(%arg21 : memref<!tpu.dma_semaphore, #tpu.memory_space<semaphore_mem>>) src(%dma_wait3A_264 : memref<2x128xi32, #tpu.memory_space<hbm>>) dst(%arg11 : memref<2x128xi32, #tpu.memory_space<vmem>>)
        %dma_wait3A_265 = arith.constant 1 : i32
        %dma_wait3A_266 = arith.constant 0 : i32
        %dma_wait3A_267 = tpu.memref_slice %arg9[%dma_wait3A_265, %dma_wait3A_266] : memref<2x128xi32, #tpu.memory_space<vmem>> -> memref<1x128xi32, #tpu.memory_space<vmem>>
        %dma_wait3A_268 = tpu.memref_squeeze %dma_wait3A_267 : memref<1x128xi32, #tpu.memory_space<vmem>> -> memref<128xi32, #tpu.memory_space<vmem>>
        %dma_wait3A_269 = arith.constant 0 : i32
        %dma_wait3A_270 = arith.constant 0 : i32
        %dma_wait3A_271 = tpu.memref_slice %arg6[%dma_wait3A_269, %dma_wait3A_270] : memref<10240x128xf32, #tpu.memory_space<vmem_shared>> -> memref<10240x128xf32, #tpu.memory_space<vmem_shared>>
        tpu.wait_indirect_dma semaphore(%arg27 : memref<!tpu.dma_semaphore, #tpu.memory_space<semaphore_mem>>) src(%arg15 : memref<128x128xf32, #tpu.memory_space<vmem>>) dst(%dma_wait3A_271 : memref<10240x128xf32, #tpu.memory_space<vmem_shared>>)
        %add3A_272 = arith.constant 8 : i32
        %add3A_273 = arith.addi %add3A_255, %add3A_272 : i32
        %sub3A = arith.constant 2 : i32
        %sub3A_274 = arith.subi %add3A_273, %sub3A : i32
        %lt3A_275 = arith.cmpi slt, %sub3A_274, %select_n3A : i32
        %convert_element_type3A_276 = arith.extui %lt3A_275 : i1 to i32
        %cond3A_277 = arith.constant 0 : i32
        %cond3A_278 = arith.cmpi ne, %convert_element_type3A_276, %cond3A_277 : i32
        scf.if %cond3A_278 {
          %add3A_286 = arith.constant 8 : i32
          %add3A_287 = arith.addi %add3A_255, %add3A_286 : i32
          %sub3A_288 = arith.constant 2 : i32
          %sub3A_289 = arith.subi %add3A_287, %sub3A_288 : i32
          %add3A_290 = arith.addi %select_n3A_10, %sub3A_289 : i32
          %dma_start3A_291 = arith.constant 0 : i32
          %dma_start3A_292 = arith.constant 0 : i32
          %dma_start3A_293 = tpu.memref_slice %arg3[%add3A_290, %dma_start3A_291, %dma_start3A_292] : memref<2528x2x128xi32, #tpu.memory_space<hbm>> -> memref<1x2x128xi32, #tpu.memory_space<hbm>>
          %dma_start3A_294 = tpu.memref_squeeze %dma_start3A_293 : memref<1x2x128xi32, #tpu.memory_space<hbm>> -> memref<2x128xi32, #tpu.memory_space<hbm>>
          %dma_start3A_295 = arith.constant 0 : i32
          %dma_start3A_296 = arith.constant 0 : i32
          %dma_start3A_297 = tpu.memref_slice %arg3[%add3A_290, %dma_start3A_295, %dma_start3A_296] : memref<2528x2x128xi32, #tpu.memory_space<hbm>> -> memref<1x2x128xi32, #tpu.memory_space<hbm>>
          %dma_start3A_298 = tpu.memref_squeeze %dma_start3A_297 : memref<1x2x128xi32, #tpu.memory_space<hbm>> -> memref<2x128xi32, #tpu.memory_space<hbm>>
          tpu.enqueue_dma source(%dma_start3A_298 : memref<2x128xi32, #tpu.memory_space<hbm>>) target(%arg9 : memref<2x128xi32, #tpu.memory_space<vmem>>) target_semaphore(%arg19 : memref<!tpu.dma_semaphore, #tpu.memory_space<semaphore_mem>>)
        } else {
        }
        %dma_start3A_279 = arith.constant 0 : i32
        %dma_start3A_280 = arith.constant 0 : i32
        %dma_start3A_281 = tpu.memref_slice %arg11[%dma_start3A_279, %dma_start3A_280] : memref<2x128xi32, #tpu.memory_space<vmem>> -> memref<1x128xi32, #tpu.memory_space<vmem>>
        %dma_start3A_282 = tpu.memref_squeeze %dma_start3A_281 : memref<1x128xi32, #tpu.memory_space<vmem>> -> memref<128xi32, #tpu.memory_space<vmem>>
        %dma_start3A_283 = arith.constant 0 : i32
        %dma_start3A_284 = arith.constant 0 : i32
        %dma_start3A_285 = tpu.memref_slice %arg2[%dma_start3A_283, %dma_start3A_284] : memref<10240x128xf32, #tpu.memory_space<hbm>> -> memref<10240x128xf32, #tpu.memory_space<hbm>>
        tpu.enqueue_indirect_dma source(%dma_start3A_285 : memref<10240x128xf32, #tpu.memory_space<hbm>>) target(%arg15 : memref<128x128xf32, #tpu.memory_space<vmem>>) offsets(%dma_start3A_282 : memref<128xi32, #tpu.memory_space<vmem>>) semaphore(%arg25 : memref<!tpu.dma_semaphore, #tpu.memory_space<semaphore_mem>>)
      } else {
      }
      %mul3A_184 = arith.constant 8 : i32
      %mul3A_185 = arith.muli %add3A_144, %mul3A_184 : i32
      %add3A_186 = arith.constant 3 : i32
      %add3A_187 = arith.addi %mul3A_185, %add3A_186 : i32
      %lt3A_188 = arith.cmpi slt, %add3A_187, %select_n3A : i32
      %convert_element_type3A_189 = arith.extui %lt3A_188 : i1 to i32
      %cond3A_190 = arith.constant 0 : i32
      %cond3A_191 = arith.cmpi ne, %convert_element_type3A_189, %cond3A_190 : i32
      scf.if %cond3A_191 {
        %dma_wait3A_254 = arith.constant 0 : i32
        %dma_wait3A_255 = arith.constant 0 : i32
        %dma_wait3A_256 = tpu.memref_slice %arg10[%dma_wait3A_254, %dma_wait3A_255] : memref<2x128xi32, #tpu.memory_space<vmem>> -> memref<1x128xi32, #tpu.memory_space<vmem>>
        %dma_wait3A_257 = tpu.memref_squeeze %dma_wait3A_256 : memref<1x128xi32, #tpu.memory_space<vmem>> -> memref<128xi32, #tpu.memory_space<vmem>>
        %dma_wait3A_258 = arith.constant 0 : i32
        %dma_wait3A_259 = arith.constant 0 : i32
        %dma_wait3A_260 = tpu.memref_slice %arg2[%dma_wait3A_258, %dma_wait3A_259] : memref<10240x128xf32, #tpu.memory_space<hbm>> -> memref<10240x128xf32, #tpu.memory_space<hbm>>
        tpu.wait_indirect_dma semaphore(%arg26 : memref<!tpu.dma_semaphore, #tpu.memory_space<semaphore_mem>>) src(%dma_wait3A_260 : memref<10240x128xf32, #tpu.memory_space<hbm>>) dst(%arg16 : memref<128x128xf32, #tpu.memory_space<vmem>>)
        %dma_start3A_261 = arith.constant 1 : i32
        %dma_start3A_262 = arith.constant 0 : i32
        %dma_start3A_263 = tpu.memref_slice %arg10[%dma_start3A_261, %dma_start3A_262] : memref<2x128xi32, #tpu.memory_space<vmem>> -> memref<1x128xi32, #tpu.memory_space<vmem>>
        %dma_start3A_264 = tpu.memref_squeeze %dma_start3A_263 : memref<1x128xi32, #tpu.memory_space<vmem>> -> memref<128xi32, #tpu.memory_space<vmem>>
        %dma_start3A_265 = arith.constant 0 : i32
        %dma_start3A_266 = arith.constant 0 : i32
        %dma_start3A_267 = tpu.memref_slice %arg6[%dma_start3A_265, %dma_start3A_266] : memref<10240x128xf32, #tpu.memory_space<vmem_shared>> -> memref<10240x128xf32, #tpu.memory_space<vmem_shared>>
        tpu.enqueue_indirect_dma source(%arg16 : memref<128x128xf32, #tpu.memory_space<vmem>>) target(%dma_start3A_267 : memref<10240x128xf32, #tpu.memory_space<vmem_shared>>) offsets(%dma_start3A_264 : memref<128xi32, #tpu.memory_space<vmem>>) semaphore(%arg28 : memref<!tpu.dma_semaphore, #tpu.memory_space<semaphore_mem>>) {add = true}
      } else {
      }
      %add3A_192 = arith.constant 2 : i32
      %add3A_193 = arith.addi %add3A_187, %add3A_192 : i32
      %lt3A_194 = arith.cmpi slt, %add3A_193, %select_n3A : i32
      %convert_element_type3A_195 = arith.extui %lt3A_194 : i1 to i32
      %cond3A_196 = arith.constant 0 : i32
      %cond3A_197 = arith.cmpi ne, %convert_element_type3A_195, %cond3A_196 : i32
      scf.if %cond3A_197 {
        %add3A_254 = arith.constant 2 : i32
        %add3A_255 = arith.addi %add3A_187, %add3A_254 : i32
        %dma_wait3A_256 = arith.constant 0 : i32
        %dma_wait3A_257 = arith.constant 0 : i32
        %dma_wait3A_258 = arith.constant 0 : i32
        %dma_wait3A_259 = tpu.memref_slice %arg3[%dma_wait3A_256, %dma_wait3A_257, %dma_wait3A_258] : memref<2528x2x128xi32, #tpu.memory_space<hbm>> -> memref<1x2x128xi32, #tpu.memory_space<hbm>>
        %dma_wait3A_260 = tpu.memref_squeeze %dma_wait3A_259 : memref<1x2x128xi32, #tpu.memory_space<hbm>> -> memref<2x128xi32, #tpu.memory_space<hbm>>
        %dma_wait3A_261 = arith.constant 0 : i32
        %dma_wait3A_262 = arith.constant 0 : i32
        %dma_wait3A_263 = tpu.memref_slice %arg3[%dma_wait3A_256, %dma_wait3A_261, %dma_wait3A_262] : memref<2528x2x128xi32, #tpu.memory_space<hbm>> -> memref<1x2x128xi32, #tpu.memory_space<hbm>>
        %dma_wait3A_264 = tpu.memref_squeeze %dma_wait3A_263 : memref<1x2x128xi32, #tpu.memory_space<hbm>> -> memref<2x128xi32, #tpu.memory_space<hbm>>
        tpu.wait_dma2 semaphore(%arg22 : memref<!tpu.dma_semaphore, #tpu.memory_space<semaphore_mem>>) src(%dma_wait3A_264 : memref<2x128xi32, #tpu.memory_space<hbm>>) dst(%arg12 : memref<2x128xi32, #tpu.memory_space<vmem>>)
        %dma_wait3A_265 = arith.constant 1 : i32
        %dma_wait3A_266 = arith.constant 0 : i32
        %dma_wait3A_267 = tpu.memref_slice %arg10[%dma_wait3A_265, %dma_wait3A_266] : memref<2x128xi32, #tpu.memory_space<vmem>> -> memref<1x128xi32, #tpu.memory_space<vmem>>
        %dma_wait3A_268 = tpu.memref_squeeze %dma_wait3A_267 : memref<1x128xi32, #tpu.memory_space<vmem>> -> memref<128xi32, #tpu.memory_space<vmem>>
        %dma_wait3A_269 = arith.constant 0 : i32
        %dma_wait3A_270 = arith.constant 0 : i32
        %dma_wait3A_271 = tpu.memref_slice %arg6[%dma_wait3A_269, %dma_wait3A_270] : memref<10240x128xf32, #tpu.memory_space<vmem_shared>> -> memref<10240x128xf32, #tpu.memory_space<vmem_shared>>
        tpu.wait_indirect_dma semaphore(%arg28 : memref<!tpu.dma_semaphore, #tpu.memory_space<semaphore_mem>>) src(%arg16 : memref<128x128xf32, #tpu.memory_space<vmem>>) dst(%dma_wait3A_271 : memref<10240x128xf32, #tpu.memory_space<vmem_shared>>)
        %add3A_272 = arith.constant 8 : i32
        %add3A_273 = arith.addi %add3A_255, %add3A_272 : i32
        %sub3A = arith.constant 2 : i32
        %sub3A_274 = arith.subi %add3A_273, %sub3A : i32
        %lt3A_275 = arith.cmpi slt, %sub3A_274, %select_n3A : i32
        %convert_element_type3A_276 = arith.extui %lt3A_275 : i1 to i32
        %cond3A_277 = arith.constant 0 : i32
        %cond3A_278 = arith.cmpi ne, %convert_element_type3A_276, %cond3A_277 : i32
        scf.if %cond3A_278 {
          %add3A_286 = arith.constant 8 : i32
          %add3A_287 = arith.addi %add3A_255, %add3A_286 : i32
          %sub3A_288 = arith.constant 2 : i32
          %sub3A_289 = arith.subi %add3A_287, %sub3A_288 : i32
          %add3A_290 = arith.addi %select_n3A_10, %sub3A_289 : i32
          %dma_start3A_291 = arith.constant 0 : i32
          %dma_start3A_292 = arith.constant 0 : i32
          %dma_start3A_293 = tpu.memref_slice %arg3[%add3A_290, %dma_start3A_291, %dma_start3A_292] : memref<2528x2x128xi32, #tpu.memory_space<hbm>> -> memref<1x2x128xi32, #tpu.memory_space<hbm>>
          %dma_start3A_294 = tpu.memref_squeeze %dma_start3A_293 : memref<1x2x128xi32, #tpu.memory_space<hbm>> -> memref<2x128xi32, #tpu.memory_space<hbm>>
          %dma_start3A_295 = arith.constant 0 : i32
          %dma_start3A_296 = arith.constant 0 : i32
          %dma_start3A_297 = tpu.memref_slice %arg3[%add3A_290, %dma_start3A_295, %dma_start3A_296] : memref<2528x2x128xi32, #tpu.memory_space<hbm>> -> memref<1x2x128xi32, #tpu.memory_space<hbm>>
          %dma_start3A_298 = tpu.memref_squeeze %dma_start3A_297 : memref<1x2x128xi32, #tpu.memory_space<hbm>> -> memref<2x128xi32, #tpu.memory_space<hbm>>
          tpu.enqueue_dma source(%dma_start3A_298 : memref<2x128xi32, #tpu.memory_space<hbm>>) target(%arg10 : memref<2x128xi32, #tpu.memory_space<vmem>>) target_semaphore(%arg20 : memref<!tpu.dma_semaphore, #tpu.memory_space<semaphore_mem>>)
        } else {
        }
        %dma_start3A_279 = arith.constant 0 : i32
        %dma_start3A_280 = arith.constant 0 : i32
        %dma_start3A_281 = tpu.memref_slice %arg12[%dma_start3A_279, %dma_start3A_280] : memref<2x128xi32, #tpu.memory_space<vmem>> -> memref<1x128xi32, #tpu.memory_space<vmem>>
        %dma_start3A_282 = tpu.memref_squeeze %dma_start3A_281 : memref<1x128xi32, #tpu.memory_space<vmem>> -> memref<128xi32, #tpu.memory_space<vmem>>
        %dma_start3A_283 = arith.constant 0 : i32
        %dma_start3A_284 = arith.constant 0 : i32
        %dma_start3A_285 = tpu.memref_slice %arg2[%dma_start3A_283, %dma_start3A_284] : memref<10240x128xf32, #tpu.memory_space<hbm>> -> memref<10240x128xf32, #tpu.memory_space<hbm>>
        tpu.enqueue_indirect_dma source(%dma_start3A_285 : memref<10240x128xf32, #tpu.memory_space<hbm>>) target(%arg16 : memref<128x128xf32, #tpu.memory_space<vmem>>) offsets(%dma_start3A_282 : memref<128xi32, #tpu.memory_space<vmem>>) semaphore(%arg26 : memref<!tpu.dma_semaphore, #tpu.memory_space<semaphore_mem>>)
      } else {
      }
      %mul3A_198 = arith.constant 8 : i32
      %mul3A_199 = arith.muli %add3A_144, %mul3A_198 : i32
      %add3A_200 = arith.constant 4 : i32
      %add3A_201 = arith.addi %mul3A_199, %add3A_200 : i32
      %lt3A_202 = arith.cmpi slt, %add3A_201, %select_n3A : i32
      %convert_element_type3A_203 = arith.extui %lt3A_202 : i1 to i32
      %cond3A_204 = arith.constant 0 : i32
      %cond3A_205 = arith.cmpi ne, %convert_element_type3A_203, %cond3A_204 : i32
      scf.if %cond3A_205 {
        %dma_wait3A_254 = arith.constant 0 : i32
        %dma_wait3A_255 = arith.constant 0 : i32
        %dma_wait3A_256 = tpu.memref_slice %arg11[%dma_wait3A_254, %dma_wait3A_255] : memref<2x128xi32, #tpu.memory_space<vmem>> -> memref<1x128xi32, #tpu.memory_space<vmem>>
        %dma_wait3A_257 = tpu.memref_squeeze %dma_wait3A_256 : memref<1x128xi32, #tpu.memory_space<vmem>> -> memref<128xi32, #tpu.memory_space<vmem>>
        %dma_wait3A_258 = arith.constant 0 : i32
        %dma_wait3A_259 = arith.constant 0 : i32
        %dma_wait3A_260 = tpu.memref_slice %arg2[%dma_wait3A_258, %dma_wait3A_259] : memref<10240x128xf32, #tpu.memory_space<hbm>> -> memref<10240x128xf32, #tpu.memory_space<hbm>>
        tpu.wait_indirect_dma semaphore(%arg25 : memref<!tpu.dma_semaphore, #tpu.memory_space<semaphore_mem>>) src(%dma_wait3A_260 : memref<10240x128xf32, #tpu.memory_space<hbm>>) dst(%arg15 : memref<128x128xf32, #tpu.memory_space<vmem>>)
        %dma_start3A_261 = arith.constant 1 : i32
        %dma_start3A_262 = arith.constant 0 : i32
        %dma_start3A_263 = tpu.memref_slice %arg11[%dma_start3A_261, %dma_start3A_262] : memref<2x128xi32, #tpu.memory_space<vmem>> -> memref<1x128xi32, #tpu.memory_space<vmem>>
        %dma_start3A_264 = tpu.memref_squeeze %dma_start3A_263 : memref<1x128xi32, #tpu.memory_space<vmem>> -> memref<128xi32, #tpu.memory_space<vmem>>
        %dma_start3A_265 = arith.constant 0 : i32
        %dma_start3A_266 = arith.constant 0 : i32
        %dma_start3A_267 = tpu.memref_slice %arg6[%dma_start3A_265, %dma_start3A_266] : memref<10240x128xf32, #tpu.memory_space<vmem_shared>> -> memref<10240x128xf32, #tpu.memory_space<vmem_shared>>
        tpu.enqueue_indirect_dma source(%arg15 : memref<128x128xf32, #tpu.memory_space<vmem>>) target(%dma_start3A_267 : memref<10240x128xf32, #tpu.memory_space<vmem_shared>>) offsets(%dma_start3A_264 : memref<128xi32, #tpu.memory_space<vmem>>) semaphore(%arg27 : memref<!tpu.dma_semaphore, #tpu.memory_space<semaphore_mem>>) {add = true}
      } else {
      }
      %add3A_206 = arith.constant 2 : i32
      %add3A_207 = arith.addi %add3A_201, %add3A_206 : i32
      %lt3A_208 = arith.cmpi slt, %add3A_207, %select_n3A : i32
      %convert_element_type3A_209 = arith.extui %lt3A_208 : i1 to i32
      %cond3A_210 = arith.constant 0 : i32
      %cond3A_211 = arith.cmpi ne, %convert_element_type3A_209, %cond3A_210 : i32
      scf.if %cond3A_211 {
        %add3A_254 = arith.constant 2 : i32
        %add3A_255 = arith.addi %add3A_201, %add3A_254 : i32
        %dma_wait3A_256 = arith.constant 0 : i32
        %dma_wait3A_257 = arith.constant 0 : i32
        %dma_wait3A_258 = arith.constant 0 : i32
        %dma_wait3A_259 = tpu.memref_slice %arg3[%dma_wait3A_256, %dma_wait3A_257, %dma_wait3A_258] : memref<2528x2x128xi32, #tpu.memory_space<hbm>> -> memref<1x2x128xi32, #tpu.memory_space<hbm>>
        %dma_wait3A_260 = tpu.memref_squeeze %dma_wait3A_259 : memref<1x2x128xi32, #tpu.memory_space<hbm>> -> memref<2x128xi32, #tpu.memory_space<hbm>>
        %dma_wait3A_261 = arith.constant 0 : i32
        %dma_wait3A_262 = arith.constant 0 : i32
        %dma_wait3A_263 = tpu.memref_slice %arg3[%dma_wait3A_256, %dma_wait3A_261, %dma_wait3A_262] : memref<2528x2x128xi32, #tpu.memory_space<hbm>> -> memref<1x2x128xi32, #tpu.memory_space<hbm>>
        %dma_wait3A_264 = tpu.memref_squeeze %dma_wait3A_263 : memref<1x2x128xi32, #tpu.memory_space<hbm>> -> memref<2x128xi32, #tpu.memory_space<hbm>>
        tpu.wait_dma2 semaphore(%arg23 : memref<!tpu.dma_semaphore, #tpu.memory_space<semaphore_mem>>) src(%dma_wait3A_264 : memref<2x128xi32, #tpu.memory_space<hbm>>) dst(%arg13 : memref<2x128xi32, #tpu.memory_space<vmem>>)
        %dma_wait3A_265 = arith.constant 1 : i32
        %dma_wait3A_266 = arith.constant 0 : i32
        %dma_wait3A_267 = tpu.memref_slice %arg11[%dma_wait3A_265, %dma_wait3A_266] : memref<2x128xi32, #tpu.memory_space<vmem>> -> memref<1x128xi32, #tpu.memory_space<vmem>>
        %dma_wait3A_268 = tpu.memref_squeeze %dma_wait3A_267 : memref<1x128xi32, #tpu.memory_space<vmem>> -> memref<128xi32, #tpu.memory_space<vmem>>
        %dma_wait3A_269 = arith.constant 0 : i32
        %dma_wait3A_270 = arith.constant 0 : i32
        %dma_wait3A_271 = tpu.memref_slice %arg6[%dma_wait3A_269, %dma_wait3A_270] : memref<10240x128xf32, #tpu.memory_space<vmem_shared>> -> memref<10240x128xf32, #tpu.memory_space<vmem_shared>>
        tpu.wait_indirect_dma semaphore(%arg27 : memref<!tpu.dma_semaphore, #tpu.memory_space<semaphore_mem>>) src(%arg15 : memref<128x128xf32, #tpu.memory_space<vmem>>) dst(%dma_wait3A_271 : memref<10240x128xf32, #tpu.memory_space<vmem_shared>>)
        %add3A_272 = arith.constant 8 : i32
        %add3A_273 = arith.addi %add3A_255, %add3A_272 : i32
        %sub3A = arith.constant 2 : i32
        %sub3A_274 = arith.subi %add3A_273, %sub3A : i32
        %lt3A_275 = arith.cmpi slt, %sub3A_274, %select_n3A : i32
        %convert_element_type3A_276 = arith.extui %lt3A_275 : i1 to i32
        %cond3A_277 = arith.constant 0 : i32
        %cond3A_278 = arith.cmpi ne, %convert_element_type3A_276, %cond3A_277 : i32
        scf.if %cond3A_278 {
          %add3A_286 = arith.constant 8 : i32
          %add3A_287 = arith.addi %add3A_255, %add3A_286 : i32
          %sub3A_288 = arith.constant 2 : i32
          %sub3A_289 = arith.subi %add3A_287, %sub3A_288 : i32
          %add3A_290 = arith.addi %select_n3A_10, %sub3A_289 : i32
          %dma_start3A_291 = arith.constant 0 : i32
          %dma_start3A_292 = arith.constant 0 : i32
          %dma_start3A_293 = tpu.memref_slice %arg3[%add3A_290, %dma_start3A_291, %dma_start3A_292] : memref<2528x2x128xi32, #tpu.memory_space<hbm>> -> memref<1x2x128xi32, #tpu.memory_space<hbm>>
          %dma_start3A_294 = tpu.memref_squeeze %dma_start3A_293 : memref<1x2x128xi32, #tpu.memory_space<hbm>> -> memref<2x128xi32, #tpu.memory_space<hbm>>
          %dma_start3A_295 = arith.constant 0 : i32
          %dma_start3A_296 = arith.constant 0 : i32
          %dma_start3A_297 = tpu.memref_slice %arg3[%add3A_290, %dma_start3A_295, %dma_start3A_296] : memref<2528x2x128xi32, #tpu.memory_space<hbm>> -> memref<1x2x128xi32, #tpu.memory_space<hbm>>
          %dma_start3A_298 = tpu.memref_squeeze %dma_start3A_297 : memref<1x2x128xi32, #tpu.memory_space<hbm>> -> memref<2x128xi32, #tpu.memory_space<hbm>>
          tpu.enqueue_dma source(%dma_start3A_298 : memref<2x128xi32, #tpu.memory_space<hbm>>) target(%arg11 : memref<2x128xi32, #tpu.memory_space<vmem>>) target_semaphore(%arg21 : memref<!tpu.dma_semaphore, #tpu.memory_space<semaphore_mem>>)
        } else {
        }
        %dma_start3A_279 = arith.constant 0 : i32
        %dma_start3A_280 = arith.constant 0 : i32
        %dma_start3A_281 = tpu.memref_slice %arg13[%dma_start3A_279, %dma_start3A_280] : memref<2x128xi32, #tpu.memory_space<vmem>> -> memref<1x128xi32, #tpu.memory_space<vmem>>
        %dma_start3A_282 = tpu.memref_squeeze %dma_start3A_281 : memref<1x128xi32, #tpu.memory_space<vmem>> -> memref<128xi32, #tpu.memory_space<vmem>>
        %dma_start3A_283 = arith.constant 0 : i32
        %dma_start3A_284 = arith.constant 0 : i32
        %dma_start3A_285 = tpu.memref_slice %arg2[%dma_start3A_283, %dma_start3A_284] : memref<10240x128xf32, #tpu.memory_space<hbm>> -> memref<10240x128xf32, #tpu.memory_space<hbm>>
        tpu.enqueue_indirect_dma source(%dma_start3A_285 : memref<10240x128xf32, #tpu.memory_space<hbm>>) target(%arg15 : memref<128x128xf32, #tpu.memory_space<vmem>>) offsets(%dma_start3A_282 : memref<128xi32, #tpu.memory_space<vmem>>) semaphore(%arg25 : memref<!tpu.dma_semaphore, #tpu.memory_space<semaphore_mem>>)
      } else {
      }
      %mul3A_212 = arith.constant 8 : i32
      %mul3A_213 = arith.muli %add3A_144, %mul3A_212 : i32
      %add3A_214 = arith.constant 5 : i32
      %add3A_215 = arith.addi %mul3A_213, %add3A_214 : i32
      %lt3A_216 = arith.cmpi slt, %add3A_215, %select_n3A : i32
      %convert_element_type3A_217 = arith.extui %lt3A_216 : i1 to i32
      %cond3A_218 = arith.constant 0 : i32
      %cond3A_219 = arith.cmpi ne, %convert_element_type3A_217, %cond3A_218 : i32
      scf.if %cond3A_219 {
        %dma_wait3A_254 = arith.constant 0 : i32
        %dma_wait3A_255 = arith.constant 0 : i32
        %dma_wait3A_256 = tpu.memref_slice %arg12[%dma_wait3A_254, %dma_wait3A_255] : memref<2x128xi32, #tpu.memory_space<vmem>> -> memref<1x128xi32, #tpu.memory_space<vmem>>
        %dma_wait3A_257 = tpu.memref_squeeze %dma_wait3A_256 : memref<1x128xi32, #tpu.memory_space<vmem>> -> memref<128xi32, #tpu.memory_space<vmem>>
        %dma_wait3A_258 = arith.constant 0 : i32
        %dma_wait3A_259 = arith.constant 0 : i32
        %dma_wait3A_260 = tpu.memref_slice %arg2[%dma_wait3A_258, %dma_wait3A_259] : memref<10240x128xf32, #tpu.memory_space<hbm>> -> memref<10240x128xf32, #tpu.memory_space<hbm>>
        tpu.wait_indirect_dma semaphore(%arg26 : memref<!tpu.dma_semaphore, #tpu.memory_space<semaphore_mem>>) src(%dma_wait3A_260 : memref<10240x128xf32, #tpu.memory_space<hbm>>) dst(%arg16 : memref<128x128xf32, #tpu.memory_space<vmem>>)
        %dma_start3A_261 = arith.constant 1 : i32
        %dma_start3A_262 = arith.constant 0 : i32
        %dma_start3A_263 = tpu.memref_slice %arg12[%dma_start3A_261, %dma_start3A_262] : memref<2x128xi32, #tpu.memory_space<vmem>> -> memref<1x128xi32, #tpu.memory_space<vmem>>
        %dma_start3A_264 = tpu.memref_squeeze %dma_start3A_263 : memref<1x128xi32, #tpu.memory_space<vmem>> -> memref<128xi32, #tpu.memory_space<vmem>>
        %dma_start3A_265 = arith.constant 0 : i32
        %dma_start3A_266 = arith.constant 0 : i32
        %dma_start3A_267 = tpu.memref_slice %arg6[%dma_start3A_265, %dma_start3A_266] : memref<10240x128xf32, #tpu.memory_space<vmem_shared>> -> memref<10240x128xf32, #tpu.memory_space<vmem_shared>>
        tpu.enqueue_indirect_dma source(%arg16 : memref<128x128xf32, #tpu.memory_space<vmem>>) target(%dma_start3A_267 : memref<10240x128xf32, #tpu.memory_space<vmem_shared>>) offsets(%dma_start3A_264 : memref<128xi32, #tpu.memory_space<vmem>>) semaphore(%arg28 : memref<!tpu.dma_semaphore, #tpu.memory_space<semaphore_mem>>) {add = true}
      } else {
      }
      %add3A_220 = arith.constant 2 : i32
      %add3A_221 = arith.addi %add3A_215, %add3A_220 : i32
      %lt3A_222 = arith.cmpi slt, %add3A_221, %select_n3A : i32
      %convert_element_type3A_223 = arith.extui %lt3A_222 : i1 to i32
      %cond3A_224 = arith.constant 0 : i32
      %cond3A_225 = arith.cmpi ne, %convert_element_type3A_223, %cond3A_224 : i32
      scf.if %cond3A_225 {
        %add3A_254 = arith.constant 2 : i32
        %add3A_255 = arith.addi %add3A_215, %add3A_254 : i32
        %dma_wait3A_256 = arith.constant 0 : i32
        %dma_wait3A_257 = arith.constant 0 : i32
        %dma_wait3A_258 = arith.constant 0 : i32
        %dma_wait3A_259 = tpu.memref_slice %arg3[%dma_wait3A_256, %dma_wait3A_257, %dma_wait3A_258] : memref<2528x2x128xi32, #tpu.memory_space<hbm>> -> memref<1x2x128xi32, #tpu.memory_space<hbm>>
        %dma_wait3A_260 = tpu.memref_squeeze %dma_wait3A_259 : memref<1x2x128xi32, #tpu.memory_space<hbm>> -> memref<2x128xi32, #tpu.memory_space<hbm>>
        %dma_wait3A_261 = arith.constant 0 : i32
        %dma_wait3A_262 = arith.constant 0 : i32
        %dma_wait3A_263 = tpu.memref_slice %arg3[%dma_wait3A_256, %dma_wait3A_261, %dma_wait3A_262] : memref<2528x2x128xi32, #tpu.memory_space<hbm>> -> memref<1x2x128xi32, #tpu.memory_space<hbm>>
        %dma_wait3A_264 = tpu.memref_squeeze %dma_wait3A_263 : memref<1x2x128xi32, #tpu.memory_space<hbm>> -> memref<2x128xi32, #tpu.memory_space<hbm>>
        tpu.wait_dma2 semaphore(%arg24 : memref<!tpu.dma_semaphore, #tpu.memory_space<semaphore_mem>>) src(%dma_wait3A_264 : memref<2x128xi32, #tpu.memory_space<hbm>>) dst(%arg14 : memref<2x128xi32, #tpu.memory_space<vmem>>)
        %dma_wait3A_265 = arith.constant 1 : i32
        %dma_wait3A_266 = arith.constant 0 : i32
        %dma_wait3A_267 = tpu.memref_slice %arg12[%dma_wait3A_265, %dma_wait3A_266] : memref<2x128xi32, #tpu.memory_space<vmem>> -> memref<1x128xi32, #tpu.memory_space<vmem>>
        %dma_wait3A_268 = tpu.memref_squeeze %dma_wait3A_267 : memref<1x128xi32, #tpu.memory_space<vmem>> -> memref<128xi32, #tpu.memory_space<vmem>>
        %dma_wait3A_269 = arith.constant 0 : i32
        %dma_wait3A_270 = arith.constant 0 : i32
        %dma_wait3A_271 = tpu.memref_slice %arg6[%dma_wait3A_269, %dma_wait3A_270] : memref<10240x128xf32, #tpu.memory_space<vmem_shared>> -> memref<10240x128xf32, #tpu.memory_space<vmem_shared>>
        tpu.wait_indirect_dma semaphore(%arg28 : memref<!tpu.dma_semaphore, #tpu.memory_space<semaphore_mem>>) src(%arg16 : memref<128x128xf32, #tpu.memory_space<vmem>>) dst(%dma_wait3A_271 : memref<10240x128xf32, #tpu.memory_space<vmem_shared>>)
        %add3A_272 = arith.constant 8 : i32
        %add3A_273 = arith.addi %add3A_255, %add3A_272 : i32
        %sub3A = arith.constant 2 : i32
        %sub3A_274 = arith.subi %add3A_273, %sub3A : i32
        %lt3A_275 = arith.cmpi slt, %sub3A_274, %select_n3A : i32
        %convert_element_type3A_276 = arith.extui %lt3A_275 : i1 to i32
        %cond3A_277 = arith.constant 0 : i32
        %cond3A_278 = arith.cmpi ne, %convert_element_type3A_276, %cond3A_277 : i32
        scf.if %cond3A_278 {
          %add3A_286 = arith.constant 8 : i32
          %add3A_287 = arith.addi %add3A_255, %add3A_286 : i32
          %sub3A_288 = arith.constant 2 : i32
          %sub3A_289 = arith.subi %add3A_287, %sub3A_288 : i32
          %add3A_290 = arith.addi %select_n3A_10, %sub3A_289 : i32
          %dma_start3A_291 = arith.constant 0 : i32
          %dma_start3A_292 = arith.constant 0 : i32
          %dma_start3A_293 = tpu.memref_slice %arg3[%add3A_290, %dma_start3A_291, %dma_start3A_292] : memref<2528x2x128xi32, #tpu.memory_space<hbm>> -> memref<1x2x128xi32, #tpu.memory_space<hbm>>
          %dma_start3A_294 = tpu.memref_squeeze %dma_start3A_293 : memref<1x2x128xi32, #tpu.memory_space<hbm>> -> memref<2x128xi32, #tpu.memory_space<hbm>>
          %dma_start3A_295 = arith.constant 0 : i32
          %dma_start3A_296 = arith.constant 0 : i32
          %dma_start3A_297 = tpu.memref_slice %arg3[%add3A_290, %dma_start3A_295, %dma_start3A_296] : memref<2528x2x128xi32, #tpu.memory_space<hbm>> -> memref<1x2x128xi32, #tpu.memory_space<hbm>>
          %dma_start3A_298 = tpu.memref_squeeze %dma_start3A_297 : memref<1x2x128xi32, #tpu.memory_space<hbm>> -> memref<2x128xi32, #tpu.memory_space<hbm>>
          tpu.enqueue_dma source(%dma_start3A_298 : memref<2x128xi32, #tpu.memory_space<hbm>>) target(%arg12 : memref<2x128xi32, #tpu.memory_space<vmem>>) target_semaphore(%arg22 : memref<!tpu.dma_semaphore, #tpu.memory_space<semaphore_mem>>)
        } else {
        }
        %dma_start3A_279 = arith.constant 0 : i32
        %dma_start3A_280 = arith.constant 0 : i32
        %dma_start3A_281 = tpu.memref_slice %arg14[%dma_start3A_279, %dma_start3A_280] : memref<2x128xi32, #tpu.memory_space<vmem>> -> memref<1x128xi32, #tpu.memory_space<vmem>>
        %dma_start3A_282 = tpu.memref_squeeze %dma_start3A_281 : memref<1x128xi32, #tpu.memory_space<vmem>> -> memref<128xi32, #tpu.memory_space<vmem>>
        %dma_start3A_283 = arith.constant 0 : i32
        %dma_start3A_284 = arith.constant 0 : i32
        %dma_start3A_285 = tpu.memref_slice %arg2[%dma_start3A_283, %dma_start3A_284] : memref<10240x128xf32, #tpu.memory_space<hbm>> -> memref<10240x128xf32, #tpu.memory_space<hbm>>
        tpu.enqueue_indirect_dma source(%dma_start3A_285 : memref<10240x128xf32, #tpu.memory_space<hbm>>) target(%arg16 : memref<128x128xf32, #tpu.memory_space<vmem>>) offsets(%dma_start3A_282 : memref<128xi32, #tpu.memory_space<vmem>>) semaphore(%arg26 : memref<!tpu.dma_semaphore, #tpu.memory_space<semaphore_mem>>)
      } else {
      }
      %mul3A_226 = arith.constant 8 : i32
      %mul3A_227 = arith.muli %add3A_144, %mul3A_226 : i32
      %add3A_228 = arith.constant 6 : i32
      %add3A_229 = arith.addi %mul3A_227, %add3A_228 : i32
      %lt3A_230 = arith.cmpi slt, %add3A_229, %select_n3A : i32
      %convert_element_type3A_231 = arith.extui %lt3A_230 : i1 to i32
      %cond3A_232 = arith.constant 0 : i32
      %cond3A_233 = arith.cmpi ne, %convert_element_type3A_231, %cond3A_232 : i32
      scf.if %cond3A_233 {
        %dma_wait3A_254 = arith.constant 0 : i32
        %dma_wait3A_255 = arith.constant 0 : i32
        %dma_wait3A_256 = tpu.memref_slice %arg13[%dma_wait3A_254, %dma_wait3A_255] : memref<2x128xi32, #tpu.memory_space<vmem>> -> memref<1x128xi32, #tpu.memory_space<vmem>>
        %dma_wait3A_257 = tpu.memref_squeeze %dma_wait3A_256 : memref<1x128xi32, #tpu.memory_space<vmem>> -> memref<128xi32, #tpu.memory_space<vmem>>
        %dma_wait3A_258 = arith.constant 0 : i32
        %dma_wait3A_259 = arith.constant 0 : i32
        %dma_wait3A_260 = tpu.memref_slice %arg2[%dma_wait3A_258, %dma_wait3A_259] : memref<10240x128xf32, #tpu.memory_space<hbm>> -> memref<10240x128xf32, #tpu.memory_space<hbm>>
        tpu.wait_indirect_dma semaphore(%arg25 : memref<!tpu.dma_semaphore, #tpu.memory_space<semaphore_mem>>) src(%dma_wait3A_260 : memref<10240x128xf32, #tpu.memory_space<hbm>>) dst(%arg15 : memref<128x128xf32, #tpu.memory_space<vmem>>)
        %dma_start3A_261 = arith.constant 1 : i32
        %dma_start3A_262 = arith.constant 0 : i32
        %dma_start3A_263 = tpu.memref_slice %arg13[%dma_start3A_261, %dma_start3A_262] : memref<2x128xi32, #tpu.memory_space<vmem>> -> memref<1x128xi32, #tpu.memory_space<vmem>>
        %dma_start3A_264 = tpu.memref_squeeze %dma_start3A_263 : memref<1x128xi32, #tpu.memory_space<vmem>> -> memref<128xi32, #tpu.memory_space<vmem>>
        %dma_start3A_265 = arith.constant 0 : i32
        %dma_start3A_266 = arith.constant 0 : i32
        %dma_start3A_267 = tpu.memref_slice %arg6[%dma_start3A_265, %dma_start3A_266] : memref<10240x128xf32, #tpu.memory_space<vmem_shared>> -> memref<10240x128xf32, #tpu.memory_space<vmem_shared>>
        tpu.enqueue_indirect_dma source(%arg15 : memref<128x128xf32, #tpu.memory_space<vmem>>) target(%dma_start3A_267 : memref<10240x128xf32, #tpu.memory_space<vmem_shared>>) offsets(%dma_start3A_264 : memref<128xi32, #tpu.memory_space<vmem>>) semaphore(%arg27 : memref<!tpu.dma_semaphore, #tpu.memory_space<semaphore_mem>>) {add = true}
      } else {
      }
      %add3A_234 = arith.constant 2 : i32
      %add3A_235 = arith.addi %add3A_229, %add3A_234 : i32
      %lt3A_236 = arith.cmpi slt, %add3A_235, %select_n3A : i32
      %convert_element_type3A_237 = arith.extui %lt3A_236 : i1 to i32
      %cond3A_238 = arith.constant 0 : i32
      %cond3A_239 = arith.cmpi ne, %convert_element_type3A_237, %cond3A_238 : i32
      scf.if %cond3A_239 {
        %add3A_254 = arith.constant 2 : i32
        %add3A_255 = arith.addi %add3A_229, %add3A_254 : i32
        %dma_wait3A_256 = arith.constant 0 : i32
        %dma_wait3A_257 = arith.constant 0 : i32
        %dma_wait3A_258 = arith.constant 0 : i32
        %dma_wait3A_259 = tpu.memref_slice %arg3[%dma_wait3A_256, %dma_wait3A_257, %dma_wait3A_258] : memref<2528x2x128xi32, #tpu.memory_space<hbm>> -> memref<1x2x128xi32, #tpu.memory_space<hbm>>
        %dma_wait3A_260 = tpu.memref_squeeze %dma_wait3A_259 : memref<1x2x128xi32, #tpu.memory_space<hbm>> -> memref<2x128xi32, #tpu.memory_space<hbm>>
        %dma_wait3A_261 = arith.constant 0 : i32
        %dma_wait3A_262 = arith.constant 0 : i32
        %dma_wait3A_263 = tpu.memref_slice %arg3[%dma_wait3A_256, %dma_wait3A_261, %dma_wait3A_262] : memref<2528x2x128xi32, #tpu.memory_space<hbm>> -> memref<1x2x128xi32, #tpu.memory_space<hbm>>
        %dma_wait3A_264 = tpu.memref_squeeze %dma_wait3A_263 : memref<1x2x128xi32, #tpu.memory_space<hbm>> -> memref<2x128xi32, #tpu.memory_space<hbm>>
        tpu.wait_dma2 semaphore(%arg17 : memref<!tpu.dma_semaphore, #tpu.memory_space<semaphore_mem>>) src(%dma_wait3A_264 : memref<2x128xi32, #tpu.memory_space<hbm>>) dst(%arg7 : memref<2x128xi32, #tpu.memory_space<vmem>>)
        %dma_wait3A_265 = arith.constant 1 : i32
        %dma_wait3A_266 = arith.constant 0 : i32
        %dma_wait3A_267 = tpu.memref_slice %arg13[%dma_wait3A_265, %dma_wait3A_266] : memref<2x128xi32, #tpu.memory_space<vmem>> -> memref<1x128xi32, #tpu.memory_space<vmem>>
        %dma_wait3A_268 = tpu.memref_squeeze %dma_wait3A_267 : memref<1x128xi32, #tpu.memory_space<vmem>> -> memref<128xi32, #tpu.memory_space<vmem>>
        %dma_wait3A_269 = arith.constant 0 : i32
        %dma_wait3A_270 = arith.constant 0 : i32
        %dma_wait3A_271 = tpu.memref_slice %arg6[%dma_wait3A_269, %dma_wait3A_270] : memref<10240x128xf32, #tpu.memory_space<vmem_shared>> -> memref<10240x128xf32, #tpu.memory_space<vmem_shared>>
        tpu.wait_indirect_dma semaphore(%arg27 : memref<!tpu.dma_semaphore, #tpu.memory_space<semaphore_mem>>) src(%arg15 : memref<128x128xf32, #tpu.memory_space<vmem>>) dst(%dma_wait3A_271 : memref<10240x128xf32, #tpu.memory_space<vmem_shared>>)
        %add3A_272 = arith.constant 8 : i32
        %add3A_273 = arith.addi %add3A_255, %add3A_272 : i32
        %sub3A = arith.constant 2 : i32
        %sub3A_274 = arith.subi %add3A_273, %sub3A : i32
        %lt3A_275 = arith.cmpi slt, %sub3A_274, %select_n3A : i32
        %convert_element_type3A_276 = arith.extui %lt3A_275 : i1 to i32
        %cond3A_277 = arith.constant 0 : i32
        %cond3A_278 = arith.cmpi ne, %convert_element_type3A_276, %cond3A_277 : i32
        scf.if %cond3A_278 {
          %add3A_286 = arith.constant 8 : i32
          %add3A_287 = arith.addi %add3A_255, %add3A_286 : i32
          %sub3A_288 = arith.constant 2 : i32
          %sub3A_289 = arith.subi %add3A_287, %sub3A_288 : i32
          %add3A_290 = arith.addi %select_n3A_10, %sub3A_289 : i32
          %dma_start3A_291 = arith.constant 0 : i32
          %dma_start3A_292 = arith.constant 0 : i32
          %dma_start3A_293 = tpu.memref_slice %arg3[%add3A_290, %dma_start3A_291, %dma_start3A_292] : memref<2528x2x128xi32, #tpu.memory_space<hbm>> -> memref<1x2x128xi32, #tpu.memory_space<hbm>>
          %dma_start3A_294 = tpu.memref_squeeze %dma_start3A_293 : memref<1x2x128xi32, #tpu.memory_space<hbm>> -> memref<2x128xi32, #tpu.memory_space<hbm>>
          %dma_start3A_295 = arith.constant 0 : i32
          %dma_start3A_296 = arith.constant 0 : i32
          %dma_start3A_297 = tpu.memref_slice %arg3[%add3A_290, %dma_start3A_295, %dma_start3A_296] : memref<2528x2x128xi32, #tpu.memory_space<hbm>> -> memref<1x2x128xi32, #tpu.memory_space<hbm>>
          %dma_start3A_298 = tpu.memref_squeeze %dma_start3A_297 : memref<1x2x128xi32, #tpu.memory_space<hbm>> -> memref<2x128xi32, #tpu.memory_space<hbm>>
          tpu.enqueue_dma source(%dma_start3A_298 : memref<2x128xi32, #tpu.memory_space<hbm>>) target(%arg13 : memref<2x128xi32, #tpu.memory_space<vmem>>) target_semaphore(%arg23 : memref<!tpu.dma_semaphore, #tpu.memory_space<semaphore_mem>>)
        } else {
        }
        %dma_start3A_279 = arith.constant 0 : i32
        %dma_start3A_280 = arith.constant 0 : i32
        %dma_start3A_281 = tpu.memref_slice %arg7[%dma_start3A_279, %dma_start3A_280] : memref<2x128xi32, #tpu.memory_space<vmem>> -> memref<1x128xi32, #tpu.memory_space<vmem>>
        %dma_start3A_282 = tpu.memref_squeeze %dma_start3A_281 : memref<1x128xi32, #tpu.memory_space<vmem>> -> memref<128xi32, #tpu.memory_space<vmem>>
        %dma_start3A_283 = arith.constant 0 : i32
        %dma_start3A_284 = arith.constant 0 : i32
        %dma_start3A_285 = tpu.memref_slice %arg2[%dma_start3A_283, %dma_start3A_284] : memref<10240x128xf32, #tpu.memory_space<hbm>> -> memref<10240x128xf32, #tpu.memory_space<hbm>>
        tpu.enqueue_indirect_dma source(%dma_start3A_285 : memref<10240x128xf32, #tpu.memory_space<hbm>>) target(%arg15 : memref<128x128xf32, #tpu.memory_space<vmem>>) offsets(%dma_start3A_282 : memref<128xi32, #tpu.memory_space<vmem>>) semaphore(%arg25 : memref<!tpu.dma_semaphore, #tpu.memory_space<semaphore_mem>>)
      } else {
      }
      %mul3A_240 = arith.constant 8 : i32
      %mul3A_241 = arith.muli %add3A_144, %mul3A_240 : i32
      %add3A_242 = arith.constant 7 : i32
      %add3A_243 = arith.addi %mul3A_241, %add3A_242 : i32
      %lt3A_244 = arith.cmpi slt, %add3A_243, %select_n3A : i32
      %convert_element_type3A_245 = arith.extui %lt3A_244 : i1 to i32
      %cond3A_246 = arith.constant 0 : i32
      %cond3A_247 = arith.cmpi ne, %convert_element_type3A_245, %cond3A_246 : i32
      scf.if %cond3A_247 {
        %dma_wait3A_254 = arith.constant 0 : i32
        %dma_wait3A_255 = arith.constant 0 : i32
        %dma_wait3A_256 = tpu.memref_slice %arg14[%dma_wait3A_254, %dma_wait3A_255] : memref<2x128xi32, #tpu.memory_space<vmem>> -> memref<1x128xi32, #tpu.memory_space<vmem>>
        %dma_wait3A_257 = tpu.memref_squeeze %dma_wait3A_256 : memref<1x128xi32, #tpu.memory_space<vmem>> -> memref<128xi32, #tpu.memory_space<vmem>>
        %dma_wait3A_258 = arith.constant 0 : i32
        %dma_wait3A_259 = arith.constant 0 : i32
        %dma_wait3A_260 = tpu.memref_slice %arg2[%dma_wait3A_258, %dma_wait3A_259] : memref<10240x128xf32, #tpu.memory_space<hbm>> -> memref<10240x128xf32, #tpu.memory_space<hbm>>
        tpu.wait_indirect_dma semaphore(%arg26 : memref<!tpu.dma_semaphore, #tpu.memory_space<semaphore_mem>>) src(%dma_wait3A_260 : memref<10240x128xf32, #tpu.memory_space<hbm>>) dst(%arg16 : memref<128x128xf32, #tpu.memory_space<vmem>>)
        %dma_start3A_261 = arith.constant 1 : i32
        %dma_start3A_262 = arith.constant 0 : i32
        %dma_start3A_263 = tpu.memref_slice %arg14[%dma_start3A_261, %dma_start3A_262] : memref<2x128xi32, #tpu.memory_space<vmem>> -> memref<1x128xi32, #tpu.memory_space<vmem>>
        %dma_start3A_264 = tpu.memref_squeeze %dma_start3A_263 : memref<1x128xi32, #tpu.memory_space<vmem>> -> memref<128xi32, #tpu.memory_space<vmem>>
        %dma_start3A_265 = arith.constant 0 : i32
        %dma_start3A_266 = arith.constant 0 : i32
        %dma_start3A_267 = tpu.memref_slice %arg6[%dma_start3A_265, %dma_start3A_266] : memref<10240x128xf32, #tpu.memory_space<vmem_shared>> -> memref<10240x128xf32, #tpu.memory_space<vmem_shared>>
        tpu.enqueue_indirect_dma source(%arg16 : memref<128x128xf32, #tpu.memory_space<vmem>>) target(%dma_start3A_267 : memref<10240x128xf32, #tpu.memory_space<vmem_shared>>) offsets(%dma_start3A_264 : memref<128xi32, #tpu.memory_space<vmem>>) semaphore(%arg28 : memref<!tpu.dma_semaphore, #tpu.memory_space<semaphore_mem>>) {add = true}
      } else {
      }
      %add3A_248 = arith.constant 2 : i32
      %add3A_249 = arith.addi %add3A_243, %add3A_248 : i32
      %lt3A_250 = arith.cmpi slt, %add3A_249, %select_n3A : i32
      %convert_element_type3A_251 = arith.extui %lt3A_250 : i1 to i32
      %cond3A_252 = arith.constant 0 : i32
      %cond3A_253 = arith.cmpi ne, %convert_element_type3A_251, %cond3A_252 : i32
      scf.if %cond3A_253 {
        %add3A_254 = arith.constant 2 : i32
        %add3A_255 = arith.addi %add3A_243, %add3A_254 : i32
        %dma_wait3A_256 = arith.constant 0 : i32
        %dma_wait3A_257 = arith.constant 0 : i32
        %dma_wait3A_258 = arith.constant 0 : i32
        %dma_wait3A_259 = tpu.memref_slice %arg3[%dma_wait3A_256, %dma_wait3A_257, %dma_wait3A_258] : memref<2528x2x128xi32, #tpu.memory_space<hbm>> -> memref<1x2x128xi32, #tpu.memory_space<hbm>>
        %dma_wait3A_260 = tpu.memref_squeeze %dma_wait3A_259 : memref<1x2x128xi32, #tpu.memory_space<hbm>> -> memref<2x128xi32, #tpu.memory_space<hbm>>
        %dma_wait3A_261 = arith.constant 0 : i32
        %dma_wait3A_262 = arith.constant 0 : i32
        %dma_wait3A_263 = tpu.memref_slice %arg3[%dma_wait3A_256, %dma_wait3A_261, %dma_wait3A_262] : memref<2528x2x128xi32, #tpu.memory_space<hbm>> -> memref<1x2x128xi32, #tpu.memory_space<hbm>>
        %dma_wait3A_264 = tpu.memref_squeeze %dma_wait3A_263 : memref<1x2x128xi32, #tpu.memory_space<hbm>> -> memref<2x128xi32, #tpu.memory_space<hbm>>
        tpu.wait_dma2 semaphore(%arg18 : memref<!tpu.dma_semaphore, #tpu.memory_space<semaphore_mem>>) src(%dma_wait3A_264 : memref<2x128xi32, #tpu.memory_space<hbm>>) dst(%arg8 : memref<2x128xi32, #tpu.memory_space<vmem>>)
        %dma_wait3A_265 = arith.constant 1 : i32
        %dma_wait3A_266 = arith.constant 0 : i32
        %dma_wait3A_267 = tpu.memref_slice %arg14[%dma_wait3A_265, %dma_wait3A_266] : memref<2x128xi32, #tpu.memory_space<vmem>> -> memref<1x128xi32, #tpu.memory_space<vmem>>
        %dma_wait3A_268 = tpu.memref_squeeze %dma_wait3A_267 : memref<1x128xi32, #tpu.memory_space<vmem>> -> memref<128xi32, #tpu.memory_space<vmem>>
        %dma_wait3A_269 = arith.constant 0 : i32
        %dma_wait3A_270 = arith.constant 0 : i32
        %dma_wait3A_271 = tpu.memref_slice %arg6[%dma_wait3A_269, %dma_wait3A_270] : memref<10240x128xf32, #tpu.memory_space<vmem_shared>> -> memref<10240x128xf32, #tpu.memory_space<vmem_shared>>
        tpu.wait_indirect_dma semaphore(%arg28 : memref<!tpu.dma_semaphore, #tpu.memory_space<semaphore_mem>>) src(%arg16 : memref<128x128xf32, #tpu.memory_space<vmem>>) dst(%dma_wait3A_271 : memref<10240x128xf32, #tpu.memory_space<vmem_shared>>)
        %add3A_272 = arith.constant 8 : i32
        %add3A_273 = arith.addi %add3A_255, %add3A_272 : i32
        %sub3A = arith.constant 2 : i32
        %sub3A_274 = arith.subi %add3A_273, %sub3A : i32
        %lt3A_275 = arith.cmpi slt, %sub3A_274, %select_n3A : i32
        %convert_element_type3A_276 = arith.extui %lt3A_275 : i1 to i32
        %cond3A_277 = arith.constant 0 : i32
        %cond3A_278 = arith.cmpi ne, %convert_element_type3A_276, %cond3A_277 : i32
        scf.if %cond3A_278 {
          %add3A_286 = arith.constant 8 : i32
          %add3A_287 = arith.addi %add3A_255, %add3A_286 : i32
          %sub3A_288 = arith.constant 2 : i32
          %sub3A_289 = arith.subi %add3A_287, %sub3A_288 : i32
          %add3A_290 = arith.addi %select_n3A_10, %sub3A_289 : i32
          %dma_start3A_291 = arith.constant 0 : i32
          %dma_start3A_292 = arith.constant 0 : i32
          %dma_start3A_293 = tpu.memref_slice %arg3[%add3A_290, %dma_start3A_291, %dma_start3A_292] : memref<2528x2x128xi32, #tpu.memory_space<hbm>> -> memref<1x2x128xi32, #tpu.memory_space<hbm>>
          %dma_start3A_294 = tpu.memref_squeeze %dma_start3A_293 : memref<1x2x128xi32, #tpu.memory_space<hbm>> -> memref<2x128xi32, #tpu.memory_space<hbm>>
          %dma_start3A_295 = arith.constant 0 : i32
          %dma_start3A_296 = arith.constant 0 : i32
          %dma_start3A_297 = tpu.memref_slice %arg3[%add3A_290, %dma_start3A_295, %dma_start3A_296] : memref<2528x2x128xi32, #tpu.memory_space<hbm>> -> memref<1x2x128xi32, #tpu.memory_space<hbm>>
          %dma_start3A_298 = tpu.memref_squeeze %dma_start3A_297 : memref<1x2x128xi32, #tpu.memory_space<hbm>> -> memref<2x128xi32, #tpu.memory_space<hbm>>
          tpu.enqueue_dma source(%dma_start3A_298 : memref<2x128xi32, #tpu.memory_space<hbm>>) target(%arg14 : memref<2x128xi32, #tpu.memory_space<vmem>>) target_semaphore(%arg24 : memref<!tpu.dma_semaphore, #tpu.memory_space<semaphore_mem>>)
        } else {
        }
        %dma_start3A_279 = arith.constant 0 : i32
        %dma_start3A_280 = arith.constant 0 : i32
        %dma_start3A_281 = tpu.memref_slice %arg8[%dma_start3A_279, %dma_start3A_280] : memref<2x128xi32, #tpu.memory_space<vmem>> -> memref<1x128xi32, #tpu.memory_space<vmem>>
        %dma_start3A_282 = tpu.memref_squeeze %dma_start3A_281 : memref<1x128xi32, #tpu.memory_space<vmem>> -> memref<128xi32, #tpu.memory_space<vmem>>
        %dma_start3A_283 = arith.constant 0 : i32
        %dma_start3A_284 = arith.constant 0 : i32
        %dma_start3A_285 = tpu.memref_slice %arg2[%dma_start3A_283, %dma_start3A_284] : memref<10240x128xf32, #tpu.memory_space<hbm>> -> memref<10240x128xf32, #tpu.memory_space<hbm>>
        tpu.enqueue_indirect_dma source(%dma_start3A_285 : memref<10240x128xf32, #tpu.memory_space<hbm>>) target(%arg16 : memref<128x128xf32, #tpu.memory_space<vmem>>) offsets(%dma_start3A_282 : memref<128xi32, #tpu.memory_space<vmem>>) semaphore(%arg26 : memref<!tpu.dma_semaphore, #tpu.memory_space<semaphore_mem>>)
      } else {
      }
    }
    %scan3A_124 = arith.constant 16 : i32
    %dma_wait3A_125 = arith.constant 1 : i32
    %dma_wait3A_126 = arith.constant 0 : i32
    %dma_wait3A_127 = tpu.memref_slice %arg7[%dma_wait3A_125, %dma_wait3A_126] : memref<2x128xi32, #tpu.memory_space<vmem>> -> memref<1x128xi32, #tpu.memory_space<vmem>>
    %dma_wait3A_128 = tpu.memref_squeeze %dma_wait3A_127 : memref<1x128xi32, #tpu.memory_space<vmem>> -> memref<128xi32, #tpu.memory_space<vmem>>
    %dma_wait3A_129 = arith.constant 0 : i32
    %dma_wait3A_130 = arith.constant 0 : i32
    %dma_wait3A_131 = tpu.memref_slice %arg6[%dma_wait3A_129, %dma_wait3A_130] : memref<10240x128xf32, #tpu.memory_space<vmem_shared>> -> memref<10240x128xf32, #tpu.memory_space<vmem_shared>>
    tpu.wait_indirect_dma semaphore(%arg27 : memref<!tpu.dma_semaphore, #tpu.memory_space<semaphore_mem>>) src(%arg15 : memref<128x128xf32, #tpu.memory_space<vmem>>) dst(%dma_wait3A_131 : memref<10240x128xf32, #tpu.memory_space<vmem_shared>>)
    %dma_wait3A_132 = arith.constant 1 : i32
    %dma_wait3A_133 = arith.constant 0 : i32
    %dma_wait3A_134 = tpu.memref_slice %arg8[%dma_wait3A_132, %dma_wait3A_133] : memref<2x128xi32, #tpu.memory_space<vmem>> -> memref<1x128xi32, #tpu.memory_space<vmem>>
    %dma_wait3A_135 = tpu.memref_squeeze %dma_wait3A_134 : memref<1x128xi32, #tpu.memory_space<vmem>> -> memref<128xi32, #tpu.memory_space<vmem>>
    %dma_wait3A_136 = arith.constant 0 : i32
    %dma_wait3A_137 = arith.constant 0 : i32
    %dma_wait3A_138 = tpu.memref_slice %arg6[%dma_wait3A_136, %dma_wait3A_137] : memref<10240x128xf32, #tpu.memory_space<vmem_shared>> -> memref<10240x128xf32, #tpu.memory_space<vmem_shared>>
    tpu.wait_indirect_dma semaphore(%arg28 : memref<!tpu.dma_semaphore, #tpu.memory_space<semaphore_mem>>) src(%arg16 : memref<128x128xf32, #tpu.memory_space<vmem>>) dst(%dma_wait3A_138 : memref<10240x128xf32, #tpu.memory_space<vmem_shared>>)
    %barrier3A_139 = arith.constant 0 : index
    tpu.barrier barrier_id(%barrier3A_139)
    "tpu.region"() ({
      %run_scoped3A = tpu.sem_alloc : memref<!tpu.dma_semaphore, #tpu.memory_space<semaphore_mem>>
      %dma_start3A_140 = arith.constant 0 : i32
      %dma_start3A_141 = tpu.memref_slice %arg5[%arg0, %mul3A_0, %dma_start3A_140] : memref<2x10240x128xf32, #tpu.memory_space<hbm>> -> memref<1x640x128xf32, #tpu.memory_space<hbm>>
      %dma_start3A_142 = tpu.memref_squeeze %dma_start3A_141 : memref<1x640x128xf32, #tpu.memory_space<hbm>> -> memref<640x128xf32, #tpu.memory_space<hbm>>
      %dma_start3A_143 = arith.constant 0 : i32
      %dma_start3A_144 = tpu.memref_slice %arg6[%mul3A_0, %dma_start3A_143] : memref<10240x128xf32, #tpu.memory_space<vmem_shared>> -> memref<640x128xf32, #tpu.memory_space<vmem_shared>>
      tpu.enqueue_dma source(%dma_start3A_144 : memref<640x128xf32, #tpu.memory_space<vmem_shared>>) target(%dma_start3A_142 : memref<640x128xf32, #tpu.memory_space<hbm>>) target_semaphore(%run_scoped3A : memref<!tpu.dma_semaphore, #tpu.memory_space<semaphore_mem>>)
      %dma_wait3A_145 = arith.constant 0 : i32
      %dma_wait3A_146 = tpu.memref_slice %arg5[%arg0, %mul3A_0, %dma_wait3A_145] : memref<2x10240x128xf32, #tpu.memory_space<hbm>> -> memref<1x640x128xf32, #tpu.memory_space<hbm>>
      %dma_wait3A_147 = tpu.memref_squeeze %dma_wait3A_146 : memref<1x640x128xf32, #tpu.memory_space<hbm>> -> memref<640x128xf32, #tpu.memory_space<hbm>>
      %dma_wait3A_148 = arith.constant 0 : i32
      %dma_wait3A_149 = tpu.memref_slice %arg6[%mul3A_0, %dma_wait3A_148] : memref<10240x128xf32, #tpu.memory_space<vmem_shared>> -> memref<640x128xf32, #tpu.memory_space<vmem_shared>>
      tpu.wait_dma2 semaphore(%run_scoped3A : memref<!tpu.dma_semaphore, #tpu.memory_space<semaphore_mem>>) src(%dma_wait3A_149 : memref<640x128xf32, #tpu.memory_space<vmem_shared>>) dst(%dma_wait3A_147 : memref<640x128xf32, #tpu.memory_space<hbm>>)
      tpu.yield
    }) : () -> ()
    return
  }
}

module attributes {stable_mosaic.version = 14 : i64} {
  func.func @_tc_a_body(%arg0: i32, %arg1: memref<1024x128xf32, #tpu.memory_space<vmem>>, %arg2: memref<128x128xf32, #tpu.memory_space<vmem>>, %arg3: memref<2x1024x8xf32, #tpu.memory_space<vmem>>, %arg4: memref<1024x128xf32, #tpu.memory_space<vmem>>, %arg5: memref<1024x128xf32, #tpu.memory_space<vmem>>, %arg6: memref<1024x8xf32, #tpu.memory_space<vmem>>) attributes {dimension_semantics = [#tpu.dimension_semantics<arbitrary>], iteration_bounds = array<i64: 10>, scalar_prefetch = 0 : i64, scratch_operands = 0 : i64, tpu.core_type = #tpu.core_type<tc>, window_params = [{transform_indices = @transform_0, window_bounds = array<i64: 1024, 128>}, {pipeline_mode = #tpu.pipeline_mode<synchronous>, transform_indices = @transform_1, window_bounds = array<i64: 128, 128>}, {transform_indices = @transform_2, window_bounds = array<i64: 2, 1024, 8>}, {transform_indices = @transform_3, window_bounds = array<i64: 1024, 128>}, {transform_indices = @transform_4, window_bounds = array<i64: 1024, 128>}, {transform_indices = @transform_5, window_bounds = array<i64: 1024, 8>}]} {
    %get3A = arith.constant 0 : index
    %get3A_0 = arith.constant 0 : index
    %get3A_1 = arith.constant 0 : index
    %get3A_2 = vector.load %arg3[%get3A, %get3A_0, %get3A_1] : memref<2x1024x8xf32, #tpu.memory_space<vmem>>, vector<1x1024x8xf32>
    %get3A_3 = vector.shape_cast %get3A_2 : vector<1x1024x8xf32> to vector<1024x8xf32>
    %get3A_4 = arith.constant 1 : index
    %get3A_5 = arith.constant 0 : index
    %get3A_6 = arith.constant 0 : index
    %get3A_7 = vector.load %arg3[%get3A_4, %get3A_5, %get3A_6] : memref<2x1024x8xf32, #tpu.memory_space<vmem>>, vector<1x1024x8xf32>
    %get3A_8 = vector.shape_cast %get3A_7 : vector<1x1024x8xf32> to vector<1024x8xf32>
    %add3A = arith.addf %get3A_3, %get3A_8 : vector<1024x8xf32>
    %add3A_9 = arith.constant 1.000000e+00 : f32
    %add3A_10 = vector.broadcast %add3A_9 : f32 to vector<1024x8xf32>
    %add3A_11 = arith.addf %add3A, %add3A_10 : vector<1024x8xf32>
    %rsqrt3A = math.rsqrt %add3A_11 : vector<1024x8xf32>
    %get3A_12 = arith.constant 0 : index
    %get3A_13 = arith.constant 0 : index
    %get3A_14 = vector.load %arg1[%get3A_12, %get3A_13] : memref<1024x128xf32, #tpu.memory_space<vmem>>, vector<1024x128xf32>
    %get3A_15 = arith.constant 0 : index
    %get3A_16 = arith.constant 0 : index
    %get3A_17 = vector.load %arg2[%get3A_15, %get3A_16] : memref<128x128xf32, #tpu.memory_space<vmem>>, vector<128x128xf32>
    %dot_general3A = arith.constant dense<0.000000e+00> : vector<1024x128xf32>
    %dot_general3A_18 = tpu.matmul %get3A_14, %get3A_17, %dot_general3A {dimension_numbers = #tpu.dot_dimension_numbers<[1], [0], [0], [1], [0, 0, 1, 1], [], []>, transpose_lhs_hint = false} : vector<1024x128xf32>, vector<128x128xf32>, vector<1024x128xf32> -> vector<1024x128xf32>
    %swap3A = arith.constant 0 : index
    %swap3A_19 = arith.constant 0 : index
    %swap3A_20 = vector.load %arg4[%swap3A, %swap3A_19] : memref<1024x128xf32, #tpu.memory_space<vmem>>, vector<1024x128xf32>
    tpu.vector_store %arg4[%swap3A, %swap3A_19], %dot_general3A_18 {strides = array<i32>} : memref<1024x128xf32, #tpu.memory_space<vmem>>, vector<1024x128xf32>,
    %slice3A = vector.extract_strided_slice %rsqrt3A {offsets = [0, 0], sizes = [1024, 1], strides = [1, 1]} : vector<1024x8xf32> to vector<1024x1xf32>
    %mul3A = vector.broadcast %slice3A : vector<1024x1xf32> to vector<1024x128xf32>
    %mul3A_21 = arith.mulf %dot_general3A_18, %mul3A : vector<1024x128xf32>
    %swap3A_22 = arith.constant 0 : index
    %swap3A_23 = arith.constant 0 : index
    %swap3A_24 = vector.load %arg5[%swap3A_22, %swap3A_23] : memref<1024x128xf32, #tpu.memory_space<vmem>>, vector<1024x128xf32>
    tpu.vector_store %arg5[%swap3A_22, %swap3A_23], %mul3A_21 {strides = array<i32>} : memref<1024x128xf32, #tpu.memory_space<vmem>>, vector<1024x128xf32>,
    %swap3A_25 = arith.constant 0 : index
    %swap3A_26 = arith.constant 0 : index
    %swap3A_27 = vector.load %arg6[%swap3A_25, %swap3A_26] : memref<1024x8xf32, #tpu.memory_space<vmem>>, vector<1024x8xf32>
    tpu.vector_store %arg6[%swap3A_25, %swap3A_26], %rsqrt3A {strides = array<i32>} : memref<1024x8xf32, #tpu.memory_space<vmem>>, vector<1024x8xf32>,
    return
  }
  func.func @transform_0(%arg0: i32) -> (i32, i32) {
    %c0_i32 = arith.constant 0 : i32
    %c0_i32_0 = arith.constant 0 : i32
    return %arg0, %c0_i32 : i32, i32
  }
  func.func @transform_1(%arg0: i32) -> (i32, i32) {
    %c0_i32 = arith.constant 0 : i32
    %c0_i32_0 = arith.constant 0 : i32
    %c0_i32_1 = arith.constant 0 : i32
    return %c0_i32, %c0_i32_0 : i32, i32
  }
  func.func @transform_2(%arg0: i32) -> (i32, i32, i32) {
    %c0_i32 = arith.constant 0 : i32
    %c0_i32_0 = arith.constant 0 : i32
    %c0_i32_1 = arith.constant 0 : i32
    return %c0_i32, %arg0, %c0_i32_0 : i32, i32, i32
  }
  func.func @transform_3(%arg0: i32) -> (i32, i32) {
    %c0_i32 = arith.constant 0 : i32
    %c0_i32_0 = arith.constant 0 : i32
    return %arg0, %c0_i32 : i32, i32
  }
  func.func @transform_4(%arg0: i32) -> (i32, i32) {
    %c0_i32 = arith.constant 0 : i32
    %c0_i32_0 = arith.constant 0 : i32
    return %arg0, %c0_i32 : i32, i32
  }
  func.func @transform_5(%arg0: i32) -> (i32, i32) {
    %c0_i32 = arith.constant 0 : i32
    %c0_i32_0 = arith.constant 0 : i32
    return %arg0, %c0_i32 : i32, i32
  }
}

module attributes {stable_mosaic.version = 14 : i64} {
  func.func @_tc_b_body(%arg0: i32, %arg1: memref<2x1024x128xf32, #tpu.memory_space<vmem>>, %arg2: memref<1024x128xf32, #tpu.memory_space<vmem>>, %arg3: memref<1024x8xf32, #tpu.memory_space<vmem>>, %arg4: memref<128x128xf32, #tpu.memory_space<vmem>>, %arg5: memref<1024x128xf32, #tpu.memory_space<vmem>>, %arg6: memref<1024x128xf32, #tpu.memory_space<vmem>>) attributes {dimension_semantics = [#tpu.dimension_semantics<arbitrary>], iteration_bounds = array<i64: 10>, scalar_prefetch = 0 : i64, scratch_operands = 0 : i64, tpu.core_type = #tpu.core_type<tc>, window_params = [{transform_indices = @transform_0, window_bounds = array<i64: 2, 1024, 128>}, {transform_indices = @transform_1, window_bounds = array<i64: 1024, 128>}, {transform_indices = @transform_2, window_bounds = array<i64: 1024, 8>}, {pipeline_mode = #tpu.pipeline_mode<synchronous>, transform_indices = @transform_3, window_bounds = array<i64: 128, 128>}, {transform_indices = @transform_4, window_bounds = array<i64: 1024, 128>}, {transform_indices = @transform_5, window_bounds = array<i64: 1024, 128>}]} {
    %get3A = arith.constant 0 : index
    %get3A_0 = arith.constant 0 : index
    %get3A_1 = vector.load %arg3[%get3A, %get3A_0] : memref<1024x8xf32, #tpu.memory_space<vmem>>, vector<1024x1xf32>
    %get3A_2 = arith.constant 0 : index
    %get3A_3 = arith.constant 0 : index
    %get3A_4 = arith.constant 0 : index
    %get3A_5 = vector.load %arg1[%get3A_2, %get3A_3, %get3A_4] : memref<2x1024x128xf32, #tpu.memory_space<vmem>>, vector<1x1024x128xf32>
    %get3A_6 = vector.shape_cast %get3A_5 : vector<1x1024x128xf32> to vector<1024x128xf32>
    %get3A_7 = arith.constant 1 : index
    %get3A_8 = arith.constant 0 : index
    %get3A_9 = arith.constant 0 : index
    %get3A_10 = vector.load %arg1[%get3A_7, %get3A_8, %get3A_9] : memref<2x1024x128xf32, #tpu.memory_space<vmem>>, vector<1x1024x128xf32>
    %get3A_11 = vector.shape_cast %get3A_10 : vector<1x1024x128xf32> to vector<1024x128xf32>
    %add3A = arith.addf %get3A_6, %get3A_11 : vector<1024x128xf32>
    %mul3A = vector.broadcast %get3A_1 : vector<1024x1xf32> to vector<1024x128xf32>
    %mul3A_12 = arith.mulf %mul3A, %add3A : vector<1024x128xf32>
    %mul3A_13 = arith.mulf %get3A_1, %get3A_1 : vector<1024x1xf32>
    %get3A_14 = arith.constant 0 : index
    %get3A_15 = arith.constant 0 : index
    %get3A_16 = vector.load %arg2[%get3A_14, %get3A_15] : memref<1024x128xf32, #tpu.memory_space<vmem>>, vector<1024x128xf32>
    %mul3A_17 = vector.broadcast %mul3A_13 : vector<1024x1xf32> to vector<1024x128xf32>
    %mul3A_18 = arith.mulf %mul3A_17, %get3A_16 : vector<1024x128xf32>
    %add3A_19 = arith.addf %mul3A_12, %mul3A_18 : vector<1024x128xf32>
    %max3A = arith.constant 0.000000e+00 : f32
    %max3A_20 = vector.broadcast %max3A : f32 to vector<1024x128xf32>
    %max3A_21 = arith.maximumf %add3A_19, %max3A_20 : vector<1024x128xf32>
    %get3A_22 = arith.constant 0 : index
    %get3A_23 = arith.constant 0 : index
    %get3A_24 = vector.load %arg4[%get3A_22, %get3A_23] : memref<128x128xf32, #tpu.memory_space<vmem>>, vector<128x128xf32>
    %dot_general3A = arith.constant dense<0.000000e+00> : vector<1024x128xf32>
    %dot_general3A_25 = tpu.matmul %max3A_21, %get3A_24, %dot_general3A {dimension_numbers = #tpu.dot_dimension_numbers<[1], [0], [0], [1], [0, 0, 1, 1], [], []>, transpose_lhs_hint = false} : vector<1024x128xf32>, vector<128x128xf32>, vector<1024x128xf32> -> vector<1024x128xf32>
    %swap3A = arith.constant 0 : index
    %swap3A_26 = arith.constant 0 : index
    %swap3A_27 = vector.load %arg5[%swap3A, %swap3A_26] : memref<1024x128xf32, #tpu.memory_space<vmem>>, vector<1024x128xf32>
    tpu.vector_store %arg5[%swap3A, %swap3A_26], %dot_general3A_25 {strides = array<i32>} : memref<1024x128xf32, #tpu.memory_space<vmem>>, vector<1024x128xf32>,
    %mul3A_28 = vector.broadcast %get3A_1 : vector<1024x1xf32> to vector<1024x128xf32>
    %mul3A_29 = arith.mulf %dot_general3A_25, %mul3A_28 : vector<1024x128xf32>
    %swap3A_30 = arith.constant 0 : index
    %swap3A_31 = arith.constant 0 : index
    %swap3A_32 = vector.load %arg6[%swap3A_30, %swap3A_31] : memref<1024x128xf32, #tpu.memory_space<vmem>>, vector<1024x128xf32>
    tpu.vector_store %arg6[%swap3A_30, %swap3A_31], %mul3A_29 {strides = array<i32>} : memref<1024x128xf32, #tpu.memory_space<vmem>>, vector<1024x128xf32>,
    return
  }
  func.func @transform_0(%arg0: i32) -> (i32, i32, i32) {
    %c0_i32 = arith.constant 0 : i32
    %c0_i32_0 = arith.constant 0 : i32
    %c0_i32_1 = arith.constant 0 : i32
    return %c0_i32, %arg0, %c0_i32_0 : i32, i32, i32
  }
  func.func @transform_1(%arg0: i32) -> (i32, i32) {
    %c0_i32 = arith.constant 0 : i32
    %c0_i32_0 = arith.constant 0 : i32
    return %arg0, %c0_i32 : i32, i32
  }
  func.func @transform_2(%arg0: i32) -> (i32, i32) {
    %c0_i32 = arith.constant 0 : i32
    %c0_i32_0 = arith.constant 0 : i32
    return %arg0, %c0_i32 : i32, i32
  }
  func.func @transform_3(%arg0: i32) -> (i32, i32) {
    %c0_i32 = arith.constant 0 : i32
    %c0_i32_0 = arith.constant 0 : i32
    %c0_i32_1 = arith.constant 0 : i32
    return %c0_i32, %c0_i32_0 : i32, i32
  }
  func.func @transform_4(%arg0: i32) -> (i32, i32) {
    %c0_i32 = arith.constant 0 : i32
    %c0_i32_0 = arith.constant 0 : i32
    return %arg0, %c0_i32 : i32, i32
  }
  func.func @transform_5(%arg0: i32) -> (i32, i32) {
    %c0_i32 = arith.constant 0 : i32
    %c0_i32_0 = arith.constant 0 : i32
    return %arg0, %c0_i32 : i32, i32
  }
}

module attributes {stable_mosaic.version = 14 : i64} {
  func.func @_tc_c_body(%arg0: i32, %arg1: memref<2x1024x128xf32, #tpu.memory_space<vmem>>, %arg2: memref<1024x128xf32, #tpu.memory_space<vmem>>, %arg3: memref<1024x8xf32, #tpu.memory_space<vmem>>, %arg4: memref<128x4xf32, #tpu.memory_space<vmem>>, %arg5: memref<1024x4xf32, #tpu.memory_space<vmem>>) attributes {dimension_semantics = [#tpu.dimension_semantics<arbitrary>], iteration_bounds = array<i64: 10>, scalar_prefetch = 0 : i64, scratch_operands = 0 : i64, tpu.core_type = #tpu.core_type<tc>, window_params = [{transform_indices = @transform_0, window_bounds = array<i64: 2, 1024, 128>}, {transform_indices = @transform_1, window_bounds = array<i64: 1024, 128>}, {transform_indices = @transform_2, window_bounds = array<i64: 1024, 8>}, {pipeline_mode = #tpu.pipeline_mode<synchronous>, transform_indices = @transform_3, window_bounds = array<i64: 128, 4>}, {transform_indices = @transform_4, window_bounds = array<i64: 1024, 4>}]} {
    %get3A = arith.constant 0 : index
    %get3A_0 = arith.constant 0 : index
    %get3A_1 = vector.load %arg3[%get3A, %get3A_0] : memref<1024x8xf32, #tpu.memory_space<vmem>>, vector<1024x1xf32>
    %get3A_2 = arith.constant 0 : index
    %get3A_3 = arith.constant 0 : index
    %get3A_4 = arith.constant 0 : index
    %get3A_5 = vector.load %arg1[%get3A_2, %get3A_3, %get3A_4] : memref<2x1024x128xf32, #tpu.memory_space<vmem>>, vector<1x1024x128xf32>
    %get3A_6 = vector.shape_cast %get3A_5 : vector<1x1024x128xf32> to vector<1024x128xf32>
    %get3A_7 = arith.constant 1 : index
    %get3A_8 = arith.constant 0 : index
    %get3A_9 = arith.constant 0 : index
    %get3A_10 = vector.load %arg1[%get3A_7, %get3A_8, %get3A_9] : memref<2x1024x128xf32, #tpu.memory_space<vmem>>, vector<1x1024x128xf32>
    %get3A_11 = vector.shape_cast %get3A_10 : vector<1x1024x128xf32> to vector<1024x128xf32>
    %add3A = arith.addf %get3A_6, %get3A_11 : vector<1024x128xf32>
    %mul3A = vector.broadcast %get3A_1 : vector<1024x1xf32> to vector<1024x128xf32>
    %mul3A_12 = arith.mulf %mul3A, %add3A : vector<1024x128xf32>
    %mul3A_13 = arith.mulf %get3A_1, %get3A_1 : vector<1024x1xf32>
    %get3A_14 = arith.constant 0 : index
    %get3A_15 = arith.constant 0 : index
    %get3A_16 = vector.load %arg2[%get3A_14, %get3A_15] : memref<1024x128xf32, #tpu.memory_space<vmem>>, vector<1024x128xf32>
    %mul3A_17 = vector.broadcast %mul3A_13 : vector<1024x1xf32> to vector<1024x128xf32>
    %mul3A_18 = arith.mulf %mul3A_17, %get3A_16 : vector<1024x128xf32>
    %add3A_19 = arith.addf %mul3A_12, %mul3A_18 : vector<1024x128xf32>
    %get3A_20 = arith.constant 0 : index
    %get3A_21 = arith.constant 0 : index
    %get3A_22 = vector.load %arg4[%get3A_20, %get3A_21] : memref<128x4xf32, #tpu.memory_space<vmem>>, vector<128x4xf32>
    %dot_general3A = arith.constant dense<0.000000e+00> : vector<1024x4xf32>
    %dot_general3A_23 = tpu.matmul %add3A_19, %get3A_22, %dot_general3A {dimension_numbers = #tpu.dot_dimension_numbers<[1], [0], [0], [1], [0, 0, 1, 1], [], []>, transpose_lhs_hint = false} : vector<1024x128xf32>, vector<128x4xf32>, vector<1024x4xf32> -> vector<1024x4xf32>
    %swap3A = arith.constant 0 : index
    %swap3A_24 = arith.constant 0 : index
    %swap3A_25 = vector.load %arg5[%swap3A, %swap3A_24] : memref<1024x4xf32, #tpu.memory_space<vmem>>, vector<1024x4xf32>
    tpu.vector_store %arg5[%swap3A, %swap3A_24], %dot_general3A_23 {strides = array<i32>} : memref<1024x4xf32, #tpu.memory_space<vmem>>, vector<1024x4xf32>,
    return
  }
  func.func @transform_0(%arg0: i32) -> (i32, i32, i32) {
    %c0_i32 = arith.constant 0 : i32
    %c0_i32_0 = arith.constant 0 : i32
    %c0_i32_1 = arith.constant 0 : i32
    return %c0_i32, %arg0, %c0_i32_0 : i32, i32, i32
  }
  func.func @transform_1(%arg0: i32) -> (i32, i32) {
    %c0_i32 = arith.constant 0 : i32
    %c0_i32_0 = arith.constant 0 : i32
    return %arg0, %c0_i32 : i32, i32
  }
  func.func @transform_2(%arg0: i32) -> (i32, i32) {
    %c0_i32 = arith.constant 0 : i32
    %c0_i32_0 = arith.constant 0 : i32
    return %arg0, %c0_i32 : i32, i32
  }
  func.func @transform_3(%arg0: i32) -> (i32, i32) {
    %c0_i32 = arith.constant 0 : i32
    %c0_i32_0 = arith.constant 0 : i32
    %c0_i32_1 = arith.constant 0 : i32
    return %c0_i32, %c0_i32_0 : i32, i32
  }
  func.func @transform_4(%arg0: i32) -> (i32, i32) {
    %c0_i32 = arith.constant 0 : i32
    %c0_i32_0 = arith.constant 0 : i32
    return %arg0, %c0_i32 : i32, i32
  }
}

</mosaic_0001>

<sc_bundles>
// kernel: kernel.12.cloned.1.call-start
scs
__scs_entry_jumppad:
0x0: {  	(pc) =	sbr.rel $0x88, $3  }
0x1: {  	(tag) =	ssettag $0x0;
	lr =	simm.s32 $0x1  }
0x2: {  	[smem:$0x3F9A] =	sst lr;
	_ =	strace $0xD0000000  }
0x3: {  	_ = 	snop  }
0x4: {  	_ = 	snop  }
0x5: {  	_ = 	snop  }
0x6: {  	_ = 	snop  }
0x7: {  	_ = 	snop  }
__scs_overlays_trampoline_lowered:
0x8: {  	[smem:$0x3FA9] =	sst s0  }
0x9: {  	[smem:$0x3FAA] =	sst s1  }
0xa: {  	[smem:$0x3FAB] =	sst s2  }
0xb: {  	[smem:$0x3FAC] =	sst s3  }
0xc: {  	[smem:$0x3FAD] =	sst s4  }
0xd: {  	[smem:$0x3FAE] =	sst s5  }
0xe: {  	[smem:$0x3FAF] =	sst s6  }
0xf: {  	[smem:$0x3FB0] =	sst s7  }
0x10: {  	[smem:$0x3FB1] =	sst s8  }
0x11: {  	[smem:$0x3FB2] =	sst s9;
	s0 =	simm.s32 @!p0 $0x0  }
0x12: {  	s1 =	sld [smem:$0x3F98];
	s0 =	simm.s32 @p0 $0x1  }
0x13: {  	[smem:$0x3FB3] =	sst s0;
	s0 =	simm.s32 @!p1 $0x0  }
0x14: {  	s2 =	sld [smem:$0x3F97];
	s0 =	simm.s32 @p1 $0x1  }
0x15: {  	[smem:$0x3FB4] =	sst s0;
	s0 =	simm.s32 @!p2 $0x0  }
0x16: {  	s3 =	sld [smem:$0x3FDB];
	s0 =	simm.s32 @p2 $0x1  }
0x17: {  	s4 =	simm.s32 $0x1BF5;
	[smem:$0x3FB6] =	sst s0  }
0x18: {  	s0 =	sld [smem:$0x3F99];
	_ =	swait.ge [sflag:s4], $0x0  }
0x19: {  	s7 =	sld [smem:$0x3F9A]  }
0x1a: {  	s8 =	sadd.s32 $0xFFFFE003, lr  }
0x1b: {  	s9 =	sadd.s32 $0xFFFFFEF7, lr;
	s5 =	simm.s32 $0xFFFFFFFF;
	p2 =	slt.u32 s8, $0xFFFFF086  }
0x1c: {  	p1 =	slt.u32 s9, $0xF7A;
	s5 =	simm.s32 @!p2 $0x0  }
0x1d: {  	s5 =	simm.s32 @p1 $0x1;
	p0 =	seq.s32 s7, s2  }
0x1e: {  	s7 =	smul.u32 @!p0 $0xF7A, s2;
	p2 =	seq.s32 @!p0 s5, $0x0  }
0x1f: {  	s9 =	smul.u32 $0xF7A, s1;
	s8 =	simm.s32 @!p0 $0x1BF5;
	p2 =	por !p2, p0  }
0x20: {  	[sflag:s8] =	ssyncset.s32 @!p0 $0xFFFFF086;
	s6 =	sadd.s32 @!p0 s3, s7;
	s7 =	simm.s32 @!p0 $0x108  }
0x21: {  	s3 =	sadd.s32 s3, s9;
	s6 =	sadd.s32 @!p0 $0x88, s6;
	s7 =	simm.s32 @p2 $0x1082  }
0x22: {  	[simem:s7], [sflag:s8] =	dma.local @!p0 [hbm:s6], $0xF7A  }
0x23: {  	s9 =	sor.u32 $0xD0000000, s2;
	s6 =	simm.s32 $0x108;
	_ =	swait.ge @!p0 [sflag:s8], $0x0  }
0x24: {  	s3 =	sadd.s32 $0x88, s3;
	s6 =	simm.s32 @!p1 $0x1082;
	[sflag:s4] =	ssyncset.s32 $0xFFFFF086  }
0x25: {  	[simem:s6], [sflag:s4] =	dma.local [hbm:s3], $0xF7A  }
0x26: {  	[smem:$0x3F9A] =	sst s1;
	(tag) =	ssettag s2;
	_ =	strace s9  }
0x27: {  	s1 =	sld [smem:$0x3FAA]  }
0x28: {  	s2 =	sld [smem:$0x3FAB]  }
0x29: {  	s4 =	sld [smem:$0x3FAD]  }
0x2a: {  	p0 =	seq.s32 s5, $0x0;
	s5 =	sld [smem:$0x3FAE]  }
0x2b: {  	s6 =	sld [smem:$0x3FAF]  }
0x2c: {  	s7 =	sld [smem:$0x3FB0]  }
0x2d: {  	s3 =	simm.s32 $0x108;
	s8 =	sld [smem:$0x3FB1]  }
0x2e: {  	s3 =	simm.s32 @!p0 $0x1082;
	s9 =	sld [smem:$0x3FB2]  }
0x2f: {  	lr =	sadd.s32 s0, s3;
	s0 =	sld [smem:$0x3FA9]  }
0x30: {  	s3 =	sld [smem:$0x3FAC]  }
0x31: {  	[smem:$0x3FB5] =	sst s10  }
0x32: {  	s10 =	sld [smem:$0x3FB3];
	_ =	sdelay $0x3  }
0x33: {  	p0 =	seq.s32 s10, $0x1;
	s10 =	sld [smem:$0x3FB5];
	_ =	sdelay $0x3  }
0x34: {  	[smem:$0x3FB5] =	sst s10  }
0x35: {  	s10 =	sld [smem:$0x3FB4];
	_ =	sdelay $0x3  }
0x36: {  	p1 =	seq.s32 s10, $0x1;
	s10 =	sld [smem:$0x3FB5];
	_ =	sdelay $0x3  }
0x37: {  	[smem:$0x3FB5] =	sst s10  }
0x38: {  	s10 =	sld [smem:$0x3FB6]  }
0x39: {  	_ = 	snop;
	(pc) =	sbr.ind lr, $3  }
0x3a: {  	_ = 	snop  }
0x3b: {  	_ = 	snop  }
0x3c: {  	p2 =	seq.s32 s10, $0x1;
	s10 =	sld [smem:$0x3FB5]  }
0x3d: {  	_ =	shalt  }
0x3e: {  	_ =	shalt  }
0x3f: {  	_ =	shalt  }
0x40: {  	_ =	shalt  }
0x41: {  	_ =	shalt  }
0x42: {  	_ =	shalt  }
0x43: {  	_ =	shalt  }
0x44: {  	_ =	shalt  }
0x45: {  	_ =	shalt  }
0x46: {  	_ =	shalt  }
0x47: {  	_ =	shalt  }
0x48: {  	_ =	shalt  }
0x49: {  	_ =	shalt  }
0x4a: {  	_ =	shalt  }
0x4b: {  	_ =	shalt  }
0x4c: {  	_ =	shalt  }
0x4d: {  	_ =	shalt  }
0x4e: {  	_ =	shalt  }
0x4f: {  	_ =	shalt  }
0x50: {  	_ =	shalt  }
0x51: {  	_ =	shalt  }
0x52: {  	_ =	shalt  }
0x53: {  	_ =	shalt  }
0x54: {  	_ =	shalt  }
0x55: {  	_ =	shalt  }
0x56: {  	_ =	shalt  }
0x57: {  	_ =	shalt  }
0x58: {  	_ =	shalt  }
0x59: {  	_ =	shalt  }
0x5a: {  	_ =	shalt  }
0x5b: {  	_ =	shalt  }
0x5c: {  	_ =	shalt  }
0x5d: {  	_ =	shalt  }
0x5e: {  	_ =	shalt  }
0x5f: {  	_ =	shalt  }
0x60: {  	_ =	shalt  }
0x61: {  	_ =	shalt  }
0x62: {  	_ =	shalt  }
0x63: {  	_ =	shalt  }
0x64: {  	_ =	shalt  }
0x65: {  	_ =	shalt  }
0x66: {  	_ =	shalt  }
0x67: {  	_ =	shalt  }
0x68: {  	_ =	shalt  }
0x69: {  	_ =	shalt  }
0x6a: {  	_ =	shalt  }
0x6b: {  	_ =	shalt  }
0x6c: {  	_ =	shalt  }
0x6d: {  	_ =	shalt  }
0x6e: {  	_ =	shalt  }
0x6f: {  	_ =	shalt  }
0x70: {  	_ =	shalt  }
0x71: {  	_ =	shalt  }
0x72: {  	_ =	shalt  }
0x73: {  	_ =	shalt  }
0x74: {  	_ =	shalt  }
0x75: {  	_ =	shalt  }
0x76: {  	_ =	shalt  }
0x77: {  	_ =	shalt  }
0x78: {  	_ =	shalt  }
0x79: {  	_ =	shalt  }
0x7a: {  	_ =	shalt  }
0x7b: {  	_ =	shalt  }
0x7c: {  	_ =	shalt  }
0x7d: {  	_ =	shalt  }
0x7e: {  	_ =	shalt  }
0x7f: {  	_ =	shalt  }
0x80: {  	_ =	shalt  }
0x81: {  	_ =	shalt  }
0x82: {  	_ =	shalt  }
0x83: {  	_ =	shalt  }
0x84: {  	_ =	shalt  }
0x85: {  	_ =	shalt  }
0x86: {  	_ =	shalt  }
0x87: {  	_ =	shalt  }
.Lfunc_end0:
.L_simem_size_0:
called_computation.1_lowered:
.L_overlay_start_0:
0x88: {  	s2 =	sld [smem:$0x3FD9]  }
0x89: {  	s3 =	sld [smem:$0x3FFE];
	_ =	sdelay $0x1  }
0x8a: {  	s1 =	srdreg.scid  }
0x8b: {  	s0 =	sand.u32 $0x1, s1  }
0x8c: {  	s16 =	sshll.u32 s0, $0xA;
	s2 =	sadd.s32 s3, s2  }
0x8d: {  	s2 =	sadd.s32 s2, s16  }
0x8e: {  	[smem:$0x3FC1] =	sst s2  }
0x8f: {  	_ = 	snop  }
0x90: {  	(tm) =	ssettm $0x1  }
0x91: {  	s17 =	sld [smem:$0x3FFB];
	_ =	sdelay $0x3  }
0x92: {  	_ =	strace s17  }
0x93: {  	s2 =	sld [smem:$0x3FFC];
	_ =	sdelay $0x3  }
0x94: {  	_ =	strace s2  }
0x95: {  	s2 =	sld [smem:$0x3FFD];
	_ =	sdelay $0x3  }
0x96: {  	_ =	strace s2  }
0x97: {  	_ =	strace $0x8FFFFFFF  }
0x98: {  	s18 =	sld [smem:$0x3FDB];
	_ =	sdelay $0x1  }
0x99: {  	s19 =	simm.s32 $_scs_section_size  }
0x9a: {  	s4 =	simm.s32 $_size__tile_overlayer_lowered;
	s5 =	simm.s32 $_tile_overlayer_lowered  }
0x9b: {  	s22 =	simm.s32 $0x1BFF;
	s21 =	sshll.u32 s5, $0x1;
	s2 =	sadd.s32 s19, s18  }
0x9c: {  	s6 =	simm.s32 $0x0;
	s20 =	sshll.u32 s4, $0x1;
	s4 =	sadd.s32 s21, s2  }
0x9d: {  	[timem:s6], [sflag:s22] =	dma.local [hbm:s4], s20  }
0x9e: {  	_ =	swait.ge [sflag:s22], s20  }
0x9f: {  	s3 =	ssub.s32 $0x0, s20;
	[sflag:s22] =	ssyncset.done $0x0  }
0xa0: {  	[sflag:s22] =	ssyncadd.s32 s3;
	_ =	sdelay $0x1  }
0xa1: {  	s23 =	simm.s32 $0x1B8B  }
0xa2: {  	_ =	swait.ge [sflag:s23], $0x1  }
0xa3: {  	[sflag:s23] =	ssyncset.done $0x0  }
0xa4: {  	s25 =	simm.s32 $0x1B8E;
	s24 =	sld [smem:$0x3FFE];
	[sflag:s23] =	ssyncadd.s32 $0xFFFFFFFF  }
0xa5: {  	s26 =	simm.s32 $execute0_lowered;
	[smem:$0x3FD2] =	sst s25  }
0xa6: {  	s4 =	sshll.u32 s26, $0x1;
	_ =	strace $0x80000049;
	[dreg:$0x1] =	wrdreg $0xFFFFFFFF  }
0xa7: {  	s28 =	simm.s32 $_size_execute0_lowered;
	s2 =	sadd.s32 s2, s4;
	[dreg:$0x0] =	wrdreg $0x0  }
0xa8: {  	s4 =	sshll.u32 s28, $0x1;
	[dreg:$0x2] =	wrdreg s2  }
0xa9: {  	[dreg:$0x3] =	wrdreg s4  }
0xaa: {  	[dreg:$0x4] =	wrdreg $0xC0  }
0xab: {  	_ =	task [dreg:s6], $0x5FFFF  }
0xac: {  	[dreg:$0x1] =	wrdreg $0xFFFFFFFF  }
0xad: {  	[dreg:$0x0] =	wrdreg $0x60  }
0xae: {  	[dreg:$0x2] =	wrdreg s24  }
0xaf: {  	[dreg:$0x3] =	wrdreg $0x0  }
0xb0: {  	[dreg:$0x4] =	wrdreg $0x9  }
0xb1: {  	_ =	task.clear_ibuf [dreg:s6], $0x5FFFF;
	_ =	strace $0x90000049  }
0xb2: {  	s29 =	simm.s32 $0x9;
	_ =	strace $0x8000004B  }
0xb3: {  	_ =	swait.ge [sflag:s29], $0x1  }
0xb4: {  	[sflag:s29] =	ssyncadd.s32 $0xFFFFFFFF  }
0xb5: {  	_ =	strace $0x9000004B  }
0xb6: {  	_ =	sfence  }
0xb7: {  	s30 =	sld [smem:$0x0];
	_ =	sdelay $0x2  }
0xb8: {  	s31 =	sshll.u32 s1, $0xD;
	s1 =	sshrl.u32 s1, $0x2  }
0xb9: {  	s3 =	sand.u32 $0x4000, s31;
	s1 =	sadd.s32 s1, s30  }
0xba: {  	s0 =	sor.u32 s3, s0;
	s1 =	sshll.u32 s1, $0x11  }
0xbb: {  	s0 =	sor.u32 s1, s0  }
0xbc: {  	s0 =	sadd.s32 $0x8F2B, s0  }
0xbd: {  	[sflag:s0] =	ssyncadd.remote.s32 $0x1  }
0xbe: {  	_ =	sfence.sel $0xFFFF  }
0xbf: {  	[dreg:$0x0] =	wrdreg $0xFFFFFFFF;
	(pc) =	sbr.abs _section_cstart, $3  }
0xc0: {  	[dreg:$0x1] =	wrdreg $0xFFFFFFFF  }
0xc1: {  	_ =	task.clear_ibuf [dreg:s6], $0x2FFFF;
	_ =	strace $0x9FFFFFFF  }
0xc2: {  	(tm) =	ssettm $0x7FFFFFFF  }
0xc3: {  	_ =	shalt  }
tec
execute0_lowered:
.L_overlay_start_1:
0x0: {  	(tag) =	ssettag $0x1  }
0x1: {  	s0 =	rddreg [dreg:$0x0]  }
0x2: {  	s1 =	rddreg [dreg:$0x1];
	s10 =	stileid.u32  }
0x3: {  	s3 =	simm.s32 $0x0;
	s2 =	srdreg.scid;
	s4 =	smul.u32 $0x7E, s10  }
0x4: {  	[smem:$0x7FF] =	sst s3;
	s2 =	sand.u32 $0x1, s2;
	s6 =	smul.u32 $0x14000, s10  }
0x5: {  	s5 =	sshll.u32 s10, $0x5;
	s29 =	smul.u32 $0x50000, s10;
	p0 =	seq.s32 s2, $0x0  }
0x6: {  	s5 =	sadd.s32 $0x7E0, s5;
	s7 =	smul.u32 $0x140000, s2;
	_ =	strace $0x8000004A  }
0x7: {  	s2 =	ssub.s32 $0x2, s2;
	s5 =	smov.u32 @p0 s4;
	s28 =	sshrl.u32 s6, $0x3  }
0x8: {  	s4 =	sadd.s32 $0x19E00, s0;
	s5 =	sshll.u32 s5, $0x5;
	s8 =	sadd.s32 s28, s0  }
0x9: {  	s11 =	sshrl.u32 s29, $0x2;
	s9 =	sadd.s32 s5, s0;
	s13 =	sadd.s32 $0x41E00, s8  }
0xa: {  	s6 =	sadd.s32 s6, s7;
	[dreg:$0xd] =	wrdreg s13;
	s15 =	sadd.s32 $0x6200, s9  }
0xb: {  	s6 =	sshrl.u32 s6, $0x3;
	s17 =	sadd.s32 $0x6220, s9;
	[dreg:$0xe] =	wrdreg s15  }
0xc: {  	s5 =	simm.s32 $0x7E;
	s19 =	sadd.s32 $0x6240, s9;
	[dreg:$0xf] =	wrdreg s17  }
0xd: {  	s0 =	sadd.s32 s6, s0;
	s21 =	sadd.s32 $0x6260, s9;
	[dreg:$0x10] =	wrdreg s19  }
0xe: {  	s6 =	sshrl.u32 s2, $0x1;
	s23 =	sadd.s32 $0x6280, s9;
	[dreg:$0x11] =	wrdreg s21  }
0xf: {  	s5 =	simm.s32 @!p0 $0x20;
	s25 =	sadd.s32 $0x62A0, s9;
	[dreg:$0x12] =	wrdreg s23  }
0x10: {  	s2 =	ssub.s32 s2, s6;
	s6 =	sadd.s32 s11, s1;
	[dreg:$0x13] =	wrdreg s25  }
0x11: {  	s14 =	sadd.s32 $0xFFFFFFFE, s5;
	[dreg:$0xc] =	wrdreg s6  }
0x12: {  	s16 =	sadd.s32 $0xFFFFFFFF, s5;
	[dreg:$0x3] =	wrdreg s14  }
0x13: {  	s30 =	simm.s32 $0x1;
	s18 =	sadd.s32 $0xFFFFFFFD, s5;
	[dreg:$0x4] =	wrdreg s16  }
0x14: {  	s31 =	simm.s32 $0x80;
	s20 =	sadd.s32 $0xFFFFFFFC, s5;
	[dreg:$0x5] =	wrdreg s18  }
0x15: {  	s12 =	sshll.u32 s10, $0x6;
	s22 =	sadd.s32 $0xFFFFFFFB, s5;
	[dreg:$0x6] =	wrdreg s20  }
0x16: {  	s8 =	sor.u32 $0x1C0D, s12;
	s24 =	sadd.s32 $0xFFFFFFFA, s5;
	[dreg:$0x7] =	wrdreg s22  }
0x17: {  	s7 =	sadd.s32 $0x63E0, s9;
	s26 =	sadd.s32 $0xFFFFFFF9, s5;
	[dreg:$0x8] =	wrdreg s24  }
0x18: {  	s15 =	sadd.s32 $0x62C0, s9;
	s28 =	sadd.s32 $0xFFFFFFF8, s5;
	[dreg:$0x9] =	wrdreg s26  }
0x19: {  	s29 =	sadd.s32 $0xFFFFFFF7, s5;
	s17 =	sadd.s32 $0x69E00, s0;
	[dreg:$0xa] =	wrdreg s28  }
0x1a: {  	s25 =	simm.s32 $0xC;
	s16 =	sadd.s32 $0x62E0, s9;
	[dreg:$0xb] =	wrdreg s29  }
0x1b: {  	s18 =	smax.u32 s2, $0x1;
	s20 =	simm.s32 $0xD;
	s22 =	simm.s32 $0x14100  }
0x1c: {  	s2 =	simm.s32 $0x2;
	s24 =	simm.s32 $0xB;
	s26 =	simm.s32 $0x0  }
.LBB2_1:
0x1d: {  	s0 =	rddreg [dreg:$0xc]  }
0x1e: {  	s6 =	rddreg [dreg:$0xd];
	s28 =	sshrl.u32 s0, $0x3  }
0x1f: {  	[spmem:s28], [sflag:s8] =	dma.local [hbm:s6], $0x2800  }
0x20: {  	_ =	swait.ge [sflag:s20], $0x2800  }
0x21: {  	[sflag:s20] =	ssyncset.done $0x0  }
0x22: {  	[sflag:s20] =	ssyncadd.s32 $0xFFFFD800  }
0x23: {  	[bflag:$0x0] =	sbarrier.arrive $0xFFFF  }
0x24: {  	s6 =	simm.s32 $0x14000;
	s9 =	rddreg [dreg:$0xe]  }
0x25: {  	[tilespmem:s6], [sflag:$0x1] =	stream.linear.gather [hbm4b:s9+s3], $0x100, $0x38;
	[tilespmem:$0x1C800] =	vst v63  }
0x26: {  	s10 =	rddreg [dreg:$0xf]  }
0x27: {  	[tilespmem:s22], [sflag:$0x2] =	stream.linear.gather [hbm4b:s10+s3], $0x100, $0x38;
	[tilespmem:$0x1C800] =	vst v63  }
0x28: {  	s11 =	rddreg [dreg:$0x10];
	s9 =	simm.s32 $0x14200  }
0x29: {  	[tilespmem:s9], [sflag:$0x3] =	stream.linear.gather [hbm4b:s11+s3], $0x100, $0x38;
	[tilespmem:$0x1C800] =	vst v63  }
0x2a: {  	s13 =	simm.s32 $0x14300;
	s12 =	rddreg [dreg:$0x11]  }
0x2b: {  	[tilespmem:s13], [sflag:$0x4] =	stream.linear.gather [hbm4b:s12+s3], $0x100, $0x38;
	[tilespmem:$0x1C800] =	vst v63  }
0x2c: {  	s19 =	simm.s32 $0x14400;
	s14 =	rddreg [dreg:$0x12]  }
0x2d: {  	[tilespmem:s19], [sflag:$0x5] =	stream.linear.gather [hbm4b:s14+s3], $0x100, $0x38;
	[tilespmem:$0x1C800] =	vst v63  }
0x2e: {  	s23 =	simm.s32 $0x14500;
	s21 =	rddreg [dreg:$0x13]  }
0x2f: {  	[tilespmem:s23], [sflag:$0x6] =	stream.linear.gather [hbm4b:s21+s3], $0x100, $0x38;
	[tilespmem:$0x1C800] =	vst v63  }
0x30: {  	s10 =	simm.s32 $0x14600  }
0x31: {  	[tilespmem:s10], [sflag:$0x7] =	stream.linear.gather [hbm4b:s15+s3], $0x100, $0x38;
	[tilespmem:$0x1C800] =	vst v63  }
0x32: {  	s11 =	simm.s32 $0x14700  }
0x33: {  	[tilespmem:s11], [sflag:$0x8] =	stream.linear.gather [hbm4b:s16+s3], $0x100, $0x38;
	[tilespmem:$0x1C800] =	vst v63  }
0x34: {  	_ =	swait.ge [sflag:s30], $0x100  }
0x35: {  	[sflag:s30] =	ssyncset.done $0x0  }
0x36: {  	s12 =	simm.s32 $0x14800;
	[sflag:s30] =	ssyncadd.s32 $0xFFFFFF00  }
0x37: {  	[tilespmem:s12], [sflag:$0x9] =	stream.indirect.gather [hbm4b:s4+s31], $0x80, s6, s31, $0xb8;
	[tilespmem:$0x1C800] =	vst v63  }
0x38: {  	_ =	swait.ge [sflag:s2], $0x100  }
0x39: {  	p0 =	sle.u32 s5, $0x0;
	[sflag:s2] =	ssyncset.done $0x0  }
0x3a: {  	s0 =	simm.s32 @!p0 $0x9;
	s13 =	simm.s32 $0x18800;
	[sflag:s2] =	ssyncadd.s32 $0xFFFFFF00  }
0x3b: {  	[tilespmem:s13], [sflag:$0xA] =	stream.indirect.gather [hbm4b:s4+s31], $0x80, s22, s31, $0xb8;
	[tilespmem:$0x1C800] =	vst v63  }
0x3c: {  	_ =	swait.ge @!p0 [sflag:s0], $0x4000  }
0x3d: {  	s10 =	simm.s32 @!p0 $0x14080;
	s6 =	simm.s32 @!p0 $0x14800;
	[sflag:s0] =	ssyncset.done @!p0 $0x0  }
0x3e: {  	s14 =	rddreg [dreg:$0x3];
	[sflag:s0] =	ssyncadd.s32 @!p0 $0xFFFFC000;
	s0 =	simm.s32 @!p0 $0x80  }
0x3f: {  	[spmem:s1] =	stream.indirect.scatter.add.f32 @!p0 [tilespmem:s6], [sflag:$0xB], $0x80, s10, s0, $0xb8;
	[tilespmem:$0x1C800] =	vst v63  }
0x40: {  	p0 =	sle.u32 s14, $0x0  }
0x41: {  	s0 =	simm.s32 @!p0 $0x3  }
0x42: {  	_ =	swait.ge @!p0 [sflag:s0], $0x100  }
0x43: {  	[sflag:s0] =	ssyncset.done @!p0 $0x0  }
0x44: {  	p1 =	sle.u32 @!p0 s5, $0x8;
	[sflag:s0] =	ssyncadd.s32 @!p0 $0xFFFFFF00;
	s0 =	simm.s32 @!p0 $0xB  }
0x45: {  	s6 =	simm.s32 @!p0 $0x14800;
	p1 =	por p1, p0;
	_ =	swait.ge @!p0 [sflag:s0], $0x4000  }
0x46: {  	s9 =	simm.s32 @!p1 $0x14000;
	s11 =	simm.s32 @!p1 $0x0;
	[sflag:s0] =	ssyncset.done @!p0 $0x0  }
0x47: {  	s19 =	rddreg [dreg:$0x4];
	[sflag:s0] =	ssyncadd.s32 @!p0 $0xFFFFC000;
	s0 =	sadd.s32 @!p1 $0xFFFFFF20, s7  }
0x48: {  	[tilespmem:s9], [sflag:$0x1] =	stream.linear.gather @!p1 [hbm4b:s0+s11], $0x100, $0x38;
	[tilespmem:$0x1C800] =	vst v63  }
0x49: {  	s0 =	simm.s32 @!p0 $0x80;
	s9 =	simm.s32 @!p0 $0x14200;
	p1 =	sle.u32 s19, $0x0  }
0x4a: {  	[tilespmem:s6], [sflag:$0x9] =	stream.indirect.gather @!p0 [hbm4b:s4+s0], $0x80, s9, s0, $0xb8;
	[tilespmem:$0x1C800] =	vst v63  }
0x4b: {  	s9 =	simm.s32 @!p1 $0xA  }
0x4c: {  	_ =	swait.ge @!p1 [sflag:s9], $0x4000  }
0x4d: {  	s10 =	simm.s32 @!p1 $0x18800;
	s19 =	simm.s32 @!p1 $0x14180;
	[sflag:s9] =	ssyncset.done @!p1 $0x0  }
0x4e: {  	s21 =	rddreg [dreg:$0x5];
	[sflag:s9] =	ssyncadd.s32 @!p1 $0xFFFFC000;
	s9 =	simm.s32 @!p1 $0x80  }
0x4f: {  	[spmem:s1] =	stream.indirect.scatter.add.f32 @!p1 [tilespmem:s10], [sflag:$0xC], $0x80, s19, s9, $0xb8;
	[tilespmem:$0x1C800] =	vst v63  }
0x50: {  	p1 =	sle.u32 s21, $0x0  }
0x51: {  	s9 =	simm.s32 @!p1 $0x4  }
0x52: {  	_ =	swait.ge @!p1 [sflag:s9], $0x100  }
0x53: {  	[sflag:s9] =	ssyncset.done @!p1 $0x0  }
0x54: {  	p2 =	sle.u32 @!p1 s5, $0x9;
	[sflag:s9] =	ssyncadd.s32 @!p1 $0xFFFFFF00;
	s9 =	simm.s32 @!p1 $0xC  }
0x55: {  	p2 =	por p2, p1;
	_ =	swait.ge @!p1 [sflag:s9], $0x4000  }
0x56: {  	s11 =	simm.s32 @!p0 $0x9;
	s10 =	simm.s32 @!p2 $0x14100;
	[sflag:s9] =	ssyncset.done @!p1 $0x0  }
0x57: {  	s19 =	simm.s32 @!p2 $0x0;
	[sflag:s9] =	ssyncadd.s32 @!p1 $0xFFFFC000;
	s9 =	sadd.s32 @!p2 $0xFFFFFF40, s7  }
0x58: {  	[tilespmem:s10], [sflag:$0x2] =	stream.linear.gather @!p2 [hbm4b:s9+s19], $0x100, $0x38;
	[tilespmem:$0x1C800] =	vst v63  }
0x59: {  	s9 =	simm.s32 @!p1 $0x80;
	s10 =	simm.s32 @!p1 $0x14300;
	s19 =	simm.s32 @!p1 $0x18800  }
0x5a: {  	[tilespmem:s19], [sflag:$0xA] =	stream.indirect.gather @!p1 [hbm4b:s4+s9], $0x80, s10, s9, $0xb8;
	[tilespmem:$0x1C800] =	vst v63  }
0x5b: {  	_ =	swait.ge @!p0 [sflag:s11], $0x4000  }
0x5c: {  	[sflag:s11] =	ssyncset.done @!p0 $0x0  }
0x5d: {  	s23 =	rddreg [dreg:$0x6];
	[sflag:s11] =	ssyncadd.s32 @!p0 $0xFFFFC000;
	s11 =	simm.s32 @!p0 $0x14280  }
0x5e: {  	[spmem:s1] =	stream.indirect.scatter.add.f32 @!p0 [tilespmem:s6], [sflag:$0xB], $0x80, s11, s0, $0xb8;
	[tilespmem:$0x1C800] =	vst v63  }
0x5f: {  	p0 =	sle.u32 s23, $0x0  }
0x60: {  	s0 =	simm.s32 @!p0 $0x5  }
0x61: {  	_ =	swait.ge @!p0 [sflag:s0], $0x100  }
0x62: {  	[sflag:s0] =	ssyncset.done @!p0 $0x0  }
0x63: {  	p2 =	sle.u32 @!p0 s5, $0xA;
	[sflag:s0] =	ssyncadd.s32 @!p0 $0xFFFFFF00;
	s0 =	simm.s32 @!p0 $0xB  }
0x64: {  	p2 =	por p2, p0;
	_ =	swait.ge @!p0 [sflag:s0], $0x4000  }
0x65: {  	s10 =	simm.s32 @!p1 $0xA;
	s6 =	simm.s32 @!p2 $0x14200;
	[sflag:s0] =	ssyncset.done @!p0 $0x0  }
0x66: {  	s11 =	simm.s32 @!p2 $0x0;
	[sflag:s0] =	ssyncadd.s32 @!p0 $0xFFFFC000;
	s0 =	sadd.s32 @!p2 $0xFFFFFF60, s7  }
0x67: {  	[tilespmem:s6], [sflag:$0x3] =	stream.linear.gather @!p2 [hbm4b:s0+s11], $0x100, $0x38;
	[tilespmem:$0x1C800] =	vst v63  }
0x68: {  	s0 =	simm.s32 @!p0 $0x80;
	s6 =	simm.s32 @!p0 $0x14400;
	s11 =	simm.s32 @!p0 $0x14800  }
0x69: {  	[tilespmem:s11], [sflag:$0x9] =	stream.indirect.gather @!p0 [hbm4b:s4+s0], $0x80, s6, s0, $0xb8;
	[tilespmem:$0x1C800] =	vst v63  }
0x6a: {  	_ =	swait.ge @!p1 [sflag:s10], $0x4000  }
0x6b: {  	[sflag:s10] =	ssyncset.done @!p1 $0x0  }
0x6c: {  	s12 =	rddreg [dreg:$0x7];
	[sflag:s10] =	ssyncadd.s32 @!p1 $0xFFFFC000;
	s10 =	simm.s32 @!p1 $0x14380  }
0x6d: {  	[spmem:s1] =	stream.indirect.scatter.add.f32 @!p1 [tilespmem:s19], [sflag:$0xC], $0x80, s10, s9, $0xb8;
	[tilespmem:$0x1C800] =	vst v63  }
0x6e: {  	p1 =	sle.u32 s12, $0x0  }
0x6f: {  	s6 =	simm.s32 @!p1 $0x6  }
0x70: {  	_ =	swait.ge @!p1 [sflag:s6], $0x100  }
0x71: {  	[sflag:s6] =	ssyncset.done @!p1 $0x0  }
0x72: {  	p2 =	sle.u32 @!p1 s5, $0xB;
	[sflag:s6] =	ssyncadd.s32 @!p1 $0xFFFFFF00;
	s6 =	simm.s32 @!p1 $0xC  }
0x73: {  	p2 =	por p2, p1;
	_ =	swait.ge @!p1 [sflag:s6], $0x4000  }
0x74: {  	s10 =	simm.s32 @!p0 $0x9;
	s9 =	simm.s32 @!p2 $0x14300;
	[sflag:s6] =	ssyncset.done @!p1 $0x0  }
0x75: {  	s19 =	simm.s32 @!p2 $0x0;
	[sflag:s6] =	ssyncadd.s32 @!p1 $0xFFFFC000;
	s6 =	sadd.s32 @!p2 $0xFFFFFF80, s7  }
0x76: {  	[tilespmem:s9], [sflag:$0x4] =	stream.linear.gather @!p2 [hbm4b:s6+s19], $0x100, $0x38;
	[tilespmem:$0x1C800] =	vst v63  }
0x77: {  	s6 =	simm.s32 @!p1 $0x80;
	s9 =	simm.s32 @!p1 $0x14500;
	s19 =	simm.s32 @!p1 $0x18800  }
0x78: {  	[tilespmem:s19], [sflag:$0xA] =	stream.indirect.gather @!p1 [hbm4b:s4+s6], $0x80, s9, s6, $0xb8;
	[tilespmem:$0x1C800] =	vst v63  }
0x79: {  	_ =	swait.ge @!p0 [sflag:s10], $0x4000  }
0x7a: {  	[sflag:s10] =	ssyncset.done @!p0 $0x0  }
0x7b: {  	s13 =	rddreg [dreg:$0x8];
	[sflag:s10] =	ssyncadd.s32 @!p0 $0xFFFFC000;
	s10 =	simm.s32 @!p0 $0x14480  }
0x7c: {  	[spmem:s1] =	stream.indirect.scatter.add.f32 @!p0 [tilespmem:s11], [sflag:$0xB], $0x80, s10, s0, $0xb8;
	[tilespmem:$0x1C800] =	vst v63  }
0x7d: {  	p0 =	sle.u32 s13, $0x0  }
0x7e: {  	s0 =	simm.s32 @!p0 $0x7  }
0x7f: {  	_ =	swait.ge @!p0 [sflag:s0], $0x100  }
0x80: {  	[sflag:s0] =	ssyncset.done @!p0 $0x0  }
0x81: {  	p2 =	sle.u32 @!p0 s5, $0xC;
	[sflag:s0] =	ssyncadd.s32 @!p0 $0xFFFFFF00;
	s0 =	simm.s32 @!p0 $0xB  }
0x82: {  	p2 =	por p2, p0;
	_ =	swait.ge @!p0 [sflag:s0], $0x4000  }
0x83: {  	s10 =	simm.s32 @!p1 $0xA;
	s9 =	simm.s32 @!p2 $0x14400;
	[sflag:s0] =	ssyncset.done @!p0 $0x0  }
0x84: {  	s11 =	simm.s32 @!p2 $0x0;
	[sflag:s0] =	ssyncadd.s32 @!p0 $0xFFFFC000;
	s0 =	sadd.s32 @!p2 $0xFFFFFFA0, s7  }
0x85: {  	[tilespmem:s9], [sflag:$0x5] =	stream.linear.gather @!p2 [hbm4b:s0+s11], $0x100, $0x38;
	[tilespmem:$0x1C800] =	vst v63  }
0x86: {  	s0 =	simm.s32 @!p0 $0x80;
	s9 =	simm.s32 @!p0 $0x14600;
	s11 =	simm.s32 @!p0 $0x14800  }
0x87: {  	[tilespmem:s11], [sflag:$0x9] =	stream.indirect.gather @!p0 [hbm4b:s4+s0], $0x80, s9, s0, $0xb8;
	[tilespmem:$0x1C800] =	vst v63  }
0x88: {  	_ =	swait.ge @!p1 [sflag:s10], $0x4000  }
0x89: {  	[sflag:s10] =	ssyncset.done @!p1 $0x0  }
0x8a: {  	s14 =	rddreg [dreg:$0x9];
	[sflag:s10] =	ssyncadd.s32 @!p1 $0xFFFFC000;
	s10 =	simm.s32 @!p1 $0x14580  }
0x8b: {  	[spmem:s1] =	stream.indirect.scatter.add.f32 @!p1 [tilespmem:s19], [sflag:$0xC], $0x80, s10, s6, $0xb8;
	[tilespmem:$0x1C800] =	vst v63  }
0x8c: {  	p1 =	sle.u32 s14, $0x0  }
0x8d: {  	s6 =	simm.s32 @!p1 $0x8  }
0x8e: {  	_ =	swait.ge @!p1 [sflag:s6], $0x100  }
0x8f: {  	[sflag:s6] =	ssyncset.done @!p1 $0x0  }
0x90: {  	p2 =	sle.u32 @!p1 s5, $0xD;
	[sflag:s6] =	ssyncadd.s32 @!p1 $0xFFFFFF00;
	s6 =	simm.s32 @!p1 $0xC  }
0x91: {  	p2 =	por p2, p1;
	_ =	swait.ge @!p1 [sflag:s6], $0x4000  }
0x92: {  	s10 =	simm.s32 @!p0 $0x9;
	s9 =	simm.s32 @!p2 $0x14500;
	[sflag:s6] =	ssyncset.done @!p1 $0x0  }
0x93: {  	s19 =	simm.s32 @!p2 $0x0;
	[sflag:s6] =	ssyncadd.s32 @!p1 $0xFFFFC000;
	s6 =	sadd.s32 @!p2 $0xFFFFFFC0, s7  }
0x94: {  	[tilespmem:s9], [sflag:$0x6] =	stream.linear.gather @!p2 [hbm4b:s6+s19], $0x100, $0x38;
	[tilespmem:$0x1C800] =	vst v63  }
0x95: {  	s6 =	simm.s32 @!p1 $0x80;
	s9 =	simm.s32 @!p1 $0x14700;
	s19 =	simm.s32 @!p1 $0x18800  }
0x96: {  	[tilespmem:s19], [sflag:$0xA] =	stream.indirect.gather @!p1 [hbm4b:s4+s6], $0x80, s9, s6, $0xb8;
	[tilespmem:$0x1C800] =	vst v63  }
0x97: {  	_ =	swait.ge @!p0 [sflag:s10], $0x4000  }
0x98: {  	[sflag:s10] =	ssyncset.done @!p0 $0x0  }
0x99: {  	s21 =	rddreg [dreg:$0xa];
	[sflag:s10] =	ssyncadd.s32 @!p0 $0xFFFFC000;
	s10 =	simm.s32 @!p0 $0x14680  }
0x9a: {  	[spmem:s1] =	stream.indirect.scatter.add.f32 @!p0 [tilespmem:s11], [sflag:$0xB], $0x80, s10, s0, $0xb8;
	[tilespmem:$0x1C800] =	vst v63  }
0x9b: {  	p0 =	sle.u32 s21, $0x0  }
0x9c: {  	s0 =	simm.s32 @!p0 $0x1  }
0x9d: {  	_ =	swait.ge @!p0 [sflag:s0], $0x100  }
0x9e: {  	[sflag:s0] =	ssyncset.done @!p0 $0x0  }
0x9f: {  	p2 =	sle.u32 @!p0 s5, $0xE;
	[sflag:s0] =	ssyncadd.s32 @!p0 $0xFFFFFF00;
	s0 =	simm.s32 @!p0 $0xB  }
0xa0: {  	p2 =	por p2, p0;
	_ =	swait.ge @!p0 [sflag:s0], $0x4000  }
0xa1: {  	s10 =	simm.s32 @!p1 $0xA;
	s9 =	simm.s32 @!p2 $0x14600;
	[sflag:s0] =	ssyncset.done @!p0 $0x0  }
0xa2: {  	s11 =	simm.s32 @!p2 $0x0;
	[sflag:s0] =	ssyncadd.s32 @!p0 $0xFFFFC000;
	s0 =	sadd.s32 @!p2 $0xFFFFFFE0, s7  }
0xa3: {  	[tilespmem:s9], [sflag:$0x7] =	stream.linear.gather @!p2 [hbm4b:s0+s11], $0x100, $0x38;
	[tilespmem:$0x1C800] =	vst v63  }
0xa4: {  	s0 =	simm.s32 @!p0 $0x80;
	s9 =	simm.s32 @!p0 $0x14000;
	s11 =	simm.s32 @!p0 $0x14800  }
0xa5: {  	[tilespmem:s11], [sflag:$0x9] =	stream.indirect.gather @!p0 [hbm4b:s4+s0], $0x80, s9, s0, $0xb8;
	[tilespmem:$0x1C800] =	vst v63  }
0xa6: {  	_ =	swait.ge @!p1 [sflag:s10], $0x4000  }
0xa7: {  	[sflag:s10] =	ssyncset.done @!p1 $0x0  }
0xa8: {  	s9 =	simm.s32 @!p1 $0x14780;
	s23 =	rddreg [dreg:$0xb];
	[sflag:s10] =	ssyncadd.s32 @!p1 $0xFFFFC000  }
0xa9: {  	[spmem:s1] =	stream.indirect.scatter.add.f32 @!p1 [tilespmem:s19], [sflag:$0xC], $0x80, s9, s6, $0xb8;
	[tilespmem:$0x1C800] =	vst v63  }
0xaa: {  	p1 =	sle.u32 s23, $0x0  }
0xab: {  	s0 =	simm.s32 @!p1 $0x2  }
0xac: {  	s29 =	simm.s32 $0x17;
	p2 =	sle.u32 s5, $0x8;
	_ =	swait.ge @!p1 [sflag:s0], $0x100  }
0xad: {  	s6 =	simm.s32 $0x1F;
	s23 =	simm.s32 $0x8;
	[sflag:s0] =	ssyncset.done @!p1 $0x0  }
0xae: {  	p0 =	sle.u32 @!p1 s5, $0xF;
	s11 =	simm.s32 @!p1 $0xC;
	[sflag:s0] =	ssyncadd.s32 @!p1 $0xFFFFFF00  }
0xaf: {  	s19 =	smov.u32 s7;
	p3 =	por p0, p1;
	_ =	swait.ge @!p1 [sflag:s11], $0x4000  }
0xb0: {  	s9 =	simm.s32 @!p1 $0x18800;
	s10 =	simm.s32 @!p3 $0x14700;
	[sflag:s11] =	ssyncset.done @!p1 $0x0  }
0xb1: {  	s0 =	sadd.s32 $0x100, s7;
	[sflag:s11] =	ssyncadd.s32 @!p1 $0xFFFFC000;
	s11 =	simm.s32 @!p3 $0x0  }
.LBB2_2:
0xb2: {  	[tilespmem:s10], [sflag:$0x8] =	stream.linear.gather @!p3 [hbm4b:s19+s11], $0x100, $0x38;
	[tilespmem:$0x1C800] =	vst v63  }
0xb3: {  	s10 =	simm.s32 @!p2 $0x9;
	s11 =	simm.s32 @!p1 $0x80;
	s19 =	simm.s32 @!p1 $0x14100  }
0xb4: {  	[tilespmem:s9], [sflag:$0xA] =	stream.indirect.gather @!p1 [hbm4b:s4+s11], $0x80, s19, s11, $0xb8;
	[tilespmem:$0x1C800] =	vst v63  }
0xb5: {  	s12 =	simm.s32 @!p2 $0x14080;
	_ =	swait.ge @!p2 [sflag:s10], $0x4000  }
0xb6: {  	s11 =	simm.s32 @!p2 $0x14800;
	[sflag:s10] =	ssyncset.done @!p2 $0x0;
	s13 =	rddreg [dreg:$0x3]  }
0xb7: {  	[sflag:s10] =	ssyncadd.s32 @!p2 $0xFFFFC000;
	s10 =	simm.s32 @!p2 $0x80;
	p1 =	sge.u32 s23, s13  }
0xb8: {  	[spmem:s1] =	stream.indirect.scatter.add.f32 @!p2 [tilespmem:s11], [sflag:$0xB], $0x80, s12, s10, $0xb8;
	[tilespmem:$0x1C800] =	vst v63  }
0xb9: {  	s10 =	simm.s32 @!p1 $0x3  }
0xba: {  	_ =	swait.ge @!p1 [sflag:s10], $0x100  }
0xbb: {  	s11 =	sadd.s32 @!p1 $0xFFFFFFF9, s29;
	[sflag:s10] =	ssyncset.done @!p1 $0x0  }
0xbc: {  	p2 =	sge.u32 @!p1 s11, s5;
	s11 =	simm.s32 @!p1 $0xB;
	[sflag:s10] =	ssyncadd.s32 @!p1 $0xFFFFFF00  }
0xbd: {  	p2 =	por p2, p1;
	s10 =	simm.s32 @!p1 $0x14800;
	_ =	swait.ge @!p1 [sflag:s11], $0x4000  }
0xbe: {  	s12 =	simm.s32 @!p2 $0x14000;
	s14 =	simm.s32 @!p2 $0x0;
	[sflag:s11] =	ssyncset.done @!p1 $0x0  }
0xbf: {  	s13 =	rddreg [dreg:$0x4];
	[sflag:s11] =	ssyncadd.s32 @!p1 $0xFFFFC000;
	s11 =	sadd.s32 @!p2 $0xFFFFFF20, s0  }
0xc0: {  	[tilespmem:s12], [sflag:$0x1] =	stream.linear.gather @!p2 [hbm4b:s11+s14], $0x100, $0x38;
	[tilespmem:$0x1C800] =	vst v63  }
0xc1: {  	s11 =	simm.s32 @!p1 $0x80;
	s12 =	simm.s32 @!p1 $0x14200;
	p2 =	sge.u32 s23, s13  }
0xc2: {  	[tilespmem:s10], [sflag:$0x9] =	stream.indirect.gather @!p1 [hbm4b:s4+s11], $0x80, s12, s11, $0xb8;
	[tilespmem:$0x1C800] =	vst v63  }
0xc3: {  	s12 =	simm.s32 @!p2 $0xA  }
0xc4: {  	_ =	swait.ge @!p2 [sflag:s12], $0x4000  }
0xc5: {  	s13 =	simm.s32 @!p2 $0x18800;
	s21 =	simm.s32 @!p2 $0x14180;
	[sflag:s12] =	ssyncset.done @!p2 $0x0  }
0xc6: {  	s14 =	rddreg [dreg:$0x5];
	[sflag:s12] =	ssyncadd.s32 @!p2 $0xFFFFC000;
	s12 =	simm.s32 @!p2 $0x80  }
0xc7: {  	[spmem:s1] =	stream.indirect.scatter.add.f32 @!p2 [tilespmem:s13], [sflag:$0xC], $0x80, s21, s12, $0xb8;
	[tilespmem:$0x1C800] =	vst v63  }
0xc8: {  	p2 =	sge.u32 s23, s14  }
0xc9: {  	s12 =	simm.s32 @!p2 $0x4  }
0xca: {  	_ =	swait.ge @!p2 [sflag:s12], $0x100  }
0xcb: {  	s13 =	sadd.s32 @!p2 $0xFFFFFFFA, s29;
	[sflag:s12] =	ssyncset.done @!p2 $0x0  }
0xcc: {  	p3 =	sge.u32 @!p2 s13, s5;
	[sflag:s12] =	ssyncadd.s32 @!p2 $0xFFFFFF00;
	s12 =	simm.s32 @!p2 $0xC  }
0xcd: {  	p3 =	por p3, p2;
	_ =	swait.ge @!p2 [sflag:s12], $0x4000  }
0xce: {  	s14 =	simm.s32 @!p1 $0x9;
	s13 =	simm.s32 @!p3 $0x14100;
	[sflag:s12] =	ssyncset.done @!p2 $0x0  }
0xcf: {  	s21 =	simm.s32 @!p3 $0x0;
	[sflag:s12] =	ssyncadd.s32 @!p2 $0xFFFFC000;
	s12 =	sadd.s32 @!p3 $0xFFFFFF40, s0  }
0xd0: {  	[tilespmem:s13], [sflag:$0x2] =	stream.linear.gather @!p3 [hbm4b:s12+s21], $0x100, $0x38;
	[tilespmem:$0x1C800] =	vst v63  }
0xd1: {  	s12 =	simm.s32 @!p2 $0x80;
	s13 =	simm.s32 @!p2 $0x14300;
	s21 =	simm.s32 @!p2 $0x18800  }
0xd2: {  	[tilespmem:s21], [sflag:$0xA] =	stream.indirect.gather @!p2 [hbm4b:s4+s12], $0x80, s13, s12, $0xb8;
	[tilespmem:$0x1C800] =	vst v63  }
0xd3: {  	_ =	swait.ge @!p1 [sflag:s14], $0x4000  }
0xd4: {  	[sflag:s14] =	ssyncset.done @!p1 $0x0  }
0xd5: {  	s13 =	rddreg [dreg:$0x6];
	[sflag:s14] =	ssyncadd.s32 @!p1 $0xFFFFC000;
	s14 =	simm.s32 @!p1 $0x14280  }
0xd6: {  	[spmem:s1] =	stream.indirect.scatter.add.f32 @!p1 [tilespmem:s10], [sflag:$0xB], $0x80, s14, s11, $0xb8;
	[tilespmem:$0x1C800] =	vst v63  }
0xd7: {  	p1 =	sge.u32 s23, s13  }
0xd8: {  	s10 =	simm.s32 @!p1 $0x5  }
0xd9: {  	_ =	swait.ge @!p1 [sflag:s10], $0x100  }
0xda: {  	s11 =	sadd.s32 @!p1 $0xFFFFFFFB, s29;
	[sflag:s10] =	ssyncset.done @!p1 $0x0  }
0xdb: {  	p3 =	sge.u32 @!p1 s11, s5;
	[sflag:s10] =	ssyncadd.s32 @!p1 $0xFFFFFF00;
	s10 =	simm.s32 @!p1 $0xB  }
0xdc: {  	p3 =	por p3, p1;
	_ =	swait.ge @!p1 [sflag:s10], $0x4000  }
0xdd: {  	s13 =	simm.s32 @!p2 $0xA;
	s11 =	simm.s32 @!p3 $0x14200;
	[sflag:s10] =	ssyncset.done @!p1 $0x0  }
0xde: {  	s14 =	simm.s32 @!p3 $0x0;
	[sflag:s10] =	ssyncadd.s32 @!p1 $0xFFFFC000;
	s10 =	sadd.s32 @!p3 $0xFFFFFF60, s0  }
0xdf: {  	[tilespmem:s11], [sflag:$0x3] =	stream.linear.gather @!p3 [hbm4b:s10+s14], $0x100, $0x38;
	[tilespmem:$0x1C800] =	vst v63  }
0xe0: {  	s10 =	simm.s32 @!p1 $0x80;
	s11 =	simm.s32 @!p1 $0x14400;
	s14 =	simm.s32 @!p1 $0x14800  }
0xe1: {  	[tilespmem:s14], [sflag:$0x9] =	stream.indirect.gather @!p1 [hbm4b:s4+s10], $0x80, s11, s10, $0xb8;
	[tilespmem:$0x1C800] =	vst v63  }
0xe2: {  	_ =	swait.ge @!p2 [sflag:s13], $0x4000  }
0xe3: {  	[sflag:s13] =	ssyncset.done @!p2 $0x0  }
0xe4: {  	s11 =	rddreg [dreg:$0x7];
	[sflag:s13] =	ssyncadd.s32 @!p2 $0xFFFFC000;
	s13 =	simm.s32 @!p2 $0x14380  }
0xe5: {  	[spmem:s1] =	stream.indirect.scatter.add.f32 @!p2 [tilespmem:s21], [sflag:$0xC], $0x80, s13, s12, $0xb8;
	[tilespmem:$0x1C800] =	vst v63  }
0xe6: {  	p2 =	sge.u32 s23, s11  }
0xe7: {  	s11 =	simm.s32 @!p2 $0x6  }
0xe8: {  	_ =	swait.ge @!p2 [sflag:s11], $0x100  }
0xe9: {  	s12 =	sadd.s32 @!p2 $0xFFFFFFFC, s29;
	[sflag:s11] =	ssyncset.done @!p2 $0x0  }
0xea: {  	p3 =	sge.u32 @!p2 s12, s5;
	[sflag:s11] =	ssyncadd.s32 @!p2 $0xFFFFFF00;
	s11 =	simm.s32 @!p2 $0xC  }
0xeb: {  	p3 =	por p3, p2;
	_ =	swait.ge @!p2 [sflag:s11], $0x4000  }
0xec: {  	s13 =	simm.s32 @!p1 $0x9;
	s12 =	simm.s32 @!p3 $0x14300;
	[sflag:s11] =	ssyncset.done @!p2 $0x0  }
0xed: {  	s21 =	simm.s32 @!p3 $0x0;
	[sflag:s11] =	ssyncadd.s32 @!p2 $0xFFFFC000;
	s11 =	sadd.s32 @!p3 $0xFFFFFF80, s0  }
0xee: {  	[tilespmem:s12], [sflag:$0x4] =	stream.linear.gather @!p3 [hbm4b:s11+s21], $0x100, $0x38;
	[tilespmem:$0x1C800] =	vst v63  }
0xef: {  	s11 =	simm.s32 @!p2 $0x80;
	s12 =	simm.s32 @!p2 $0x14500;
	s21 =	simm.s32 @!p2 $0x18800  }
0xf0: {  	[tilespmem:s21], [sflag:$0xA] =	stream.indirect.gather @!p2 [hbm4b:s4+s11], $0x80, s12, s11, $0xb8;
	[tilespmem:$0x1C800] =	vst v63  }
0xf1: {  	_ =	swait.ge @!p1 [sflag:s13], $0x4000  }
0xf2: {  	[sflag:s13] =	ssyncset.done @!p1 $0x0  }
0xf3: {  	s12 =	rddreg [dreg:$0x8];
	[sflag:s13] =	ssyncadd.s32 @!p1 $0xFFFFC000;
	s13 =	simm.s32 @!p1 $0x14480  }
0xf4: {  	[spmem:s1] =	stream.indirect.scatter.add.f32 @!p1 [tilespmem:s14], [sflag:$0xB], $0x80, s13, s10, $0xb8;
	[tilespmem:$0x1C800] =	vst v63  }
0xf5: {  	p1 =	sge.u32 s23, s12  }
0xf6: {  	s10 =	simm.s32 @!p1 $0x7  }
0xf7: {  	_ =	swait.ge @!p1 [sflag:s10], $0x100  }
0xf8: {  	s12 =	sadd.s32 @!p1 $0xFFFFFFFD, s29;
	[sflag:s10] =	ssyncset.done @!p1 $0x0  }
0xf9: {  	p3 =	sge.u32 @!p1 s12, s5;
	[sflag:s10] =	ssyncadd.s32 @!p1 $0xFFFFFF00;
	s10 =	simm.s32 @!p1 $0xB  }
0xfa: {  	p3 =	por p3, p1;
	_ =	swait.ge @!p1 [sflag:s10], $0x4000  }
0xfb: {  	s13 =	simm.s32 @!p2 $0xA;
	s12 =	simm.s32 @!p3 $0x14400;
	[sflag:s10] =	ssyncset.done @!p1 $0x0  }
0xfc: {  	s14 =	simm.s32 @!p3 $0x0;
	[sflag:s10] =	ssyncadd.s32 @!p1 $0xFFFFC000;
	s10 =	sadd.s32 @!p3 $0xFFFFFFA0, s0  }
0xfd: {  	[tilespmem:s12], [sflag:$0x5] =	stream.linear.gather @!p3 [hbm4b:s10+s14], $0x100, $0x38;
	[tilespmem:$0x1C800] =	vst v63  }
0xfe: {  	s10 =	simm.s32 @!p1 $0x80;
	s12 =	simm.s32 @!p1 $0x14600;
	s14 =	simm.s32 @!p1 $0x14800  }
0xff: {  	[tilespmem:s14], [sflag:$0x9] =	stream.indirect.gather @!p1 [hbm4b:s4+s10], $0x80, s12, s10, $0xb8;
	[tilespmem:$0x1C800] =	vst v63  }
0x100: {  	_ =	swait.ge @!p2 [sflag:s13], $0x4000  }
0x101: {  	[sflag:s13] =	ssyncset.done @!p2 $0x0  }
0x102: {  	s12 =	rddreg [dreg:$0x9];
	[sflag:s13] =	ssyncadd.s32 @!p2 $0xFFFFC000;
	s13 =	simm.s32 @!p2 $0x14580  }
0x103: {  	[spmem:s1] =	stream.indirect.scatter.add.f32 @!p2 [tilespmem:s21], [sflag:$0xC], $0x80, s13, s11, $0xb8;
	[tilespmem:$0x1C800] =	vst v63  }
0x104: {  	p2 =	sge.u32 s23, s12  }
0x105: {  	s11 =	simm.s32 @!p2 $0x8  }
0x106: {  	_ =	swait.ge @!p2 [sflag:s11], $0x100  }
0x107: {  	s12 =	sadd.s32 @!p2 $0xFFFFFFFE, s29;
	[sflag:s11] =	ssyncset.done @!p2 $0x0  }
0x108: {  	p3 =	sge.u32 @!p2 s12, s5;
	[sflag:s11] =	ssyncadd.s32 @!p2 $0xFFFFFF00;
	s11 =	simm.s32 @!p2 $0xC  }
0x109: {  	p3 =	por p3, p2;
	_ =	swait.ge @!p2 [sflag:s11], $0x4000  }
0x10a: {  	s13 =	simm.s32 @!p1 $0x9;
	s12 =	simm.s32 @!p3 $0x14500;
	[sflag:s11] =	ssyncset.done @!p2 $0x0  }
0x10b: {  	s21 =	simm.s32 @!p3 $0x0;
	[sflag:s11] =	ssyncadd.s32 @!p2 $0xFFFFC000;
	s11 =	sadd.s32 @!p3 $0xFFFFFFC0, s0  }
0x10c: {  	[tilespmem:s12], [sflag:$0x6] =	stream.linear.gather @!p3 [hbm4b:s11+s21], $0x100, $0x38;
	[tilespmem:$0x1C800] =	vst v63  }
0x10d: {  	s11 =	simm.s32 @!p2 $0x80;
	s12 =	simm.s32 @!p2 $0x14700;
	s21 =	simm.s32 @!p2 $0x18800  }
0x10e: {  	[tilespmem:s21], [sflag:$0xA] =	stream.indirect.gather @!p2 [hbm4b:s4+s11], $0x80, s12, s11, $0xb8;
	[tilespmem:$0x1C800] =	vst v63  }
0x10f: {  	_ =	swait.ge @!p1 [sflag:s13], $0x4000  }
0x110: {  	[sflag:s13] =	ssyncset.done @!p1 $0x0  }
0x111: {  	s12 =	rddreg [dreg:$0xa];
	[sflag:s13] =	ssyncadd.s32 @!p1 $0xFFFFC000;
	s13 =	simm.s32 @!p1 $0x14680  }
0x112: {  	[spmem:s1] =	stream.indirect.scatter.add.f32 @!p1 [tilespmem:s14], [sflag:$0xB], $0x80, s13, s10, $0xb8;
	[tilespmem:$0x1C800] =	vst v63  }
0x113: {  	p1 =	sge.u32 s23, s12  }
0x114: {  	s10 =	simm.s32 @!p1 $0x1  }
0x115: {  	_ =	swait.ge @!p1 [sflag:s10], $0x100  }
0x116: {  	s12 =	sadd.s32 @!p1 $0xFFFFFFFF, s29;
	[sflag:s10] =	ssyncset.done @!p1 $0x0  }
0x117: {  	p3 =	sge.u32 @!p1 s12, s5;
	[sflag:s10] =	ssyncadd.s32 @!p1 $0xFFFFFF00;
	s10 =	simm.s32 @!p1 $0xB  }
0x118: {  	p3 =	por p3, p1;
	_ =	swait.ge @!p1 [sflag:s10], $0x4000  }
0x119: {  	s13 =	simm.s32 @!p2 $0xA;
	s12 =	simm.s32 @!p3 $0x14600;
	[sflag:s10] =	ssyncset.done @!p1 $0x0  }
0x11a: {  	s14 =	simm.s32 @!p3 $0x0;
	[sflag:s10] =	ssyncadd.s32 @!p1 $0xFFFFC000;
	s10 =	sadd.s32 @!p3 $0xFFFFFFE0, s0  }
0x11b: {  	[tilespmem:s12], [sflag:$0x7] =	stream.linear.gather @!p3 [hbm4b:s10+s14], $0x100, $0x38;
	[tilespmem:$0x1C800] =	vst v63  }
0x11c: {  	s10 =	simm.s32 @!p1 $0x80;
	s12 =	simm.s32 @!p1 $0x14000;
	s14 =	simm.s32 @!p1 $0x14800  }
0x11d: {  	[tilespmem:s14], [sflag:$0x9] =	stream.indirect.gather @!p1 [hbm4b:s4+s10], $0x80, s12, s10, $0xb8;
	[tilespmem:$0x1C800] =	vst v63  }
0x11e: {  	_ =	swait.ge @!p2 [sflag:s13], $0x4000  }
0x11f: {  	s9 =	smov.u32 s6;
	[sflag:s13] =	ssyncset.done @!p2 $0x0;
	s14 =	rddreg [dreg:$0xb]  }
0x120: {  	s12 =	simm.s32 @!p2 $0x14780;
	[sflag:s13] =	ssyncadd.s32 @!p2 $0xFFFFC000;
	p1 =	sge.u32 s23, s14  }
0x121: {  	[spmem:s1] =	stream.indirect.scatter.add.f32 @!p2 [tilespmem:s21], [sflag:$0xC], $0x80, s12, s11, $0xb8;
	[tilespmem:$0x1C800] =	vst v63  }
0x122: {  	s6 =	sadd.s32 $0x8, s6;
	s19 =	smov.u32 s0;
	s10 =	simm.s32 @!p1 $0x2  }
0x123: {  	p0 =	sne.s32 s6, $0x8F;
	s0 =	sadd.s32 $0x100, s0;
	_ =	swait.ge @!p1 [sflag:s10], $0x100  }
.Ltmp0:
0x124: {  	p2 =	sge.u32 @!p1 s29, s5;
	[sflag:s10] =	ssyncset.done @!p1 $0x0;
	(pc) =	sbr.rel @p0 .LBB2_2-.Ltmp0, $4  }
0x125: {  	s29 =	smov.u32 s9;
	s11 =	simm.s32 @!p1 $0xC;
	[sflag:s10] =	ssyncadd.s32 @!p1 $0xFFFFFF00  }
0x126: {  	s9 =	simm.s32 @!p1 $0x18800;
	s23 =	sadd.s32 $0xFFFFFFF1, s29;
	_ =	swait.ge @!p1 [sflag:s11], $0x4000  }
0x127: {  	p3 =	por p2, p1;
	p2 =	sge.u32 s23, s5;
	[sflag:s11] =	ssyncset.done @!p1 $0x0  }
0x128: {  	s10 =	simm.s32 @!p3 $0x14700;
	[sflag:s11] =	ssyncadd.s32 @!p1 $0xFFFFC000;
	s11 =	simm.s32 @!p3 $0x0  }
0x129: {  	[tilespmem:s10], [sflag:$0x8] =	stream.linear.gather @!p3 [hbm4b:s19+s11], $0x100, $0x38;
	[tilespmem:$0x1C800] =	vst v63  }
0x12a: {  	s6 =	simm.s32 @!p2 $0x9;
	s10 =	simm.s32 @!p1 $0x80;
	s11 =	simm.s32 @!p1 $0x14100  }
0x12b: {  	[tilespmem:s9], [sflag:$0xA] =	stream.indirect.gather @!p1 [hbm4b:s4+s10], $0x80, s11, s10, $0xb8;
	[tilespmem:$0x1C800] =	vst v63  }
0x12c: {  	s9 =	simm.s32 @!p2 $0x14800;
	_ =	swait.ge @!p2 [sflag:s6], $0x4000  }
0x12d: {  	s11 =	simm.s32 @!p2 $0x14080;
	[sflag:s6] =	ssyncset.done @!p2 $0x0;
	s14 =	rddreg [dreg:$0x3]  }
0x12e: {  	[sflag:s6] =	ssyncadd.s32 @!p2 $0xFFFFC000;
	s6 =	simm.s32 @!p2 $0x80;
	p0 =	sge.u32 s23, s14  }
0x12f: {  	[spmem:s1] =	stream.indirect.scatter.add.f32 @!p2 [tilespmem:s9], [sflag:$0xB], $0x80, s11, s6, $0xb8;
	[tilespmem:$0x1C800] =	vst v63  }
0x130: {  	s6 =	simm.s32 @!p0 $0x3  }
0x131: {  	_ =	swait.ge @!p0 [sflag:s6], $0x100  }
0x132: {  	s9 =	sadd.s32 @!p0 $0xFFFFFFF9, s29;
	[sflag:s6] =	ssyncset.done @!p0 $0x0  }
0x133: {  	p1 =	sge.u32 @!p0 s9, s5;
	[sflag:s6] =	ssyncadd.s32 @!p0 $0xFFFFFF00;
	s6 =	simm.s32 @!p0 $0xB  }
0x134: {  	s9 =	simm.s32 @!p0 $0x14800;
	p1 =	por p1, p0;
	_ =	swait.ge @!p0 [sflag:s6], $0x4000  }
0x135: {  	s10 =	simm.s32 @!p1 $0x14000;
	s12 =	simm.s32 @!p1 $0x0;
	[sflag:s6] =	ssyncset.done @!p0 $0x0  }
0x136: {  	s19 =	rddreg [dreg:$0x4];
	[sflag:s6] =	ssyncadd.s32 @!p0 $0xFFFFC000;
	s6 =	sadd.s32 @!p1 $0xFFFFFF20, s0  }
0x137: {  	[tilespmem:s10], [sflag:$0x1] =	stream.linear.gather @!p1 [hbm4b:s6+s12], $0x100, $0x38;
	[tilespmem:$0x1C800] =	vst v63  }
0x138: {  	s6 =	simm.s32 @!p0 $0x80;
	s10 =	simm.s32 @!p0 $0x14200;
	p1 =	sge.u32 s23, s19  }
0x139: {  	[tilespmem:s9], [sflag:$0x9] =	stream.indirect.gather @!p0 [hbm4b:s4+s6], $0x80, s10, s6, $0xb8;
	[tilespmem:$0x1C800] =	vst v63  }
0x13a: {  	s10 =	simm.s32 @!p1 $0xA  }
0x13b: {  	_ =	swait.ge @!p1 [sflag:s10], $0x4000  }
0x13c: {  	s11 =	simm.s32 @!p1 $0x18800;
	s13 =	simm.s32 @!p1 $0x14180;
	[sflag:s10] =	ssyncset.done @!p1 $0x0  }
0x13d: {  	s21 =	rddreg [dreg:$0x5];
	[sflag:s10] =	ssyncadd.s32 @!p1 $0xFFFFC000;
	s10 =	simm.s32 @!p1 $0x80  }
0x13e: {  	[spmem:s1] =	stream.indirect.scatter.add.f32 @!p1 [tilespmem:s11], [sflag:$0xC], $0x80, s13, s10, $0xb8;
	[tilespmem:$0x1C800] =	vst v63  }
0x13f: {  	p1 =	sge.u32 s23, s21  }
0x140: {  	s10 =	simm.s32 @!p1 $0x4  }
0x141: {  	_ =	swait.ge @!p1 [sflag:s10], $0x100  }
0x142: {  	s11 =	sadd.s32 @!p1 $0xFFFFFFFA, s29;
	[sflag:s10] =	ssyncset.done @!p1 $0x0  }
0x143: {  	p2 =	sge.u32 @!p1 s11, s5;
	[sflag:s10] =	ssyncadd.s32 @!p1 $0xFFFFFF00;
	s10 =	simm.s32 @!p1 $0xC  }
0x144: {  	p2 =	por p2, p1;
	_ =	swait.ge @!p1 [sflag:s10], $0x4000  }
0x145: {  	s12 =	simm.s32 @!p0 $0x9;
	s11 =	simm.s32 @!p2 $0x14100;
	[sflag:s10] =	ssyncset.done @!p1 $0x0  }
0x146: {  	s13 =	simm.s32 @!p2 $0x0;
	[sflag:s10] =	ssyncadd.s32 @!p1 $0xFFFFC000;
	s10 =	sadd.s32 @!p2 $0xFFFFFF40, s0  }
0x147: {  	[tilespmem:s11], [sflag:$0x2] =	stream.linear.gather @!p2 [hbm4b:s10+s13], $0x100, $0x38;
	[tilespmem:$0x1C800] =	vst v63  }
0x148: {  	s10 =	simm.s32 @!p1 $0x80;
	s11 =	simm.s32 @!p1 $0x14300;
	s13 =	simm.s32 @!p1 $0x18800  }
0x149: {  	[tilespmem:s13], [sflag:$0xA] =	stream.indirect.gather @!p1 [hbm4b:s4+s10], $0x80, s11, s10, $0xb8;
	[tilespmem:$0x1C800] =	vst v63  }
0x14a: {  	_ =	swait.ge @!p0 [sflag:s12], $0x4000  }
0x14b: {  	[sflag:s12] =	ssyncset.done @!p0 $0x0  }
0x14c: {  	s14 =	rddreg [dreg:$0x6];
	[sflag:s12] =	ssyncadd.s32 @!p0 $0xFFFFC000;
	s12 =	simm.s32 @!p0 $0x14280  }
0x14d: {  	[spmem:s1] =	stream.indirect.scatter.add.f32 @!p0 [tilespmem:s9], [sflag:$0xB], $0x80, s12, s6, $0xb8;
	[tilespmem:$0x1C800] =	vst v63  }
0x14e: {  	p0 =	sge.u32 s23, s14  }
0x14f: {  	s6 =	simm.s32 @!p0 $0x5  }
0x150: {  	_ =	swait.ge @!p0 [sflag:s6], $0x100  }
0x151: {  	s9 =	sadd.s32 @!p0 $0xFFFFFFFB, s29;
	[sflag:s6] =	ssyncset.done @!p0 $0x0  }
0x152: {  	p2 =	sge.u32 @!p0 s9, s5;
	[sflag:s6] =	ssyncadd.s32 @!p0 $0xFFFFFF00;
	s6 =	simm.s32 @!p0 $0xB  }
0x153: {  	p2 =	por p2, p0;
	_ =	swait.ge @!p0 [sflag:s6], $0x4000  }
0x154: {  	s11 =	simm.s32 @!p1 $0xA;
	s9 =	simm.s32 @!p2 $0x14200;
	[sflag:s6] =	ssyncset.done @!p0 $0x0  }
0x155: {  	s12 =	simm.s32 @!p2 $0x0;
	[sflag:s6] =	ssyncadd.s32 @!p0 $0xFFFFC000;
	s6 =	sadd.s32 @!p2 $0xFFFFFF60, s0  }
0x156: {  	[tilespmem:s9], [sflag:$0x3] =	stream.linear.gather @!p2 [hbm4b:s6+s12], $0x100, $0x38;
	[tilespmem:$0x1C800] =	vst v63  }
0x157: {  	s6 =	simm.s32 @!p0 $0x80;
	s9 =	simm.s32 @!p0 $0x14400;
	s12 =	simm.s32 @!p0 $0x14800  }
0x158: {  	[tilespmem:s12], [sflag:$0x9] =	stream.indirect.gather @!p0 [hbm4b:s4+s6], $0x80, s9, s6, $0xb8;
	[tilespmem:$0x1C800] =	vst v63  }
0x159: {  	_ =	swait.ge @!p1 [sflag:s11], $0x4000  }
0x15a: {  	[sflag:s11] =	ssyncset.done @!p1 $0x0  }
0x15b: {  	s19 =	rddreg [dreg:$0x7];
	[sflag:s11] =	ssyncadd.s32 @!p1 $0xFFFFC000;
	s11 =	simm.s32 @!p1 $0x14380  }
0x15c: {  	[spmem:s1] =	stream.indirect.scatter.add.f32 @!p1 [tilespmem:s13], [sflag:$0xC], $0x80, s11, s10, $0xb8;
	[tilespmem:$0x1C800] =	vst v63  }
0x15d: {  	p1 =	sge.u32 s23, s19  }
0x15e: {  	s9 =	simm.s32 @!p1 $0x6  }
0x15f: {  	_ =	swait.ge @!p1 [sflag:s9], $0x100  }
0x160: {  	s10 =	sadd.s32 @!p1 $0xFFFFFFFC, s29;
	[sflag:s9] =	ssyncset.done @!p1 $0x0  }
0x161: {  	p2 =	sge.u32 @!p1 s10, s5;
	[sflag:s9] =	ssyncadd.s32 @!p1 $0xFFFFFF00;
	s9 =	simm.s32 @!p1 $0xC  }
0x162: {  	p2 =	por p2, p1;
	_ =	swait.ge @!p1 [sflag:s9], $0x4000  }
0x163: {  	s11 =	simm.s32 @!p0 $0x9;
	s10 =	simm.s32 @!p2 $0x14300;
	[sflag:s9] =	ssyncset.done @!p1 $0x0  }
0x164: {  	s13 =	simm.s32 @!p2 $0x0;
	[sflag:s9] =	ssyncadd.s32 @!p1 $0xFFFFC000;
	s9 =	sadd.s32 @!p2 $0xFFFFFF80, s0  }
0x165: {  	[tilespmem:s10], [sflag:$0x4] =	stream.linear.gather @!p2 [hbm4b:s9+s13], $0x100, $0x38;
	[tilespmem:$0x1C800] =	vst v63  }
0x166: {  	s9 =	simm.s32 @!p1 $0x80;
	s10 =	simm.s32 @!p1 $0x14500;
	s13 =	simm.s32 @!p1 $0x18800  }
0x167: {  	[tilespmem:s13], [sflag:$0xA] =	stream.indirect.gather @!p1 [hbm4b:s4+s9], $0x80, s10, s9, $0xb8;
	[tilespmem:$0x1C800] =	vst v63  }
0x168: {  	_ =	swait.ge @!p0 [sflag:s11], $0x4000  }
0x169: {  	[sflag:s11] =	ssyncset.done @!p0 $0x0  }
0x16a: {  	s21 =	rddreg [dreg:$0x8];
	[sflag:s11] =	ssyncadd.s32 @!p0 $0xFFFFC000;
	s11 =	simm.s32 @!p0 $0x14480  }
0x16b: {  	[spmem:s1] =	stream.indirect.scatter.add.f32 @!p0 [tilespmem:s12], [sflag:$0xB], $0x80, s11, s6, $0xb8;
	[tilespmem:$0x1C800] =	vst v63  }
0x16c: {  	p0 =	sge.u32 s23, s21  }
0x16d: {  	s6 =	simm.s32 @!p0 $0x7  }
0x16e: {  	_ =	swait.ge @!p0 [sflag:s6], $0x100  }
0x16f: {  	s10 =	sadd.s32 @!p0 $0xFFFFFFFD, s29;
	[sflag:s6] =	ssyncset.done @!p0 $0x0  }
0x170: {  	p2 =	sge.u32 @!p0 s10, s5;
	[sflag:s6] =	ssyncadd.s32 @!p0 $0xFFFFFF00;
	s6 =	simm.s32 @!p0 $0xB  }
0x171: {  	p2 =	por p2, p0;
	_ =	swait.ge @!p0 [sflag:s6], $0x4000  }
0x172: {  	s11 =	simm.s32 @!p1 $0xA;
	s10 =	simm.s32 @!p2 $0x14400;
	[sflag:s6] =	ssyncset.done @!p0 $0x0  }
0x173: {  	s12 =	simm.s32 @!p2 $0x0;
	[sflag:s6] =	ssyncadd.s32 @!p0 $0xFFFFC000;
	s6 =	sadd.s32 @!p2 $0xFFFFFFA0, s0  }
0x174: {  	[tilespmem:s10], [sflag:$0x5] =	stream.linear.gather @!p2 [hbm4b:s6+s12], $0x100, $0x38;
	[tilespmem:$0x1C800] =	vst v63  }
0x175: {  	s6 =	simm.s32 @!p0 $0x80;
	s10 =	simm.s32 @!p0 $0x14600;
	s12 =	simm.s32 @!p0 $0x14800  }
0x176: {  	[tilespmem:s12], [sflag:$0x9] =	stream.indirect.gather @!p0 [hbm4b:s4+s6], $0x80, s10, s6, $0xb8;
	[tilespmem:$0x1C800] =	vst v63  }
0x177: {  	_ =	swait.ge @!p1 [sflag:s11], $0x4000  }
0x178: {  	[sflag:s11] =	ssyncset.done @!p1 $0x0  }
0x179: {  	s14 =	rddreg [dreg:$0x9];
	[sflag:s11] =	ssyncadd.s32 @!p1 $0xFFFFC000;
	s11 =	simm.s32 @!p1 $0x14580  }
0x17a: {  	[spmem:s1] =	stream.indirect.scatter.add.f32 @!p1 [tilespmem:s13], [sflag:$0xC], $0x80, s11, s9, $0xb8;
	[tilespmem:$0x1C800] =	vst v63  }
0x17b: {  	p1 =	sge.u32 s23, s14  }
0x17c: {  	s9 =	simm.s32 @!p1 $0x8  }
0x17d: {  	_ =	swait.ge @!p1 [sflag:s9], $0x100  }
0x17e: {  	s10 =	sadd.s32 @!p1 $0xFFFFFFFE, s29;
	[sflag:s9] =	ssyncset.done @!p1 $0x0  }
0x17f: {  	p2 =	sge.u32 @!p1 s10, s5;
	[sflag:s9] =	ssyncadd.s32 @!p1 $0xFFFFFF00;
	s9 =	simm.s32 @!p1 $0xC  }
0x180: {  	p2 =	por p2, p1;
	_ =	swait.ge @!p1 [sflag:s9], $0x4000  }
0x181: {  	s11 =	simm.s32 @!p0 $0x9;
	s10 =	simm.s32 @!p2 $0x14500;
	[sflag:s9] =	ssyncset.done @!p1 $0x0  }
0x182: {  	s13 =	simm.s32 @!p2 $0x0;
	[sflag:s9] =	ssyncadd.s32 @!p1 $0xFFFFC000;
	s9 =	sadd.s32 @!p2 $0xFFFFFFC0, s0  }
0x183: {  	[tilespmem:s10], [sflag:$0x6] =	stream.linear.gather @!p2 [hbm4b:s9+s13], $0x100, $0x38;
	[tilespmem:$0x1C800] =	vst v63  }
0x184: {  	s9 =	simm.s32 @!p1 $0x80;
	s10 =	simm.s32 @!p1 $0x14700;
	s13 =	simm.s32 @!p1 $0x18800  }
0x185: {  	[tilespmem:s13], [sflag:$0xA] =	stream.indirect.gather @!p1 [hbm4b:s4+s9], $0x80, s10, s9, $0xb8;
	[tilespmem:$0x1C800] =	vst v63  }
0x186: {  	_ =	swait.ge @!p0 [sflag:s11], $0x4000  }
0x187: {  	[sflag:s11] =	ssyncset.done @!p0 $0x0  }
0x188: {  	s19 =	rddreg [dreg:$0xa];
	[sflag:s11] =	ssyncadd.s32 @!p0 $0xFFFFC000;
	s11 =	simm.s32 @!p0 $0x14680  }
0x189: {  	[spmem:s1] =	stream.indirect.scatter.add.f32 @!p0 [tilespmem:s12], [sflag:$0xB], $0x80, s11, s6, $0xb8;
	[tilespmem:$0x1C800] =	vst v63  }
0x18a: {  	p0 =	sge.u32 s23, s19  }
0x18b: {  	s6 =	simm.s32 @!p0 $0x1  }
0x18c: {  	_ =	swait.ge @!p0 [sflag:s6], $0x100  }
0x18d: {  	s10 =	sadd.s32 @!p0 $0xFFFFFFFF, s29;
	[sflag:s6] =	ssyncset.done @!p0 $0x0  }
0x18e: {  	p2 =	sge.u32 @!p0 s10, s5;
	[sflag:s6] =	ssyncadd.s32 @!p0 $0xFFFFFF00;
	s6 =	simm.s32 @!p0 $0xB  }
0x18f: {  	p2 =	por p2, p0;
	_ =	swait.ge @!p0 [sflag:s6], $0x4000  }
0x190: {  	s11 =	simm.s32 @!p1 $0xA;
	s10 =	simm.s32 @!p2 $0x14600;
	[sflag:s6] =	ssyncset.done @!p0 $0x0  }
0x191: {  	s12 =	simm.s32 @!p2 $0x0;
	[sflag:s6] =	ssyncadd.s32 @!p0 $0xFFFFC000;
	s6 =	sadd.s32 @!p2 $0xFFFFFFE0, s0  }
0x192: {  	[tilespmem:s10], [sflag:$0x7] =	stream.linear.gather @!p2 [hbm4b:s6+s12], $0x100, $0x38;
	[tilespmem:$0x1C800] =	vst v63  }
0x193: {  	s6 =	simm.s32 @!p0 $0x80;
	s10 =	simm.s32 @!p0 $0x14000;
	s12 =	simm.s32 @!p0 $0x14800  }
0x194: {  	[tilespmem:s12], [sflag:$0x9] =	stream.indirect.gather @!p0 [hbm4b:s4+s6], $0x80, s10, s6, $0xb8;
	[tilespmem:$0x1C800] =	vst v63  }
0x195: {  	_ =	swait.ge @!p1 [sflag:s11], $0x4000  }
0x196: {  	[sflag:s11] =	ssyncset.done @!p1 $0x0;
	s21 =	rddreg [dreg:$0xb]  }
0x197: {  	s10 =	simm.s32 @!p1 $0x14780;
	[sflag:s11] =	ssyncadd.s32 @!p1 $0xFFFFC000;
	p0 =	sge.u32 s23, s21  }
0x198: {  	[spmem:s1] =	stream.indirect.scatter.add.f32 @!p1 [tilespmem:s13], [sflag:$0xC], $0x80, s10, s9, $0xb8;
	[tilespmem:$0x1C800] =	vst v63  }
0x199: {  	s6 =	simm.s32 @!p0 $0x2  }
0x19a: {  	_ =	swait.ge @!p0 [sflag:s6], $0x100  }
0x19b: {  	[sflag:s6] =	ssyncset.done @!p0 $0x0  }
0x19c: {  	[sflag:s6] =	ssyncadd.s32 @!p0 $0xFFFFFF00;
	s6 =	simm.s32 @!p0 $0xC  }
0x19d: {  	p1 =	sge.u32 @!p0 s29, s5;
	_ =	swait.ge @!p0 [sflag:s6], $0x4000  }
0x19e: {  	p1 =	por p1, p0;
	[sflag:s6] =	ssyncset.done @!p0 $0x0  }
0x19f: {  	s9 =	simm.s32 @!p1 $0x14700;
	[sflag:s6] =	ssyncadd.s32 @!p0 $0xFFFFC000;
	s6 =	simm.s32 @!p1 $0x0  }
0x1a0: {  	[tilespmem:s9], [sflag:$0x8] =	stream.linear.gather @!p1 [hbm4b:s0+s6], $0x100, $0x38;
	[tilespmem:$0x1C800] =	vst v63  }
0x1a1: {  	s0 =	simm.s32 @!p0 $0x18800;
	s6 =	simm.s32 @!p0 $0x80;
	s9 =	simm.s32 @!p0 $0x14100  }
0x1a2: {  	[tilespmem:s0], [sflag:$0xA] =	stream.indirect.gather @!p0 [hbm4b:s4+s6], $0x80, s9, s6, $0xb8;
	[tilespmem:$0x1C800] =	vst v63  }
0x1a3: {  	_ =	swait.ge [sflag:s24], $0x4000  }
0x1a4: {  	[sflag:s24] =	ssyncset.done $0x0  }
0x1a5: {  	[sflag:s24] =	ssyncadd.s32 $0xFFFFC000  }
0x1a6: {  	_ =	swait.ge [sflag:s25], $0x4000  }
0x1a7: {  	s26 =	sadd.s32 $0x1, s26;
	[sflag:s25] =	ssyncset.done $0x0  }
0x1a8: {  	p0 =	sne.s32 s26, s18;
	[sflag:s25] =	ssyncadd.s32 $0xFFFFC000  }
.Ltmp1:
0x1a9: {  	[bflag:$0x0] =	sbarrier.arrive $0xFFFF;
	(pc) =	sbr.rel @p0 .LBB2_1-.Ltmp1, $4  }
0x1aa: {  	[hbm:s17], [sflag:s8] =	dma.local [spmem:s28], $0x2800  }
0x1ab: {  	_ =	swait.ge [sflag:s20], $0x2800  }
0x1ac: {  	[sflag:s20] =	ssyncset.done $0x0  }
0x1ad: {  	[sflag:s20] =	ssyncadd.s32 $0xFFFFD800  }
0x1ae: {  	_ =	sfence.sel $0x180000  }
0x1af: {  	[bflag:$0x0] =	sbarrier.arrive $0xFFFF  }
0x1b0: {  	_ =	strace $0x9000004A  }
0x1b1: {  	s0 =	stileid.u32;
	[bflag:$0x2] =	sbarrier.arrive $0xFFFF  }
0x1b2: {  	p0 =	sne.s32 s0, $0x0;
	s0 =	rddreg [dreg:$0x2]  }
0x1b3: {  	s0 =	sadd.s32 @!p0 $0x100000, s0  }
0x1b4: {  	[sflag:s0] =	ssyncadd.tile.s32 @!p0 $0x1;
	_ =	shalt  }
.Lfunc_end2:
_tile_overlayer_lowered:
.L_overlay_start_2:
0x1b5: {  	(tag) =	ssettag $0x2  }
0x1b6: {  	s0 =	rddreg [dreg:$0x0];
	s2 =	stileid.u32  }
0x1b7: {  	s1 =	rddreg [dreg:$0x1];
	p0 =	sne.s32 s2, $0x0  }
0x1b8: {  	s3 =	rddreg [dreg:$0x2];
	[bflag:$0x3] =	sbarrier.arrive $0xFFFF;
	s2 =	simm.s32 @!p0 $0x1C0D  }
0x1b9: {  	[timem:s3], [sflag:s2] =	dma.local @!p0 [hbm:s0], s1  }
0x1ba: {  	s0 =	simm.s32 @!p0 $0xD  }
0x1bb: {  	_ =	swait.ge @!p0 [sflag:s0], s1  }
0x1bc: {  	s1 =	ssub.s32 @!p0 $0x0, s1;
	[sflag:s0] =	ssyncset.done @!p0 $0x0  }
0x1bd: {  	[sflag:s0] =	ssyncadd.s32 @!p0 s1  }
0x1be: {  	[bflag:$0x3] =	sbarrier.arrive $0xFFFF  }
0x1bf: {  	_ =	shalt  }

// kernel: kernel.15.cloned.1.call-start
scs
__scs_entry_jumppad:
0x0: {  	(pc) =	sbr.rel $0x88, $3  }
0x1: {  	(tag) =	ssettag $0x0;
	lr =	simm.s32 $0x1  }
0x2: {  	[smem:$0x3F9A] =	sst lr;
	_ =	strace $0xD0000000  }
0x3: {  	_ = 	snop  }
0x4: {  	_ = 	snop  }
0x5: {  	_ = 	snop  }
0x6: {  	_ = 	snop  }
0x7: {  	_ = 	snop  }
__scs_overlays_trampoline_lowered:
0x8: {  	[smem:$0x3FA9] =	sst s0  }
0x9: {  	[smem:$0x3FAA] =	sst s1  }
0xa: {  	[smem:$0x3FAB] =	sst s2  }
0xb: {  	[smem:$0x3FAC] =	sst s3  }
0xc: {  	[smem:$0x3FAD] =	sst s4  }
0xd: {  	[smem:$0x3FAE] =	sst s5  }
0xe: {  	[smem:$0x3FAF] =	sst s6  }
0xf: {  	[smem:$0x3FB0] =	sst s7  }
0x10: {  	[smem:$0x3FB1] =	sst s8  }
0x11: {  	[smem:$0x3FB2] =	sst s9;
	s0 =	simm.s32 @!p0 $0x0  }
0x12: {  	s1 =	sld [smem:$0x3F98];
	s0 =	simm.s32 @p0 $0x1  }
0x13: {  	[smem:$0x3FB3] =	sst s0;
	s0 =	simm.s32 @!p1 $0x0  }
0x14: {  	s2 =	sld [smem:$0x3F97];
	s0 =	simm.s32 @p1 $0x1  }
0x15: {  	[smem:$0x3FB4] =	sst s0;
	s0 =	simm.s32 @!p2 $0x0  }
0x16: {  	s3 =	sld [smem:$0x3FDB];
	s0 =	simm.s32 @p2 $0x1  }
0x17: {  	s4 =	simm.s32 $0x1BF5;
	[smem:$0x3FB6] =	sst s0  }
0x18: {  	s0 =	sld [smem:$0x3F99];
	_ =	swait.ge [sflag:s4], $0x0  }
0x19: {  	s7 =	sld [smem:$0x3F9A]  }
0x1a: {  	s8 =	sadd.s32 $0xFFFFE003, lr  }
0x1b: {  	s9 =	sadd.s32 $0xFFFFFEF7, lr;
	s5 =	simm.s32 $0xFFFFFFFF;
	p2 =	slt.u32 s8, $0xFFFFF086  }
0x1c: {  	p1 =	slt.u32 s9, $0xF7A;
	s5 =	simm.s32 @!p2 $0x0  }
0x1d: {  	s5 =	simm.s32 @p1 $0x1;
	p0 =	seq.s32 s7, s2  }
0x1e: {  	s7 =	smul.u32 @!p0 $0xF7A, s2;
	p2 =	seq.s32 @!p0 s5, $0x0  }
0x1f: {  	s9 =	smul.u32 $0xF7A, s1;
	s8 =	simm.s32 @!p0 $0x1BF5;
	p2 =	por !p2, p0  }
0x20: {  	[sflag:s8] =	ssyncset.s32 @!p0 $0xFFFFF086;
	s6 =	sadd.s32 @!p0 s3, s7;
	s7 =	simm.s32 @!p0 $0x108  }
0x21: {  	s3 =	sadd.s32 s3, s9;
	s6 =	sadd.s32 @!p0 $0x88, s6;
	s7 =	simm.s32 @p2 $0x1082  }
0x22: {  	[simem:s7], [sflag:s8] =	dma.local @!p0 [hbm:s6], $0xF7A  }
0x23: {  	s9 =	sor.u32 $0xD0000000, s2;
	s6 =	simm.s32 $0x108;
	_ =	swait.ge @!p0 [sflag:s8], $0x0  }
0x24: {  	s3 =	sadd.s32 $0x88, s3;
	s6 =	simm.s32 @!p1 $0x1082;
	[sflag:s4] =	ssyncset.s32 $0xFFFFF086  }
0x25: {  	[simem:s6], [sflag:s4] =	dma.local [hbm:s3], $0xF7A  }
0x26: {  	[smem:$0x3F9A] =	sst s1;
	(tag) =	ssettag s2;
	_ =	strace s9  }
0x27: {  	s1 =	sld [smem:$0x3FAA]  }
0x28: {  	s2 =	sld [smem:$0x3FAB]  }
0x29: {  	s4 =	sld [smem:$0x3FAD]  }
0x2a: {  	p0 =	seq.s32 s5, $0x0;
	s5 =	sld [smem:$0x3FAE]  }
0x2b: {  	s6 =	sld [smem:$0x3FAF]  }
0x2c: {  	s7 =	sld [smem:$0x3FB0]  }
0x2d: {  	s3 =	simm.s32 $0x108;
	s8 =	sld [smem:$0x3FB1]  }
0x2e: {  	s3 =	simm.s32 @!p0 $0x1082;
	s9 =	sld [smem:$0x3FB2]  }
0x2f: {  	lr =	sadd.s32 s0, s3;
	s0 =	sld [smem:$0x3FA9]  }
0x30: {  	s3 =	sld [smem:$0x3FAC]  }
0x31: {  	[smem:$0x3FB5] =	sst s10  }
0x32: {  	s10 =	sld [smem:$0x3FB3];
	_ =	sdelay $0x3  }
0x33: {  	p0 =	seq.s32 s10, $0x1;
	s10 =	sld [smem:$0x3FB5];
	_ =	sdelay $0x3  }
0x34: {  	[smem:$0x3FB5] =	sst s10  }
0x35: {  	s10 =	sld [smem:$0x3FB4];
	_ =	sdelay $0x3  }
0x36: {  	p1 =	seq.s32 s10, $0x1;
	s10 =	sld [smem:$0x3FB5];
	_ =	sdelay $0x3  }
0x37: {  	[smem:$0x3FB5] =	sst s10  }
0x38: {  	s10 =	sld [smem:$0x3FB6]  }
0x39: {  	_ = 	snop;
	(pc) =	sbr.ind lr, $3  }
0x3a: {  	_ = 	snop  }
0x3b: {  	_ = 	snop  }
0x3c: {  	p2 =	seq.s32 s10, $0x1;
	s10 =	sld [smem:$0x3FB5]  }
0x3d: {  	_ =	shalt  }
0x3e: {  	_ =	shalt  }
0x3f: {  	_ =	shalt  }
0x40: {  	_ =	shalt  }
0x41: {  	_ =	shalt  }
0x42: {  	_ =	shalt  }
0x43: {  	_ =	shalt  }
0x44: {  	_ =	shalt  }
0x45: {  	_ =	shalt  }
0x46: {  	_ =	shalt  }
0x47: {  	_ =	shalt  }
0x48: {  	_ =	shalt  }
0x49: {  	_ =	shalt  }
0x4a: {  	_ =	shalt  }
0x4b: {  	_ =	shalt  }
0x4c: {  	_ =	shalt  }
0x4d: {  	_ =	shalt  }
0x4e: {  	_ =	shalt  }
0x4f: {  	_ =	shalt  }
0x50: {  	_ =	shalt  }
0x51: {  	_ =	shalt  }
0x52: {  	_ =	shalt  }
0x53: {  	_ =	shalt  }
0x54: {  	_ =	shalt  }
0x55: {  	_ =	shalt  }
0x56: {  	_ =	shalt  }
0x57: {  	_ =	shalt  }
0x58: {  	_ =	shalt  }
0x59: {  	_ =	shalt  }
0x5a: {  	_ =	shalt  }
0x5b: {  	_ =	shalt  }
0x5c: {  	_ =	shalt  }
0x5d: {  	_ =	shalt  }
0x5e: {  	_ =	shalt  }
0x5f: {  	_ =	shalt  }
0x60: {  	_ =	shalt  }
0x61: {  	_ =	shalt  }
0x62: {  	_ =	shalt  }
0x63: {  	_ =	shalt  }
0x64: {  	_ =	shalt  }
0x65: {  	_ =	shalt  }
0x66: {  	_ =	shalt  }
0x67: {  	_ =	shalt  }
0x68: {  	_ =	shalt  }
0x69: {  	_ =	shalt  }
0x6a: {  	_ =	shalt  }
0x6b: {  	_ =	shalt  }
0x6c: {  	_ =	shalt  }
0x6d: {  	_ =	shalt  }
0x6e: {  	_ =	shalt  }
0x6f: {  	_ =	shalt  }
0x70: {  	_ =	shalt  }
0x71: {  	_ =	shalt  }
0x72: {  	_ =	shalt  }
0x73: {  	_ =	shalt  }
0x74: {  	_ =	shalt  }
0x75: {  	_ =	shalt  }
0x76: {  	_ =	shalt  }
0x77: {  	_ =	shalt  }
0x78: {  	_ =	shalt  }
0x79: {  	_ =	shalt  }
0x7a: {  	_ =	shalt  }
0x7b: {  	_ =	shalt  }
0x7c: {  	_ =	shalt  }
0x7d: {  	_ =	shalt  }
0x7e: {  	_ =	shalt  }
0x7f: {  	_ =	shalt  }
0x80: {  	_ =	shalt  }
0x81: {  	_ =	shalt  }
0x82: {  	_ =	shalt  }
0x83: {  	_ =	shalt  }
0x84: {  	_ =	shalt  }
0x85: {  	_ =	shalt  }
0x86: {  	_ =	shalt  }
0x87: {  	_ =	shalt  }
.Lfunc_end0:
.L_simem_size_0:
called_computation.2_lowered:
.L_overlay_start_0:
0x88: {  	s2 =	sld [smem:$0x3FD9]  }
0x89: {  	s3 =	sld [smem:$0x3FFE];
	_ =	sdelay $0x1  }
0x8a: {  	s1 =	srdreg.scid  }
0x8b: {  	s0 =	sand.u32 $0x1, s1  }
0x8c: {  	s16 =	sshll.u32 s0, $0xA;
	s2 =	sadd.s32 s3, s2  }
0x8d: {  	s2 =	sadd.s32 s2, s16  }
0x8e: {  	[smem:$0x3FC1] =	sst s2  }
0x8f: {  	_ = 	snop  }
0x90: {  	(tm) =	ssettm $0x1  }
0x91: {  	s17 =	sld [smem:$0x3FFB];
	_ =	sdelay $0x3  }
0x92: {  	_ =	strace s17  }
0x93: {  	s2 =	sld [smem:$0x3FFC];
	_ =	sdelay $0x3  }
0x94: {  	_ =	strace s2  }
0x95: {  	s2 =	sld [smem:$0x3FFD];
	_ =	sdelay $0x3  }
0x96: {  	_ =	strace s2  }
0x97: {  	_ =	strace $0x8FFFFFFF  }
0x98: {  	s18 =	sld [smem:$0x3FDB];
	_ =	sdelay $0x1  }
0x99: {  	s19 =	simm.s32 $_scs_section_size  }
0x9a: {  	s4 =	simm.s32 $_size__tile_overlayer_lowered;
	s5 =	simm.s32 $_tile_overlayer_lowered  }
0x9b: {  	s22 =	simm.s32 $0x1BFF;
	s21 =	sshll.u32 s5, $0x1;
	s2 =	sadd.s32 s19, s18  }
0x9c: {  	s6 =	simm.s32 $0x0;
	s20 =	sshll.u32 s4, $0x1;
	s4 =	sadd.s32 s21, s2  }
0x9d: {  	[timem:s6], [sflag:s22] =	dma.local [hbm:s4], s20  }
0x9e: {  	_ =	swait.ge [sflag:s22], s20  }
0x9f: {  	s3 =	ssub.s32 $0x0, s20;
	[sflag:s22] =	ssyncset.done $0x0  }
0xa0: {  	[sflag:s22] =	ssyncadd.s32 s3;
	_ =	sdelay $0x1  }
0xa1: {  	s23 =	simm.s32 $0x1B8B  }
0xa2: {  	_ =	swait.ge [sflag:s23], $0x1  }
0xa3: {  	[sflag:s23] =	ssyncset.done $0x0  }
0xa4: {  	s25 =	simm.s32 $0x1B8E;
	s24 =	sld [smem:$0x3FFE];
	[sflag:s23] =	ssyncadd.s32 $0xFFFFFFFF  }
0xa5: {  	s26 =	simm.s32 $execute0_lowered;
	[smem:$0x3FD2] =	sst s25  }
0xa6: {  	s4 =	sshll.u32 s26, $0x1;
	_ =	strace $0x8000004C;
	[dreg:$0x1] =	wrdreg $0xFFFFFFFF  }
0xa7: {  	s28 =	simm.s32 $_size_execute0_lowered;
	s2 =	sadd.s32 s2, s4;
	[dreg:$0x0] =	wrdreg $0x0  }
0xa8: {  	s4 =	sshll.u32 s28, $0x1;
	[dreg:$0x2] =	wrdreg s2  }
0xa9: {  	[dreg:$0x3] =	wrdreg s4  }
0xaa: {  	[dreg:$0x4] =	wrdreg $0xC0  }
0xab: {  	_ =	task [dreg:s6], $0x5FFFF  }
0xac: {  	[dreg:$0x1] =	wrdreg $0xFFFFFFFF  }
0xad: {  	[dreg:$0x0] =	wrdreg $0x60  }
0xae: {  	[dreg:$0x2] =	wrdreg s24  }
0xaf: {  	[dreg:$0x3] =	wrdreg $0x0  }
0xb0: {  	[dreg:$0x4] =	wrdreg $0x9  }
0xb1: {  	_ =	task.clear_ibuf [dreg:s6], $0x5FFFF;
	_ =	strace $0x9000004C  }
0xb2: {  	s29 =	simm.s32 $0x9;
	_ =	strace $0x8000004E  }
0xb3: {  	_ =	swait.ge [sflag:s29], $0x1  }
0xb4: {  	[sflag:s29] =	ssyncadd.s32 $0xFFFFFFFF  }
0xb5: {  	_ =	strace $0x9000004E  }
0xb6: {  	_ =	sfence  }
0xb7: {  	s30 =	sld [smem:$0x0];
	_ =	sdelay $0x2  }
0xb8: {  	s31 =	sshll.u32 s1, $0xD;
	s1 =	sshrl.u32 s1, $0x2  }
0xb9: {  	s3 =	sand.u32 $0x4000, s31;
	s1 =	sadd.s32 s1, s30  }
0xba: {  	s0 =	sor.u32 s3, s0;
	s1 =	sshll.u32 s1, $0x11  }
0xbb: {  	s0 =	sor.u32 s1, s0  }
0xbc: {  	s0 =	sadd.s32 $0x8F2B, s0  }
0xbd: {  	[sflag:s0] =	ssyncadd.remote.s32 $0x1  }
0xbe: {  	_ =	sfence.sel $0xFFFF  }
0xbf: {  	[dreg:$0x0] =	wrdreg $0xFFFFFFFF;
	(pc) =	sbr.abs _section_cstart, $3  }
0xc0: {  	[dreg:$0x1] =	wrdreg $0xFFFFFFFF  }
0xc1: {  	_ =	task.clear_ibuf [dreg:s6], $0x2FFFF;
	_ =	strace $0x9FFFFFFF  }
0xc2: {  	(tm) =	ssettm $0x7FFFFFFF  }
0xc3: {  	_ =	shalt  }
tec
execute0_lowered:
.L_overlay_start_1:
0x0: {  	(tag) =	ssettag $0x1  }
0x1: {  	s0 =	rddreg [dreg:$0x0]  }
0x2: {  	s1 =	rddreg [dreg:$0x1];
	s10 =	stileid.u32  }
0x3: {  	s3 =	simm.s32 $0x0;
	s2 =	srdreg.scid;
	s4 =	smul.u32 $0x7E, s10  }
0x4: {  	[smem:$0x7FF] =	sst s3;
	s2 =	sand.u32 $0x1, s2;
	s6 =	smul.u32 $0x14000, s10  }
0x5: {  	s5 =	sshll.u32 s10, $0x5;
	s29 =	smul.u32 $0x50000, s10;
	p0 =	seq.s32 s2, $0x0  }
0x6: {  	s5 =	sadd.s32 $0x7E0, s5;
	s7 =	smul.u32 $0x140000, s2;
	_ =	strace $0x8000004D  }
0x7: {  	s2 =	ssub.s32 $0x2, s2;
	s5 =	smov.u32 @p0 s4;
	s28 =	sshrl.u32 s6, $0x3  }
0x8: {  	s4 =	sadd.s32 $0x19E00, s0;
	s5 =	sshll.u32 s5, $0x5;
	s8 =	sadd.s32 s28, s0  }
0x9: {  	s11 =	sshrl.u32 s29, $0x2;
	s9 =	sadd.s32 s5, s0;
	s13 =	sadd.s32 $0x41E00, s8  }
0xa: {  	s6 =	sadd.s32 s6, s7;
	[dreg:$0xd] =	wrdreg s13;
	s15 =	sadd.s32 $0x6200, s9  }
0xb: {  	s6 =	sshrl.u32 s6, $0x3;
	s17 =	sadd.s32 $0x6220, s9;
	[dreg:$0xe] =	wrdreg s15  }
0xc: {  	s5 =	simm.s32 $0x7E;
	s19 =	sadd.s32 $0x6240, s9;
	[dreg:$0xf] =	wrdreg s17  }
0xd: {  	s0 =	sadd.s32 s6, s0;
	s21 =	sadd.s32 $0x6260, s9;
	[dreg:$0x10] =	wrdreg s19  }
0xe: {  	s6 =	sshrl.u32 s2, $0x1;
	s23 =	sadd.s32 $0x6280, s9;
	[dreg:$0x11] =	wrdreg s21  }
0xf: {  	s5 =	simm.s32 @!p0 $0x20;
	s25 =	sadd.s32 $0x62A0, s9;
	[dreg:$0x12] =	wrdreg s23  }
0x10: {  	s2 =	ssub.s32 s2, s6;
	s6 =	sadd.s32 s11, s1;
	[dreg:$0x13] =	wrdreg s25  }
0x11: {  	s14 =	sadd.s32 $0xFFFFFFFE, s5;
	[dreg:$0xc] =	wrdreg s6  }
0x12: {  	s16 =	sadd.s32 $0xFFFFFFFF, s5;
	[dreg:$0x3] =	wrdreg s14  }
0x13: {  	s30 =	simm.s32 $0x1;
	s18 =	sadd.s32 $0xFFFFFFFD, s5;
	[dreg:$0x4] =	wrdreg s16  }
0x14: {  	s31 =	simm.s32 $0x80;
	s20 =	sadd.s32 $0xFFFFFFFC, s5;
	[dreg:$0x5] =	wrdreg s18  }
0x15: {  	s12 =	sshll.u32 s10, $0x6;
	s22 =	sadd.s32 $0xFFFFFFFB, s5;
	[dreg:$0x6] =	wrdreg s20  }
0x16: {  	s8 =	sor.u32 $0x1C0D, s12;
	s24 =	sadd.s32 $0xFFFFFFFA, s5;
	[dreg:$0x7] =	wrdreg s22  }
0x17: {  	s7 =	sadd.s32 $0x63E0, s9;
	s26 =	sadd.s32 $0xFFFFFFF9, s5;
	[dreg:$0x8] =	wrdreg s24  }
0x18: {  	s15 =	sadd.s32 $0x62C0, s9;
	s28 =	sadd.s32 $0xFFFFFFF8, s5;
	[dreg:$0x9] =	wrdreg s26  }
0x19: {  	s29 =	sadd.s32 $0xFFFFFFF7, s5;
	s17 =	sadd.s32 $0x69E00, s0;
	[dreg:$0xa] =	wrdreg s28  }
0x1a: {  	s25 =	simm.s32 $0xC;
	s16 =	sadd.s32 $0x62E0, s9;
	[dreg:$0xb] =	wrdreg s29  }
0x1b: {  	s18 =	smax.u32 s2, $0x1;
	s20 =	simm.s32 $0xD;
	s22 =	simm.s32 $0x14100  }
0x1c: {  	s2 =	simm.s32 $0x2;
	s24 =	simm.s32 $0xB;
	s26 =	simm.s32 $0x0  }
.LBB2_1:
0x1d: {  	s0 =	rddreg [dreg:$0xc]  }
0x1e: {  	s6 =	rddreg [dreg:$0xd];
	s28 =	sshrl.u32 s0, $0x3  }
0x1f: {  	[spmem:s28], [sflag:s8] =	dma.local [hbm:s6], $0x2800  }
0x20: {  	_ =	swait.ge [sflag:s20], $0x2800  }
0x21: {  	[sflag:s20] =	ssyncset.done $0x0  }
0x22: {  	[sflag:s20] =	ssyncadd.s32 $0xFFFFD800  }
0x23: {  	[bflag:$0x0] =	sbarrier.arrive $0xFFFF  }
0x24: {  	s6 =	simm.s32 $0x14000;
	s9 =	rddreg [dreg:$0xe]  }
0x25: {  	[tilespmem:s6], [sflag:$0x1] =	stream.linear.gather [hbm4b:s9+s3], $0x100, $0x38;
	[tilespmem:$0x1C800] =	vst v63  }
0x26: {  	s10 =	rddreg [dreg:$0xf]  }
0x27: {  	[tilespmem:s22], [sflag:$0x2] =	stream.linear.gather [hbm4b:s10+s3], $0x100, $0x38;
	[tilespmem:$0x1C800] =	vst v63  }
0x28: {  	s11 =	rddreg [dreg:$0x10];
	s9 =	simm.s32 $0x14200  }
0x29: {  	[tilespmem:s9], [sflag:$0x3] =	stream.linear.gather [hbm4b:s11+s3], $0x100, $0x38;
	[tilespmem:$0x1C800] =	vst v63  }
0x2a: {  	s13 =	simm.s32 $0x14300;
	s12 =	rddreg [dreg:$0x11]  }
0x2b: {  	[tilespmem:s13], [sflag:$0x4] =	stream.linear.gather [hbm4b:s12+s3], $0x100, $0x38;
	[tilespmem:$0x1C800] =	vst v63  }
0x2c: {  	s19 =	simm.s32 $0x14400;
	s14 =	rddreg [dreg:$0x12]  }
0x2d: {  	[tilespmem:s19], [sflag:$0x5] =	stream.linear.gather [hbm4b:s14+s3], $0x100, $0x38;
	[tilespmem:$0x1C800] =	vst v63  }
0x2e: {  	s23 =	simm.s32 $0x14500;
	s21 =	rddreg [dreg:$0x13]  }
0x2f: {  	[tilespmem:s23], [sflag:$0x6] =	stream.linear.gather [hbm4b:s21+s3], $0x100, $0x38;
	[tilespmem:$0x1C800] =	vst v63  }
0x30: {  	s10 =	simm.s32 $0x14600  }
0x31: {  	[tilespmem:s10], [sflag:$0x7] =	stream.linear.gather [hbm4b:s15+s3], $0x100, $0x38;
	[tilespmem:$0x1C800] =	vst v63  }
0x32: {  	s11 =	simm.s32 $0x14700  }
0x33: {  	[tilespmem:s11], [sflag:$0x8] =	stream.linear.gather [hbm4b:s16+s3], $0x100, $0x38;
	[tilespmem:$0x1C800] =	vst v63  }
0x34: {  	_ =	swait.ge [sflag:s30], $0x100  }
0x35: {  	[sflag:s30] =	ssyncset.done $0x0  }
0x36: {  	s12 =	simm.s32 $0x14800;
	[sflag:s30] =	ssyncadd.s32 $0xFFFFFF00  }
0x37: {  	[tilespmem:s12], [sflag:$0x9] =	stream.indirect.gather [hbm4b:s4+s31], $0x80, s6, s31, $0xb8;
	[tilespmem:$0x1C800] =	vst v63  }
0x38: {  	_ =	swait.ge [sflag:s2], $0x100  }
0x39: {  	p0 =	sle.u32 s5, $0x0;
	[sflag:s2] =	ssyncset.done $0x0  }
0x3a: {  	s0 =	simm.s32 @!p0 $0x9;
	s13 =	simm.s32 $0x18800;
	[sflag:s2] =	ssyncadd.s32 $0xFFFFFF00  }
0x3b: {  	[tilespmem:s13], [sflag:$0xA] =	stream.indirect.gather [hbm4b:s4+s31], $0x80, s22, s31, $0xb8;
	[tilespmem:$0x1C800] =	vst v63  }
0x3c: {  	_ =	swait.ge @!p0 [sflag:s0], $0x4000  }
0x3d: {  	s10 =	simm.s32 @!p0 $0x14080;
	s6 =	simm.s32 @!p0 $0x14800;
	[sflag:s0] =	ssyncset.done @!p0 $0x0  }
0x3e: {  	s14 =	rddreg [dreg:$0x3];
	[sflag:s0] =	ssyncadd.s32 @!p0 $0xFFFFC000;
	s0 =	simm.s32 @!p0 $0x80  }
0x3f: {  	[spmem:s1] =	stream.indirect.scatter.add.f32 @!p0 [tilespmem:s6], [sflag:$0xB], $0x80, s10, s0, $0xb8;
	[tilespmem:$0x1C800] =	vst v63  }
0x40: {  	p0 =	sle.u32 s14, $0x0  }
0x41: {  	s0 =	simm.s32 @!p0 $0x3  }
0x42: {  	_ =	swait.ge @!p0 [sflag:s0], $0x100  }
0x43: {  	[sflag:s0] =	ssyncset.done @!p0 $0x0  }
0x44: {  	p1 =	sle.u32 @!p0 s5, $0x8;
	[sflag:s0] =	ssyncadd.s32 @!p0 $0xFFFFFF00;
	s0 =	simm.s32 @!p0 $0xB  }
0x45: {  	s6 =	simm.s32 @!p0 $0x14800;
	p1 =	por p1, p0;
	_ =	swait.ge @!p0 [sflag:s0], $0x4000  }
0x46: {  	s9 =	simm.s32 @!p1 $0x14000;
	s11 =	simm.s32 @!p1 $0x0;
	[sflag:s0] =	ssyncset.done @!p0 $0x0  }
0x47: {  	s19 =	rddreg [dreg:$0x4];
	[sflag:s0] =	ssyncadd.s32 @!p0 $0xFFFFC000;
	s0 =	sadd.s32 @!p1 $0xFFFFFF20, s7  }
0x48: {  	[tilespmem:s9], [sflag:$0x1] =	stream.linear.gather @!p1 [hbm4b:s0+s11], $0x100, $0x38;
	[tilespmem:$0x1C800] =	vst v63  }
0x49: {  	s0 =	simm.s32 @!p0 $0x80;
	s9 =	simm.s32 @!p0 $0x14200;
	p1 =	sle.u32 s19, $0x0  }
0x4a: {  	[tilespmem:s6], [sflag:$0x9] =	stream.indirect.gather @!p0 [hbm4b:s4+s0], $0x80, s9, s0, $0xb8;
	[tilespmem:$0x1C800] =	vst v63  }
0x4b: {  	s9 =	simm.s32 @!p1 $0xA  }
0x4c: {  	_ =	swait.ge @!p1 [sflag:s9], $0x4000  }
0x4d: {  	s10 =	simm.s32 @!p1 $0x18800;
	s19 =	simm.s32 @!p1 $0x14180;
	[sflag:s9] =	ssyncset.done @!p1 $0x0  }
0x4e: {  	s21 =	rddreg [dreg:$0x5];
	[sflag:s9] =	ssyncadd.s32 @!p1 $0xFFFFC000;
	s9 =	simm.s32 @!p1 $0x80  }
0x4f: {  	[spmem:s1] =	stream.indirect.scatter.add.f32 @!p1 [tilespmem:s10], [sflag:$0xC], $0x80, s19, s9, $0xb8;
	[tilespmem:$0x1C800] =	vst v63  }
0x50: {  	p1 =	sle.u32 s21, $0x0  }
0x51: {  	s9 =	simm.s32 @!p1 $0x4  }
0x52: {  	_ =	swait.ge @!p1 [sflag:s9], $0x100  }
0x53: {  	[sflag:s9] =	ssyncset.done @!p1 $0x0  }
0x54: {  	p2 =	sle.u32 @!p1 s5, $0x9;
	[sflag:s9] =	ssyncadd.s32 @!p1 $0xFFFFFF00;
	s9 =	simm.s32 @!p1 $0xC  }
0x55: {  	p2 =	por p2, p1;
	_ =	swait.ge @!p1 [sflag:s9], $0x4000  }
0x56: {  	s11 =	simm.s32 @!p0 $0x9;
	s10 =	simm.s32 @!p2 $0x14100;
	[sflag:s9] =	ssyncset.done @!p1 $0x0  }
0x57: {  	s19 =	simm.s32 @!p2 $0x0;
	[sflag:s9] =	ssyncadd.s32 @!p1 $0xFFFFC000;
	s9 =	sadd.s32 @!p2 $0xFFFFFF40, s7  }
0x58: {  	[tilespmem:s10], [sflag:$0x2] =	stream.linear.gather @!p2 [hbm4b:s9+s19], $0x100, $0x38;
	[tilespmem:$0x1C800] =	vst v63  }
0x59: {  	s9 =	simm.s32 @!p1 $0x80;
	s10 =	simm.s32 @!p1 $0x14300;
	s19 =	simm.s32 @!p1 $0x18800  }
0x5a: {  	[tilespmem:s19], [sflag:$0xA] =	stream.indirect.gather @!p1 [hbm4b:s4+s9], $0x80, s10, s9, $0xb8;
	[tilespmem:$0x1C800] =	vst v63  }
0x5b: {  	_ =	swait.ge @!p0 [sflag:s11], $0x4000  }
0x5c: {  	[sflag:s11] =	ssyncset.done @!p0 $0x0  }
0x5d: {  	s23 =	rddreg [dreg:$0x6];
	[sflag:s11] =	ssyncadd.s32 @!p0 $0xFFFFC000;
	s11 =	simm.s32 @!p0 $0x14280  }
0x5e: {  	[spmem:s1] =	stream.indirect.scatter.add.f32 @!p0 [tilespmem:s6], [sflag:$0xB], $0x80, s11, s0, $0xb8;
	[tilespmem:$0x1C800] =	vst v63  }
0x5f: {  	p0 =	sle.u32 s23, $0x0  }
0x60: {  	s0 =	simm.s32 @!p0 $0x5  }
0x61: {  	_ =	swait.ge @!p0 [sflag:s0], $0x100  }
0x62: {  	[sflag:s0] =	ssyncset.done @!p0 $0x0  }
0x63: {  	p2 =	sle.u32 @!p0 s5, $0xA;
	[sflag:s0] =	ssyncadd.s32 @!p0 $0xFFFFFF00;
	s0 =	simm.s32 @!p0 $0xB  }
0x64: {  	p2 =	por p2, p0;
	_ =	swait.ge @!p0 [sflag:s0], $0x4000  }
0x65: {  	s10 =	simm.s32 @!p1 $0xA;
	s6 =	simm.s32 @!p2 $0x14200;
	[sflag:s0] =	ssyncset.done @!p0 $0x0  }
0x66: {  	s11 =	simm.s32 @!p2 $0x0;
	[sflag:s0] =	ssyncadd.s32 @!p0 $0xFFFFC000;
	s0 =	sadd.s32 @!p2 $0xFFFFFF60, s7  }
0x67: {  	[tilespmem:s6], [sflag:$0x3] =	stream.linear.gather @!p2 [hbm4b:s0+s11], $0x100, $0x38;
	[tilespmem:$0x1C800] =	vst v63  }
0x68: {  	s0 =	simm.s32 @!p0 $0x80;
	s6 =	simm.s32 @!p0 $0x14400;
	s11 =	simm.s32 @!p0 $0x14800  }
0x69: {  	[tilespmem:s11], [sflag:$0x9] =	stream.indirect.gather @!p0 [hbm4b:s4+s0], $0x80, s6, s0, $0xb8;
	[tilespmem:$0x1C800] =	vst v63  }
0x6a: {  	_ =	swait.ge @!p1 [sflag:s10], $0x4000  }
0x6b: {  	[sflag:s10] =	ssyncset.done @!p1 $0x0  }
0x6c: {  	s12 =	rddreg [dreg:$0x7];
	[sflag:s10] =	ssyncadd.s32 @!p1 $0xFFFFC000;
	s10 =	simm.s32 @!p1 $0x14380  }
0x6d: {  	[spmem:s1] =	stream.indirect.scatter.add.f32 @!p1 [tilespmem:s19], [sflag:$0xC], $0x80, s10, s9, $0xb8;
	[tilespmem:$0x1C800] =	vst v63  }
0x6e: {  	p1 =	sle.u32 s12, $0x0  }
0x6f: {  	s6 =	simm.s32 @!p1 $0x6  }
0x70: {  	_ =	swait.ge @!p1 [sflag:s6], $0x100  }
0x71: {  	[sflag:s6] =	ssyncset.done @!p1 $0x0  }
0x72: {  	p2 =	sle.u32 @!p1 s5, $0xB;
	[sflag:s6] =	ssyncadd.s32 @!p1 $0xFFFFFF00;
	s6 =	simm.s32 @!p1 $0xC  }
0x73: {  	p2 =	por p2, p1;
	_ =	swait.ge @!p1 [sflag:s6], $0x4000  }
0x74: {  	s10 =	simm.s32 @!p0 $0x9;
	s9 =	simm.s32 @!p2 $0x14300;
	[sflag:s6] =	ssyncset.done @!p1 $0x0  }
0x75: {  	s19 =	simm.s32 @!p2 $0x0;
	[sflag:s6] =	ssyncadd.s32 @!p1 $0xFFFFC000;
	s6 =	sadd.s32 @!p2 $0xFFFFFF80, s7  }
0x76: {  	[tilespmem:s9], [sflag:$0x4] =	stream.linear.gather @!p2 [hbm4b:s6+s19], $0x100, $0x38;
	[tilespmem:$0x1C800] =	vst v63  }
0x77: {  	s6 =	simm.s32 @!p1 $0x80;
	s9 =	simm.s32 @!p1 $0x14500;
	s19 =	simm.s32 @!p1 $0x18800  }
0x78: {  	[tilespmem:s19], [sflag:$0xA] =	stream.indirect.gather @!p1 [hbm4b:s4+s6], $0x80, s9, s6, $0xb8;
	[tilespmem:$0x1C800] =	vst v63  }
0x79: {  	_ =	swait.ge @!p0 [sflag:s10], $0x4000  }
0x7a: {  	[sflag:s10] =	ssyncset.done @!p0 $0x0  }
0x7b: {  	s13 =	rddreg [dreg:$0x8];
	[sflag:s10] =	ssyncadd.s32 @!p0 $0xFFFFC000;
	s10 =	simm.s32 @!p0 $0x14480  }
0x7c: {  	[spmem:s1] =	stream.indirect.scatter.add.f32 @!p0 [tilespmem:s11], [sflag:$0xB], $0x80, s10, s0, $0xb8;
	[tilespmem:$0x1C800] =	vst v63  }
0x7d: {  	p0 =	sle.u32 s13, $0x0  }
0x7e: {  	s0 =	simm.s32 @!p0 $0x7  }
0x7f: {  	_ =	swait.ge @!p0 [sflag:s0], $0x100  }
0x80: {  	[sflag:s0] =	ssyncset.done @!p0 $0x0  }
0x81: {  	p2 =	sle.u32 @!p0 s5, $0xC;
	[sflag:s0] =	ssyncadd.s32 @!p0 $0xFFFFFF00;
	s0 =	simm.s32 @!p0 $0xB  }
0x82: {  	p2 =	por p2, p0;
	_ =	swait.ge @!p0 [sflag:s0], $0x4000  }
0x83: {  	s10 =	simm.s32 @!p1 $0xA;
	s9 =	simm.s32 @!p2 $0x14400;
	[sflag:s0] =	ssyncset.done @!p0 $0x0  }
0x84: {  	s11 =	simm.s32 @!p2 $0x0;
	[sflag:s0] =	ssyncadd.s32 @!p0 $0xFFFFC000;
	s0 =	sadd.s32 @!p2 $0xFFFFFFA0, s7  }
0x85: {  	[tilespmem:s9], [sflag:$0x5] =	stream.linear.gather @!p2 [hbm4b:s0+s11], $0x100, $0x38;
	[tilespmem:$0x1C800] =	vst v63  }
0x86: {  	s0 =	simm.s32 @!p0 $0x80;
	s9 =	simm.s32 @!p0 $0x14600;
	s11 =	simm.s32 @!p0 $0x14800  }
0x87: {  	[tilespmem:s11], [sflag:$0x9] =	stream.indirect.gather @!p0 [hbm4b:s4+s0], $0x80, s9, s0, $0xb8;
	[tilespmem:$0x1C800] =	vst v63  }
0x88: {  	_ =	swait.ge @!p1 [sflag:s10], $0x4000  }
0x89: {  	[sflag:s10] =	ssyncset.done @!p1 $0x0  }
0x8a: {  	s14 =	rddreg [dreg:$0x9];
	[sflag:s10] =	ssyncadd.s32 @!p1 $0xFFFFC000;
	s10 =	simm.s32 @!p1 $0x14580  }
0x8b: {  	[spmem:s1] =	stream.indirect.scatter.add.f32 @!p1 [tilespmem:s19], [sflag:$0xC], $0x80, s10, s6, $0xb8;
	[tilespmem:$0x1C800] =	vst v63  }
0x8c: {  	p1 =	sle.u32 s14, $0x0  }
0x8d: {  	s6 =	simm.s32 @!p1 $0x8  }
0x8e: {  	_ =	swait.ge @!p1 [sflag:s6], $0x100  }
0x8f: {  	[sflag:s6] =	ssyncset.done @!p1 $0x0  }
0x90: {  	p2 =	sle.u32 @!p1 s5, $0xD;
	[sflag:s6] =	ssyncadd.s32 @!p1 $0xFFFFFF00;
	s6 =	simm.s32 @!p1 $0xC  }
0x91: {  	p2 =	por p2, p1;
	_ =	swait.ge @!p1 [sflag:s6], $0x4000  }
0x92: {  	s10 =	simm.s32 @!p0 $0x9;
	s9 =	simm.s32 @!p2 $0x14500;
	[sflag:s6] =	ssyncset.done @!p1 $0x0  }
0x93: {  	s19 =	simm.s32 @!p2 $0x0;
	[sflag:s6] =	ssyncadd.s32 @!p1 $0xFFFFC000;
	s6 =	sadd.s32 @!p2 $0xFFFFFFC0, s7  }
0x94: {  	[tilespmem:s9], [sflag:$0x6] =	stream.linear.gather @!p2 [hbm4b:s6+s19], $0x100, $0x38;
	[tilespmem:$0x1C800] =	vst v63  }
0x95: {  	s6 =	simm.s32 @!p1 $0x80;
	s9 =	simm.s32 @!p1 $0x14700;
	s19 =	simm.s32 @!p1 $0x18800  }
0x96: {  	[tilespmem:s19], [sflag:$0xA] =	stream.indirect.gather @!p1 [hbm4b:s4+s6], $0x80, s9, s6, $0xb8;
	[tilespmem:$0x1C800] =	vst v63  }
0x97: {  	_ =	swait.ge @!p0 [sflag:s10], $0x4000  }
0x98: {  	[sflag:s10] =	ssyncset.done @!p0 $0x0  }
0x99: {  	s21 =	rddreg [dreg:$0xa];
	[sflag:s10] =	ssyncadd.s32 @!p0 $0xFFFFC000;
	s10 =	simm.s32 @!p0 $0x14680  }
0x9a: {  	[spmem:s1] =	stream.indirect.scatter.add.f32 @!p0 [tilespmem:s11], [sflag:$0xB], $0x80, s10, s0, $0xb8;
	[tilespmem:$0x1C800] =	vst v63  }
0x9b: {  	p0 =	sle.u32 s21, $0x0  }
0x9c: {  	s0 =	simm.s32 @!p0 $0x1  }
0x9d: {  	_ =	swait.ge @!p0 [sflag:s0], $0x100  }
0x9e: {  	[sflag:s0] =	ssyncset.done @!p0 $0x0  }
0x9f: {  	p2 =	sle.u32 @!p0 s5, $0xE;
	[sflag:s0] =	ssyncadd.s32 @!p0 $0xFFFFFF00;
	s0 =	simm.s32 @!p0 $0xB  }
0xa0: {  	p2 =	por p2, p0;
	_ =	swait.ge @!p0 [sflag:s0], $0x4000  }
0xa1: {  	s10 =	simm.s32 @!p1 $0xA;
	s9 =	simm.s32 @!p2 $0x14600;
	[sflag:s0] =	ssyncset.done @!p0 $0x0  }
0xa2: {  	s11 =	simm.s32 @!p2 $0x0;
	[sflag:s0] =	ssyncadd.s32 @!p0 $0xFFFFC000;
	s0 =	sadd.s32 @!p2 $0xFFFFFFE0, s7  }
0xa3: {  	[tilespmem:s9], [sflag:$0x7] =	stream.linear.gather @!p2 [hbm4b:s0+s11], $0x100, $0x38;
	[tilespmem:$0x1C800] =	vst v63  }
0xa4: {  	s0 =	simm.s32 @!p0 $0x80;
	s9 =	simm.s32 @!p0 $0x14000;
	s11 =	simm.s32 @!p0 $0x14800  }
0xa5: {  	[tilespmem:s11], [sflag:$0x9] =	stream.indirect.gather @!p0 [hbm4b:s4+s0], $0x80, s9, s0, $0xb8;
	[tilespmem:$0x1C800] =	vst v63  }
0xa6: {  	_ =	swait.ge @!p1 [sflag:s10], $0x4000  }
0xa7: {  	[sflag:s10] =	ssyncset.done @!p1 $0x0  }
0xa8: {  	s9 =	simm.s32 @!p1 $0x14780;
	s23 =	rddreg [dreg:$0xb];
	[sflag:s10] =	ssyncadd.s32 @!p1 $0xFFFFC000  }
0xa9: {  	[spmem:s1] =	stream.indirect.scatter.add.f32 @!p1 [tilespmem:s19], [sflag:$0xC], $0x80, s9, s6, $0xb8;
	[tilespmem:$0x1C800] =	vst v63  }
0xaa: {  	p1 =	sle.u32 s23, $0x0  }
0xab: {  	s0 =	simm.s32 @!p1 $0x2  }
0xac: {  	s29 =	simm.s32 $0x17;
	p2 =	sle.u32 s5, $0x8;
	_ =	swait.ge @!p1 [sflag:s0], $0x100  }
0xad: {  	s6 =	simm.s32 $0x1F;
	s23 =	simm.s32 $0x8;
	[sflag:s0] =	ssyncset.done @!p1 $0x0  }
0xae: {  	p0 =	sle.u32 @!p1 s5, $0xF;
	s11 =	simm.s32 @!p1 $0xC;
	[sflag:s0] =	ssyncadd.s32 @!p1 $0xFFFFFF00  }
0xaf: {  	s19 =	smov.u32 s7;
	p3 =	por p0, p1;
	_ =	swait.ge @!p1 [sflag:s11], $0x4000  }
0xb0: {  	s9 =	simm.s32 @!p1 $0x18800;
	s10 =	simm.s32 @!p3 $0x14700;
	[sflag:s11] =	ssyncset.done @!p1 $0x0  }
0xb1: {  	s0 =	sadd.s32 $0x100, s7;
	[sflag:s11] =	ssyncadd.s32 @!p1 $0xFFFFC000;
	s11 =	simm.s32 @!p3 $0x0  }
.LBB2_2:
0xb2: {  	[tilespmem:s10], [sflag:$0x8] =	stream.linear.gather @!p3 [hbm4b:s19+s11], $0x100, $0x38;
	[tilespmem:$0x1C800] =	vst v63  }
0xb3: {  	s10 =	simm.s32 @!p2 $0x9;
	s11 =	simm.s32 @!p1 $0x80;
	s19 =	simm.s32 @!p1 $0x14100  }
0xb4: {  	[tilespmem:s9], [sflag:$0xA] =	stream.indirect.gather @!p1 [hbm4b:s4+s11], $0x80, s19, s11, $0xb8;
	[tilespmem:$0x1C800] =	vst v63  }
0xb5: {  	s12 =	simm.s32 @!p2 $0x14080;
	_ =	swait.ge @!p2 [sflag:s10], $0x4000  }
0xb6: {  	s11 =	simm.s32 @!p2 $0x14800;
	[sflag:s10] =	ssyncset.done @!p2 $0x0;
	s13 =	rddreg [dreg:$0x3]  }
0xb7: {  	[sflag:s10] =	ssyncadd.s32 @!p2 $0xFFFFC000;
	s10 =	simm.s32 @!p2 $0x80;
	p1 =	sge.u32 s23, s13  }
0xb8: {  	[spmem:s1] =	stream.indirect.scatter.add.f32 @!p2 [tilespmem:s11], [sflag:$0xB], $0x80, s12, s10, $0xb8;
	[tilespmem:$0x1C800] =	vst v63  }
0xb9: {  	s10 =	simm.s32 @!p1 $0x3  }
0xba: {  	_ =	swait.ge @!p1 [sflag:s10], $0x100  }
0xbb: {  	s11 =	sadd.s32 @!p1 $0xFFFFFFF9, s29;
	[sflag:s10] =	ssyncset.done @!p1 $0x0  }
0xbc: {  	p2 =	sge.u32 @!p1 s11, s5;
	s11 =	simm.s32 @!p1 $0xB;
	[sflag:s10] =	ssyncadd.s32 @!p1 $0xFFFFFF00  }
0xbd: {  	p2 =	por p2, p1;
	s10 =	simm.s32 @!p1 $0x14800;
	_ =	swait.ge @!p1 [sflag:s11], $0x4000  }
0xbe: {  	s12 =	simm.s32 @!p2 $0x14000;
	s14 =	simm.s32 @!p2 $0x0;
	[sflag:s11] =	ssyncset.done @!p1 $0x0  }
0xbf: {  	s13 =	rddreg [dreg:$0x4];
	[sflag:s11] =	ssyncadd.s32 @!p1 $0xFFFFC000;
	s11 =	sadd.s32 @!p2 $0xFFFFFF20, s0  }
0xc0: {  	[tilespmem:s12], [sflag:$0x1] =	stream.linear.gather @!p2 [hbm4b:s11+s14], $0x100, $0x38;
	[tilespmem:$0x1C800] =	vst v63  }
0xc1: {  	s11 =	simm.s32 @!p1 $0x80;
	s12 =	simm.s32 @!p1 $0x14200;
	p2 =	sge.u32 s23, s13  }
0xc2: {  	[tilespmem:s10], [sflag:$0x9] =	stream.indirect.gather @!p1 [hbm4b:s4+s11], $0x80, s12, s11, $0xb8;
	[tilespmem:$0x1C800] =	vst v63  }
0xc3: {  	s12 =	simm.s32 @!p2 $0xA  }
0xc4: {  	_ =	swait.ge @!p2 [sflag:s12], $0x4000  }
0xc5: {  	s13 =	simm.s32 @!p2 $0x18800;
	s21 =	simm.s32 @!p2 $0x14180;
	[sflag:s12] =	ssyncset.done @!p2 $0x0  }
0xc6: {  	s14 =	rddreg [dreg:$0x5];
	[sflag:s12] =	ssyncadd.s32 @!p2 $0xFFFFC000;
	s12 =	simm.s32 @!p2 $0x80  }
0xc7: {  	[spmem:s1] =	stream.indirect.scatter.add.f32 @!p2 [tilespmem:s13], [sflag:$0xC], $0x80, s21, s12, $0xb8;
	[tilespmem:$0x1C800] =	vst v63  }
0xc8: {  	p2 =	sge.u32 s23, s14  }
0xc9: {  	s12 =	simm.s32 @!p2 $0x4  }
0xca: {  	_ =	swait.ge @!p2 [sflag:s12], $0x100  }
0xcb: {  	s13 =	sadd.s32 @!p2 $0xFFFFFFFA, s29;
	[sflag:s12] =	ssyncset.done @!p2 $0x0  }
0xcc: {  	p3 =	sge.u32 @!p2 s13, s5;
	[sflag:s12] =	ssyncadd.s32 @!p2 $0xFFFFFF00;
	s12 =	simm.s32 @!p2 $0xC  }
0xcd: {  	p3 =	por p3, p2;
	_ =	swait.ge @!p2 [sflag:s12], $0x4000  }
0xce: {  	s14 =	simm.s32 @!p1 $0x9;
	s13 =	simm.s32 @!p3 $0x14100;
	[sflag:s12] =	ssyncset.done @!p2 $0x0  }
0xcf: {  	s21 =	simm.s32 @!p3 $0x0;
	[sflag:s12] =	ssyncadd.s32 @!p2 $0xFFFFC000;
	s12 =	sadd.s32 @!p3 $0xFFFFFF40, s0  }
0xd0: {  	[tilespmem:s13], [sflag:$0x2] =	stream.linear.gather @!p3 [hbm4b:s12+s21], $0x100, $0x38;
	[tilespmem:$0x1C800] =	vst v63  }
0xd1: {  	s12 =	simm.s32 @!p2 $0x80;
	s13 =	simm.s32 @!p2 $0x14300;
	s21 =	simm.s32 @!p2 $0x18800  }
0xd2: {  	[tilespmem:s21], [sflag:$0xA] =	stream.indirect.gather @!p2 [hbm4b:s4+s12], $0x80, s13, s12, $0xb8;
	[tilespmem:$0x1C800] =	vst v63  }
0xd3: {  	_ =	swait.ge @!p1 [sflag:s14], $0x4000  }
0xd4: {  	[sflag:s14] =	ssyncset.done @!p1 $0x0  }
0xd5: {  	s13 =	rddreg [dreg:$0x6];
	[sflag:s14] =	ssyncadd.s32 @!p1 $0xFFFFC000;
	s14 =	simm.s32 @!p1 $0x14280  }
0xd6: {  	[spmem:s1] =	stream.indirect.scatter.add.f32 @!p1 [tilespmem:s10], [sflag:$0xB], $0x80, s14, s11, $0xb8;
	[tilespmem:$0x1C800] =	vst v63  }
0xd7: {  	p1 =	sge.u32 s23, s13  }
0xd8: {  	s10 =	simm.s32 @!p1 $0x5  }
0xd9: {  	_ =	swait.ge @!p1 [sflag:s10], $0x100  }
0xda: {  	s11 =	sadd.s32 @!p1 $0xFFFFFFFB, s29;
	[sflag:s10] =	ssyncset.done @!p1 $0x0  }
0xdb: {  	p3 =	sge.u32 @!p1 s11, s5;
	[sflag:s10] =	ssyncadd.s32 @!p1 $0xFFFFFF00;
	s10 =	simm.s32 @!p1 $0xB  }
0xdc: {  	p3 =	por p3, p1;
	_ =	swait.ge @!p1 [sflag:s10], $0x4000  }
0xdd: {  	s13 =	simm.s32 @!p2 $0xA;
	s11 =	simm.s32 @!p3 $0x14200;
	[sflag:s10] =	ssyncset.done @!p1 $0x0  }
0xde: {  	s14 =	simm.s32 @!p3 $0x0;
	[sflag:s10] =	ssyncadd.s32 @!p1 $0xFFFFC000;
	s10 =	sadd.s32 @!p3 $0xFFFFFF60, s0  }
0xdf: {  	[tilespmem:s11], [sflag:$0x3] =	stream.linear.gather @!p3 [hbm4b:s10+s14], $0x100, $0x38;
	[tilespmem:$0x1C800] =	vst v63  }
0xe0: {  	s10 =	simm.s32 @!p1 $0x80;
	s11 =	simm.s32 @!p1 $0x14400;
	s14 =	simm.s32 @!p1 $0x14800  }
0xe1: {  	[tilespmem:s14], [sflag:$0x9] =	stream.indirect.gather @!p1 [hbm4b:s4+s10], $0x80, s11, s10, $0xb8;
	[tilespmem:$0x1C800] =	vst v63  }
0xe2: {  	_ =	swait.ge @!p2 [sflag:s13], $0x4000  }
0xe3: {  	[sflag:s13] =	ssyncset.done @!p2 $0x0  }
0xe4: {  	s11 =	rddreg [dreg:$0x7];
	[sflag:s13] =	ssyncadd.s32 @!p2 $0xFFFFC000;
	s13 =	simm.s32 @!p2 $0x14380  }
0xe5: {  	[spmem:s1] =	stream.indirect.scatter.add.f32 @!p2 [tilespmem:s21], [sflag:$0xC], $0x80, s13, s12, $0xb8;
	[tilespmem:$0x1C800] =	vst v63  }
0xe6: {  	p2 =	sge.u32 s23, s11  }
0xe7: {  	s11 =	simm.s32 @!p2 $0x6  }
0xe8: {  	_ =	swait.ge @!p2 [sflag:s11], $0x100  }
0xe9: {  	s12 =	sadd.s32 @!p2 $0xFFFFFFFC, s29;
	[sflag:s11] =	ssyncset.done @!p2 $0x0  }
0xea: {  	p3 =	sge.u32 @!p2 s12, s5;
	[sflag:s11] =	ssyncadd.s32 @!p2 $0xFFFFFF00;
	s11 =	simm.s32 @!p2 $0xC  }
0xeb: {  	p3 =	por p3, p2;
	_ =	swait.ge @!p2 [sflag:s11], $0x4000  }
0xec: {  	s13 =	simm.s32 @!p1 $0x9;
	s12 =	simm.s32 @!p3 $0x14300;
	[sflag:s11] =	ssyncset.done @!p2 $0x0  }
0xed: {  	s21 =	simm.s32 @!p3 $0x0;
	[sflag:s11] =	ssyncadd.s32 @!p2 $0xFFFFC000;
	s11 =	sadd.s32 @!p3 $0xFFFFFF80, s0  }
0xee: {  	[tilespmem:s12], [sflag:$0x4] =	stream.linear.gather @!p3 [hbm4b:s11+s21], $0x100, $0x38;
	[tilespmem:$0x1C800] =	vst v63  }
0xef: {  	s11 =	simm.s32 @!p2 $0x80;
	s12 =	simm.s32 @!p2 $0x14500;
	s21 =	simm.s32 @!p2 $0x18800  }
0xf0: {  	[tilespmem:s21], [sflag:$0xA] =	stream.indirect.gather @!p2 [hbm4b:s4+s11], $0x80, s12, s11, $0xb8;
	[tilespmem:$0x1C800] =	vst v63  }
0xf1: {  	_ =	swait.ge @!p1 [sflag:s13], $0x4000  }
0xf2: {  	[sflag:s13] =	ssyncset.done @!p1 $0x0  }
0xf3: {  	s12 =	rddreg [dreg:$0x8];
	[sflag:s13] =	ssyncadd.s32 @!p1 $0xFFFFC000;
	s13 =	simm.s32 @!p1 $0x14480  }
0xf4: {  	[spmem:s1] =	stream.indirect.scatter.add.f32 @!p1 [tilespmem:s14], [sflag:$0xB], $0x80, s13, s10, $0xb8;
	[tilespmem:$0x1C800] =	vst v63  }
0xf5: {  	p1 =	sge.u32 s23, s12  }
0xf6: {  	s10 =	simm.s32 @!p1 $0x7  }
0xf7: {  	_ =	swait.ge @!p1 [sflag:s10], $0x100  }
0xf8: {  	s12 =	sadd.s32 @!p1 $0xFFFFFFFD, s29;
	[sflag:s10] =	ssyncset.done @!p1 $0x0  }
0xf9: {  	p3 =	sge.u32 @!p1 s12, s5;
	[sflag:s10] =	ssyncadd.s32 @!p1 $0xFFFFFF00;
	s10 =	simm.s32 @!p1 $0xB  }
0xfa: {  	p3 =	por p3, p1;
	_ =	swait.ge @!p1 [sflag:s10], $0x4000  }
0xfb: {  	s13 =	simm.s32 @!p2 $0xA;
	s12 =	simm.s32 @!p3 $0x14400;
	[sflag:s10] =	ssyncset.done @!p1 $0x0  }
0xfc: {  	s14 =	simm.s32 @!p3 $0x0;
	[sflag:s10] =	ssyncadd.s32 @!p1 $0xFFFFC000;
	s10 =	sadd.s32 @!p3 $0xFFFFFFA0, s0  }
0xfd: {  	[tilespmem:s12], [sflag:$0x5] =	stream.linear.gather @!p3 [hbm4b:s10+s14], $0x100, $0x38;
	[tilespmem:$0x1C800] =	vst v63  }
0xfe: {  	s10 =	simm.s32 @!p1 $0x80;
	s12 =	simm.s32 @!p1 $0x14600;
	s14 =	simm.s32 @!p1 $0x14800  }
0xff: {  	[tilespmem:s14], [sflag:$0x9] =	stream.indirect.gather @!p1 [hbm4b:s4+s10], $0x80, s12, s10, $0xb8;
	[tilespmem:$0x1C800] =	vst v63  }
0x100: {  	_ =	swait.ge @!p2 [sflag:s13], $0x4000  }
0x101: {  	[sflag:s13] =	ssyncset.done @!p2 $0x0  }
0x102: {  	s12 =	rddreg [dreg:$0x9];
	[sflag:s13] =	ssyncadd.s32 @!p2 $0xFFFFC000;
	s13 =	simm.s32 @!p2 $0x14580  }
0x103: {  	[spmem:s1] =	stream.indirect.scatter.add.f32 @!p2 [tilespmem:s21], [sflag:$0xC], $0x80, s13, s11, $0xb8;
	[tilespmem:$0x1C800] =	vst v63  }
0x104: {  	p2 =	sge.u32 s23, s12  }
0x105: {  	s11 =	simm.s32 @!p2 $0x8  }
0x106: {  	_ =	swait.ge @!p2 [sflag:s11], $0x100  }
0x107: {  	s12 =	sadd.s32 @!p2 $0xFFFFFFFE, s29;
	[sflag:s11] =	ssyncset.done @!p2 $0x0  }
0x108: {  	p3 =	sge.u32 @!p2 s12, s5;
	[sflag:s11] =	ssyncadd.s32 @!p2 $0xFFFFFF00;
	s11 =	simm.s32 @!p2 $0xC  }
0x109: {  	p3 =	por p3, p2;
	_ =	swait.ge @!p2 [sflag:s11], $0x4000  }
0x10a: {  	s13 =	simm.s32 @!p1 $0x9;
	s12 =	simm.s32 @!p3 $0x14500;
	[sflag:s11] =	ssyncset.done @!p2 $0x0  }
0x10b: {  	s21 =	simm.s32 @!p3 $0x0;
	[sflag:s11] =	ssyncadd.s32 @!p2 $0xFFFFC000;
	s11 =	sadd.s32 @!p3 $0xFFFFFFC0, s0  }
0x10c: {  	[tilespmem:s12], [sflag:$0x6] =	stream.linear.gather @!p3 [hbm4b:s11+s21], $0x100, $0x38;
	[tilespmem:$0x1C800] =	vst v63  }
0x10d: {  	s11 =	simm.s32 @!p2 $0x80;
	s12 =	simm.s32 @!p2 $0x14700;
	s21 =	simm.s32 @!p2 $0x18800  }
0x10e: {  	[tilespmem:s21], [sflag:$0xA] =	stream.indirect.gather @!p2 [hbm4b:s4+s11], $0x80, s12, s11, $0xb8;
	[tilespmem:$0x1C800] =	vst v63  }
0x10f: {  	_ =	swait.ge @!p1 [sflag:s13], $0x4000  }
0x110: {  	[sflag:s13] =	ssyncset.done @!p1 $0x0  }
0x111: {  	s12 =	rddreg [dreg:$0xa];
	[sflag:s13] =	ssyncadd.s32 @!p1 $0xFFFFC000;
	s13 =	simm.s32 @!p1 $0x14680  }
0x112: {  	[spmem:s1] =	stream.indirect.scatter.add.f32 @!p1 [tilespmem:s14], [sflag:$0xB], $0x80, s13, s10, $0xb8;
	[tilespmem:$0x1C800] =	vst v63  }
0x113: {  	p1 =	sge.u32 s23, s12  }
0x114: {  	s10 =	simm.s32 @!p1 $0x1  }
0x115: {  	_ =	swait.ge @!p1 [sflag:s10], $0x100  }
0x116: {  	s12 =	sadd.s32 @!p1 $0xFFFFFFFF, s29;
	[sflag:s10] =	ssyncset.done @!p1 $0x0  }
0x117: {  	p3 =	sge.u32 @!p1 s12, s5;
	[sflag:s10] =	ssyncadd.s32 @!p1 $0xFFFFFF00;
	s10 =	simm.s32 @!p1 $0xB  }
0x118: {  	p3 =	por p3, p1;
	_ =	swait.ge @!p1 [sflag:s10], $0x4000  }
0x119: {  	s13 =	simm.s32 @!p2 $0xA;
	s12 =	simm.s32 @!p3 $0x14600;
	[sflag:s10] =	ssyncset.done @!p1 $0x0  }
0x11a: {  	s14 =	simm.s32 @!p3 $0x0;
	[sflag:s10] =	ssyncadd.s32 @!p1 $0xFFFFC000;
	s10 =	sadd.s32 @!p3 $0xFFFFFFE0, s0  }
0x11b: {  	[tilespmem:s12], [sflag:$0x7] =	stream.linear.gather @!p3 [hbm4b:s10+s14], $0x100, $0x38;
	[tilespmem:$0x1C800] =	vst v63  }
0x11c: {  	s10 =	simm.s32 @!p1 $0x80;
	s12 =	simm.s32 @!p1 $0x14000;
	s14 =	simm.s32 @!p1 $0x14800  }
0x11d: {  	[tilespmem:s14], [sflag:$0x9] =	stream.indirect.gather @!p1 [hbm4b:s4+s10], $0x80, s12, s10, $0xb8;
	[tilespmem:$0x1C800] =	vst v63  }
0x11e: {  	_ =	swait.ge @!p2 [sflag:s13], $0x4000  }
0x11f: {  	s9 =	smov.u32 s6;
	[sflag:s13] =	ssyncset.done @!p2 $0x0;
	s14 =	rddreg [dreg:$0xb]  }
0x120: {  	s12 =	simm.s32 @!p2 $0x14780;
	[sflag:s13] =	ssyncadd.s32 @!p2 $0xFFFFC000;
	p1 =	sge.u32 s23, s14  }
0x121: {  	[spmem:s1] =	stream.indirect.scatter.add.f32 @!p2 [tilespmem:s21], [sflag:$0xC], $0x80, s12, s11, $0xb8;
	[tilespmem:$0x1C800] =	vst v63  }
0x122: {  	s6 =	sadd.s32 $0x8, s6;
	s19 =	smov.u32 s0;
	s10 =	simm.s32 @!p1 $0x2  }
0x123: {  	p0 =	sne.s32 s6, $0x8F;
	s0 =	sadd.s32 $0x100, s0;
	_ =	swait.ge @!p1 [sflag:s10], $0x100  }
.Ltmp0:
0x124: {  	p2 =	sge.u32 @!p1 s29, s5;
	[sflag:s10] =	ssyncset.done @!p1 $0x0;
	(pc) =	sbr.rel @p0 .LBB2_2-.Ltmp0, $4  }
0x125: {  	s29 =	smov.u32 s9;
	s11 =	simm.s32 @!p1 $0xC;
	[sflag:s10] =	ssyncadd.s32 @!p1 $0xFFFFFF00  }
0x126: {  	s9 =	simm.s32 @!p1 $0x18800;
	s23 =	sadd.s32 $0xFFFFFFF1, s29;
	_ =	swait.ge @!p1 [sflag:s11], $0x4000  }
0x127: {  	p3 =	por p2, p1;
	p2 =	sge.u32 s23, s5;
	[sflag:s11] =	ssyncset.done @!p1 $0x0  }
0x128: {  	s10 =	simm.s32 @!p3 $0x14700;
	[sflag:s11] =	ssyncadd.s32 @!p1 $0xFFFFC000;
	s11 =	simm.s32 @!p3 $0x0  }
0x129: {  	[tilespmem:s10], [sflag:$0x8] =	stream.linear.gather @!p3 [hbm4b:s19+s11], $0x100, $0x38;
	[tilespmem:$0x1C800] =	vst v63  }
0x12a: {  	s6 =	simm.s32 @!p2 $0x9;
	s10 =	simm.s32 @!p1 $0x80;
	s11 =	simm.s32 @!p1 $0x14100  }
0x12b: {  	[tilespmem:s9], [sflag:$0xA] =	stream.indirect.gather @!p1 [hbm4b:s4+s10], $0x80, s11, s10, $0xb8;
	[tilespmem:$0x1C800] =	vst v63  }
0x12c: {  	s9 =	simm.s32 @!p2 $0x14800;
	_ =	swait.ge @!p2 [sflag:s6], $0x4000  }
0x12d: {  	s11 =	simm.s32 @!p2 $0x14080;
	[sflag:s6] =	ssyncset.done @!p2 $0x0;
	s14 =	rddreg [dreg:$0x3]  }
0x12e: {  	[sflag:s6] =	ssyncadd.s32 @!p2 $0xFFFFC000;
	s6 =	simm.s32 @!p2 $0x80;
	p0 =	sge.u32 s23, s14  }
0x12f: {  	[spmem:s1] =	stream.indirect.scatter.add.f32 @!p2 [tilespmem:s9], [sflag:$0xB], $0x80, s11, s6, $0xb8;
	[tilespmem:$0x1C800] =	vst v63  }
0x130: {  	s6 =	simm.s32 @!p0 $0x3  }
0x131: {  	_ =	swait.ge @!p0 [sflag:s6], $0x100  }
0x132: {  	s9 =	sadd.s32 @!p0 $0xFFFFFFF9, s29;
	[sflag:s6] =	ssyncset.done @!p0 $0x0  }
0x133: {  	p1 =	sge.u32 @!p0 s9, s5;
	[sflag:s6] =	ssyncadd.s32 @!p0 $0xFFFFFF00;
	s6 =	simm.s32 @!p0 $0xB  }
0x134: {  	s9 =	simm.s32 @!p0 $0x14800;
	p1 =	por p1, p0;
	_ =	swait.ge @!p0 [sflag:s6], $0x4000  }
0x135: {  	s10 =	simm.s32 @!p1 $0x14000;
	s12 =	simm.s32 @!p1 $0x0;
	[sflag:s6] =	ssyncset.done @!p0 $0x0  }
0x136: {  	s19 =	rddreg [dreg:$0x4];
	[sflag:s6] =	ssyncadd.s32 @!p0 $0xFFFFC000;
	s6 =	sadd.s32 @!p1 $0xFFFFFF20, s0  }
0x137: {  	[tilespmem:s10], [sflag:$0x1] =	stream.linear.gather @!p1 [hbm4b:s6+s12], $0x100, $0x38;
	[tilespmem:$0x1C800] =	vst v63  }
0x138: {  	s6 =	simm.s32 @!p0 $0x80;
	s10 =	simm.s32 @!p0 $0x14200;
	p1 =	sge.u32 s23, s19  }
0x139: {  	[tilespmem:s9], [sflag:$0x9] =	stream.indirect.gather @!p0 [hbm4b:s4+s6], $0x80, s10, s6, $0xb8;
	[tilespmem:$0x1C800] =	vst v63  }
0x13a: {  	s10 =	simm.s32 @!p1 $0xA  }
0x13b: {  	_ =	swait.ge @!p1 [sflag:s10], $0x4000  }
0x13c: {  	s11 =	simm.s32 @!p1 $0x18800;
	s13 =	simm.s32 @!p1 $0x14180;
	[sflag:s10] =	ssyncset.done @!p1 $0x0  }
0x13d: {  	s21 =	rddreg [dreg:$0x5];
	[sflag:s10] =	ssyncadd.s32 @!p1 $0xFFFFC000;
	s10 =	simm.s32 @!p1 $0x80  }
0x13e: {  	[spmem:s1] =	stream.indirect.scatter.add.f32 @!p1 [tilespmem:s11], [sflag:$0xC], $0x80, s13, s10, $0xb8;
	[tilespmem:$0x1C800] =	vst v63  }
0x13f: {  	p1 =	sge.u32 s23, s21  }
0x140: {  	s10 =	simm.s32 @!p1 $0x4  }
0x141: {  	_ =	swait.ge @!p1 [sflag:s10], $0x100  }
0x142: {  	s11 =	sadd.s32 @!p1 $0xFFFFFFFA, s29;
	[sflag:s10] =	ssyncset.done @!p1 $0x0  }
0x143: {  	p2 =	sge.u32 @!p1 s11, s5;
	[sflag:s10] =	ssyncadd.s32 @!p1 $0xFFFFFF00;
	s10 =	simm.s32 @!p1 $0xC  }
0x144: {  	p2 =	por p2, p1;
	_ =	swait.ge @!p1 [sflag:s10], $0x4000  }
0x145: {  	s12 =	simm.s32 @!p0 $0x9;
	s11 =	simm.s32 @!p2 $0x14100;
	[sflag:s10] =	ssyncset.done @!p1 $0x0  }
0x146: {  	s13 =	simm.s32 @!p2 $0x0;
	[sflag:s10] =	ssyncadd.s32 @!p1 $0xFFFFC000;
	s10 =	sadd.s32 @!p2 $0xFFFFFF40, s0  }
0x147: {  	[tilespmem:s11], [sflag:$0x2] =	stream.linear.gather @!p2 [hbm4b:s10+s13], $0x100, $0x38;
	[tilespmem:$0x1C800] =	vst v63  }
0x148: {  	s10 =	simm.s32 @!p1 $0x80;
	s11 =	simm.s32 @!p1 $0x14300;
	s13 =	simm.s32 @!p1 $0x18800  }
0x149: {  	[tilespmem:s13], [sflag:$0xA] =	stream.indirect.gather @!p1 [hbm4b:s4+s10], $0x80, s11, s10, $0xb8;
	[tilespmem:$0x1C800] =	vst v63  }
0x14a: {  	_ =	swait.ge @!p0 [sflag:s12], $0x4000  }
0x14b: {  	[sflag:s12] =	ssyncset.done @!p0 $0x0  }
0x14c: {  	s14 =	rddreg [dreg:$0x6];
	[sflag:s12] =	ssyncadd.s32 @!p0 $0xFFFFC000;
	s12 =	simm.s32 @!p0 $0x14280  }
0x14d: {  	[spmem:s1] =	stream.indirect.scatter.add.f32 @!p0 [tilespmem:s9], [sflag:$0xB], $0x80, s12, s6, $0xb8;
	[tilespmem:$0x1C800] =	vst v63  }
0x14e: {  	p0 =	sge.u32 s23, s14  }
0x14f: {  	s6 =	simm.s32 @!p0 $0x5  }
0x150: {  	_ =	swait.ge @!p0 [sflag:s6], $0x100  }
0x151: {  	s9 =	sadd.s32 @!p0 $0xFFFFFFFB, s29;
	[sflag:s6] =	ssyncset.done @!p0 $0x0  }
0x152: {  	p2 =	sge.u32 @!p0 s9, s5;
	[sflag:s6] =	ssyncadd.s32 @!p0 $0xFFFFFF00;
	s6 =	simm.s32 @!p0 $0xB  }
0x153: {  	p2 =	por p2, p0;
	_ =	swait.ge @!p0 [sflag:s6], $0x4000  }
0x154: {  	s11 =	simm.s32 @!p1 $0xA;
	s9 =	simm.s32 @!p2 $0x14200;
	[sflag:s6] =	ssyncset.done @!p0 $0x0  }
0x155: {  	s12 =	simm.s32 @!p2 $0x0;
	[sflag:s6] =	ssyncadd.s32 @!p0 $0xFFFFC000;
	s6 =	sadd.s32 @!p2 $0xFFFFFF60, s0  }
0x156: {  	[tilespmem:s9], [sflag:$0x3] =	stream.linear.gather @!p2 [hbm4b:s6+s12], $0x100, $0x38;
	[tilespmem:$0x1C800] =	vst v63  }
0x157: {  	s6 =	simm.s32 @!p0 $0x80;
	s9 =	simm.s32 @!p0 $0x14400;
	s12 =	simm.s32 @!p0 $0x14800  }
0x158: {  	[tilespmem:s12], [sflag:$0x9] =	stream.indirect.gather @!p0 [hbm4b:s4+s6], $0x80, s9, s6, $0xb8;
	[tilespmem:$0x1C800] =	vst v63  }
0x159: {  	_ =	swait.ge @!p1 [sflag:s11], $0x4000  }
0x15a: {  	[sflag:s11] =	ssyncset.done @!p1 $0x0  }
0x15b: {  	s19 =	rddreg [dreg:$0x7];
	[sflag:s11] =	ssyncadd.s32 @!p1 $0xFFFFC000;
	s11 =	simm.s32 @!p1 $0x14380  }
0x15c: {  	[spmem:s1] =	stream.indirect.scatter.add.f32 @!p1 [tilespmem:s13], [sflag:$0xC], $0x80, s11, s10, $0xb8;
	[tilespmem:$0x1C800] =	vst v63  }
0x15d: {  	p1 =	sge.u32 s23, s19  }
0x15e: {  	s9 =	simm.s32 @!p1 $0x6  }
0x15f: {  	_ =	swait.ge @!p1 [sflag:s9], $0x100  }
0x160: {  	s10 =	sadd.s32 @!p1 $0xFFFFFFFC, s29;
	[sflag:s9] =	ssyncset.done @!p1 $0x0  }
0x161: {  	p2 =	sge.u32 @!p1 s10, s5;
	[sflag:s9] =	ssyncadd.s32 @!p1 $0xFFFFFF00;
	s9 =	simm.s32 @!p1 $0xC  }
0x162: {  	p2 =	por p2, p1;
	_ =	swait.ge @!p1 [sflag:s9], $0x4000  }
0x163: {  	s11 =	simm.s32 @!p0 $0x9;
	s10 =	simm.s32 @!p2 $0x14300;
	[sflag:s9] =	ssyncset.done @!p1 $0x0  }
0x164: {  	s13 =	simm.s32 @!p2 $0x0;
	[sflag:s9] =	ssyncadd.s32 @!p1 $0xFFFFC000;
	s9 =	sadd.s32 @!p2 $0xFFFFFF80, s0  }
0x165: {  	[tilespmem:s10], [sflag:$0x4] =	stream.linear.gather @!p2 [hbm4b:s9+s13], $0x100, $0x38;
	[tilespmem:$0x1C800] =	vst v63  }
0x166: {  	s9 =	simm.s32 @!p1 $0x80;
	s10 =	simm.s32 @!p1 $0x14500;
	s13 =	simm.s32 @!p1 $0x18800  }
0x167: {  	[tilespmem:s13], [sflag:$0xA] =	stream.indirect.gather @!p1 [hbm4b:s4+s9], $0x80, s10, s9, $0xb8;
	[tilespmem:$0x1C800] =	vst v63  }
0x168: {  	_ =	swait.ge @!p0 [sflag:s11], $0x4000  }
0x169: {  	[sflag:s11] =	ssyncset.done @!p0 $0x0  }
0x16a: {  	s21 =	rddreg [dreg:$0x8];
	[sflag:s11] =	ssyncadd.s32 @!p0 $0xFFFFC000;
	s11 =	simm.s32 @!p0 $0x14480  }
0x16b: {  	[spmem:s1] =	stream.indirect.scatter.add.f32 @!p0 [tilespmem:s12], [sflag:$0xB], $0x80, s11, s6, $0xb8;
	[tilespmem:$0x1C800] =	vst v63  }
0x16c: {  	p0 =	sge.u32 s23, s21  }
0x16d: {  	s6 =	simm.s32 @!p0 $0x7  }
0x16e: {  	_ =	swait.ge @!p0 [sflag:s6], $0x100  }
0x16f: {  	s10 =	sadd.s32 @!p0 $0xFFFFFFFD, s29;
	[sflag:s6] =	ssyncset.done @!p0 $0x0  }
0x170: {  	p2 =	sge.u32 @!p0 s10, s5;
	[sflag:s6] =	ssyncadd.s32 @!p0 $0xFFFFFF00;
	s6 =	simm.s32 @!p0 $0xB  }
0x171: {  	p2 =	por p2, p0;
	_ =	swait.ge @!p0 [sflag:s6], $0x4000  }
0x172: {  	s11 =	simm.s32 @!p1 $0xA;
	s10 =	simm.s32 @!p2 $0x14400;
	[sflag:s6] =	ssyncset.done @!p0 $0x0  }
0x173: {  	s12 =	simm.s32 @!p2 $0x0;
	[sflag:s6] =	ssyncadd.s32 @!p0 $0xFFFFC000;
	s6 =	sadd.s32 @!p2 $0xFFFFFFA0, s0  }
0x174: {  	[tilespmem:s10], [sflag:$0x5] =	stream.linear.gather @!p2 [hbm4b:s6+s12], $0x100, $0x38;
	[tilespmem:$0x1C800] =	vst v63  }
0x175: {  	s6 =	simm.s32 @!p0 $0x80;
	s10 =	simm.s32 @!p0 $0x14600;
	s12 =	simm.s32 @!p0 $0x14800  }
0x176: {  	[tilespmem:s12], [sflag:$0x9] =	stream.indirect.gather @!p0 [hbm4b:s4+s6], $0x80, s10, s6, $0xb8;
	[tilespmem:$0x1C800] =	vst v63  }
0x177: {  	_ =	swait.ge @!p1 [sflag:s11], $0x4000  }
0x178: {  	[sflag:s11] =	ssyncset.done @!p1 $0x0  }
0x179: {  	s14 =	rddreg [dreg:$0x9];
	[sflag:s11] =	ssyncadd.s32 @!p1 $0xFFFFC000;
	s11 =	simm.s32 @!p1 $0x14580  }
0x17a: {  	[spmem:s1] =	stream.indirect.scatter.add.f32 @!p1 [tilespmem:s13], [sflag:$0xC], $0x80, s11, s9, $0xb8;
	[tilespmem:$0x1C800] =	vst v63  }
0x17b: {  	p1 =	sge.u32 s23, s14  }
0x17c: {  	s9 =	simm.s32 @!p1 $0x8  }
0x17d: {  	_ =	swait.ge @!p1 [sflag:s9], $0x100  }
0x17e: {  	s10 =	sadd.s32 @!p1 $0xFFFFFFFE, s29;
	[sflag:s9] =	ssyncset.done @!p1 $0x0  }
0x17f: {  	p2 =	sge.u32 @!p1 s10, s5;
	[sflag:s9] =	ssyncadd.s32 @!p1 $0xFFFFFF00;
	s9 =	simm.s32 @!p1 $0xC  }
0x180: {  	p2 =	por p2, p1;
	_ =	swait.ge @!p1 [sflag:s9], $0x4000  }
0x181: {  	s11 =	simm.s32 @!p0 $0x9;
	s10 =	simm.s32 @!p2 $0x14500;
	[sflag:s9] =	ssyncset.done @!p1 $0x0  }
0x182: {  	s13 =	simm.s32 @!p2 $0x0;
	[sflag:s9] =	ssyncadd.s32 @!p1 $0xFFFFC000;
	s9 =	sadd.s32 @!p2 $0xFFFFFFC0, s0  }
0x183: {  	[tilespmem:s10], [sflag:$0x6] =	stream.linear.gather @!p2 [hbm4b:s9+s13], $0x100, $0x38;
	[tilespmem:$0x1C800] =	vst v63  }
0x184: {  	s9 =	simm.s32 @!p1 $0x80;
	s10 =	simm.s32 @!p1 $0x14700;
	s13 =	simm.s32 @!p1 $0x18800  }
0x185: {  	[tilespmem:s13], [sflag:$0xA] =	stream.indirect.gather @!p1 [hbm4b:s4+s9], $0x80, s10, s9, $0xb8;
	[tilespmem:$0x1C800] =	vst v63  }
0x186: {  	_ =	swait.ge @!p0 [sflag:s11], $0x4000  }
0x187: {  	[sflag:s11] =	ssyncset.done @!p0 $0x0  }
0x188: {  	s19 =	rddreg [dreg:$0xa];
	[sflag:s11] =	ssyncadd.s32 @!p0 $0xFFFFC000;
	s11 =	simm.s32 @!p0 $0x14680  }
0x189: {  	[spmem:s1] =	stream.indirect.scatter.add.f32 @!p0 [tilespmem:s12], [sflag:$0xB], $0x80, s11, s6, $0xb8;
	[tilespmem:$0x1C800] =	vst v63  }
0x18a: {  	p0 =	sge.u32 s23, s19  }
0x18b: {  	s6 =	simm.s32 @!p0 $0x1  }
0x18c: {  	_ =	swait.ge @!p0 [sflag:s6], $0x100  }
0x18d: {  	s10 =	sadd.s32 @!p0 $0xFFFFFFFF, s29;
	[sflag:s6] =	ssyncset.done @!p0 $0x0  }
0x18e: {  	p2 =	sge.u32 @!p0 s10, s5;
	[sflag:s6] =	ssyncadd.s32 @!p0 $0xFFFFFF00;
	s6 =	simm.s32 @!p0 $0xB  }
0x18f: {  	p2 =	por p2, p0;
	_ =	swait.ge @!p0 [sflag:s6], $0x4000  }
0x190: {  	s11 =	simm.s32 @!p1 $0xA;
	s10 =	simm.s32 @!p2 $0x14600;
	[sflag:s6] =	ssyncset.done @!p0 $0x0  }
0x191: {  	s12 =	simm.s32 @!p2 $0x0;
	[sflag:s6] =	ssyncadd.s32 @!p0 $0xFFFFC000;
	s6 =	sadd.s32 @!p2 $0xFFFFFFE0, s0  }
0x192: {  	[tilespmem:s10], [sflag:$0x7] =	stream.linear.gather @!p2 [hbm4b:s6+s12], $0x100, $0x38;
	[tilespmem:$0x1C800] =	vst v63  }
0x193: {  	s6 =	simm.s32 @!p0 $0x80;
	s10 =	simm.s32 @!p0 $0x14000;
	s12 =	simm.s32 @!p0 $0x14800  }
0x194: {  	[tilespmem:s12], [sflag:$0x9] =	stream.indirect.gather @!p0 [hbm4b:s4+s6], $0x80, s10, s6, $0xb8;
	[tilespmem:$0x1C800] =	vst v63  }
0x195: {  	_ =	swait.ge @!p1 [sflag:s11], $0x4000  }
0x196: {  	[sflag:s11] =	ssyncset.done @!p1 $0x0;
	s21 =	rddreg [dreg:$0xb]  }
0x197: {  	s10 =	simm.s32 @!p1 $0x14780;
	[sflag:s11] =	ssyncadd.s32 @!p1 $0xFFFFC000;
	p0 =	sge.u32 s23, s21  }
0x198: {  	[spmem:s1] =	stream.indirect.scatter.add.f32 @!p1 [tilespmem:s13], [sflag:$0xC], $0x80, s10, s9, $0xb8;
	[tilespmem:$0x1C800] =	vst v63  }
0x199: {  	s6 =	simm.s32 @!p0 $0x2  }
0x19a: {  	_ =	swait.ge @!p0 [sflag:s6], $0x100  }
0x19b: {  	[sflag:s6] =	ssyncset.done @!p0 $0x0  }
0x19c: {  	[sflag:s6] =	ssyncadd.s32 @!p0 $0xFFFFFF00;
	s6 =	simm.s32 @!p0 $0xC  }
0x19d: {  	p1 =	sge.u32 @!p0 s29, s5;
	_ =	swait.ge @!p0 [sflag:s6], $0x4000  }
0x19e: {  	p1 =	por p1, p0;
	[sflag:s6] =	ssyncset.done @!p0 $0x0  }
0x19f: {  	s9 =	simm.s32 @!p1 $0x14700;
	[sflag:s6] =	ssyncadd.s32 @!p0 $0xFFFFC000;
	s6 =	simm.s32 @!p1 $0x0  }
0x1a0: {  	[tilespmem:s9], [sflag:$0x8] =	stream.linear.gather @!p1 [hbm4b:s0+s6], $0x100, $0x38;
	[tilespmem:$0x1C800] =	vst v63  }
0x1a1: {  	s0 =	simm.s32 @!p0 $0x18800;
	s6 =	simm.s32 @!p0 $0x80;
	s9 =	simm.s32 @!p0 $0x14100  }
0x1a2: {  	[tilespmem:s0], [sflag:$0xA] =	stream.indirect.gather @!p0 [hbm4b:s4+s6], $0x80, s9, s6, $0xb8;
	[tilespmem:$0x1C800] =	vst v63  }
0x1a3: {  	_ =	swait.ge [sflag:s24], $0x4000  }
0x1a4: {  	[sflag:s24] =	ssyncset.done $0x0  }
0x1a5: {  	[sflag:s24] =	ssyncadd.s32 $0xFFFFC000  }
0x1a6: {  	_ =	swait.ge [sflag:s25], $0x4000  }
0x1a7: {  	s26 =	sadd.s32 $0x1, s26;
	[sflag:s25] =	ssyncset.done $0x0  }
0x1a8: {  	p0 =	sne.s32 s26, s18;
	[sflag:s25] =	ssyncadd.s32 $0xFFFFC000  }
.Ltmp1:
0x1a9: {  	[bflag:$0x0] =	sbarrier.arrive $0xFFFF;
	(pc) =	sbr.rel @p0 .LBB2_1-.Ltmp1, $4  }
0x1aa: {  	[hbm:s17], [sflag:s8] =	dma.local [spmem:s28], $0x2800  }
0x1ab: {  	_ =	swait.ge [sflag:s20], $0x2800  }
0x1ac: {  	[sflag:s20] =	ssyncset.done $0x0  }
0x1ad: {  	[sflag:s20] =	ssyncadd.s32 $0xFFFFD800  }
0x1ae: {  	_ =	sfence.sel $0x180000  }
0x1af: {  	[bflag:$0x0] =	sbarrier.arrive $0xFFFF  }
0x1b0: {  	_ =	strace $0x9000004D  }
0x1b1: {  	s0 =	stileid.u32;
	[bflag:$0x2] =	sbarrier.arrive $0xFFFF  }
0x1b2: {  	p0 =	sne.s32 s0, $0x0;
	s0 =	rddreg [dreg:$0x2]  }
0x1b3: {  	s0 =	sadd.s32 @!p0 $0x100000, s0  }
0x1b4: {  	[sflag:s0] =	ssyncadd.tile.s32 @!p0 $0x1;
	_ =	shalt  }
.Lfunc_end2:
_tile_overlayer_lowered:
.L_overlay_start_2:
0x1b5: {  	(tag) =	ssettag $0x2  }
0x1b6: {  	s0 =	rddreg [dreg:$0x0];
	s2 =	stileid.u32  }
0x1b7: {  	s1 =	rddreg [dreg:$0x1];
	p0 =	sne.s32 s2, $0x0  }
0x1b8: {  	s3 =	rddreg [dreg:$0x2];
	[bflag:$0x3] =	sbarrier.arrive $0xFFFF;
	s2 =	simm.s32 @!p0 $0x1C0D  }
0x1b9: {  	[timem:s3], [sflag:s2] =	dma.local @!p0 [hbm:s0], s1  }
0x1ba: {  	s0 =	simm.s32 @!p0 $0xD  }
0x1bb: {  	_ =	swait.ge @!p0 [sflag:s0], s1  }
0x1bc: {  	s1 =	ssub.s32 @!p0 $0x0, s1;
	[sflag:s0] =	ssyncset.done @!p0 $0x0  }
0x1bd: {  	[sflag:s0] =	ssyncadd.s32 @!p0 s1  }
0x1be: {  	[bflag:$0x3] =	sbarrier.arrive $0xFFFF  }
0x1bf: {  	_ =	shalt  }

// kernel: kernel.18.cloned.1.call-start
scs
__scs_entry_jumppad:
0x0: {  	(pc) =	sbr.rel $0x88, $3  }
0x1: {  	(tag) =	ssettag $0x0;
	lr =	simm.s32 $0x1  }
0x2: {  	[smem:$0x3F9A] =	sst lr;
	_ =	strace $0xD0000000  }
0x3: {  	_ = 	snop  }
0x4: {  	_ = 	snop  }
0x5: {  	_ = 	snop  }
0x6: {  	_ = 	snop  }
0x7: {  	_ = 	snop  }
__scs_overlays_trampoline_lowered:
0x8: {  	[smem:$0x3FA9] =	sst s0  }
0x9: {  	[smem:$0x3FAA] =	sst s1  }
0xa: {  	[smem:$0x3FAB] =	sst s2  }
0xb: {  	[smem:$0x3FAC] =	sst s3  }
0xc: {  	[smem:$0x3FAD] =	sst s4  }
0xd: {  	[smem:$0x3FAE] =	sst s5  }
0xe: {  	[smem:$0x3FAF] =	sst s6  }
0xf: {  	[smem:$0x3FB0] =	sst s7  }
0x10: {  	[smem:$0x3FB1] =	sst s8  }
0x11: {  	[smem:$0x3FB2] =	sst s9;
	s0 =	simm.s32 @!p0 $0x0  }
0x12: {  	s1 =	sld [smem:$0x3F98];
	s0 =	simm.s32 @p0 $0x1  }
0x13: {  	[smem:$0x3FB3] =	sst s0;
	s0 =	simm.s32 @!p1 $0x0  }
0x14: {  	s2 =	sld [smem:$0x3F97];
	s0 =	simm.s32 @p1 $0x1  }
0x15: {  	[smem:$0x3FB4] =	sst s0;
	s0 =	simm.s32 @!p2 $0x0  }
0x16: {  	s3 =	sld [smem:$0x3FDB];
	s0 =	simm.s32 @p2 $0x1  }
0x17: {  	s4 =	simm.s32 $0x1BF5;
	[smem:$0x3FB6] =	sst s0  }
0x18: {  	s0 =	sld [smem:$0x3F99];
	_ =	swait.ge [sflag:s4], $0x0  }
0x19: {  	s7 =	sld [smem:$0x3F9A]  }
0x1a: {  	s8 =	sadd.s32 $0xFFFFE003, lr  }
0x1b: {  	s9 =	sadd.s32 $0xFFFFFEF7, lr;
	s5 =	simm.s32 $0xFFFFFFFF;
	p2 =	slt.u32 s8, $0xFFFFF086  }
0x1c: {  	p1 =	slt.u32 s9, $0xF7A;
	s5 =	simm.s32 @!p2 $0x0  }
0x1d: {  	s5 =	simm.s32 @p1 $0x1;
	p0 =	seq.s32 s7, s2  }
0x1e: {  	s7 =	smul.u32 @!p0 $0xF7A, s2;
	p2 =	seq.s32 @!p0 s5, $0x0  }
0x1f: {  	s9 =	smul.u32 $0xF7A, s1;
	s8 =	simm.s32 @!p0 $0x1BF5;
	p2 =	por !p2, p0  }
0x20: {  	[sflag:s8] =	ssyncset.s32 @!p0 $0xFFFFF086;
	s6 =	sadd.s32 @!p0 s3, s7;
	s7 =	simm.s32 @!p0 $0x108  }
0x21: {  	s3 =	sadd.s32 s3, s9;
	s6 =	sadd.s32 @!p0 $0x88, s6;
	s7 =	simm.s32 @p2 $0x1082  }
0x22: {  	[simem:s7], [sflag:s8] =	dma.local @!p0 [hbm:s6], $0xF7A  }
0x23: {  	s9 =	sor.u32 $0xD0000000, s2;
	s6 =	simm.s32 $0x108;
	_ =	swait.ge @!p0 [sflag:s8], $0x0  }
0x24: {  	s3 =	sadd.s32 $0x88, s3;
	s6 =	simm.s32 @!p1 $0x1082;
	[sflag:s4] =	ssyncset.s32 $0xFFFFF086  }
0x25: {  	[simem:s6], [sflag:s4] =	dma.local [hbm:s3], $0xF7A  }
0x26: {  	[smem:$0x3F9A] =	sst s1;
	(tag) =	ssettag s2;
	_ =	strace s9  }
0x27: {  	s1 =	sld [smem:$0x3FAA]  }
0x28: {  	s2 =	sld [smem:$0x3FAB]  }
0x29: {  	s4 =	sld [smem:$0x3FAD]  }
0x2a: {  	p0 =	seq.s32 s5, $0x0;
	s5 =	sld [smem:$0x3FAE]  }
0x2b: {  	s6 =	sld [smem:$0x3FAF]  }
0x2c: {  	s7 =	sld [smem:$0x3FB0]  }
0x2d: {  	s3 =	simm.s32 $0x108;
	s8 =	sld [smem:$0x3FB1]  }
0x2e: {  	s3 =	simm.s32 @!p0 $0x1082;
	s9 =	sld [smem:$0x3FB2]  }
0x2f: {  	lr =	sadd.s32 s0, s3;
	s0 =	sld [smem:$0x3FA9]  }
0x30: {  	s3 =	sld [smem:$0x3FAC]  }
0x31: {  	[smem:$0x3FB5] =	sst s10  }
0x32: {  	s10 =	sld [smem:$0x3FB3];
	_ =	sdelay $0x3  }
0x33: {  	p0 =	seq.s32 s10, $0x1;
	s10 =	sld [smem:$0x3FB5];
	_ =	sdelay $0x3  }
0x34: {  	[smem:$0x3FB5] =	sst s10  }
0x35: {  	s10 =	sld [smem:$0x3FB4];
	_ =	sdelay $0x3  }
0x36: {  	p1 =	seq.s32 s10, $0x1;
	s10 =	sld [smem:$0x3FB5];
	_ =	sdelay $0x3  }
0x37: {  	[smem:$0x3FB5] =	sst s10  }
0x38: {  	s10 =	sld [smem:$0x3FB6]  }
0x39: {  	_ = 	snop;
	(pc) =	sbr.ind lr, $3  }
0x3a: {  	_ = 	snop  }
0x3b: {  	_ = 	snop  }
0x3c: {  	p2 =	seq.s32 s10, $0x1;
	s10 =	sld [smem:$0x3FB5]  }
0x3d: {  	_ =	shalt  }
0x3e: {  	_ =	shalt  }
0x3f: {  	_ =	shalt  }
0x40: {  	_ =	shalt  }
0x41: {  	_ =	shalt  }
0x42: {  	_ =	shalt  }
0x43: {  	_ =	shalt  }
0x44: {  	_ =	shalt  }
0x45: {  	_ =	shalt  }
0x46: {  	_ =	shalt  }
0x47: {  	_ =	shalt  }
0x48: {  	_ =	shalt  }
0x49: {  	_ =	shalt  }
0x4a: {  	_ =	shalt  }
0x4b: {  	_ =	shalt  }
0x4c: {  	_ =	shalt  }
0x4d: {  	_ =	shalt  }
0x4e: {  	_ =	shalt  }
0x4f: {  	_ =	shalt  }
0x50: {  	_ =	shalt  }
0x51: {  	_ =	shalt  }
0x52: {  	_ =	shalt  }
0x53: {  	_ =	shalt  }
0x54: {  	_ =	shalt  }
0x55: {  	_ =	shalt  }
0x56: {  	_ =	shalt  }
0x57: {  	_ =	shalt  }
0x58: {  	_ =	shalt  }
0x59: {  	_ =	shalt  }
0x5a: {  	_ =	shalt  }
0x5b: {  	_ =	shalt  }
0x5c: {  	_ =	shalt  }
0x5d: {  	_ =	shalt  }
0x5e: {  	_ =	shalt  }
0x5f: {  	_ =	shalt  }
0x60: {  	_ =	shalt  }
0x61: {  	_ =	shalt  }
0x62: {  	_ =	shalt  }
0x63: {  	_ =	shalt  }
0x64: {  	_ =	shalt  }
0x65: {  	_ =	shalt  }
0x66: {  	_ =	shalt  }
0x67: {  	_ =	shalt  }
0x68: {  	_ =	shalt  }
0x69: {  	_ =	shalt  }
0x6a: {  	_ =	shalt  }
0x6b: {  	_ =	shalt  }
0x6c: {  	_ =	shalt  }
0x6d: {  	_ =	shalt  }
0x6e: {  	_ =	shalt  }
0x6f: {  	_ =	shalt  }
0x70: {  	_ =	shalt  }
0x71: {  	_ =	shalt  }
0x72: {  	_ =	shalt  }
0x73: {  	_ =	shalt  }
0x74: {  	_ =	shalt  }
0x75: {  	_ =	shalt  }
0x76: {  	_ =	shalt  }
0x77: {  	_ =	shalt  }
0x78: {  	_ =	shalt  }
0x79: {  	_ =	shalt  }
0x7a: {  	_ =	shalt  }
0x7b: {  	_ =	shalt  }
0x7c: {  	_ =	shalt  }
0x7d: {  	_ =	shalt  }
0x7e: {  	_ =	shalt  }
0x7f: {  	_ =	shalt  }
0x80: {  	_ =	shalt  }
0x81: {  	_ =	shalt  }
0x82: {  	_ =	shalt  }
0x83: {  	_ =	shalt  }
0x84: {  	_ =	shalt  }
0x85: {  	_ =	shalt  }
0x86: {  	_ =	shalt  }
0x87: {  	_ =	shalt  }
.Lfunc_end0:
.L_simem_size_0:
called_computation.3_lowered:
.L_overlay_start_0:
0x88: {  	s2 =	sld [smem:$0x3FD9]  }
0x89: {  	s3 =	sld [smem:$0x3FFE];
	_ =	sdelay $0x1  }
0x8a: {  	s1 =	srdreg.scid  }
0x8b: {  	s0 =	sand.u32 $0x1, s1  }
0x8c: {  	s17 =	sshll.u32 s0, $0xA;
	s2 =	sadd.s32 s3, s2  }
0x8d: {  	s2 =	sadd.s32 s2, s17  }
0x8e: {  	[smem:$0x3FC1] =	sst s2  }
0x8f: {  	_ = 	snop  }
0x90: {  	s2 =	sld [smem:$0x3FD0];
	(tm) =	ssettm $0x1  }
0x91: {  	s18 =	sld [smem:$0x3FFB];
	_ =	sdelay $0x3  }
0x92: {  	_ =	strace s18  }
0x93: {  	s3 =	sld [smem:$0x3FFC];
	_ =	sdelay $0x3  }
0x94: {  	_ =	strace s3  }
0x95: {  	s3 =	sld [smem:$0x3FFD];
	_ =	sdelay $0x3  }
0x96: {  	_ =	strace s3  }
0x97: {  	_ =	strace $0x8FFFFFFF  }
0x98: {  	s19 =	sld [smem:$0x3FDB];
	_ =	sdelay $0x1  }
0x99: {  	s4 =	simm.s32 $_scs_section_size  }
0x9a: {  	s5 =	simm.s32 $_size__tile_overlayer_lowered;
	s6 =	simm.s32 $_tile_overlayer_lowered  }
0x9b: {  	s22 =	simm.s32 $0x1BFF;
	s21 =	sshll.u32 s6, $0x1;
	s3 =	sadd.s32 s4, s19  }
0x9c: {  	s7 =	simm.s32 $0x0;
	s20 =	sshll.u32 s5, $0x1;
	s5 =	sadd.s32 s21, s3  }
0x9d: {  	[timem:s7], [sflag:s22] =	dma.local [hbm:s5], s20  }
0x9e: {  	_ =	swait.ge [sflag:s22], s20  }
0x9f: {  	s4 =	ssub.s32 $0x0, s20;
	[sflag:s22] =	ssyncset.done $0x0  }
0xa0: {  	[sflag:s22] =	ssyncadd.s32 s4;
	_ =	sdelay $0x1  }
0xa1: {  	s23 =	simm.s32 $0x1B8B  }
0xa2: {  	_ =	swait.ge [sflag:s23], $0x1  }
0xa3: {  	[sflag:s23] =	ssyncset.done $0x0  }
0xa4: {  	s25 =	simm.s32 $0x1B8E;
	s24 =	sld [smem:$0x3FFE];
	[sflag:s23] =	ssyncadd.s32 $0xFFFFFFFF  }
0xa5: {  	s26 =	simm.s32 $execute0_lowered;
	[smem:$0x3FD2] =	sst s25  }
0xa6: {  	s5 =	sshll.u32 s26, $0x1;
	_ =	strace $0x8000004F;
	[dreg:$0x1] =	wrdreg $0xFFFFFFFF  }
0xa7: {  	s28 =	simm.s32 $_size_execute0_lowered;
	s3 =	sadd.s32 s3, s5;
	[dreg:$0x0] =	wrdreg $0x0  }
0xa8: {  	s5 =	sshll.u32 s28, $0x1;
	[dreg:$0x2] =	wrdreg s3  }
0xa9: {  	[dreg:$0x3] =	wrdreg s5  }
0xaa: {  	[dreg:$0x4] =	wrdreg $0xC0  }
0xab: {  	_ =	task [dreg:s7], $0x5FFFF  }
0xac: {  	[dreg:$0x1] =	wrdreg $0xFFFFFFFF  }
0xad: {  	[dreg:$0x0] =	wrdreg $0x60  }
0xae: {  	[dreg:$0x2] =	wrdreg s2  }
0xaf: {  	[dreg:$0x3] =	wrdreg s24  }
0xb0: {  	[dreg:$0x4] =	wrdreg $0x9  }
0xb1: {  	_ =	task.clear_ibuf [dreg:s7], $0x5FFFF;
	_ =	strace $0x9000004F  }
0xb2: {  	s29 =	simm.s32 $0x9;
	_ =	strace $0x80000051  }
0xb3: {  	_ =	swait.ge [sflag:s29], $0x1  }
0xb4: {  	[sflag:s29] =	ssyncadd.s32 $0xFFFFFFFF  }
0xb5: {  	_ =	strace $0x90000051  }
0xb6: {  	_ =	sfence  }
0xb7: {  	s30 =	sld [smem:$0x0];
	_ =	sdelay $0x2  }
0xb8: {  	s31 =	sshll.u32 s1, $0xD;
	s1 =	sshrl.u32 s1, $0x2  }
0xb9: {  	s3 =	sand.u32 $0x4000, s31;
	s1 =	sadd.s32 s1, s30  }
0xba: {  	s0 =	sor.u32 s3, s0;
	s1 =	sshll.u32 s1, $0x11  }
0xbb: {  	s0 =	sor.u32 s1, s0  }
0xbc: {  	s0 =	sadd.s32 $0x8F2B, s0  }
0xbd: {  	[sflag:s0] =	ssyncadd.remote.s32 $0x1  }
0xbe: {  	_ =	sfence.sel $0xFFFF  }
0xbf: {  	[dreg:$0x0] =	wrdreg $0xFFFFFFFF;
	(pc) =	sbr.abs _section_cstart, $3  }
0xc0: {  	[dreg:$0x1] =	wrdreg $0xFFFFFFFF  }
0xc1: {  	_ =	task.clear_ibuf [dreg:s7], $0x2FFFF;
	_ =	strace $0x9FFFFFFF  }
0xc2: {  	(tm) =	ssettm $0x7FFFFFFF  }
0xc3: {  	_ =	shalt  }
tec
execute0_lowered:
.L_overlay_start_1:
0x0: {  	(tag) =	ssettag $0x1  }
0x1: {  	s4 =	rddreg [dreg:$0x0];
	s1 =	srdreg.scid  }
0x2: {  	s0 =	stileid.u32;
	s5 =	rddreg [dreg:$0x1];
	s2 =	simm.s32 $0x0  }
0x3: {  	s12 =	simm.s32 $0x80;
	s13 =	simm.s32 $0x100;
	s14 =	simm.s32 $0xD100  }
0x4: {  	s15 =	simm.s32 $0xE980;
	s3 =	sand.u32 $0x1, s1;
	s6 =	sshll.u32 s0, $0x1  }
0x5: {  	s16 =	simm.s32 $0x0;
	s1 =	rddreg [dreg:$0x2];
	s6 =	sor.u32 s3, s6  }
0x6: {  	[smem:$0x7FF] =	sst s2;
	s8 =	ssub.s32 $0x2, s3;
	s7 =	smul.u32 $0x310, s6  }
0x7: {  	_ =	strace $0x80000050;
	s6 =	smul.u32 $0x620, s6;
	s10 =	sshrl.u32 s8, $0x1  }
0x8: {  	s3 =	sadd.s32 $0x1200, s5;
	s8 =	ssub.s32 s8, s10;
	s10 =	simm.s32 $0xA000  }
0x9: {  	s9 =	sadd.s32 s7, s5;
	s11 =	sadd.s32 s6, s5;
	s4 =	sadd.s32 s4, s7  }
0xa: {  	s8 =	smax.u32 s8, $0x1;
	s5 =	sadd.s32 $0xB9E00, s9;
	s6 =	sadd.s32 $0x2600, s11  }
0xb: {  	s7 =	sadd.s32 $0x2610, s11;
	s9 =	simm.s32 $0x1;
	s11 =	simm.s32 $0xB880  }
.LBB2_1:
0xc: {  	[tilespmem:s2], [sflag:$0x1] =	stream.linear.gather [hbm4b:s3+s2], $0xA000, $0x38;
	[tilespmem:$0x10200] =	vst v63  }
0xd: {  	_ =	swait.ge [sflag:s9], $0xA000  }
0xe: {  	[sflag:s9] =	ssyncset.done $0x0  }
0xf: {  	[sflag:s9] =	ssyncadd.s32 $0xFFFF6000  }
0x10: {  	[tilespmem:s10], [sflag:$0x1] =	stream.linear.gather [hbm4b:s4+s2], $0x1880, $0x38;
	[tilespmem:$0x10200] =	vst v63  }
0x11: {  	_ =	swait.ge [sflag:s9], $0x1880  }
0x12: {  	[sflag:s9] =	ssyncset.done $0x0  }
0x13: {  	[sflag:s9] =	ssyncadd.s32 $0xFFFFE780  }
0x14: {  	[tilespmem:s11], [sflag:$0x1] =	stream.linear.gather [hbm4b:s5+s2], $0x1880, $0x38;
	[tilespmem:$0x10200] =	vst v63  }
0x15: {  	_ =	swait.ge [sflag:s9], $0x1880  }
0x16: {  	[sflag:s9] =	ssyncset.done $0x0  }
0x17: {  	s18 =	simm.s32 $0x0;
	[sflag:s9] =	ssyncadd.s32 $0xFFFFE780  }
0x18: {  	v0 =	vld [tilespmem:s18+$0xA000]  }
0x19: {  	v1 =	vld [tilespmem:s18+$0xB880];
	_ =	sdelay $0x3  }
0x1a: {  	v2 =	vshll.u32 v0, $0x2  }
0x1b: {  	v0 =	vshll.u32 v1, $0x2;
	v1 =	vor.u32 $0x1, v2  }
0x1c: {  	s17 =	simm.s32 $0x10;
	v4 =	vor.u32 $0x2, v0  }
0x1d: {  	v3 =	vld [tilespmem:s17+$0xA000];
	v6 =	vor.u32 $0x3, v0  }
0x1e: {  	v0 =	vld [tilespmem:s17+$0xB880]  }
0x1f: {  	v2 =	vld.idx.msk [tilespmem:v2+s2+$0x0], $0xffff  }
0x20: {  	v1 =	vld.idx.msk [tilespmem:v1+s2+$0x0], $0xffff  }
0x21: {  	v5 =	vld.idx.msk [tilespmem:v4+s2+$0x0], $0xffff  }
0x22: {  	s19 =	simm.s32 $0x80;
	v4 =	vld.idx.msk [tilespmem:v6+s2+$0x0], $0xffff  }
.LBB2_2:
0x23: {  	p0 =	sne.s32 s19, $0x61C0;
	s20 =	smov.u32 s19;
	s19 =	sadd.s32 $0x40, s19  }
0x24: {  	v6 =	vshll.u32 v3, $0x2;
	v0 =	vshll.u32 v0, $0x2  }
0x25: {  	v7 =	vor.u32 $0x2, v0;
	v8 =	vor.u32 $0x3, v0  }
0x26: {  	v9 =	vor.u32 $0x1, v6;
	v2 =	vadd.f32 v5, v2  }
0x27: {  	s20 =	sshra.s32 s20, $0x2;
	v1 =	vadd.f32 v4, v1  }
0x28: {  	v0 =	vld [tilespmem:s20+$0xB880];
	[tilespmem:s18+$0xD100] =	vst v2  }
.Ltmp0:
0x29: {  	v3 =	vld [tilespmem:s20+$0xA000];
	[tilespmem:s18+$0xE980] =	vst v1;
	s18 =	smov.u32 s17;
	s17 =	smov.u32 s20;
	(pc) =	sbr.rel @p0 .LBB2_2-.Ltmp0, $4  }
0x2a: {  	v2 =	vld.idx.msk [tilespmem:v6+s2+$0x0], $0xffff  }
0x2b: {  	v1 =	vld.idx.msk [tilespmem:v9+s2+$0x0], $0xffff  }
0x2c: {  	v5 =	vld.idx.msk [tilespmem:v7+s2+$0x0], $0xffff  }
0x2d: {  	v4 =	vld.idx.msk [tilespmem:v8+s2+$0x0], $0xffff  }
0x2e: {  	_ =	sdelay $0x1  }
0x2f: {  	v3 =	vshll.u32 v3, $0x2  }
0x30: {  	v0 =	vshll.u32 v0, $0x2;
	v6 =	vor.u32 $0x1, v3;
	v2 =	vadd.f32 v5, v2  }
0x31: {  	v62 =	vor.u32 $0x2, v0;
	v1 =	vadd.f32 v4, v1  }
0x32: {  	v0 =	vor.u32 $0x3, v0;
	[tilespmem:s18+$0xD100] =	vst v2  }
0x33: {  	[tilespmem:s18+$0xE980] =	vst v1  }
0x34: {  	v1 =	vld.idx.msk [tilespmem:v3+s2+$0x0], $0xffff  }
0x35: {  	v2 =	vld.idx.msk [tilespmem:v6+s2+$0x0], $0xffff  }
0x36: {  	v63 =	vld.idx.msk [tilespmem:v62+s2+$0x0], $0xffff  }
0x37: {  	v0 =	vld.idx.msk [tilespmem:v0+s2+$0x0], $0xffff;
	_ =	sdelay $0x3  }
0x38: {  	v1 =	vadd.f32 v63, v1  }
0x39: {  	v0 =	vadd.f32 v0, v2  }
0x3a: {  	[tilespmem:s17+$0xD100] =	vst v1  }
0x3b: {  	[tilespmem:s17+$0xE980] =	vst v0  }
0x3c: {  	[hbm4b:s6+s12] =	stream.strided.scatter [tilespmem:s14], [sflag:$0x1], $0x1880, s13, s12, $0x38;
	[tilespmem:$0x10200] =	vst v63  }
0x3d: {  	s16 =	sadd.s32 $0x1, s16;
	_ =	swait.ge [sflag:s9], $0x1880  }
0x3e: {  	p0 =	sne.s32 s16, s8;
	[sflag:s9] =	ssyncset.done $0x0  }
.Ltmp1:
0x3f: {  	[sflag:s9] =	ssyncadd.s32 $0xFFFFE780;
	(pc) =	sbr.rel @p0 .LBB2_1-.Ltmp1, $4  }
0x40: {  	[hbm4b:s7+s12] =	stream.strided.scatter [tilespmem:s15], [sflag:$0x1], $0x1880, s13, s12, $0x38;
	[tilespmem:$0x10200] =	vst v63  }
0x41: {  	_ =	swait.ge [sflag:s9], $0x1880  }
0x42: {  	[sflag:s9] =	ssyncset.done $0x0  }
0x43: {  	[sflag:s9] =	ssyncadd.s32 $0xFFFFE780  }
0x44: {  	_ =	sfence.sel $0x180000  }
0x45: {  	[bflag:$0x0] =	sbarrier.arrive $0xFFFF  }
0x46: {  	p0 =	sne.s32 s0, $0x0;
	_ =	strace $0x90000050  }
0x47: {  	s0 =	sadd.s32 @!p0 $0x100000, s1;
	[bflag:$0x2] =	sbarrier.arrive $0xFFFF  }
0x48: {  	[sflag:s0] =	ssyncadd.tile.s32 @!p0 $0x1;
	_ =	shalt  }
.Lfunc_end2:
_tile_overlayer_lowered:
.L_overlay_start_2:
0x49: {  	(tag) =	ssettag $0x2  }
0x4a: {  	s0 =	rddreg [dreg:$0x0];
	s2 =	stileid.u32  }
0x4b: {  	s1 =	rddreg [dreg:$0x1];
	p0 =	sne.s32 s2, $0x0  }
0x4c: {  	s3 =	rddreg [dreg:$0x2];
	[bflag:$0x3] =	sbarrier.arrive $0xFFFF;
	s2 =	simm.s32 @!p0 $0x1C01  }
0x4d: {  	[timem:s3], [sflag:s2] =	dma.local @!p0 [hbm:s0], s1  }
0x4e: {  	s0 =	simm.s32 @!p0 $0x1  }
0x4f: {  	_ =	swait.ge @!p0 [sflag:s0], s1  }
0x50: {  	s1 =	ssub.s32 @!p0 $0x0, s1;
	[sflag:s0] =	ssyncset.done @!p0 $0x0  }
0x51: {  	[sflag:s0] =	ssyncadd.s32 @!p0 s1  }
0x52: {  	[bflag:$0x3] =	sbarrier.arrive $0xFFFF  }
0x53: {  	_ =	shalt  }

// kernel: kernel.9.cloned.1.call-start
scs
__scs_entry_jumppad:
0x0: {  	(pc) =	sbr.rel $0x88, $3  }
0x1: {  	(tag) =	ssettag $0x0;
	lr =	simm.s32 $0x1  }
0x2: {  	[smem:$0x3F9A] =	sst lr;
	_ =	strace $0xD0000000  }
0x3: {  	_ = 	snop  }
0x4: {  	_ = 	snop  }
0x5: {  	_ = 	snop  }
0x6: {  	_ = 	snop  }
0x7: {  	_ = 	snop  }
__scs_overlays_trampoline_lowered:
0x8: {  	[smem:$0x3FA9] =	sst s0  }
0x9: {  	[smem:$0x3FAA] =	sst s1  }
0xa: {  	[smem:$0x3FAB] =	sst s2  }
0xb: {  	[smem:$0x3FAC] =	sst s3  }
0xc: {  	[smem:$0x3FAD] =	sst s4  }
0xd: {  	[smem:$0x3FAE] =	sst s5  }
0xe: {  	[smem:$0x3FAF] =	sst s6  }
0xf: {  	[smem:$0x3FB0] =	sst s7  }
0x10: {  	[smem:$0x3FB1] =	sst s8  }
0x11: {  	[smem:$0x3FB2] =	sst s9;
	s0 =	simm.s32 @!p0 $0x0  }
0x12: {  	s1 =	sld [smem:$0x3F98];
	s0 =	simm.s32 @p0 $0x1  }
0x13: {  	[smem:$0x3FB3] =	sst s0;
	s0 =	simm.s32 @!p1 $0x0  }
0x14: {  	s2 =	sld [smem:$0x3F97];
	s0 =	simm.s32 @p1 $0x1  }
0x15: {  	[smem:$0x3FB4] =	sst s0;
	s0 =	simm.s32 @!p2 $0x0  }
0x16: {  	s3 =	sld [smem:$0x3FDB];
	s0 =	simm.s32 @p2 $0x1  }
0x17: {  	s4 =	simm.s32 $0x1BF5;
	[smem:$0x3FB6] =	sst s0  }
0x18: {  	s0 =	sld [smem:$0x3F99];
	_ =	swait.ge [sflag:s4], $0x0  }
0x19: {  	s7 =	sld [smem:$0x3F9A]  }
0x1a: {  	s8 =	sadd.s32 $0xFFFFE003, lr  }
0x1b: {  	s9 =	sadd.s32 $0xFFFFFEF7, lr;
	s5 =	simm.s32 $0xFFFFFFFF;
	p2 =	slt.u32 s8, $0xFFFFF086  }
0x1c: {  	p1 =	slt.u32 s9, $0xF7A;
	s5 =	simm.s32 @!p2 $0x0  }
0x1d: {  	s5 =	simm.s32 @p1 $0x1;
	p0 =	seq.s32 s7, s2  }
0x1e: {  	s7 =	smul.u32 @!p0 $0xF7A, s2;
	p2 =	seq.s32 @!p0 s5, $0x0  }
0x1f: {  	s9 =	smul.u32 $0xF7A, s1;
	s8 =	simm.s32 @!p0 $0x1BF5;
	p2 =	por !p2, p0  }
0x20: {  	[sflag:s8] =	ssyncset.s32 @!p0 $0xFFFFF086;
	s6 =	sadd.s32 @!p0 s3, s7;
	s7 =	simm.s32 @!p0 $0x108  }
0x21: {  	s3 =	sadd.s32 s3, s9;
	s6 =	sadd.s32 @!p0 $0x88, s6;
	s7 =	simm.s32 @p2 $0x1082  }
0x22: {  	[simem:s7], [sflag:s8] =	dma.local @!p0 [hbm:s6], $0xF7A  }
0x23: {  	s9 =	sor.u32 $0xD0000000, s2;
	s6 =	simm.s32 $0x108;
	_ =	swait.ge @!p0 [sflag:s8], $0x0  }
0x24: {  	s3 =	sadd.s32 $0x88, s3;
	s6 =	simm.s32 @!p1 $0x1082;
	[sflag:s4] =	ssyncset.s32 $0xFFFFF086  }
0x25: {  	[simem:s6], [sflag:s4] =	dma.local [hbm:s3], $0xF7A  }
0x26: {  	[smem:$0x3F9A] =	sst s1;
	(tag) =	ssettag s2;
	_ =	strace s9  }
0x27: {  	s1 =	sld [smem:$0x3FAA]  }
0x28: {  	s2 =	sld [smem:$0x3FAB]  }
0x29: {  	s4 =	sld [smem:$0x3FAD]  }
0x2a: {  	p0 =	seq.s32 s5, $0x0;
	s5 =	sld [smem:$0x3FAE]  }
0x2b: {  	s6 =	sld [smem:$0x3FAF]  }
0x2c: {  	s7 =	sld [smem:$0x3FB0]  }
0x2d: {  	s3 =	simm.s32 $0x108;
	s8 =	sld [smem:$0x3FB1]  }
0x2e: {  	s3 =	simm.s32 @!p0 $0x1082;
	s9 =	sld [smem:$0x3FB2]  }
0x2f: {  	lr =	sadd.s32 s0, s3;
	s0 =	sld [smem:$0x3FA9]  }
0x30: {  	s3 =	sld [smem:$0x3FAC]  }
0x31: {  	[smem:$0x3FB5] =	sst s10  }
0x32: {  	s10 =	sld [smem:$0x3FB3];
	_ =	sdelay $0x3  }
0x33: {  	p0 =	seq.s32 s10, $0x1;
	s10 =	sld [smem:$0x3FB5];
	_ =	sdelay $0x3  }
0x34: {  	[smem:$0x3FB5] =	sst s10  }
0x35: {  	s10 =	sld [smem:$0x3FB4];
	_ =	sdelay $0x3  }
0x36: {  	p1 =	seq.s32 s10, $0x1;
	s10 =	sld [smem:$0x3FB5];
	_ =	sdelay $0x3  }
0x37: {  	[smem:$0x3FB5] =	sst s10  }
0x38: {  	s10 =	sld [smem:$0x3FB6]  }
0x39: {  	_ = 	snop;
	(pc) =	sbr.ind lr, $3  }
0x3a: {  	_ = 	snop  }
0x3b: {  	_ = 	snop  }
0x3c: {  	p2 =	seq.s32 s10, $0x1;
	s10 =	sld [smem:$0x3FB5]  }
0x3d: {  	_ =	shalt  }
0x3e: {  	_ =	shalt  }
0x3f: {  	_ =	shalt  }
0x40: {  	_ =	shalt  }
0x41: {  	_ =	shalt  }
0x42: {  	_ =	shalt  }
0x43: {  	_ =	shalt  }
0x44: {  	_ =	shalt  }
0x45: {  	_ =	shalt  }
0x46: {  	_ =	shalt  }
0x47: {  	_ =	shalt  }
0x48: {  	_ =	shalt  }
0x49: {  	_ =	shalt  }
0x4a: {  	_ =	shalt  }
0x4b: {  	_ =	shalt  }
0x4c: {  	_ =	shalt  }
0x4d: {  	_ =	shalt  }
0x4e: {  	_ =	shalt  }
0x4f: {  	_ =	shalt  }
0x50: {  	_ =	shalt  }
0x51: {  	_ =	shalt  }
0x52: {  	_ =	shalt  }
0x53: {  	_ =	shalt  }
0x54: {  	_ =	shalt  }
0x55: {  	_ =	shalt  }
0x56: {  	_ =	shalt  }
0x57: {  	_ =	shalt  }
0x58: {  	_ =	shalt  }
0x59: {  	_ =	shalt  }
0x5a: {  	_ =	shalt  }
0x5b: {  	_ =	shalt  }
0x5c: {  	_ =	shalt  }
0x5d: {  	_ =	shalt  }
0x5e: {  	_ =	shalt  }
0x5f: {  	_ =	shalt  }
0x60: {  	_ =	shalt  }
0x61: {  	_ =	shalt  }
0x62: {  	_ =	shalt  }
0x63: {  	_ =	shalt  }
0x64: {  	_ =	shalt  }
0x65: {  	_ =	shalt  }
0x66: {  	_ =	shalt  }
0x67: {  	_ =	shalt  }
0x68: {  	_ =	shalt  }
0x69: {  	_ =	shalt  }
0x6a: {  	_ =	shalt  }
0x6b: {  	_ =	shalt  }
0x6c: {  	_ =	shalt  }
0x6d: {  	_ =	shalt  }
0x6e: {  	_ =	shalt  }
0x6f: {  	_ =	shalt  }
0x70: {  	_ =	shalt  }
0x71: {  	_ =	shalt  }
0x72: {  	_ =	shalt  }
0x73: {  	_ =	shalt  }
0x74: {  	_ =	shalt  }
0x75: {  	_ =	shalt  }
0x76: {  	_ =	shalt  }
0x77: {  	_ =	shalt  }
0x78: {  	_ =	shalt  }
0x79: {  	_ =	shalt  }
0x7a: {  	_ =	shalt  }
0x7b: {  	_ =	shalt  }
0x7c: {  	_ =	shalt  }
0x7d: {  	_ =	shalt  }
0x7e: {  	_ =	shalt  }
0x7f: {  	_ =	shalt  }
0x80: {  	_ =	shalt  }
0x81: {  	_ =	shalt  }
0x82: {  	_ =	shalt  }
0x83: {  	_ =	shalt  }
0x84: {  	_ =	shalt  }
0x85: {  	_ =	shalt  }
0x86: {  	_ =	shalt  }
0x87: {  	_ =	shalt  }
.Lfunc_end0:
.L_simem_size_0:
called_computation_lowered:
.L_overlay_start_0:
0x88: {  	s2 =	sld [smem:$0x3FD9]  }
0x89: {  	s3 =	sld [smem:$0x3FFE];
	_ =	sdelay $0x1  }
0x8a: {  	s1 =	srdreg.scid  }
0x8b: {  	s0 =	sand.u32 $0x1, s1  }
0x8c: {  	s17 =	sshll.u32 s0, $0xA;
	s2 =	sadd.s32 s3, s2  }
0x8d: {  	s2 =	sadd.s32 s2, s17  }
0x8e: {  	[smem:$0x3FC1] =	sst s2  }
0x8f: {  	_ = 	snop  }
0x90: {  	s2 =	sld [smem:$0x3FD0];
	(tm) =	ssettm $0x1  }
0x91: {  	s18 =	sld [smem:$0x3FFB];
	_ =	sdelay $0x3  }
0x92: {  	_ =	strace s18  }
0x93: {  	s3 =	sld [smem:$0x3FFC];
	_ =	sdelay $0x3  }
0x94: {  	_ =	strace s3  }
0x95: {  	s3 =	sld [smem:$0x3FFD];
	_ =	sdelay $0x3  }
0x96: {  	_ =	strace s3  }
0x97: {  	_ =	strace $0x8FFFFFFF  }
0x98: {  	s19 =	sld [smem:$0x3FDB];
	_ =	sdelay $0x1  }
0x99: {  	s4 =	simm.s32 $_scs_section_size  }
0x9a: {  	s5 =	simm.s32 $_size__tile_overlayer_lowered;
	s6 =	simm.s32 $_tile_overlayer_lowered  }
0x9b: {  	s22 =	simm.s32 $0x1BFF;
	s21 =	sshll.u32 s6, $0x1;
	s3 =	sadd.s32 s4, s19  }
0x9c: {  	s7 =	simm.s32 $0x0;
	s20 =	sshll.u32 s5, $0x1;
	s5 =	sadd.s32 s21, s3  }
0x9d: {  	[timem:s7], [sflag:s22] =	dma.local [hbm:s5], s20  }
0x9e: {  	_ =	swait.ge [sflag:s22], s20  }
0x9f: {  	s4 =	ssub.s32 $0x0, s20;
	[sflag:s22] =	ssyncset.done $0x0  }
0xa0: {  	[sflag:s22] =	ssyncadd.s32 s4;
	_ =	sdelay $0x1  }
0xa1: {  	s23 =	simm.s32 $0x1B8B  }
0xa2: {  	_ =	swait.ge [sflag:s23], $0x1  }
0xa3: {  	[sflag:s23] =	ssyncset.done $0x0  }
0xa4: {  	s25 =	simm.s32 $0x1B8E;
	s24 =	sld [smem:$0x3FFE];
	[sflag:s23] =	ssyncadd.s32 $0xFFFFFFFF  }
0xa5: {  	s26 =	simm.s32 $execute0_lowered;
	[smem:$0x3FD2] =	sst s25  }
0xa6: {  	s5 =	sshll.u32 s26, $0x1;
	_ =	strace $0x80000046;
	[dreg:$0x1] =	wrdreg $0xFFFFFFFF  }
0xa7: {  	s28 =	simm.s32 $_size_execute0_lowered;
	s3 =	sadd.s32 s3, s5;
	[dreg:$0x0] =	wrdreg $0x0  }
0xa8: {  	s5 =	sshll.u32 s28, $0x1;
	[dreg:$0x2] =	wrdreg s3  }
0xa9: {  	[dreg:$0x3] =	wrdreg s5  }
0xaa: {  	[dreg:$0x4] =	wrdreg $0xC0  }
0xab: {  	_ =	task [dreg:s7], $0x5FFFF  }
0xac: {  	[dreg:$0x1] =	wrdreg $0xFFFFFFFF  }
0xad: {  	[dreg:$0x0] =	wrdreg $0x60  }
0xae: {  	[dreg:$0x2] =	wrdreg s2  }
0xaf: {  	[dreg:$0x3] =	wrdreg s24  }
0xb0: {  	[dreg:$0x4] =	wrdreg $0x8C000  }
0xb1: {  	[dreg:$0x5] =	wrdreg $0x9  }
0xb2: {  	_ =	task.clear_ibuf [dreg:s7], $0x6FFFF;
	_ =	strace $0x90000046  }
0xb3: {  	s29 =	simm.s32 $0x9;
	_ =	strace $0x80000048  }
0xb4: {  	_ =	swait.ge [sflag:s29], $0x1  }
0xb5: {  	[sflag:s29] =	ssyncadd.s32 $0xFFFFFFFF  }
0xb6: {  	_ =	strace $0x90000048  }
0xb7: {  	_ =	sfence  }
0xb8: {  	s30 =	sld [smem:$0x0];
	_ =	sdelay $0x2  }
0xb9: {  	s31 =	sshll.u32 s1, $0xD;
	s1 =	sshrl.u32 s1, $0x2  }
0xba: {  	s3 =	sand.u32 $0x4000, s31;
	s1 =	sadd.s32 s1, s30  }
0xbb: {  	s0 =	sor.u32 s3, s0;
	s1 =	sshll.u32 s1, $0x11  }
0xbc: {  	s0 =	sor.u32 s1, s0  }
0xbd: {  	s0 =	sadd.s32 $0x8F2B, s0  }
0xbe: {  	[sflag:s0] =	ssyncadd.remote.s32 $0x1  }
0xbf: {  	_ =	sfence.sel $0xFFFF  }
0xc0: {  	[dreg:$0x0] =	wrdreg $0xFFFFFFFF;
	(pc) =	sbr.abs _section_cstart, $3  }
0xc1: {  	[dreg:$0x1] =	wrdreg $0xFFFFFFFF  }
0xc2: {  	_ =	task.clear_ibuf [dreg:s7], $0x2FFFF;
	_ =	strace $0x9FFFFFFF  }
0xc3: {  	(tm) =	ssettm $0x7FFFFFFF  }
tec
execute0_lowered:
.L_overlay_start_1:
0x0: {  	(tag) =	ssettag $0x1  }
0x1: {  	s0 =	rddreg [dreg:$0x0]  }
0x2: {  	s1 =	rddreg [dreg:$0x1];
	s2 =	srdreg.scid  }
0x3: {  	s9 =	stileid.u32;
	s3 =	rddreg [dreg:$0x2];
	s4 =	sand.u32 $0x1, s2  }
0x4: {  	s5 =	smul.u32 $0x2800, s9;
	s2 =	simm.s32 $0x0;
	s25 =	sshrl.u32 s9, $0x3  }
0x5: {  	s8 =	sshll.u32 s9, $0x1;
	s26 =	smul.u32 $0x5000, s9;
	s9 =	sshll.u32 s9, $0x7  }
0x6: {  	s6 =	sshll.u32 s4, $0x7;
	[smem:$0x7FF] =	sst s2;
	s24 =	ssub.s32 $0x2, s4  }
0x7: {  	s4 =	sor.u32 s4, s8;
	s5 =	sor.u32 s6, s5;
	s6 =	smul.u32 $0x50000, s25  }
0x8: {  	s8 =	sand.u32 $0x380, s9;
	s7 =	sshrl.u32 s24, $0x1;
	s4 =	smul.u32 $0x500, s4  }
0x9: {  	_ =	strace $0x80000047;
	s5 =	sshrl.u32 s5, $0x3;
	s7 =	ssub.s32 s24, s7  }
0xa: {  	s1 =	sadd.s32 s5, s1;
	s6 =	sshrl.u32 s6, $0x2;
	s0 =	sadd.s32 s0, s4  }
0xb: {  	s5 =	sshrl.u32 s26, $0x2;
	[dreg:$0x4] =	wrdreg s0;
	s26 =	sadd.s32 $0x1200, s1  }
0xc: {  	s6 =	sadd.s32 s6, s3;
	s1 =	smax.u32 s7, $0x1;
	[dreg:$0x15] =	wrdreg s26  }
0xd: {  	s5 =	sadd.s32 s5, s3;
	s10 =	sadd.s32 s8, s6;
	[dreg:$0x16] =	wrdreg s1  }
0xe: {  	s11 =	sadd.s32 $0x80, s5;
	[dreg:$0x5] =	wrdreg s10  }
0xf: {  	s12 =	sadd.s32 $0x100, s5;
	[dreg:$0x6] =	wrdreg s11  }
0x10: {  	s13 =	sadd.s32 $0x180, s5;
	[dreg:$0x7] =	wrdreg s12  }
0x11: {  	s14 =	sadd.s32 $0x200, s5;
	[dreg:$0x8] =	wrdreg s13  }
0x12: {  	s15 =	sadd.s32 $0x280, s5;
	[dreg:$0x9] =	wrdreg s14  }
0x13: {  	s16 =	sadd.s32 $0x300, s5;
	[dreg:$0xa] =	wrdreg s15  }
0x14: {  	s17 =	sadd.s32 $0x380, s5;
	[dreg:$0xb] =	wrdreg s16  }
0x15: {  	s18 =	sadd.s32 $0x14000, s5;
	[dreg:$0xc] =	wrdreg s17  }
0x16: {  	s19 =	sadd.s32 $0x14080, s5;
	[dreg:$0xd] =	wrdreg s18  }
0x17: {  	s20 =	sadd.s32 $0x14100, s5;
	[dreg:$0xe] =	wrdreg s19  }
0x18: {  	s21 =	sadd.s32 $0x14180, s5;
	[dreg:$0xf] =	wrdreg s20  }
0x19: {  	s22 =	sadd.s32 $0x14200, s5;
	[dreg:$0x10] =	wrdreg s21  }
0x1a: {  	s23 =	sadd.s32 $0x14280, s5;
	[dreg:$0x11] =	wrdreg s22  }
0x1b: {  	s24 =	sadd.s32 $0x14300, s5;
	[dreg:$0x12] =	wrdreg s23  }
0x1c: {  	s25 =	sadd.s32 $0x14380, s5;
	[dreg:$0x13] =	wrdreg s24  }
0x1d: {  	s3 =	sadd.s32 $0x400, s5;
	[dreg:$0x14] =	wrdreg s25  }
0x1e: {  	s4 =	sadd.s32 $0x800, s5;
	[dreg:$0x17] =	wrdreg s3  }
0x1f: {  	s6 =	sadd.s32 $0xC00, s5;
	[dreg:$0x18] =	wrdreg s4  }
0x20: {  	s7 =	sadd.s32 $0x1000, s5;
	[dreg:$0x19] =	wrdreg s6  }
0x21: {  	s8 =	sadd.s32 $0x480, s5;
	[dreg:$0x1a] =	wrdreg s7  }
0x22: {  	s9 =	sadd.s32 $0x880, s5;
	[dreg:$0x1b] =	wrdreg s8  }
0x23: {  	s26 =	sadd.s32 $0xE80, s5;
	[dreg:$0x1c] =	wrdreg s9  }
0x24: {  	s1 =	sadd.s32 $0x1280, s5;
	[smem:$0x7E5] =	sst s26  }
0x25: {  	s10 =	sadd.s32 $0xC80, s5;
	[smem:$0x7E6] =	sst s1  }
0x26: {  	s11 =	sadd.s32 $0x1080, s5;
	[dreg:$0x1d] =	wrdreg s10  }
0x27: {  	s12 =	sadd.s32 $0x500, s5;
	[dreg:$0x1e] =	wrdreg s11  }
0x28: {  	s13 =	sadd.s32 $0x900, s5;
	[dreg:$0x1f] =	wrdreg s12  }
0x29: {  	s14 =	sadd.s32 $0xD00, s5;
	[smem:$0x7D8] =	sst s13  }
0x2a: {  	s15 =	sadd.s32 $0x1100, s5;
	[smem:$0x7D9] =	sst s14  }
0x2b: {  	s16 =	sadd.s32 $0x580, s5;
	[smem:$0x7DA] =	sst s15  }
0x2c: {  	s17 =	sadd.s32 $0x980, s5;
	[smem:$0x7DB] =	sst s16  }
0x2d: {  	s18 =	sadd.s32 $0xD80, s5;
	[smem:$0x7DC] =	sst s17  }
0x2e: {  	s19 =	sadd.s32 $0x1180, s5;
	[smem:$0x7DD] =	sst s18  }
0x2f: {  	s20 =	sadd.s32 $0x600, s5;
	[smem:$0x7DE] =	sst s19  }
0x30: {  	s21 =	sadd.s32 $0xA00, s5;
	[smem:$0x7DF] =	sst s20  }
0x31: {  	s22 =	sadd.s32 $0xE00, s5;
	[smem:$0x7E0] =	sst s21  }
0x32: {  	s23 =	sadd.s32 $0x1200, s5;
	[smem:$0x7E1] =	sst s22  }
0x33: {  	s24 =	sadd.s32 $0x680, s5;
	[smem:$0x7E2] =	sst s23  }
0x34: {  	s25 =	sadd.s32 $0xA80, s5;
	[smem:$0x7E3] =	sst s24  }
0x35: {  	s3 =	sadd.s32 $0x700, s5;
	[smem:$0x7E4] =	sst s25  }
0x36: {  	s4 =	sadd.s32 $0xB00, s5;
	[smem:$0x7E7] =	sst s3  }
0x37: {  	s6 =	sadd.s32 $0xF00, s5;
	[smem:$0x7E8] =	sst s4  }
0x38: {  	s7 =	sadd.s32 $0x1300, s5;
	[smem:$0x7E9] =	sst s6  }
0x39: {  	s8 =	sadd.s32 $0x780, s5;
	[smem:$0x7EA] =	sst s7  }
0x3a: {  	s9 =	sadd.s32 $0xB80, s5;
	[smem:$0x7EB] =	sst s8  }
0x3b: {  	s26 =	sadd.s32 $0x14D80, s5;
	[smem:$0x7EC] =	sst s9  }
0x3c: {  	s10 =	sadd.s32 $0xF80, s5;
	[smem:$0x7FD] =	sst s26  }
0x3d: {  	s11 =	sadd.s32 $0x1380, s5;
	[smem:$0x7ED] =	sst s10  }
0x3e: {  	s12 =	sadd.s32 $0x14400, s5;
	[smem:$0x7EE] =	sst s11  }
0x3f: {  	s13 =	sadd.s32 $0x14800, s5;
	[smem:$0x7EF] =	sst s12  }
0x40: {  	s14 =	sadd.s32 $0x14C00, s5;
	[smem:$0x7F0] =	sst s13  }
0x41: {  	s15 =	sadd.s32 $0x15000, s5;
	[smem:$0x7F1] =	sst s14  }
0x42: {  	s16 =	sadd.s32 $0x14480, s5;
	[smem:$0x7F2] =	sst s15  }
0x43: {  	s17 =	sadd.s32 $0x14880, s5;
	[smem:$0x7F3] =	sst s16  }
0x44: {  	s18 =	sadd.s32 $0x14C80, s5;
	[smem:$0x7F4] =	sst s17  }
0x45: {  	s30 =	simm.s32 $0x1;
	s19 =	sadd.s32 $0x15080, s5;
	[smem:$0x7F5] =	sst s18  }
0x46: {  	s31 =	simm.s32 $0x80;
	s20 =	sadd.s32 $0x14500, s5;
	[smem:$0x7F6] =	sst s19  }
0x47: {  	s0 =	simm.s32 $0x0;
	s21 =	sadd.s32 $0x14900, s5;
	[smem:$0x7F7] =	sst s20  }
0x48: {  	s28 =	sadd.s32 $0x14F80, s5;
	s22 =	sadd.s32 $0x14D00, s5;
	[smem:$0x7F8] =	sst s21  }
0x49: {  	s29 =	sadd.s32 $0x15380, s5;
	s23 =	sadd.s32 $0x15100, s5;
	[smem:$0x7F9] =	sst s22  }
0x4a: {  	s1 =	simm.s32 $0x7800;
	s24 =	sadd.s32 $0x14580, s5;
	[smem:$0x7FA] =	sst s23  }
0x4b: {  	s25 =	sadd.s32 $0x14980, s5;
	s26 =	sadd.s32 $0x14B80, s5;
	[smem:$0x7FB] =	sst s24  }
0x4c: {  	[smem:$0x7FC] =	sst s25;
	s12 =	sadd.s32 $0x15180, s5;
	s13 =	sadd.s32 $0x14600, s5  }
0x4d: {  	s14 =	sadd.s32 $0x14A00, s5;
	s15 =	sadd.s32 $0x14E00, s5;
	s16 =	sadd.s32 $0x15200, s5  }
0x4e: {  	s17 =	sadd.s32 $0x14680, s5;
	s18 =	sadd.s32 $0x14A80, s5;
	s19 =	sadd.s32 $0x14E80, s5  }
0x4f: {  	v2 =	vlaneseq.u32;
	s20 =	sadd.s32 $0x15280, s5;
	s21 =	sadd.s32 $0x14700, s5;
	s22 =	sadd.s32 $0x14B00, s5  }
0x50: {  	v0 =	vimm.f32 $0.0e+00;
	v1 =	vimm.f32 $1.000000000e+00;
	v2 =	vmul.u32 $0x8, v2;
	s23 =	sadd.s32 $0x14F00, s5;
	s24 =	sadd.s32 $0x15300, s5;
	s25 =	sadd.s32 $0x14780, s5  }
.LBB2_1:
0x51: {  	s3 =	simm.s32 $0x40;
	s4 =	simm.s32 $0x0  }
.LBB2_2:
0x52: {  	p0 =	sne.s32 s3, $0x9FC0;
	[tilespmem:s4+$0x0] =	vst v0;
	s4 =	smov.u32 s3;
	s3 =	sadd.s32 $0x40, s3  }
.Ltmp0:
0x53: {  	(pc) =	sbr.rel @p0 .LBB2_2-.Ltmp0, $2  }
0x54: {  	_ =	sdelay $0x2  }
0x55: {  	s4 =	sshra.s32 s4, $0x2  }
0x56: {  	[tilespmem:s4+$0x0] =	vst v0;
	s3 =	simm.s32 $0x0;
	s11 =	rddreg [dreg:$0x4];
	s6 =	simm.s32 $0x2800  }
0x57: {  	[tilespmem:s6], [sflag:$0x1] =	stream.linear.gather [hbm4b:s11+s3], $0x2780, $0x38;
	[tilespmem:$0xB400] =	vst v63  }
0x58: {  	_ =	swait.ge [sflag:s30], $0x2780  }
0x59: {  	[sflag:s30] =	ssyncset.done $0x0  }
0x5a: {  	[sflag:s30] =	ssyncadd.s32 $0xFFFFD880  }
.LBB2_4:
0x5b: {  	s4 =	sshra.s32 s3, $0x2  }
0x5c: {  	v3 =	vld [tilespmem:s4+$0x2800];
	_ =	sdelay $0x7  }
0x5d: {  	[tilespmem:v3+s2+$0x0] =	vst.idx.add.f32.msk $0xffff, v1  }
0x5e: {  	v3 =	vld [tilespmem:s4+$0x2810];
	_ =	sdelay $0x7  }
0x5f: {  	[tilespmem:v3+s2+$0x0] =	vst.idx.add.f32.msk $0xffff, v1  }
0x60: {  	v3 =	vld [tilespmem:s4+$0x2820];
	_ =	sdelay $0x7  }
0x61: {  	[tilespmem:v3+s2+$0x0] =	vst.idx.add.f32.msk $0xffff, v1  }
0x62: {  	v3 =	vld [tilespmem:s4+$0x2830];
	_ =	sdelay $0x7  }
0x63: {  	[tilespmem:v3+s2+$0x0] =	vst.idx.add.f32.msk $0xffff, v1  }
0x64: {  	v3 =	vld [tilespmem:s4+$0x2840];
	_ =	sdelay $0x7  }
0x65: {  	[tilespmem:v3+s2+$0x0] =	vst.idx.add.f32.msk $0xffff, v1  }
0x66: {  	v3 =	vld [tilespmem:s4+$0x2850];
	_ =	sdelay $0x7  }
0x67: {  	[tilespmem:v3+s2+$0x0] =	vst.idx.add.f32.msk $0xffff, v1  }
0x68: {  	v3 =	vld [tilespmem:s4+$0x2860];
	_ =	sdelay $0x7  }
0x69: {  	[tilespmem:v3+s2+$0x0] =	vst.idx.add.f32.msk $0xffff, v1  }
0x6a: {  	v3 =	vld [tilespmem:s4+$0x2870];
	_ =	sdelay $0x2  }
0x6b: {  	p0 =	sne.s32 s3, $0x9C00  }
.Ltmp1:
0x6c: {  	_ = 	snop;
	(pc) =	sbr.rel @p0 .LBB2_4-.Ltmp1, $2  }
0x6d: {  	_ =	sdelay $0x2  }
0x6e: {  	s3 =	sadd.s32 $0x200, s3;
	[tilespmem:v3+s2+$0x0] =	vst.idx.add.f32.msk $0xffff, v1  }
0x6f: {  	s3 =	simm.s32 $0x0;
	s4 =	rddreg [dreg:$0x5];
	s6 =	simm.s32 $0x400  }
0x70: {  	[spmem:s4] =	stream.strided.scatter [tilespmem:s3], [sflag:$0x1], $0x2800, s6, s31, $0x38;
	[tilespmem:$0xB400] =	vst v63  }
0x71: {  	_ =	swait.ge [sflag:s30], $0x2800  }
0x72: {  	[sflag:s30] =	ssyncset.done $0x0  }
0x73: {  	[sflag:s30] =	ssyncadd.s32 $0xFFFFD800  }
0x74: {  	s11 =	simm.s32 $0x5000;
	[bflag:$0x0] =	sbarrier.arrive $0xFFFF  }
0x75: {  	[tilespmem:s11], [sflag:$0x1] =	stream.linear.gather [spmem:s5], $0x80, $0x38;
	[tilespmem:$0xB400] =	vst v63  }
0x76: {  	s7 =	simm.s32 $0x5400;
	s6 =	rddreg [dreg:$0x17]  }
0x77: {  	[tilespmem:s7], [sflag:$0x1] =	stream.linear.gather [spmem:s6], $0x80, $0x38;
	[tilespmem:$0xB400] =	vst v63  }
0x78: {  	s9 =	simm.s32 $0x5800;
	s8 =	rddreg [dreg:$0x18]  }
0x79: {  	[tilespmem:s9], [sflag:$0x1] =	stream.linear.gather [spmem:s8], $0x80, $0x38;
	[tilespmem:$0xB400] =	vst v63  }
0x7a: {  	s10 =	rddreg [dreg:$0x19];
	s11 =	simm.s32 $0x5C00  }
0x7b: {  	[tilespmem:s11], [sflag:$0x1] =	stream.linear.gather [spmem:s10], $0x80, $0x38;
	[tilespmem:$0xB400] =	vst v63  }
0x7c: {  	s6 =	rddreg [dreg:$0x1a];
	s7 =	simm.s32 $0x6000  }
0x7d: {  	[tilespmem:s7], [sflag:$0x1] =	stream.linear.gather [spmem:s6], $0x80, $0x38;
	[tilespmem:$0xB400] =	vst v63  }
0x7e: {  	_ =	swait.ge [sflag:s30], $0x280  }
0x7f: {  	[sflag:s30] =	ssyncset.done $0x0  }
0x80: {  	s9 =	simm.s32 $0x5080;
	s8 =	rddreg [dreg:$0x6];
	[sflag:s30] =	ssyncadd.s32 $0xFFFFFD80  }
0x81: {  	[tilespmem:s9], [sflag:$0x1] =	stream.linear.gather [spmem:s8], $0x80, $0x38;
	[tilespmem:$0xB400] =	vst v63  }
0x82: {  	s11 =	simm.s32 $0x5480;
	s10 =	rddreg [dreg:$0x1b]  }
0x83: {  	[tilespmem:s11], [sflag:$0x1] =	stream.linear.gather [spmem:s10], $0x80, $0x38;
	[tilespmem:$0xB400] =	vst v63  }
0x84: {  	s7 =	simm.s32 $0x5880;
	s6 =	rddreg [dreg:$0x1c]  }
0x85: {  	[tilespmem:s7], [sflag:$0x1] =	stream.linear.gather [spmem:s6], $0x80, $0x38;
	[tilespmem:$0xB400] =	vst v63  }
0x86: {  	s8 =	rddreg [dreg:$0x1d];
	s9 =	simm.s32 $0x5C80  }
0x87: {  	[tilespmem:s9], [sflag:$0x1] =	stream.linear.gather [spmem:s8], $0x80, $0x38;
	[tilespmem:$0xB400] =	vst v63  }
0x88: {  	s10 =	rddreg [dreg:$0x1e];
	s11 =	simm.s32 $0x6080  }
0x89: {  	[tilespmem:s11], [sflag:$0x1] =	stream.linear.gather [spmem:s10], $0x80, $0x38;
	[tilespmem:$0xB400] =	vst v63  }
0x8a: {  	_ =	swait.ge [sflag:s30], $0x280  }
0x8b: {  	[sflag:s30] =	ssyncset.done $0x0;
	s6 =	rddreg [dreg:$0x7]  }
0x8c: {  	s7 =	simm.s32 $0x5100;
	s8 =	rddreg [dreg:$0x1f];
	[sflag:s30] =	ssyncadd.s32 $0xFFFFFD80  }
0x8d: {  	[tilespmem:s7], [sflag:$0x1] =	stream.linear.gather [spmem:s6], $0x80, $0x38;
	[tilespmem:$0xB400] =	vst v63  }
0x8e: {  	s9 =	simm.s32 $0x5500;
	s10 =	sld [smem:$0x7D8]  }
0x8f: {  	[tilespmem:s9], [sflag:$0x1] =	stream.linear.gather [spmem:s8], $0x80, $0x38;
	[tilespmem:$0xB400] =	vst v63  }
0x90: {  	s11 =	simm.s32 $0x5900;
	s6 =	sld [smem:$0x7D9]  }
0x91: {  	[tilespmem:s11], [sflag:$0x1] =	stream.linear.gather [spmem:s10], $0x80, $0x38;
	[tilespmem:$0xB400] =	vst v63  }
0x92: {  	s7 =	simm.s32 $0x5D00;
	s8 =	sld [smem:$0x7DA]  }
0x93: {  	[tilespmem:s7], [sflag:$0x1] =	stream.linear.gather [spmem:s6], $0x80, $0x38;
	[tilespmem:$0xB400] =	vst v63  }
0x94: {  	s9 =	simm.s32 $0x6100  }
0x95: {  	[tilespmem:s9], [sflag:$0x1] =	stream.linear.gather [spmem:s8], $0x80, $0x38;
	[tilespmem:$0xB400] =	vst v63  }
0x96: {  	_ =	swait.ge [sflag:s30], $0x280  }
0x97: {  	[sflag:s30] =	ssyncset.done $0x0;
	s10 =	rddreg [dreg:$0x8]  }
0x98: {  	s11 =	simm.s32 $0x5180;
	s6 =	sld [smem:$0x7DB];
	[sflag:s30] =	ssyncadd.s32 $0xFFFFFD80  }
0x99: {  	[tilespmem:s11], [sflag:$0x1] =	stream.linear.gather [spmem:s10], $0x80, $0x38;
	[tilespmem:$0xB400] =	vst v63  }
0x9a: {  	s7 =	simm.s32 $0x5580;
	s8 =	sld [smem:$0x7DC]  }
0x9b: {  	[tilespmem:s7], [sflag:$0x1] =	stream.linear.gather [spmem:s6], $0x80, $0x38;
	[tilespmem:$0xB400] =	vst v63  }
0x9c: {  	s9 =	simm.s32 $0x5980;
	s10 =	sld [smem:$0x7DD]  }
0x9d: {  	[tilespmem:s9], [sflag:$0x1] =	stream.linear.gather [spmem:s8], $0x80, $0x38;
	[tilespmem:$0xB400] =	vst v63  }
0x9e: {  	s11 =	simm.s32 $0x5D80;
	s6 =	sld [smem:$0x7DE]  }
0x9f: {  	[tilespmem:s11], [sflag:$0x1] =	stream.linear.gather [spmem:s10], $0x80, $0x38;
	[tilespmem:$0xB400] =	vst v63  }
0xa0: {  	s7 =	simm.s32 $0x6180  }
0xa1: {  	[tilespmem:s7], [sflag:$0x1] =	stream.linear.gather [spmem:s6], $0x80, $0x38;
	[tilespmem:$0xB400] =	vst v63  }
0xa2: {  	_ =	swait.ge [sflag:s30], $0x280  }
0xa3: {  	[sflag:s30] =	ssyncset.done $0x0;
	s8 =	rddreg [dreg:$0x9]  }
0xa4: {  	s9 =	simm.s32 $0x5200;
	s10 =	sld [smem:$0x7DF];
	[sflag:s30] =	ssyncadd.s32 $0xFFFFFD80  }
0xa5: {  	[tilespmem:s9], [sflag:$0x1] =	stream.linear.gather [spmem:s8], $0x80, $0x38;
	[tilespmem:$0xB400] =	vst v63  }
0xa6: {  	s11 =	simm.s32 $0x5600;
	s6 =	sld [smem:$0x7E0]  }
0xa7: {  	[tilespmem:s11], [sflag:$0x1] =	stream.linear.gather [spmem:s10], $0x80, $0x38;
	[tilespmem:$0xB400] =	vst v63  }
0xa8: {  	s7 =	simm.s32 $0x5A00;
	s8 =	sld [smem:$0x7E1]  }
0xa9: {  	[tilespmem:s7], [sflag:$0x1] =	stream.linear.gather [spmem:s6], $0x80, $0x38;
	[tilespmem:$0xB400] =	vst v63  }
0xaa: {  	s9 =	simm.s32 $0x5E00;
	s10 =	sld [smem:$0x7E2]  }
0xab: {  	[tilespmem:s9], [sflag:$0x1] =	stream.linear.gather [spmem:s8], $0x80, $0x38;
	[tilespmem:$0xB400] =	vst v63  }
0xac: {  	s11 =	simm.s32 $0x6200  }
0xad: {  	[tilespmem:s11], [sflag:$0x1] =	stream.linear.gather [spmem:s10], $0x80, $0x38;
	[tilespmem:$0xB400] =	vst v63  }
0xae: {  	_ =	swait.ge [sflag:s30], $0x280  }
0xaf: {  	[sflag:s30] =	ssyncset.done $0x0;
	s6 =	rddreg [dreg:$0xa]  }
0xb0: {  	s7 =	simm.s32 $0x5280;
	s8 =	sld [smem:$0x7E3];
	[sflag:s30] =	ssyncadd.s32 $0xFFFFFD80  }
0xb1: {  	[tilespmem:s7], [sflag:$0x1] =	stream.linear.gather [spmem:s6], $0x80, $0x38;
	[tilespmem:$0xB400] =	vst v63  }
0xb2: {  	s9 =	simm.s32 $0x5680;
	s10 =	sld [smem:$0x7E4]  }
0xb3: {  	[tilespmem:s9], [sflag:$0x1] =	stream.linear.gather [spmem:s8], $0x80, $0x38;
	[tilespmem:$0xB400] =	vst v63  }
0xb4: {  	s11 =	simm.s32 $0x5A80;
	s6 =	sld [smem:$0x7E5]  }
0xb5: {  	[tilespmem:s11], [sflag:$0x1] =	stream.linear.gather [spmem:s10], $0x80, $0x38;
	[tilespmem:$0xB400] =	vst v63  }
0xb6: {  	s7 =	simm.s32 $0x5E80;
	s8 =	sld [smem:$0x7E6]  }
0xb7: {  	[tilespmem:s7], [sflag:$0x1] =	stream.linear.gather [spmem:s6], $0x80, $0x38;
	[tilespmem:$0xB400] =	vst v63  }
0xb8: {  	s9 =	simm.s32 $0x6280  }
0xb9: {  	[tilespmem:s9], [sflag:$0x1] =	stream.linear.gather [spmem:s8], $0x80, $0x38;
	[tilespmem:$0xB400] =	vst v63  }
0xba: {  	_ =	swait.ge [sflag:s30], $0x280  }
0xbb: {  	[sflag:s30] =	ssyncset.done $0x0;
	s10 =	rddreg [dreg:$0xb]  }
0xbc: {  	s11 =	simm.s32 $0x5300;
	s6 =	sld [smem:$0x7E7];
	[sflag:s30] =	ssyncadd.s32 $0xFFFFFD80  }
0xbd: {  	[tilespmem:s11], [sflag:$0x1] =	stream.linear.gather [spmem:s10], $0x80, $0x38;
	[tilespmem:$0xB400] =	vst v63  }
0xbe: {  	s7 =	simm.s32 $0x5700;
	s8 =	sld [smem:$0x7E8]  }
0xbf: {  	[tilespmem:s7], [sflag:$0x1] =	stream.linear.gather [spmem:s6], $0x80, $0x38;
	[tilespmem:$0xB400] =	vst v63  }
0xc0: {  	s9 =	simm.s32 $0x5B00;
	s10 =	sld [smem:$0x7E9]  }
0xc1: {  	[tilespmem:s9], [sflag:$0x1] =	stream.linear.gather [spmem:s8], $0x80, $0x38;
	[tilespmem:$0xB400] =	vst v63  }
0xc2: {  	s11 =	simm.s32 $0x5F00;
	s6 =	sld [smem:$0x7EA]  }
0xc3: {  	[tilespmem:s11], [sflag:$0x1] =	stream.linear.gather [spmem:s10], $0x80, $0x38;
	[tilespmem:$0xB400] =	vst v63  }
0xc4: {  	s7 =	simm.s32 $0x6300  }
0xc5: {  	[tilespmem:s7], [sflag:$0x1] =	stream.linear.gather [spmem:s6], $0x80, $0x38;
	[tilespmem:$0xB400] =	vst v63  }
0xc6: {  	_ =	swait.ge [sflag:s30], $0x280  }
0xc7: {  	[sflag:s30] =	ssyncset.done $0x0;
	s8 =	rddreg [dreg:$0xc]  }
0xc8: {  	s9 =	simm.s32 $0x5380;
	s10 =	sld [smem:$0x7EB];
	[sflag:s30] =	ssyncadd.s32 $0xFFFFFD80  }
0xc9: {  	[tilespmem:s9], [sflag:$0x1] =	stream.linear.gather [spmem:s8], $0x80, $0x38;
	[tilespmem:$0xB400] =	vst v63  }
0xca: {  	s11 =	simm.s32 $0x5780;
	s6 =	sld [smem:$0x7EC]  }
0xcb: {  	[tilespmem:s11], [sflag:$0x1] =	stream.linear.gather [spmem:s10], $0x80, $0x38;
	[tilespmem:$0xB400] =	vst v63  }
0xcc: {  	s7 =	simm.s32 $0x5B80;
	s8 =	sld [smem:$0x7ED]  }
0xcd: {  	[tilespmem:s7], [sflag:$0x1] =	stream.linear.gather [spmem:s6], $0x80, $0x38;
	[tilespmem:$0xB400] =	vst v63  }
0xce: {  	s9 =	simm.s32 $0x5F80;
	s10 =	sld [smem:$0x7EE]  }
0xcf: {  	[tilespmem:s9], [sflag:$0x1] =	stream.linear.gather [spmem:s8], $0x80, $0x38;
	[tilespmem:$0xB400] =	vst v63  }
0xd0: {  	s11 =	simm.s32 $0x6380  }
0xd1: {  	[tilespmem:s11], [sflag:$0x1] =	stream.linear.gather [spmem:s10], $0x80, $0x38;
	[tilespmem:$0xB400] =	vst v63  }
0xd2: {  	_ =	swait.ge [sflag:s30], $0x280  }
0xd3: {  	[sflag:s30] =	ssyncset.done $0x0;
	s6 =	rddreg [dreg:$0xd]  }
0xd4: {  	s7 =	simm.s32 $0x6400;
	s8 =	sld [smem:$0x7EF];
	[sflag:s30] =	ssyncadd.s32 $0xFFFFFD80  }
0xd5: {  	[tilespmem:s7], [sflag:$0x1] =	stream.linear.gather [spmem:s6], $0x80, $0x38;
	[tilespmem:$0xB400] =	vst v63  }
0xd6: {  	s9 =	simm.s32 $0x6800;
	s10 =	sld [smem:$0x7F0]  }
0xd7: {  	[tilespmem:s9], [sflag:$0x1] =	stream.linear.gather [spmem:s8], $0x80, $0x38;
	[tilespmem:$0xB400] =	vst v63  }
0xd8: {  	s11 =	simm.s32 $0x6C00;
	s6 =	sld [smem:$0x7F1]  }
0xd9: {  	[tilespmem:s11], [sflag:$0x1] =	stream.linear.gather [spmem:s10], $0x80, $0x38;
	[tilespmem:$0xB400] =	vst v63  }
0xda: {  	s7 =	simm.s32 $0x7000;
	s8 =	sld [smem:$0x7F2]  }
0xdb: {  	[tilespmem:s7], [sflag:$0x1] =	stream.linear.gather [spmem:s6], $0x80, $0x38;
	[tilespmem:$0xB400] =	vst v63  }
0xdc: {  	s9 =	simm.s32 $0x7400  }
0xdd: {  	[tilespmem:s9], [sflag:$0x1] =	stream.linear.gather [spmem:s8], $0x80, $0x38;
	[tilespmem:$0xB400] =	vst v63  }
0xde: {  	_ =	swait.ge [sflag:s30], $0x280  }
0xdf: {  	[sflag:s30] =	ssyncset.done $0x0;
	s10 =	rddreg [dreg:$0xe]  }
0xe0: {  	s11 =	simm.s32 $0x6480;
	s6 =	sld [smem:$0x7F3];
	[sflag:s30] =	ssyncadd.s32 $0xFFFFFD80  }
0xe1: {  	[tilespmem:s11], [sflag:$0x1] =	stream.linear.gather [spmem:s10], $0x80, $0x38;
	[tilespmem:$0xB400] =	vst v63  }
0xe2: {  	s7 =	simm.s32 $0x6880;
	s8 =	sld [smem:$0x7F4]  }
0xe3: {  	[tilespmem:s7], [sflag:$0x1] =	stream.linear.gather [spmem:s6], $0x80, $0x38;
	[tilespmem:$0xB400] =	vst v63  }
0xe4: {  	s9 =	simm.s32 $0x6C80;
	s10 =	sld [smem:$0x7F5]  }
0xe5: {  	[tilespmem:s9], [sflag:$0x1] =	stream.linear.gather [spmem:s8], $0x80, $0x38;
	[tilespmem:$0xB400] =	vst v63  }
0xe6: {  	s11 =	simm.s32 $0x7080;
	s6 =	sld [smem:$0x7F6]  }
0xe7: {  	[tilespmem:s11], [sflag:$0x1] =	stream.linear.gather [spmem:s10], $0x80, $0x38;
	[tilespmem:$0xB400] =	vst v63  }
0xe8: {  	s7 =	simm.s32 $0x7480  }
0xe9: {  	[tilespmem:s7], [sflag:$0x1] =	stream.linear.gather [spmem:s6], $0x80, $0x38;
	[tilespmem:$0xB400] =	vst v63  }
0xea: {  	_ =	swait.ge [sflag:s30], $0x280  }
0xeb: {  	[sflag:s30] =	ssyncset.done $0x0;
	s8 =	rddreg [dreg:$0xf]  }
0xec: {  	s9 =	simm.s32 $0x6500;
	s10 =	sld [smem:$0x7F7];
	[sflag:s30] =	ssyncadd.s32 $0xFFFFFD80  }
0xed: {  	[tilespmem:s9], [sflag:$0x1] =	stream.linear.gather [spmem:s8], $0x80, $0x38;
	[tilespmem:$0xB400] =	vst v63  }
0xee: {  	s11 =	simm.s32 $0x6900;
	s6 =	sld [smem:$0x7F8]  }
0xef: {  	[tilespmem:s11], [sflag:$0x1] =	stream.linear.gather [spmem:s10], $0x80, $0x38;
	[tilespmem:$0xB400] =	vst v63  }
0xf0: {  	s7 =	simm.s32 $0x6D00;
	s8 =	sld [smem:$0x7F9]  }
0xf1: {  	[tilespmem:s7], [sflag:$0x1] =	stream.linear.gather [spmem:s6], $0x80, $0x38;
	[tilespmem:$0xB400] =	vst v63  }
0xf2: {  	s9 =	simm.s32 $0x7100;
	s10 =	sld [smem:$0x7FA]  }
0xf3: {  	[tilespmem:s9], [sflag:$0x1] =	stream.linear.gather [spmem:s8], $0x80, $0x38;
	[tilespmem:$0xB400] =	vst v63  }
0xf4: {  	s11 =	simm.s32 $0x7500  }
0xf5: {  	[tilespmem:s11], [sflag:$0x1] =	stream.linear.gather [spmem:s10], $0x80, $0x38;
	[tilespmem:$0xB400] =	vst v63  }
0xf6: {  	_ =	swait.ge [sflag:s30], $0x280  }
0xf7: {  	[sflag:s30] =	ssyncset.done $0x0;
	s6 =	rddreg [dreg:$0x10]  }
0xf8: {  	s7 =	simm.s32 $0x6580;
	s8 =	sld [smem:$0x7FB];
	[sflag:s30] =	ssyncadd.s32 $0xFFFFFD80  }
0xf9: {  	[tilespmem:s7], [sflag:$0x1] =	stream.linear.gather [spmem:s6], $0x80, $0x38;
	[tilespmem:$0xB400] =	vst v63  }
0xfa: {  	s9 =	simm.s32 $0x6980;
	s10 =	sld [smem:$0x7FC]  }
0xfb: {  	[tilespmem:s9], [sflag:$0x1] =	stream.linear.gather [spmem:s8], $0x80, $0x38;
	[tilespmem:$0xB400] =	vst v63  }
0xfc: {  	s11 =	simm.s32 $0x6D80;
	s6 =	sld [smem:$0x7FD]  }
0xfd: {  	[tilespmem:s11], [sflag:$0x1] =	stream.linear.gather [spmem:s10], $0x80, $0x38;
	[tilespmem:$0xB400] =	vst v63  }
0xfe: {  	s7 =	simm.s32 $0x7180  }
0xff: {  	[tilespmem:s7], [sflag:$0x1] =	stream.linear.gather [spmem:s6], $0x80, $0x38;
	[tilespmem:$0xB400] =	vst v63  }
0x100: {  	s8 =	simm.s32 $0x7580  }
0x101: {  	[tilespmem:s8], [sflag:$0x1] =	stream.linear.gather [spmem:s12], $0x80, $0x38;
	[tilespmem:$0xB400] =	vst v63  }
0x102: {  	_ =	swait.ge [sflag:s30], $0x280  }
0x103: {  	[sflag:s30] =	ssyncset.done $0x0  }
0x104: {  	s10 =	simm.s32 $0x6600;
	s9 =	rddreg [dreg:$0x11];
	[sflag:s30] =	ssyncadd.s32 $0xFFFFFD80  }
0x105: {  	[tilespmem:s10], [sflag:$0x1] =	stream.linear.gather [spmem:s9], $0x80, $0x38;
	[tilespmem:$0xB400] =	vst v63  }
0x106: {  	s11 =	simm.s32 $0x6A00  }
0x107: {  	[tilespmem:s11], [sflag:$0x1] =	stream.linear.gather [spmem:s13], $0x80, $0x38;
	[tilespmem:$0xB400] =	vst v63  }
0x108: {  	s6 =	simm.s32 $0x6E00  }
0x109: {  	[tilespmem:s6], [sflag:$0x1] =	stream.linear.gather [spmem:s14], $0x80, $0x38;
	[tilespmem:$0xB400] =	vst v63  }
0x10a: {  	s7 =	simm.s32 $0x7200  }
0x10b: {  	[tilespmem:s7], [sflag:$0x1] =	stream.linear.gather [spmem:s15], $0x80, $0x38;
	[tilespmem:$0xB400] =	vst v63  }
0x10c: {  	s8 =	simm.s32 $0x7600  }
0x10d: {  	[tilespmem:s8], [sflag:$0x1] =	stream.linear.gather [spmem:s16], $0x80, $0x38;
	[tilespmem:$0xB400] =	vst v63  }
0x10e: {  	_ =	swait.ge [sflag:s30], $0x280  }
0x10f: {  	[sflag:s30] =	ssyncset.done $0x0  }
0x110: {  	s10 =	simm.s32 $0x6680;
	s9 =	rddreg [dreg:$0x12];
	[sflag:s30] =	ssyncadd.s32 $0xFFFFFD80  }
0x111: {  	[tilespmem:s10], [sflag:$0x1] =	stream.linear.gather [spmem:s9], $0x80, $0x38;
	[tilespmem:$0xB400] =	vst v63  }
0x112: {  	s11 =	simm.s32 $0x6A80  }
0x113: {  	[tilespmem:s11], [sflag:$0x1] =	stream.linear.gather [spmem:s17], $0x80, $0x38;
	[tilespmem:$0xB400] =	vst v63  }
0x114: {  	s6 =	simm.s32 $0x6E80  }
0x115: {  	[tilespmem:s6], [sflag:$0x1] =	stream.linear.gather [spmem:s18], $0x80, $0x38;
	[tilespmem:$0xB400] =	vst v63  }
0x116: {  	s7 =	simm.s32 $0x7280  }
0x117: {  	[tilespmem:s7], [sflag:$0x1] =	stream.linear.gather [spmem:s19], $0x80, $0x38;
	[tilespmem:$0xB400] =	vst v63  }
0x118: {  	s8 =	simm.s32 $0x7680  }
0x119: {  	[tilespmem:s8], [sflag:$0x1] =	stream.linear.gather [spmem:s20], $0x80, $0x38;
	[tilespmem:$0xB400] =	vst v63  }
0x11a: {  	_ =	swait.ge [sflag:s30], $0x280  }
0x11b: {  	[sflag:s30] =	ssyncset.done $0x0  }
0x11c: {  	s10 =	simm.s32 $0x6700;
	s9 =	rddreg [dreg:$0x13];
	[sflag:s30] =	ssyncadd.s32 $0xFFFFFD80  }
0x11d: {  	[tilespmem:s10], [sflag:$0x1] =	stream.linear.gather [spmem:s9], $0x80, $0x38;
	[tilespmem:$0xB400] =	vst v63  }
0x11e: {  	s11 =	simm.s32 $0x6B00  }
0x11f: {  	[tilespmem:s11], [sflag:$0x1] =	stream.linear.gather [spmem:s21], $0x80, $0x38;
	[tilespmem:$0xB400] =	vst v63  }
0x120: {  	s6 =	simm.s32 $0x6F00  }
0x121: {  	[tilespmem:s6], [sflag:$0x1] =	stream.linear.gather [spmem:s22], $0x80, $0x38;
	[tilespmem:$0xB400] =	vst v63  }
0x122: {  	s7 =	simm.s32 $0x7300  }
0x123: {  	[tilespmem:s7], [sflag:$0x1] =	stream.linear.gather [spmem:s23], $0x80, $0x38;
	[tilespmem:$0xB400] =	vst v63  }
0x124: {  	s8 =	simm.s32 $0x7700  }
0x125: {  	[tilespmem:s8], [sflag:$0x1] =	stream.linear.gather [spmem:s24], $0x80, $0x38;
	[tilespmem:$0xB400] =	vst v63  }
0x126: {  	_ =	swait.ge [sflag:s30], $0x280  }
0x127: {  	[sflag:s30] =	ssyncset.done $0x0  }
0x128: {  	s10 =	simm.s32 $0x6780;
	s9 =	rddreg [dreg:$0x14];
	[sflag:s30] =	ssyncadd.s32 $0xFFFFFD80  }
0x129: {  	[tilespmem:s10], [sflag:$0x1] =	stream.linear.gather [spmem:s9], $0x80, $0x38;
	[tilespmem:$0xB400] =	vst v63  }
0x12a: {  	s11 =	simm.s32 $0x6B80  }
0x12b: {  	[tilespmem:s11], [sflag:$0x1] =	stream.linear.gather [spmem:s25], $0x80, $0x38;
	[tilespmem:$0xB400] =	vst v63  }
0x12c: {  	s6 =	simm.s32 $0x6F80  }
0x12d: {  	[tilespmem:s6], [sflag:$0x1] =	stream.linear.gather [spmem:s26], $0x80, $0x38;
	[tilespmem:$0xB400] =	vst v63  }
0x12e: {  	s7 =	simm.s32 $0x7380  }
0x12f: {  	[tilespmem:s7], [sflag:$0x1] =	stream.linear.gather [spmem:s28], $0x80, $0x38;
	[tilespmem:$0xB400] =	vst v63  }
0x130: {  	s8 =	simm.s32 $0x7780  }
0x131: {  	[tilespmem:s8], [sflag:$0x1] =	stream.linear.gather [spmem:s29], $0x80, $0x38;
	[tilespmem:$0xB400] =	vst v63  }
0x132: {  	_ =	swait.ge [sflag:s30], $0x280  }
0x133: {  	s9 =	sand.u32 $0x70, s3;
	s10 =	sand.u32 $0x1C00, s3;
	[sflag:s30] =	ssyncset.done $0x0  }
0x134: {  	s4 =	sor.u32 s9, s10;
	[sflag:s30] =	ssyncadd.s32 $0xFFFFFD80  }
0x135: {  	v3 =	vld [tilespmem:s4+$0x5000]  }
0x136: {  	v4 =	vld [tilespmem:s4+$0x5080];
	_ =	sdelay $0x1  }
0x137: {  	v5 =	vld [tilespmem:s4+$0x5100];
	_ =	sdelay $0x1  }
0x138: {  	v6 =	vld [tilespmem:s4+$0x5180]  }
0x139: {  	v3 =	vadd.f32 v4, v3  }
0x13a: {  	v4 =	vld [tilespmem:s4+$0x5200]  }
0x13b: {  	v3 =	vadd.f32 v5, v3  }
0x13c: {  	v5 =	vld [tilespmem:s4+$0x5280]  }
0x13d: {  	v3 =	vadd.f32 v6, v3  }
0x13e: {  	s11 =	sor.u32 s3, s3;
	v6 =	vld [tilespmem:s4+$0x5300]  }
0x13f: {  	s6 =	sor.u32 $0x380, s11;
	v3 =	vadd.f32 v4, v3  }
0x140: {  	v4 =	vld [tilespmem:s6+$0x5000]  }
0x141: {  	v3 =	vadd.f32 v5, v3  }
0x142: {  	v5 =	vld [tilespmem:s4+$0x6400]  }
0x143: {  	v3 =	vadd.f32 v6, v3  }
0x144: {  	v6 =	vld [tilespmem:s4+$0x6480]  }
0x145: {  	v3 =	vadd.f32 v4, v3  }
0x146: {  	v4 =	vld [tilespmem:s4+$0x6500]  }
0x147: {  	v3 =	vadd.f32 v5, v3  }
0x148: {  	v5 =	vld [tilespmem:s4+$0x6580]  }
0x149: {  	v3 =	vadd.f32 v6, v3  }
0x14a: {  	v6 =	vld [tilespmem:s4+$0x6600]  }
0x14b: {  	v3 =	vadd.f32 v4, v3  }
0x14c: {  	v4 =	vld [tilespmem:s4+$0x6680]  }
0x14d: {  	v3 =	vadd.f32 v5, v3  }
0x14e: {  	v5 =	vld [tilespmem:s4+$0x6700]  }
0x14f: {  	v3 =	vadd.f32 v6, v3  }
0x150: {  	v7 =	vmov s3;
	v6 =	vld [tilespmem:s4+$0x6780]  }
0x151: {  	v7 =	vshll.u32 v7, $0x3;
	v3 =	vadd.f32 v4, v3  }
0x152: {  	v4 =	vor.u32 v2, v7  }
0x153: {  	v7 =	vor.u32 $0x1, v4;
	v3 =	vadd.f32 v5, v3  }
0x154: {  	v5 =	vor.u32 $0x2, v4  }
0x155: {  	v8 =	vor.u32 $0x3, v4;
	v3 =	vadd.f32 v6, v3  }
0x156: {  	v6 =	vor.u32 $0x4, v4  }
0x157: {  	v9 =	vor.u32 $0x5, v4;
	[tilespmem:v4+s1+$0x0] =	vst.idx.msk $0xffff, v3  }
0x158: {  	[tilespmem:v7+s1+$0x0] =	vst.idx.msk $0xffff, v3  }
0x159: {  	[tilespmem:v5+s1+$0x0] =	vst.idx.msk $0xffff, v3;
	v5 =	vor.u32 $0x6, v4  }
0x15a: {  	v4 =	vor.u32 $0x7, v4;
	[tilespmem:v8+s1+$0x0] =	vst.idx.msk $0xffff, v3  }
0x15b: {  	s3 =	simm.s32 $0x10;
	[tilespmem:v6+s1+$0x0] =	vst.idx.msk $0xffff, v3  }
0x15c: {  	s7 =	simm.s32 $0x20;
	s6 =	sand.u32 $0x70, s3;
	s4 =	simm.s32 $0x80;
	[tilespmem:v9+s1+$0x0] =	vst.idx.msk $0xffff, v3  }
.LBB2_6:
0x15d: {  	s10 =	sand.u32 $0x70, s7  }
0x15e: {  	s11 =	sand.u32 $0x1C00, s4;
	[tilespmem:v5+s1+$0x0] =	vst.idx.msk $0xffff, v3;
	s8 =	smov.u32 s7;
	s9 =	sadd.s32 $0x10, s7  }
0x15f: {  	p0 =	sne.s32 s7, $0x270;
	s7 =	sor.u32 s6, s11;
	[tilespmem:v4+s1+$0x0] =	vst.idx.msk $0xffff, v3;
	s6 =	smov.u32 s10  }
0x160: {  	v3 =	vld [tilespmem:s7+$0x5000]  }
0x161: {  	v4 =	vld [tilespmem:s7+$0x5080]  }
0x162: {  	v5 =	vld [tilespmem:s7+$0x5100];
	_ =	sdelay $0x1  }
0x163: {  	v6 =	vld [tilespmem:s7+$0x5180];
	_ =	sdelay $0x1  }
0x164: {  	v3 =	vadd.f32 v4, v3;
	v4 =	vld [tilespmem:s7+$0x5200];
	_ =	sdelay $0x1  }
0x165: {  	v3 =	vadd.f32 v5, v3;
	v5 =	vld [tilespmem:s7+$0x5280];
	_ =	sdelay $0x1  }
0x166: {  	s10 =	sor.u32 s4, s3;
	v3 =	vadd.f32 v6, v3;
	v6 =	vld [tilespmem:s7+$0x5300]  }
0x167: {  	s10 =	sor.u32 $0x380, s10  }
0x168: {  	v3 =	vadd.f32 v4, v3;
	v4 =	vld [tilespmem:s10+$0x5000];
	_ =	sdelay $0x1  }
0x169: {  	v3 =	vadd.f32 v5, v3;
	v5 =	vld [tilespmem:s7+$0x6400];
	_ =	sdelay $0x1  }
0x16a: {  	v3 =	vadd.f32 v6, v3;
	v6 =	vld [tilespmem:s7+$0x6480];
	_ =	sdelay $0x1  }
0x16b: {  	v3 =	vadd.f32 v4, v3;
	v4 =	vld [tilespmem:s7+$0x6500];
	_ =	sdelay $0x1  }
0x16c: {  	v3 =	vadd.f32 v5, v3;
	v5 =	vld [tilespmem:s7+$0x6580];
	_ =	sdelay $0x1  }
0x16d: {  	v3 =	vadd.f32 v6, v3;
	v6 =	vld [tilespmem:s7+$0x6600];
	_ =	sdelay $0x1  }
0x16e: {  	v3 =	vadd.f32 v4, v3;
	v4 =	vld [tilespmem:s7+$0x6680];
	_ =	sdelay $0x1  }
0x16f: {  	v3 =	vadd.f32 v5, v3;
	v5 =	vld [tilespmem:s7+$0x6700];
	_ =	sdelay $0x1  }
0x170: {  	v7 =	vmov s3;
	s3 =	smov.u32 s8;
	v3 =	vadd.f32 v6, v3;
	v6 =	vld [tilespmem:s7+$0x6780]  }
0x171: {  	v7 =	vshll.u32 v7, $0x3  }
0x172: {  	v3 =	vadd.f32 v4, v3;
	v4 =	vor.u32 v2, v7  }
0x173: {  	v7 =	vor.u32 $0x1, v4  }
0x174: {  	v8 =	vor.u32 $0x2, v4;
	v3 =	vadd.f32 v5, v3  }
0x175: {  	v9 =	vor.u32 $0x3, v4  }
0x176: {  	v3 =	vadd.f32 v6, v3;
	v6 =	vor.u32 $0x4, v4  }
0x177: {  	v10 =	vor.u32 $0x5, v4  }
0x178: {  	v5 =	vor.u32 $0x6, v4;
	[tilespmem:v4+s1+$0x0] =	vst.idx.msk $0xffff, v3  }
.Ltmp2:
0x179: {  	v4 =	vor.u32 $0x7, v4;
	[tilespmem:v7+s1+$0x0] =	vst.idx.msk $0xffff, v3;
	(pc) =	sbr.rel @p0 .LBB2_6-.Ltmp2, $4  }
0x17a: {  	[tilespmem:v8+s1+$0x0] =	vst.idx.msk $0xffff, v3  }
0x17b: {  	[tilespmem:v9+s1+$0x0] =	vst.idx.msk $0xffff, v3  }
0x17c: {  	[tilespmem:v6+s1+$0x0] =	vst.idx.msk $0xffff, v3  }
0x17d: {  	s4 =	sadd.s32 $0x80, s4;
	s7 =	smov.u32 s9;
	[tilespmem:v10+s1+$0x0] =	vst.idx.msk $0xffff, v3  }
0x17e: {  	_ =	sdelay $0x3  }
0x17f: {  	s7 =	sand.u32 $0x1C00, s4;
	[tilespmem:v5+s1+$0x0] =	vst.idx.msk $0xffff, v3  }
0x180: {  	s6 =	sor.u32 s6, s7;
	[tilespmem:v4+s1+$0x0] =	vst.idx.msk $0xffff, v3  }
0x181: {  	v3 =	vld [tilespmem:s6+$0x5000]  }
0x182: {  	v4 =	vld [tilespmem:s6+$0x5080];
	_ =	sdelay $0x1  }
0x183: {  	v5 =	vld [tilespmem:s6+$0x5100];
	_ =	sdelay $0x1  }
0x184: {  	v6 =	vld [tilespmem:s6+$0x5180]  }
0x185: {  	v3 =	vadd.f32 v4, v3  }
0x186: {  	v49 =	vld [tilespmem:s6+$0x5200]  }
0x187: {  	v3 =	vadd.f32 v5, v3  }
0x188: {  	v50 =	vld [tilespmem:s6+$0x5280]  }
0x189: {  	v3 =	vadd.f32 v6, v3  }
0x18a: {  	s8 =	sor.u32 s4, s3;
	v51 =	vld [tilespmem:s6+$0x5300]  }
0x18b: {  	s4 =	sor.u32 $0x380, s8;
	v3 =	vadd.f32 v49, v3  }
0x18c: {  	v52 =	vld [tilespmem:s4+$0x5000]  }
0x18d: {  	v3 =	vadd.f32 v50, v3  }
0x18e: {  	v53 =	vld [tilespmem:s6+$0x6400]  }
0x18f: {  	v3 =	vadd.f32 v51, v3  }
0x190: {  	v54 =	vld [tilespmem:s6+$0x6480]  }
0x191: {  	v3 =	vadd.f32 v52, v3  }
0x192: {  	v55 =	vld [tilespmem:s6+$0x6500]  }
0x193: {  	v3 =	vadd.f32 v53, v3  }
0x194: {  	v56 =	vld [tilespmem:s6+$0x6580]  }
0x195: {  	v3 =	vadd.f32 v54, v3  }
0x196: {  	v57 =	vld [tilespmem:s6+$0x6600]  }
0x197: {  	v3 =	vadd.f32 v55, v3  }
0x198: {  	v58 =	vld [tilespmem:s6+$0x6680]  }
0x199: {  	v3 =	vadd.f32 v56, v3  }
0x19a: {  	v59 =	vld [tilespmem:s6+$0x6700]  }
0x19b: {  	v3 =	vadd.f32 v57, v3  }
0x19c: {  	v7 =	vmov s3;
	v60 =	vld [tilespmem:s6+$0x6780]  }
0x19d: {  	v7 =	vshll.u32 v7, $0x3;
	v3 =	vadd.f32 v58, v3  }
0x19e: {  	v61 =	vor.u32 v2, v7  }
0x19f: {  	v7 =	vor.u32 $0x1, v61;
	v3 =	vadd.f32 v59, v3  }
0x1a0: {  	v62 =	vor.u32 $0x2, v61  }
0x1a1: {  	v8 =	vor.u32 $0x3, v61;
	v3 =	vadd.f32 v60, v3  }
0x1a2: {  	v63 =	vor.u32 $0x4, v61  }
0x1a3: {  	v9 =	vor.u32 $0x5, v61;
	[tilespmem:v61+s1+$0x0] =	vst.idx.msk $0xffff, v3  }
0x1a4: {  	v10 =	vor.u32 $0x6, v61;
	[tilespmem:v7+s1+$0x0] =	vst.idx.msk $0xffff, v3  }
0x1a5: {  	v4 =	vor.u32 $0x7, v61;
	[tilespmem:v62+s1+$0x0] =	vst.idx.msk $0xffff, v3  }
0x1a6: {  	[tilespmem:v8+s1+$0x0] =	vst.idx.msk $0xffff, v3  }
0x1a7: {  	[tilespmem:v63+s1+$0x0] =	vst.idx.msk $0xffff, v3  }
0x1a8: {  	[tilespmem:v9+s1+$0x0] =	vst.idx.msk $0xffff, v3  }
0x1a9: {  	[tilespmem:v10+s1+$0x0] =	vst.idx.msk $0xffff, v3  }
0x1aa: {  	s9 =	rddreg [dreg:$0x15];
	s10 =	simm.s32 $0x100;
	[tilespmem:v4+s1+$0x0] =	vst.idx.msk $0xffff, v3  }
0x1ab: {  	[hbm4b:s9+s31] =	stream.strided.scatter [tilespmem:s1], [sflag:$0x1], $0x1400, s10, s31, $0x38;
	[tilespmem:$0xB400] =	vst v63  }
0x1ac: {  	_ =	swait.ge [sflag:s30], $0x1400  }
0x1ad: {  	s0 =	sadd.s32 $0x1, s0;
	s11 =	rddreg [dreg:$0x16]  }
0x1ae: {  	p0 =	sne.s32 s0, s11  }
.Ltmp3:
0x1af: {  	_ = 	snop;
	(pc) =	sbr.rel @p0 .LBB2_1-.Ltmp3, $3  }
0x1b0: {  	_ =	sdelay $0x1  }
0x1b1: {  	[sflag:s30] =	ssyncset.done $0x0  }
0x1b2: {  	[sflag:s30] =	ssyncadd.s32 $0xFFFFEC00  }
0x1b3: {  	_ =	sfence.sel $0x180000  }
0x1b4: {  	[bflag:$0x0] =	sbarrier.arrive $0xFFFF  }
0x1b5: {  	_ =	strace $0x90000047  }
0x1b6: {  	s0 =	stileid.u32;
	[bflag:$0x2] =	sbarrier.arrive $0xFFFF  }
0x1b7: {  	p0 =	sne.s32 s0, $0x0;
	s0 =	rddreg [dreg:$0x3]  }
0x1b8: {  	s0 =	sadd.s32 @!p0 $0x100000, s0  }
0x1b9: {  	[sflag:s0] =	ssyncadd.tile.s32 @!p0 $0x1;
	_ =	shalt  }
.Lfunc_end2:
_tile_overlayer_lowered:
.L_overlay_start_2:
0x1ba: {  	(tag) =	ssettag $0x2  }
0x1bb: {  	s0 =	rddreg [dreg:$0x0];
	s2 =	stileid.u32  }
0x1bc: {  	s1 =	rddreg [dreg:$0x1];
	p0 =	sne.s32 s2, $0x0  }
0x1bd: {  	s3 =	rddreg [dreg:$0x2];
	[bflag:$0x3] =	sbarrier.arrive $0xFFFF;
	s2 =	simm.s32 @!p0 $0x1C01  }
0x1be: {  	[timem:s3], [sflag:s2] =	dma.local @!p0 [hbm:s0], s1  }
0x1bf: {  	s0 =	simm.s32 @!p0 $0x1  }
0x1c0: {  	_ =	swait.ge @!p0 [sflag:s0], s1  }
0x1c1: {  	s1 =	ssub.s32 @!p0 $0x0, s1;
	[sflag:s0] =	ssyncset.done @!p0 $0x0  }
0x1c2: {  	[sflag:s0] =	ssyncadd.s32 @!p0 s1  }
0x1c3: {  	[bflag:$0x3] =	sbarrier.arrive $0xFFFF  }
0x1c4: {  	_ =	shalt  }

</sc_bundles>
